<compile_context>
chip_gen: v7x
topology: tpu7x:2x2x1
jax: 0.10.2.dev20260603
libtpu: 0.0.44.dev20260713+nightly
codegen_flags: <defaults>
</compile_context>

<pallas_src>
import functools

import jax
import jax.numpy as jnp
from jax import lax
from jax.experimental import pallas as pl
from jax.experimental.pallas import tpu as pltpu
from jax.experimental.pallas import tpu_sc as plsc

N = 10000
E = 320000
NG = 64
ED = 128
DD = 32
CD = 32
H = 128
DD1 = 51
CD1 = 21

NC = 2
NS = 16
NW = NC * NS

EPT = E // NW
CH = 80
NCHUNK = EPT // CH
NODE_CHUNKS = N // CH
ZR = 80
ECH = 128
EPTP = 10240
ENCHUNK = EPTP // ECH
EP = NW * EPTP
NP = N + ZR
PCH = 8
NPAN = ENCHUNK // PCH
DEGW = 640
DEGP = NS * DEGW

_dot = functools.partial(
    jnp.dot, precision=lax.Precision.DEFAULT, preferred_element_type=jnp.float32
)
_dot_x = functools.partial(
    jnp.dot, precision=lax.Precision.HIGHEST, preferred_element_type=jnp.float32
)


def _sc_embed_body(x_h, dst_h, ntab_h,
                   nf_h, deg0_h, deg1_h,
                   xv0, xv1, nfv0, nfv1, dvA, dvB, ones_v, zb, deg_sh,
                   gsem0, gsem1, isemA, isemB):
    c = lax.axis_index("c")
    s = lax.axis_index("s")
    w = c * NS + s
    base = w * ENCHUNK

    def _fill_zb(i, carry):
        zb[pl.ds(i * 16, 16)] = jnp.zeros((16,), jnp.float32)
        return carry
    lax.fori_loop(0, DEGW // 16, _fill_zb, 0)

    def _fill_ones(i, carry):
        ones_v[pl.ds(i * 16, 16)] = jnp.ones((16,), jnp.float32)
        return carry
    lax.fori_loop(0, ECH // 16, _fill_ones, 0)

    pltpu.sync_copy(zb, deg_sh.at[pl.ds(s * DEGW, DEGW)])
    plsc.subcore_barrier()

    def _emb(i, carry):
        j = w + NW * i

        @pl.when(j < NODE_CHUNKS)
        def _():
            pltpu.sync_copy(x_h.at[pl.ds(j * CH, CH)], xv0)
            pltpu.async_copy(ntab_h.at[xv0], nfv0, gsem0).wait()
            pltpu.sync_copy(nfv0, nf_h.at[pl.ds(j * CH, CH)])
        return carry
    lax.fori_loop(0, (NODE_CHUNKS + NW - 1) // NW, _emb, 0)

    pltpu.sync_copy(dst_h.at[pl.ds(base, PCH)], dvA)

    def _dpanel(dv):
        for j in range(PCH):
            pltpu.sync_copy(ones_v, deg_sh.at[dv.at[j]], add=True)

    def _pp(pp, carry):
        pa = base + 2 * pp * PCH
        pltpu.async_copy(dst_h.at[pl.ds(pa + PCH, PCH)], dvB, isemB)
        _dpanel(dvA)
        pltpu.make_async_copy(dst_h.at[pl.ds(pa + PCH, PCH)], dvB, isemB).wait()

        @pl.when(pp < NPAN // 2 - 1)
        def _():
            pltpu.async_copy(dst_h.at[pl.ds(pa + 2 * PCH, PCH)], dvA, isemA)
        _dpanel(dvB)

        @pl.when(pp < NPAN // 2 - 1)
        def _():
            pltpu.make_async_copy(dst_h.at[pl.ds(pa + 2 * PCH, PCH)], dvA,
                                  isemA).wait()
        return carry
    lax.fori_loop(0, NPAN // 2, _pp, 0)

    plsc.subcore_barrier()

    @pl.when(c == 0)
    def _():
        pltpu.sync_copy(deg_sh.at[pl.ds(s * DEGW, DEGW)],
                        deg0_h.at[pl.ds(s * DEGW, DEGW)])

    @pl.when(c == 1)
    def _():
        pltpu.sync_copy(deg_sh.at[pl.ds(s * DEGW, DEGW)],
                        deg1_h.at[pl.ds(s * DEGW, DEGW)])


@functools.cache
def _get_sc_embed():
    return pl.kernel(
        _sc_embed_body,
        out_type=[
            jax.ShapeDtypeStruct((N, ED), jnp.float32),
            jax.ShapeDtypeStruct((DEGP,), jnp.float32),
            jax.ShapeDtypeStruct((DEGP,), jnp.float32),
        ],
        scratch_types=[
            pltpu.VMEM((CH,), jnp.int32),
            pltpu.VMEM((CH,), jnp.int32),
            pltpu.VMEM((CH, ED), jnp.float32),
            pltpu.VMEM((CH, ED), jnp.float32),
            pltpu.VMEM((PCH, ECH), jnp.int32),
            pltpu.VMEM((PCH, ECH), jnp.int32),
            pltpu.VMEM((ECH,), jnp.float32),
            pltpu.VMEM((DEGW,), jnp.float32),
            pltpu.VMEM_SHARED((DEGP,), jnp.float32),
            pltpu.SemaphoreType.DMA,
            pltpu.SemaphoreType.DMA,
            pltpu.SemaphoreType.DMA,
            pltpu.SemaphoreType.DMA,
        ],
        mesh=plsc.VectorSubcoreMesh(core_axis_name="c", subcore_axis_name="s"),
    )


def _panel(hs_h, acc_sh, sv, dv, rows0, rows1, gsem0, gsem1):
    pltpu.async_copy(hs_h.at[sv.at[0]], rows0, gsem0)
    for j in range(PCH // 2):
        c0 = 2 * j
        c1 = c0 + 1
        pltpu.async_copy(hs_h.at[sv.at[c1]], rows1, gsem1)
        pltpu.make_async_copy(hs_h.at[sv.at[c0]], rows0, gsem0).wait()
        pltpu.sync_copy(rows0, acc_sh.at[dv.at[c0]], add=True)
        if c1 + 1 < PCH:
            pltpu.async_copy(hs_h.at[sv.at[c1 + 1]], rows0, gsem0)
        pltpu.make_async_copy(hs_h.at[sv.at[c1]], rows1, gsem1).wait()
        pltpu.sync_copy(rows1, acc_sh.at[dv.at[c1]], add=True)


def _sc_scatter_body(src_h, dst_h, hs_h, out_h,
                     svA, dvA, svB, dvB, rows0, rows1, acc_sh,
                     gsem0, gsem1, isemA, isemB):
    c = lax.axis_index("c")
    s = lax.axis_index("s")
    w = c * NS + s
    base = w * ENCHUNK

    def _zrow(r, carry):
        def _zcol(k, inner):
            rows0[r, pl.ds(k * 16, 16)] = jnp.zeros((16,), jnp.float32)
            return inner
        return lax.fori_loop(0, H // 16, _zcol, carry)
    lax.fori_loop(0, ECH, _zrow, 0)

    def _zacc(t, carry):
        j = s + NS * t

        @pl.when(j < NP // ZR)
        def _():
            pltpu.sync_copy(rows0.at[pl.ds(0, ZR)], acc_sh.at[pl.ds(j * ZR, ZR)])
        return carry
    lax.fori_loop(0, (NP // ZR + NS - 1) // NS, _zacc, 0)
    plsc.subcore_barrier()

    pltpu.sync_copy(src_h.at[pl.ds(base, PCH)], svA)
    pltpu.sync_copy(dst_h.at[pl.ds(base, PCH)], dvA)

    def _pp(pp, carry):
        pa = base + 2 * pp * PCH
        pltpu.async_copy(src_h.at[pl.ds(pa + PCH, PCH)], svB, isemB)
        pltpu.async_copy(dst_h.at[pl.ds(pa + PCH, PCH)], dvB, isemB)
        _panel(hs_h, acc_sh, svA, dvA, rows0, rows1, gsem0, gsem1)
        pltpu.make_async_copy(src_h.at[pl.ds(pa + PCH, PCH)], svB, isemB).wait()
        pltpu.make_async_copy(dst_h.at[pl.ds(pa + PCH, PCH)], dvB, isemB).wait()

        @pl.when(pp < NPAN // 2 - 1)
        def _():
            pltpu.async_copy(src_h.at[pl.ds(pa + 2 * PCH, PCH)], svA, isemA)
            pltpu.async_copy(dst_h.at[pl.ds(pa + 2 * PCH, PCH)], dvA, isemA)
        _panel(hs_h, acc_sh, svB, dvB, rows0, rows1, gsem0, gsem1)

        @pl.when(pp < NPAN // 2 - 1)
        def _():
            pltpu.make_async_copy(src_h.at[pl.ds(pa + 2 * PCH, PCH)], svA,
                                  isemA).wait()
            pltpu.make_async_copy(dst_h.at[pl.ds(pa + 2 * PCH, PCH)], dvA,
                                  isemA).wait()
        return carry
    lax.fori_loop(0, NPAN // 2, _pp, 0)

    plsc.subcore_barrier()

    def _drain(t, carry):
        j = s + NS * t

        @pl.when(j < N // ZR)
        def _():
            pltpu.sync_copy(acc_sh.at[pl.ds(j * ZR, ZR)],
                            out_h.at[c, pl.ds(j * ZR, ZR)])
        return carry
    lax.fori_loop(0, (N // ZR + NS - 1) // NS, _drain, 0)


@functools.cache
def _get_sc_scatter():
    return pl.kernel(
        _sc_scatter_body,
        out_type=[jax.ShapeDtypeStruct((NC, N, H), jnp.float32)],
        scratch_types=[
            pltpu.VMEM((PCH, ECH), jnp.int32),
            pltpu.VMEM((PCH, ECH), jnp.int32),
            pltpu.VMEM((PCH, ECH), jnp.int32),
            pltpu.VMEM((PCH, ECH), jnp.int32),
            pltpu.VMEM((ECH, H), jnp.float32),
            pltpu.VMEM((ECH, H), jnp.float32),
            pltpu.VMEM_SHARED((NP, H), jnp.float32),
            pltpu.SemaphoreType.DMA,
            pltpu.SemaphoreType.DMA,
            pltpu.SemaphoreType.DMA,
            pltpu.SemaphoreType.DMA,
        ],
        mesh=plsc.VectorSubcoreMesh(core_axis_name="c", subcore_axis_name="s"),
    )


R = 1000


def _tc_proj_body(nf, ndb, cib, degp, dtab, ctab, pw, pb, w1, hs_out):
    oh_d = (lax.broadcasted_iota(jnp.int32, (R, DD1), 1) == ndb[...]).astype(
        jnp.float32)
    oh_c = (lax.broadcasted_iota(jnp.int32, (R, CD1), 1) == cib[...]).astype(
        jnp.float32)
    df = _dot_x(oh_d, dtab[...])
    cf = _dot_x(oh_c, ctab[...])
    cat = jnp.concatenate([nf[...], df, cf], axis=1)
    h = jnp.maximum(_dot(cat, pw[...]) + pb[...], 0.0)
    dinv = lax.rsqrt(1.0 + degp[:, 0] + degp[:, 1])
    hs_out[...] = _dot(h, w1[...]) * dinv[:, None]


def _tc_mid_body(p0, p1, hs1, degp, b1, w2, hs2_out):
    dinv = lax.rsqrt(1.0 + degp[:, 0] + degp[:, 1])[:, None]
    h2 = jnp.maximum((p0[...] + p1[...] + hs1[...]) * dinv + b1[...], 0.0)
    hs2_out[...] = _dot(h2, w2[...]) * dinv


def _tc_final_body(q0, q1, hs2, degp, b2, batch, cw, cb, out):
    dinv = lax.rsqrt(1.0 + degp[:, 0] + degp[:, 1])[:, None]
    h3 = jnp.maximum((q0[...] + q1[...] + hs2[...]) * dinv + b2[...], 0.0)
    seg = lax.broadcasted_iota(jnp.int32, (NG, N), 0)
    m = (seg == batch[...]).astype(jnp.float32)
    sums = _dot_x(m, h3)
    counts = jnp.sum(m, axis=1, keepdims=True)
    pooled = sums / jnp.maximum(counts, 1.0)
    out[...] = _dot(pooled, cw[...]) + cb[...]


def _row_spec(cols):
    return pl.BlockSpec((R, cols), lambda j: (j, 0))


def _bcast_spec(rows, cols):
    return pl.BlockSpec((rows, cols), lambda j: (0, 0))


_deg_spec = pl.BlockSpec((R, NC), lambda j: (j, 0))

_tc_proj = pl.pallas_call(
    _tc_proj_body,
    grid=(N // R,),
    in_specs=[
        _row_spec(ED), _row_spec(1), _row_spec(1), _deg_spec,
        _bcast_spec(DD1, DD), _bcast_spec(CD1, CD),
        _bcast_spec(ED + DD + CD, H),
        _bcast_spec(1, H), _bcast_spec(H, H),
    ],
    out_specs=_row_spec(H),
    out_shape=jax.ShapeDtypeStruct((N, H), jnp.float32),
)

_tc_mid = pl.pallas_call(
    _tc_mid_body,
    grid=(N // R,),
    in_specs=[
        _row_spec(H), _row_spec(H), _row_spec(H), _deg_spec,
        _bcast_spec(1, H), _bcast_spec(H, H),
    ],
    out_specs=_row_spec(H),
    out_shape=jax.ShapeDtypeStruct((N, H), jnp.float32),
)

_tc_final = pl.pallas_call(
    _tc_final_body,
    out_shape=jax.ShapeDtypeStruct((NG, 1), jnp.float32),
)


def kernel(x, edge_index, batch, node_depth, child_index, node_table,
           depth_table, child_table, proj_W, proj_b, conv1_W, conv1_b,
           conv2_W, conv2_b, clf_W, clf_b):
    src = edge_index[0]
    dst = edge_index[1]

    ppt = EPTP - EPT
    pad_s = (jnp.arange(NW * ppt, dtype=jnp.int32) % N).reshape(NW, ppt)
    pad_d = N + (jnp.arange(NW * ppt, dtype=jnp.int32) % ZR).reshape(NW, ppt)
    srcp = jnp.concatenate(
        [src.astype(jnp.int32).reshape(NW, EPT), pad_s], axis=1
    ).reshape(NW * ENCHUNK, ECH)
    dstp = jnp.concatenate(
        [dst.astype(jnp.int32).reshape(NW, EPT), pad_d], axis=1
    ).reshape(NW * ENCHUNK, ECH)

    nf, deg0, deg1 = _get_sc_embed()(x.astype(jnp.int32), dstp, node_table)
    degp = jnp.stack([deg0[:N], deg1[:N]], axis=1)

    hs1 = _tc_proj(nf, node_depth.astype(jnp.int32)[:, None],
                   child_index.astype(jnp.int32)[:, None], degp,
                   depth_table, child_table, proj_W, proj_b[None, :],
                   conv1_W)
    scatter = _get_sc_scatter()
    p = scatter(srcp, dstp, hs1)[0]
    hs2 = _tc_mid(p[0], p[1], hs1, degp, conv1_b[None, :], conv2_W)
    q = scatter(srcp, dstp, hs2)[0]
    return _tc_final(q[0], q[1], hs2, degp, conv2_b[None, :],
                     batch[None, :].astype(jnp.int32), clf_W, clf_b[None, :])

# --- scband reference (transcript-rebuilt; emitter-appended) ---
"""Pipeline reference for scband-gcnwith-positional-encoding-5909874999433 (READ-ONLY COPY).

The authoritative reference and input builder live on the scoring server;
editing this copy changes nothing except your own understanding.
"""

import jax, jax.numpy as jnp
import numpy as np

N = 10000
E = 320000
V = 50000
ED = 128
DD = 32
CD = 32
H1 = 128
H2 = 128
NG = 64
MAX_DEPTH = 50
MAX_CHILD = 20
TOTAL_EMB = ED + DD + CD


def setup_inputs(seed: int = 0) -> dict:
    key = jax.random.key(seed)
    ks = jax.random.split(key, 16)
    inp = {}
    inp['x'] = jax.random.randint(ks[0], (N,), 0, V)
    inp['edge_index'] = jax.random.randint(ks[1], (2, E), 0, N)
    inp['batch'] = jnp.sort(jax.random.randint(ks[2], (N,), 0, NG))
    inp['node_depth'] = jax.random.randint(ks[3], (N,), 0, MAX_DEPTH + 1)
    inp['child_index'] = jax.random.randint(ks[4], (N,), 0, MAX_CHILD + 1)
    inp['node_table'] = 0.05 * jax.random.normal(ks[5], (V, ED), dtype=jnp.float32)
    inp['depth_table'] = 0.05 * jax.random.normal(ks[6], (MAX_DEPTH + 1, DD), dtype=jnp.float32)
    inp['child_table'] = 0.05 * jax.random.normal(ks[7], (MAX_CHILD + 1, CD), dtype=jnp.float32)
    inp['proj_W'] = 0.05 * jax.random.normal(ks[8], (TOTAL_EMB, ED), dtype=jnp.float32)
    inp['proj_b'] = jnp.zeros((ED,), jnp.float32)
    inp['conv1_W'] = 0.05 * jax.random.normal(ks[9], (ED, H1), dtype=jnp.float32)
    inp['conv1_b'] = jnp.zeros((H1,), jnp.float32)
    inp['conv2_W'] = 0.05 * jax.random.normal(ks[10], (H1, H2), dtype=jnp.float32)
    inp['conv2_b'] = jnp.zeros((H2,), jnp.float32)
    inp['clf_W'] = 0.05 * jax.random.normal(ks[11], (H2, 1), dtype=jnp.float32)
    inp['clf_b'] = jnp.zeros((1,), jnp.float32)
    return inp


def _gcn_conv(h, src, dst, W, b):
    # PyG GCNConv: X' = D^{-1/2} (A + I) D^{-1/2} X W + b
    hw = h @ W
    loop = jnp.arange(N)
    s = jnp.concatenate([src, loop])
    d = jnp.concatenate([dst, loop])
    deg = jnp.zeros((N,), jnp.float32).at[d].add(1.0)
    dinv = jnp.where(deg > 0, jax.lax.rsqrt(jnp.maximum(deg, 1e-12)), 0.0)
    norm = dinv[s] * dinv[d]
    msg = hw[s] * norm[:, None]
    out = jnp.zeros((N, W.shape[1]), jnp.float32).at[d].add(msg)
    return out + b


def reference(x, edge_index, batch, node_depth, child_index, node_table, depth_table, child_table, proj_W, proj_b, conv1_W, conv1_b, conv2_W, conv2_b, clf_W, clf_b):
    nf = jnp.take(node_table, x, axis=0)
    df = jnp.take(depth_table, jnp.clip(node_depth, 0, MAX_DEPTH), axis=0)
    cf = jnp.take(child_table, jnp.clip(child_index, 0, MAX_CHILD), axis=0)
    h = jnp.concatenate([nf, df, cf], axis=1)
    h = jax.nn.relu(h @ proj_W + proj_b)
    src = edge_index[0]
    dst = edge_index[1]
    h = jax.nn.relu(_gcn_conv(h, src, dst, conv1_W, conv1_b))
    # dropout is identity in eval mode
    h = jax.nn.relu(_gcn_conv(h, src, dst, conv2_W, conv2_b))
    sums = jax.ops.segment_sum(h, batch, num_segments=NG)
    counts = jax.ops.segment_sum(jnp.ones((N,), jnp.float32), batch, num_segments=NG)
    pooled = sums / jnp.maximum(counts, 1.0)[:, None]
    return pooled @ clf_W + clf_b

if __name__ == "__main__":
    import jax
    _d = setup_inputs()
    print(jax.jit(kernel)(*tuple(_d.values())))

</pallas_src>

<mosaic_0001>
#map = affine_map<(d0, d1) -> (0)>
#map1 = affine_map<(d0, d1) -> (0, 0)>
module attributes {stable_mosaic.version = 14 : i64} {
  func.func @_sc_embed_body(%arg0: i32, %arg1: i32, %arg2: memref<10000xi32, #tpu.memory_space<hbm>>, %arg3: memref<2560x128xi32, #tpu.memory_space<hbm>>, %arg4: memref<50000x128xf32, #tpu.memory_space<hbm>>, %arg5: memref<10000x128xf32, #tpu.memory_space<hbm>>, %arg6: memref<10240xf32, #tpu.memory_space<hbm>>, %arg7: memref<10240xf32, #tpu.memory_space<hbm>>, %arg8: memref<80xi32, #tpu.memory_space<vmem>>, %arg9: memref<80xi32, #tpu.memory_space<vmem>>, %arg10: memref<80x128xf32, #tpu.memory_space<vmem>>, %arg11: memref<80x128xf32, #tpu.memory_space<vmem>>, %arg12: memref<8x128xi32, #tpu.memory_space<vmem>>, %arg13: memref<8x128xi32, #tpu.memory_space<vmem>>, %arg14: memref<128xf32, #tpu.memory_space<vmem>>, %arg15: memref<640xf32, #tpu.memory_space<vmem>>, %arg16: memref<10240xf32, #tpu.memory_space<vmem_shared>>, %arg17: memref<!tpu.dma_semaphore, #tpu.memory_space<semaphore_mem>>, %arg18: memref<!tpu.dma_semaphore, #tpu.memory_space<semaphore_mem>>, %arg19: memref<!tpu.dma_semaphore, #tpu.memory_space<semaphore_mem>>, %arg20: memref<!tpu.dma_semaphore, #tpu.memory_space<semaphore_mem>>) attributes {dimension_semantics = [#tpu.dimension_semantics<core_parallel>, #tpu.dimension_semantics<subcore_parallel>], iteration_bounds = array<i64: 2, 16>, scalar_prefetch = 0 : i64, scratch_operands = 13 : i64, tpu.core_type = #tpu.core_type<sc_vector_subcore>, window_params = [{transform_indices = #map}, {transform_indices = #map1}, {transform_indices = #map1}, {transform_indices = #map1}, {transform_indices = #map}, {transform_indices = #map}]} {
    %mul3A = arith.constant 16 : i32
    %mul3A_0 = arith.muli %arg0, %mul3A : i32
    %add3A = arith.addi %mul3A_0, %arg1 : i32
    %mul3A_1 = arith.constant 80 : i32
    %mul3A_2 = arith.muli %add3A, %mul3A_1 : i32
    %scan3A = arith.constant 0 : i32
    %scan3A_3 = arith.constant 0 : i32
    %scan3A_4 = arith.constant 40 : i32
    %scan3A_5 = arith.addi %scan3A_3, %scan3A_4 : i32
    %scan3A_6 = arith.constant 1 : i32
    scf.for %scan3A_36 = %scan3A_3 to %scan3A_5 step %scan3A_6  : i32 {
      %broadcast_in_dim3A = arith.constant 0.000000e+00 : f32
      %broadcast_in_dim3A_37 = vector.broadcast %broadcast_in_dim3A : f32 to vector<16xf32>
      %mul3A_38 = arith.constant 16 : i32
      %mul3A_39 = arith.muli %scan3A_36, %mul3A_38 : i32
      %swap3A = arith.index_cast %mul3A_39 : i32 to index
      %swap3A_40 = tpu.vector_load %arg15[%swap3A] {strides = array<i32>} : memref<640xf32, #tpu.memory_space<vmem>>, vector<16xf32>,
      %swap3A_41 = vector.shape_cast %swap3A_40 : vector<16xf32> to vector<16xf32>
      %swap3A_42 = vector.shape_cast %broadcast_in_dim3A_37 : vector<16xf32> to vector<16xf32>
      tpu.vector_store %arg15[%swap3A], %swap3A_42 {strides = array<i32>} : memref<640xf32, #tpu.memory_space<vmem>>, vector<16xf32>,
    }
    %scan3A_7 = arith.constant 40 : i32
    %scan3A_8 = arith.constant 0 : i32
    %scan3A_9 = arith.constant 0 : i32
    %scan3A_10 = arith.constant 8 : i32
    %scan3A_11 = arith.addi %scan3A_9, %scan3A_10 : i32
    %scan3A_12 = arith.constant 1 : i32
    scf.for %scan3A_36 = %scan3A_9 to %scan3A_11 step %scan3A_12  : i32 {
      %broadcast_in_dim3A = arith.constant 1.000000e+00 : f32
      %broadcast_in_dim3A_37 = vector.broadcast %broadcast_in_dim3A : f32 to vector<16xf32>
      %mul3A_38 = arith.constant 16 : i32
      %mul3A_39 = arith.muli %scan3A_36, %mul3A_38 : i32
      %swap3A = arith.index_cast %mul3A_39 : i32 to index
      %swap3A_40 = tpu.vector_load %arg14[%swap3A] {strides = array<i32>} : memref<128xf32, #tpu.memory_space<vmem>>, vector<16xf32>,
      %swap3A_41 = vector.shape_cast %swap3A_40 : vector<16xf32> to vector<16xf32>
      %swap3A_42 = vector.shape_cast %broadcast_in_dim3A_37 : vector<16xf32> to vector<16xf32>
      tpu.vector_store %arg14[%swap3A], %swap3A_42 {strides = array<i32>} : memref<128xf32, #tpu.memory_space<vmem>>, vector<16xf32>,
    }
    %scan3A_13 = arith.constant 8 : i32
    %mul3A_14 = arith.constant 640 : i32
    %mul3A_15 = arith.muli %arg1, %mul3A_14 : i32
    "tpu.region"() ({
      %run_scoped3A = tpu.sem_alloc : memref<!tpu.dma_semaphore, #tpu.memory_space<semaphore_mem>>
      %dma_start3A = tpu.memref_slice %arg16[%mul3A_15] : memref<10240xf32, #tpu.memory_space<vmem_shared>> -> memref<640xf32, #tpu.memory_space<vmem_shared>>
      %dma_start3A_36 = tpu.memref_slice %arg16[%mul3A_15] : memref<10240xf32, #tpu.memory_space<vmem_shared>> -> memref<640xf32, #tpu.memory_space<vmem_shared>>
      tpu.enqueue_dma source(%arg15 : memref<640xf32, #tpu.memory_space<vmem>>) target(%dma_start3A_36 : memref<640xf32, #tpu.memory_space<vmem_shared>>) target_semaphore(%run_scoped3A : memref<!tpu.dma_semaphore, #tpu.memory_space<semaphore_mem>>)
      %dma_wait3A = tpu.memref_slice %arg16[%mul3A_15] : memref<10240xf32, #tpu.memory_space<vmem_shared>> -> memref<640xf32, #tpu.memory_space<vmem_shared>>
      %dma_wait3A_37 = tpu.memref_slice %arg16[%mul3A_15] : memref<10240xf32, #tpu.memory_space<vmem_shared>> -> memref<640xf32, #tpu.memory_space<vmem_shared>>
      tpu.wait_dma2 semaphore(%run_scoped3A : memref<!tpu.dma_semaphore, #tpu.memory_space<semaphore_mem>>) src(%arg15 : memref<640xf32, #tpu.memory_space<vmem>>) dst(%dma_wait3A_37 : memref<640xf32, #tpu.memory_space<vmem_shared>>)
      tpu.yield
    }) : () -> ()
    %barrier3A = arith.constant 0 : index
    tpu.barrier barrier_id(%barrier3A)
    %scan3A_16 = arith.constant 0 : i32
    %scan3A_17 = arith.constant 0 : i32
    %scan3A_18 = arith.constant 4 : i32
    %scan3A_19 = arith.addi %scan3A_17, %scan3A_18 : i32
    %scan3A_20 = arith.constant 1 : i32
    scf.for %scan3A_36 = %scan3A_17 to %scan3A_19 step %scan3A_20  : i32 {
      %mul3A_37 = arith.constant 32 : i32
      %mul3A_38 = arith.muli %mul3A_37, %scan3A_36 : i32
      %add3A_39 = arith.addi %add3A, %mul3A_38 : i32
      %lt3A = arith.constant 125 : i32
      %lt3A_40 = arith.cmpi slt, %add3A_39, %lt3A : i32
      %convert_element_type3A_41 = arith.extui %lt3A_40 : i1 to i32
      %cond3A_42 = arith.constant 0 : i32
      %cond3A_43 = arith.cmpi ne, %convert_element_type3A_41, %cond3A_42 : i32
      scf.if %cond3A_43 {
        %mul3A_44 = arith.constant 80 : i32
        %mul3A_45 = arith.muli %add3A_39, %mul3A_44 : i32
        "tpu.region"() ({
          %run_scoped3A = tpu.sem_alloc : memref<!tpu.dma_semaphore, #tpu.memory_space<semaphore_mem>>
          %dma_start3A_52 = tpu.memref_slice %arg2[%mul3A_45] : memref<10000xi32, #tpu.memory_space<hbm>> -> memref<80xi32, #tpu.memory_space<hbm>>
          %dma_start3A_53 = tpu.memref_slice %arg2[%mul3A_45] : memref<10000xi32, #tpu.memory_space<hbm>> -> memref<80xi32, #tpu.memory_space<hbm>>
          tpu.enqueue_dma source(%dma_start3A_53 : memref<80xi32, #tpu.memory_space<hbm>>) target(%arg8 : memref<80xi32, #tpu.memory_space<vmem>>) target_semaphore(%run_scoped3A : memref<!tpu.dma_semaphore, #tpu.memory_space<semaphore_mem>>)
          %dma_wait3A_54 = tpu.memref_slice %arg2[%mul3A_45] : memref<10000xi32, #tpu.memory_space<hbm>> -> memref<80xi32, #tpu.memory_space<hbm>>
          %dma_wait3A_55 = tpu.memref_slice %arg2[%mul3A_45] : memref<10000xi32, #tpu.memory_space<hbm>> -> memref<80xi32, #tpu.memory_space<hbm>>
          tpu.wait_dma2 semaphore(%run_scoped3A : memref<!tpu.dma_semaphore, #tpu.memory_space<semaphore_mem>>) src(%dma_wait3A_55 : memref<80xi32, #tpu.memory_space<hbm>>) dst(%arg8 : memref<80xi32, #tpu.memory_space<vmem>>)
          tpu.yield
        }) : () -> ()
        %dma_start3A = arith.constant 0 : i32
        %dma_start3A_46 = arith.constant 0 : i32
        %dma_start3A_47 = tpu.memref_slice %arg4[%dma_start3A, %dma_start3A_46] : memref<50000x128xf32, #tpu.memory_space<hbm>> -> memref<50000x128xf32, #tpu.memory_space<hbm>>
        tpu.enqueue_indirect_dma source(%dma_start3A_47 : memref<50000x128xf32, #tpu.memory_space<hbm>>) target(%arg10 : memref<80x128xf32, #tpu.memory_space<vmem>>) offsets(%arg8 : memref<80xi32, #tpu.memory_space<vmem>>) semaphore(%arg17 : memref<!tpu.dma_semaphore, #tpu.memory_space<semaphore_mem>>)
        %dma_wait3A = arith.constant 0 : i32
        %dma_wait3A_48 = arith.constant 0 : i32
        %dma_wait3A_49 = tpu.memref_slice %arg4[%dma_wait3A, %dma_wait3A_48] : memref<50000x128xf32, #tpu.memory_space<hbm>> -> memref<50000x128xf32, #tpu.memory_space<hbm>>
        tpu.wait_indirect_dma semaphore(%arg17 : memref<!tpu.dma_semaphore, #tpu.memory_space<semaphore_mem>>) src(%dma_wait3A_49 : memref<50000x128xf32, #tpu.memory_space<hbm>>) dst(%arg10 : memref<80x128xf32, #tpu.memory_space<vmem>>)
        %mul3A_50 = arith.constant 80 : i32
        %mul3A_51 = arith.muli %add3A_39, %mul3A_50 : i32
        "tpu.region"() ({
          %run_scoped3A = tpu.sem_alloc : memref<!tpu.dma_semaphore, #tpu.memory_space<semaphore_mem>>
          %dma_start3A_52 = arith.constant 0 : i32
          %dma_start3A_53 = tpu.memref_slice %arg5[%mul3A_51, %dma_start3A_52] : memref<10000x128xf32, #tpu.memory_space<hbm>> -> memref<80x128xf32, #tpu.memory_space<hbm>>
          %dma_start3A_54 = arith.constant 0 : i32
          %dma_start3A_55 = tpu.memref_slice %arg5[%mul3A_51, %dma_start3A_54] : memref<10000x128xf32, #tpu.memory_space<hbm>> -> memref<80x128xf32, #tpu.memory_space<hbm>>
          tpu.enqueue_dma source(%arg10 : memref<80x128xf32, #tpu.memory_space<vmem>>) target(%dma_start3A_55 : memref<80x128xf32, #tpu.memory_space<hbm>>) target_semaphore(%run_scoped3A : memref<!tpu.dma_semaphore, #tpu.memory_space<semaphore_mem>>)
          %dma_wait3A_56 = arith.constant 0 : i32
          %dma_wait3A_57 = tpu.memref_slice %arg5[%mul3A_51, %dma_wait3A_56] : memref<10000x128xf32, #tpu.memory_space<hbm>> -> memref<80x128xf32, #tpu.memory_space<hbm>>
          %dma_wait3A_58 = arith.constant 0 : i32
          %dma_wait3A_59 = tpu.memref_slice %arg5[%mul3A_51, %dma_wait3A_58] : memref<10000x128xf32, #tpu.memory_space<hbm>> -> memref<80x128xf32, #tpu.memory_space<hbm>>
          tpu.wait_dma2 semaphore(%run_scoped3A : memref<!tpu.dma_semaphore, #tpu.memory_space<semaphore_mem>>) src(%arg10 : memref<80x128xf32, #tpu.memory_space<vmem>>) dst(%dma_wait3A_59 : memref<80x128xf32, #tpu.memory_space<hbm>>)
          tpu.yield
        }) : () -> ()
      } else {
      }
    }
    %scan3A_21 = arith.constant 4 : i32
    "tpu.region"() ({
      %run_scoped3A = tpu.sem_alloc : memref<!tpu.dma_semaphore, #tpu.memory_space<semaphore_mem>>
      %dma_start3A = arith.constant 0 : i32
      %dma_start3A_36 = tpu.memref_slice %arg3[%mul3A_2, %dma_start3A] : memref<2560x128xi32, #tpu.memory_space<hbm>> -> memref<8x128xi32, #tpu.memory_space<hbm>>
      %dma_start3A_37 = arith.constant 0 : i32
      %dma_start3A_38 = tpu.memref_slice %arg3[%mul3A_2, %dma_start3A_37] : memref<2560x128xi32, #tpu.memory_space<hbm>> -> memref<8x128xi32, #tpu.memory_space<hbm>>
      tpu.enqueue_dma source(%dma_start3A_38 : memref<8x128xi32, #tpu.memory_space<hbm>>) target(%arg12 : memref<8x128xi32, #tpu.memory_space<vmem>>) target_semaphore(%run_scoped3A : memref<!tpu.dma_semaphore, #tpu.memory_space<semaphore_mem>>)
      %dma_wait3A = arith.constant 0 : i32
      %dma_wait3A_39 = tpu.memref_slice %arg3[%mul3A_2, %dma_wait3A] : memref<2560x128xi32, #tpu.memory_space<hbm>> -> memref<8x128xi32, #tpu.memory_space<hbm>>
      %dma_wait3A_40 = arith.constant 0 : i32
      %dma_wait3A_41 = tpu.memref_slice %arg3[%mul3A_2, %dma_wait3A_40] : memref<2560x128xi32, #tpu.memory_space<hbm>> -> memref<8x128xi32, #tpu.memory_space<hbm>>
      tpu.wait_dma2 semaphore(%run_scoped3A : memref<!tpu.dma_semaphore, #tpu.memory_space<semaphore_mem>>) src(%dma_wait3A_41 : memref<8x128xi32, #tpu.memory_space<hbm>>) dst(%arg12 : memref<8x128xi32, #tpu.memory_space<vmem>>)
      tpu.yield
    }) : () -> ()
    %scan3A_22 = arith.constant 0 : i32
    %scan3A_23 = arith.constant 0 : i32
    %scan3A_24 = arith.constant 5 : i32
    %scan3A_25 = arith.addi %scan3A_23, %scan3A_24 : i32
    %scan3A_26 = arith.constant 1 : i32
    scf.for %scan3A_36 = %scan3A_23 to %scan3A_25 step %scan3A_26  : i32 {
      %mul3A_37 = arith.constant 2 : i32
      %mul3A_38 = arith.muli %mul3A_37, %scan3A_36 : i32
      %mul3A_39 = arith.constant 8 : i32
      %mul3A_40 = arith.muli %mul3A_38, %mul3A_39 : i32
      %add3A_41 = arith.addi %mul3A_2, %mul3A_40 : i32
      %add3A_42 = arith.constant 8 : i32
      %add3A_43 = arith.addi %add3A_41, %add3A_42 : i32
      %dma_start3A = arith.constant 0 : i32
      %dma_start3A_44 = tpu.memref_slice %arg3[%add3A_43, %dma_start3A] : memref<2560x128xi32, #tpu.memory_space<hbm>> -> memref<8x128xi32, #tpu.memory_space<hbm>>
      %dma_start3A_45 = arith.constant 0 : i32
      %dma_start3A_46 = tpu.memref_slice %arg3[%add3A_43, %dma_start3A_45] : memref<2560x128xi32, #tpu.memory_space<hbm>> -> memref<8x128xi32, #tpu.memory_space<hbm>>
      tpu.enqueue_dma source(%dma_start3A_46 : memref<8x128xi32, #tpu.memory_space<hbm>>) target(%arg13 : memref<8x128xi32, #tpu.memory_space<vmem>>) target_semaphore(%arg20 : memref<!tpu.dma_semaphore, #tpu.memory_space<semaphore_mem>>)
      %run_scoped3A = arith.constant 0 : i32
      "tpu.region"() ({
        %run_scoped3A_76 = tpu.sem_alloc : memref<!tpu.dma_semaphore, #tpu.memory_space<semaphore_mem>>
        %dma_start3A_77 = arith.constant 0 : i32
        %dma_start3A_78 = tpu.memref_slice %arg12[%run_scoped3A, %dma_start3A_77] : memref<8x128xi32, #tpu.memory_space<vmem>> -> memref<1x128xi32, #tpu.memory_space<vmem>>
        %dma_start3A_79 = tpu.memref_squeeze %dma_start3A_78 : memref<1x128xi32, #tpu.memory_space<vmem>> -> memref<128xi32, #tpu.memory_space<vmem>>
        %dma_start3A_80 = arith.constant 0 : i32
        %dma_start3A_81 = tpu.memref_slice %arg16[%dma_start3A_80] : memref<10240xf32, #tpu.memory_space<vmem_shared>> -> memref<10240xf32, #tpu.memory_space<vmem_shared>>
        tpu.enqueue_indirect_dma source(%arg14 : memref<128xf32, #tpu.memory_space<vmem>>) target(%dma_start3A_81 : memref<10240xf32, #tpu.memory_space<vmem_shared>>) offsets(%dma_start3A_79 : memref<128xi32, #tpu.memory_space<vmem>>) semaphore(%run_scoped3A_76 : memref<!tpu.dma_semaphore, #tpu.memory_space<semaphore_mem>>) {add = true}
        %dma_wait3A_82 = arith.constant 0 : i32
        %dma_wait3A_83 = tpu.memref_slice %arg12[%run_scoped3A, %dma_wait3A_82] : memref<8x128xi32, #tpu.memory_space<vmem>> -> memref<1x128xi32, #tpu.memory_space<vmem>>
        %dma_wait3A_84 = tpu.memref_squeeze %dma_wait3A_83 : memref<1x128xi32, #tpu.memory_space<vmem>> -> memref<128xi32, #tpu.memory_space<vmem>>
        %dma_wait3A_85 = arith.constant 0 : i32
        %dma_wait3A_86 = tpu.memref_slice %arg16[%dma_wait3A_85] : memref<10240xf32, #tpu.memory_space<vmem_shared>> -> memref<10240xf32, #tpu.memory_space<vmem_shared>>
        tpu.wait_indirect_dma semaphore(%run_scoped3A_76 : memref<!tpu.dma_semaphore, #tpu.memory_space<semaphore_mem>>) src(%arg14 : memref<128xf32, #tpu.memory_space<vmem>>) dst(%dma_wait3A_86 : memref<10240xf32, #tpu.memory_space<vmem_shared>>)
        tpu.yield
      }) : () -> ()
      %run_scoped3A_47 = arith.constant 1 : i32
      "tpu.region"() ({
        %run_scoped3A_76 = tpu.sem_alloc : memref<!tpu.dma_semaphore, #tpu.memory_space<semaphore_mem>>
        %dma_start3A_77 = arith.constant 0 : i32
        %dma_start3A_78 = tpu.memref_slice %arg12[%run_scoped3A_47, %dma_start3A_77] : memref<8x128xi32, #tpu.memory_space<vmem>> -> memref<1x128xi32, #tpu.memory_space<vmem>>
        %dma_start3A_79 = tpu.memref_squeeze %dma_start3A_78 : memref<1x128xi32, #tpu.memory_space<vmem>> -> memref<128xi32, #tpu.memory_space<vmem>>
        %dma_start3A_80 = arith.constant 0 : i32
        %dma_start3A_81 = tpu.memref_slice %arg16[%dma_start3A_80] : memref<10240xf32, #tpu.memory_space<vmem_shared>> -> memref<10240xf32, #tpu.memory_space<vmem_shared>>
        tpu.enqueue_indirect_dma source(%arg14 : memref<128xf32, #tpu.memory_space<vmem>>) target(%dma_start3A_81 : memref<10240xf32, #tpu.memory_space<vmem_shared>>) offsets(%dma_start3A_79 : memref<128xi32, #tpu.memory_space<vmem>>) semaphore(%run_scoped3A_76 : memref<!tpu.dma_semaphore, #tpu.memory_space<semaphore_mem>>) {add = true}
        %dma_wait3A_82 = arith.constant 0 : i32
        %dma_wait3A_83 = tpu.memref_slice %arg12[%run_scoped3A_47, %dma_wait3A_82] : memref<8x128xi32, #tpu.memory_space<vmem>> -> memref<1x128xi32, #tpu.memory_space<vmem>>
        %dma_wait3A_84 = tpu.memref_squeeze %dma_wait3A_83 : memref<1x128xi32, #tpu.memory_space<vmem>> -> memref<128xi32, #tpu.memory_space<vmem>>
        %dma_wait3A_85 = arith.constant 0 : i32
        %dma_wait3A_86 = tpu.memref_slice %arg16[%dma_wait3A_85] : memref<10240xf32, #tpu.memory_space<vmem_shared>> -> memref<10240xf32, #tpu.memory_space<vmem_shared>>
        tpu.wait_indirect_dma semaphore(%run_scoped3A_76 : memref<!tpu.dma_semaphore, #tpu.memory_space<semaphore_mem>>) src(%arg14 : memref<128xf32, #tpu.memory_space<vmem>>) dst(%dma_wait3A_86 : memref<10240xf32, #tpu.memory_space<vmem_shared>>)
        tpu.yield
      }) : () -> ()
      %run_scoped3A_48 = arith.constant 2 : i32
      "tpu.region"() ({
        %run_scoped3A_76 = tpu.sem_alloc : memref<!tpu.dma_semaphore, #tpu.memory_space<semaphore_mem>>
        %dma_start3A_77 = arith.constant 0 : i32
        %dma_start3A_78 = tpu.memref_slice %arg12[%run_scoped3A_48, %dma_start3A_77] : memref<8x128xi32, #tpu.memory_space<vmem>> -> memref<1x128xi32, #tpu.memory_space<vmem>>
        %dma_start3A_79 = tpu.memref_squeeze %dma_start3A_78 : memref<1x128xi32, #tpu.memory_space<vmem>> -> memref<128xi32, #tpu.memory_space<vmem>>
        %dma_start3A_80 = arith.constant 0 : i32
        %dma_start3A_81 = tpu.memref_slice %arg16[%dma_start3A_80] : memref<10240xf32, #tpu.memory_space<vmem_shared>> -> memref<10240xf32, #tpu.memory_space<vmem_shared>>
        tpu.enqueue_indirect_dma source(%arg14 : memref<128xf32, #tpu.memory_space<vmem>>) target(%dma_start3A_81 : memref<10240xf32, #tpu.memory_space<vmem_shared>>) offsets(%dma_start3A_79 : memref<128xi32, #tpu.memory_space<vmem>>) semaphore(%run_scoped3A_76 : memref<!tpu.dma_semaphore, #tpu.memory_space<semaphore_mem>>) {add = true}
        %dma_wait3A_82 = arith.constant 0 : i32
        %dma_wait3A_83 = tpu.memref_slice %arg12[%run_scoped3A_48, %dma_wait3A_82] : memref<8x128xi32, #tpu.memory_space<vmem>> -> memref<1x128xi32, #tpu.memory_space<vmem>>
        %dma_wait3A_84 = tpu.memref_squeeze %dma_wait3A_83 : memref<1x128xi32, #tpu.memory_space<vmem>> -> memref<128xi32, #tpu.memory_space<vmem>>
        %dma_wait3A_85 = arith.constant 0 : i32
        %dma_wait3A_86 = tpu.memref_slice %arg16[%dma_wait3A_85] : memref<10240xf32, #tpu.memory_space<vmem_shared>> -> memref<10240xf32, #tpu.memory_space<vmem_shared>>
        tpu.wait_indirect_dma semaphore(%run_scoped3A_76 : memref<!tpu.dma_semaphore, #tpu.memory_space<semaphore_mem>>) src(%arg14 : memref<128xf32, #tpu.memory_space<vmem>>) dst(%dma_wait3A_86 : memref<10240xf32, #tpu.memory_space<vmem_shared>>)
        tpu.yield
      }) : () -> ()
      %run_scoped3A_49 = arith.constant 3 : i32
      "tpu.region"() ({
        %run_scoped3A_76 = tpu.sem_alloc : memref<!tpu.dma_semaphore, #tpu.memory_space<semaphore_mem>>
        %dma_start3A_77 = arith.constant 0 : i32
        %dma_start3A_78 = tpu.memref_slice %arg12[%run_scoped3A_49, %dma_start3A_77] : memref<8x128xi32, #tpu.memory_space<vmem>> -> memref<1x128xi32, #tpu.memory_space<vmem>>
        %dma_start3A_79 = tpu.memref_squeeze %dma_start3A_78 : memref<1x128xi32, #tpu.memory_space<vmem>> -> memref<128xi32, #tpu.memory_space<vmem>>
        %dma_start3A_80 = arith.constant 0 : i32
        %dma_start3A_81 = tpu.memref_slice %arg16[%dma_start3A_80] : memref<10240xf32, #tpu.memory_space<vmem_shared>> -> memref<10240xf32, #tpu.memory_space<vmem_shared>>
        tpu.enqueue_indirect_dma source(%arg14 : memref<128xf32, #tpu.memory_space<vmem>>) target(%dma_start3A_81 : memref<10240xf32, #tpu.memory_space<vmem_shared>>) offsets(%dma_start3A_79 : memref<128xi32, #tpu.memory_space<vmem>>) semaphore(%run_scoped3A_76 : memref<!tpu.dma_semaphore, #tpu.memory_space<semaphore_mem>>) {add = true}
        %dma_wait3A_82 = arith.constant 0 : i32
        %dma_wait3A_83 = tpu.memref_slice %arg12[%run_scoped3A_49, %dma_wait3A_82] : memref<8x128xi32, #tpu.memory_space<vmem>> -> memref<1x128xi32, #tpu.memory_space<vmem>>
        %dma_wait3A_84 = tpu.memref_squeeze %dma_wait3A_83 : memref<1x128xi32, #tpu.memory_space<vmem>> -> memref<128xi32, #tpu.memory_space<vmem>>
        %dma_wait3A_85 = arith.constant 0 : i32
        %dma_wait3A_86 = tpu.memref_slice %arg16[%dma_wait3A_85] : memref<10240xf32, #tpu.memory_space<vmem_shared>> -> memref<10240xf32, #tpu.memory_space<vmem_shared>>
        tpu.wait_indirect_dma semaphore(%run_scoped3A_76 : memref<!tpu.dma_semaphore, #tpu.memory_space<semaphore_mem>>) src(%arg14 : memref<128xf32, #tpu.memory_space<vmem>>) dst(%dma_wait3A_86 : memref<10240xf32, #tpu.memory_space<vmem_shared>>)
        tpu.yield
      }) : () -> ()
      %run_scoped3A_50 = arith.constant 4 : i32
      "tpu.region"() ({
        %run_scoped3A_76 = tpu.sem_alloc : memref<!tpu.dma_semaphore, #tpu.memory_space<semaphore_mem>>
        %dma_start3A_77 = arith.constant 0 : i32
        %dma_start3A_78 = tpu.memref_slice %arg12[%run_scoped3A_50, %dma_start3A_77] : memref<8x128xi32, #tpu.memory_space<vmem>> -> memref<1x128xi32, #tpu.memory_space<vmem>>
        %dma_start3A_79 = tpu.memref_squeeze %dma_start3A_78 : memref<1x128xi32, #tpu.memory_space<vmem>> -> memref<128xi32, #tpu.memory_space<vmem>>
        %dma_start3A_80 = arith.constant 0 : i32
        %dma_start3A_81 = tpu.memref_slice %arg16[%dma_start3A_80] : memref<10240xf32, #tpu.memory_space<vmem_shared>> -> memref<10240xf32, #tpu.memory_space<vmem_shared>>
        tpu.enqueue_indirect_dma source(%arg14 : memref<128xf32, #tpu.memory_space<vmem>>) target(%dma_start3A_81 : memref<10240xf32, #tpu.memory_space<vmem_shared>>) offsets(%dma_start3A_79 : memref<128xi32, #tpu.memory_space<vmem>>) semaphore(%run_scoped3A_76 : memref<!tpu.dma_semaphore, #tpu.memory_space<semaphore_mem>>) {add = true}
        %dma_wait3A_82 = arith.constant 0 : i32
        %dma_wait3A_83 = tpu.memref_slice %arg12[%run_scoped3A_50, %dma_wait3A_82] : memref<8x128xi32, #tpu.memory_space<vmem>> -> memref<1x128xi32, #tpu.memory_space<vmem>>
        %dma_wait3A_84 = tpu.memref_squeeze %dma_wait3A_83 : memref<1x128xi32, #tpu.memory_space<vmem>> -> memref<128xi32, #tpu.memory_space<vmem>>
        %dma_wait3A_85 = arith.constant 0 : i32
        %dma_wait3A_86 = tpu.memref_slice %arg16[%dma_wait3A_85] : memref<10240xf32, #tpu.memory_space<vmem_shared>> -> memref<10240xf32, #tpu.memory_space<vmem_shared>>
        tpu.wait_indirect_dma semaphore(%run_scoped3A_76 : memref<!tpu.dma_semaphore, #tpu.memory_space<semaphore_mem>>) src(%arg14 : memref<128xf32, #tpu.memory_space<vmem>>) dst(%dma_wait3A_86 : memref<10240xf32, #tpu.memory_space<vmem_shared>>)
        tpu.yield
      }) : () -> ()
      %run_scoped3A_51 = arith.constant 5 : i32
      "tpu.region"() ({
        %run_scoped3A_76 = tpu.sem_alloc : memref<!tpu.dma_semaphore, #tpu.memory_space<semaphore_mem>>
        %dma_start3A_77 = arith.constant 0 : i32
        %dma_start3A_78 = tpu.memref_slice %arg12[%run_scoped3A_51, %dma_start3A_77] : memref<8x128xi32, #tpu.memory_space<vmem>> -> memref<1x128xi32, #tpu.memory_space<vmem>>
        %dma_start3A_79 = tpu.memref_squeeze %dma_start3A_78 : memref<1x128xi32, #tpu.memory_space<vmem>> -> memref<128xi32, #tpu.memory_space<vmem>>
        %dma_start3A_80 = arith.constant 0 : i32
        %dma_start3A_81 = tpu.memref_slice %arg16[%dma_start3A_80] : memref<10240xf32, #tpu.memory_space<vmem_shared>> -> memref<10240xf32, #tpu.memory_space<vmem_shared>>
        tpu.enqueue_indirect_dma source(%arg14 : memref<128xf32, #tpu.memory_space<vmem>>) target(%dma_start3A_81 : memref<10240xf32, #tpu.memory_space<vmem_shared>>) offsets(%dma_start3A_79 : memref<128xi32, #tpu.memory_space<vmem>>) semaphore(%run_scoped3A_76 : memref<!tpu.dma_semaphore, #tpu.memory_space<semaphore_mem>>) {add = true}
        %dma_wait3A_82 = arith.constant 0 : i32
        %dma_wait3A_83 = tpu.memref_slice %arg12[%run_scoped3A_51, %dma_wait3A_82] : memref<8x128xi32, #tpu.memory_space<vmem>> -> memref<1x128xi32, #tpu.memory_space<vmem>>
        %dma_wait3A_84 = tpu.memref_squeeze %dma_wait3A_83 : memref<1x128xi32, #tpu.memory_space<vmem>> -> memref<128xi32, #tpu.memory_space<vmem>>
        %dma_wait3A_85 = arith.constant 0 : i32
        %dma_wait3A_86 = tpu.memref_slice %arg16[%dma_wait3A_85] : memref<10240xf32, #tpu.memory_space<vmem_shared>> -> memref<10240xf32, #tpu.memory_space<vmem_shared>>
        tpu.wait_indirect_dma semaphore(%run_scoped3A_76 : memref<!tpu.dma_semaphore, #tpu.memory_space<semaphore_mem>>) src(%arg14 : memref<128xf32, #tpu.memory_space<vmem>>) dst(%dma_wait3A_86 : memref<10240xf32, #tpu.memory_space<vmem_shared>>)
        tpu.yield
      }) : () -> ()
      %run_scoped3A_52 = arith.constant 6 : i32
      "tpu.region"() ({
        %run_scoped3A_76 = tpu.sem_alloc : memref<!tpu.dma_semaphore, #tpu.memory_space<semaphore_mem>>
        %dma_start3A_77 = arith.constant 0 : i32
        %dma_start3A_78 = tpu.memref_slice %arg12[%run_scoped3A_52, %dma_start3A_77] : memref<8x128xi32, #tpu.memory_space<vmem>> -> memref<1x128xi32, #tpu.memory_space<vmem>>
        %dma_start3A_79 = tpu.memref_squeeze %dma_start3A_78 : memref<1x128xi32, #tpu.memory_space<vmem>> -> memref<128xi32, #tpu.memory_space<vmem>>
        %dma_start3A_80 = arith.constant 0 : i32
        %dma_start3A_81 = tpu.memref_slice %arg16[%dma_start3A_80] : memref<10240xf32, #tpu.memory_space<vmem_shared>> -> memref<10240xf32, #tpu.memory_space<vmem_shared>>
        tpu.enqueue_indirect_dma source(%arg14 : memref<128xf32, #tpu.memory_space<vmem>>) target(%dma_start3A_81 : memref<10240xf32, #tpu.memory_space<vmem_shared>>) offsets(%dma_start3A_79 : memref<128xi32, #tpu.memory_space<vmem>>) semaphore(%run_scoped3A_76 : memref<!tpu.dma_semaphore, #tpu.memory_space<semaphore_mem>>) {add = true}
        %dma_wait3A_82 = arith.constant 0 : i32
        %dma_wait3A_83 = tpu.memref_slice %arg12[%run_scoped3A_52, %dma_wait3A_82] : memref<8x128xi32, #tpu.memory_space<vmem>> -> memref<1x128xi32, #tpu.memory_space<vmem>>
        %dma_wait3A_84 = tpu.memref_squeeze %dma_wait3A_83 : memref<1x128xi32, #tpu.memory_space<vmem>> -> memref<128xi32, #tpu.memory_space<vmem>>
        %dma_wait3A_85 = arith.constant 0 : i32
        %dma_wait3A_86 = tpu.memref_slice %arg16[%dma_wait3A_85] : memref<10240xf32, #tpu.memory_space<vmem_shared>> -> memref<10240xf32, #tpu.memory_space<vmem_shared>>
        tpu.wait_indirect_dma semaphore(%run_scoped3A_76 : memref<!tpu.dma_semaphore, #tpu.memory_space<semaphore_mem>>) src(%arg14 : memref<128xf32, #tpu.memory_space<vmem>>) dst(%dma_wait3A_86 : memref<10240xf32, #tpu.memory_space<vmem_shared>>)
        tpu.yield
      }) : () -> ()
      %run_scoped3A_53 = arith.constant 7 : i32
      "tpu.region"() ({
        %run_scoped3A_76 = tpu.sem_alloc : memref<!tpu.dma_semaphore, #tpu.memory_space<semaphore_mem>>
        %dma_start3A_77 = arith.constant 0 : i32
        %dma_start3A_78 = tpu.memref_slice %arg12[%run_scoped3A_53, %dma_start3A_77] : memref<8x128xi32, #tpu.memory_space<vmem>> -> memref<1x128xi32, #tpu.memory_space<vmem>>
        %dma_start3A_79 = tpu.memref_squeeze %dma_start3A_78 : memref<1x128xi32, #tpu.memory_space<vmem>> -> memref<128xi32, #tpu.memory_space<vmem>>
        %dma_start3A_80 = arith.constant 0 : i32
        %dma_start3A_81 = tpu.memref_slice %arg16[%dma_start3A_80] : memref<10240xf32, #tpu.memory_space<vmem_shared>> -> memref<10240xf32, #tpu.memory_space<vmem_shared>>
        tpu.enqueue_indirect_dma source(%arg14 : memref<128xf32, #tpu.memory_space<vmem>>) target(%dma_start3A_81 : memref<10240xf32, #tpu.memory_space<vmem_shared>>) offsets(%dma_start3A_79 : memref<128xi32, #tpu.memory_space<vmem>>) semaphore(%run_scoped3A_76 : memref<!tpu.dma_semaphore, #tpu.memory_space<semaphore_mem>>) {add = true}
        %dma_wait3A_82 = arith.constant 0 : i32
        %dma_wait3A_83 = tpu.memref_slice %arg12[%run_scoped3A_53, %dma_wait3A_82] : memref<8x128xi32, #tpu.memory_space<vmem>> -> memref<1x128xi32, #tpu.memory_space<vmem>>
        %dma_wait3A_84 = tpu.memref_squeeze %dma_wait3A_83 : memref<1x128xi32, #tpu.memory_space<vmem>> -> memref<128xi32, #tpu.memory_space<vmem>>
        %dma_wait3A_85 = arith.constant 0 : i32
        %dma_wait3A_86 = tpu.memref_slice %arg16[%dma_wait3A_85] : memref<10240xf32, #tpu.memory_space<vmem_shared>> -> memref<10240xf32, #tpu.memory_space<vmem_shared>>
        tpu.wait_indirect_dma semaphore(%run_scoped3A_76 : memref<!tpu.dma_semaphore, #tpu.memory_space<semaphore_mem>>) src(%arg14 : memref<128xf32, #tpu.memory_space<vmem>>) dst(%dma_wait3A_86 : memref<10240xf32, #tpu.memory_space<vmem_shared>>)
        tpu.yield
      }) : () -> ()
      %add3A_54 = arith.constant 8 : i32
      %add3A_55 = arith.addi %add3A_41, %add3A_54 : i32
      %dma_wait3A = arith.constant 0 : i32
      %dma_wait3A_56 = tpu.memref_slice %arg3[%add3A_55, %dma_wait3A] : memref<2560x128xi32, #tpu.memory_space<hbm>> -> memref<8x128xi32, #tpu.memory_space<hbm>>
      %dma_wait3A_57 = arith.constant 0 : i32
      %dma_wait3A_58 = tpu.memref_slice %arg3[%add3A_55, %dma_wait3A_57] : memref<2560x128xi32, #tpu.memory_space<hbm>> -> memref<8x128xi32, #tpu.memory_space<hbm>>
      tpu.wait_dma2 semaphore(%arg20 : memref<!tpu.dma_semaphore, #tpu.memory_space<semaphore_mem>>) src(%dma_wait3A_58 : memref<8x128xi32, #tpu.memory_space<hbm>>) dst(%arg13 : memref<8x128xi32, #tpu.memory_space<vmem>>)
      %lt3A = arith.constant 4 : i32
      %lt3A_59 = arith.cmpi slt, %scan3A_36, %lt3A : i32
      %convert_element_type3A_60 = arith.extui %lt3A_59 : i1 to i32
      %cond3A_61 = arith.constant 0 : i32
      %cond3A_62 = arith.cmpi ne, %convert_element_type3A_60, %cond3A_61 : i32
      scf.if %cond3A_62 {
        %add3A_76 = arith.constant 16 : i32
        %add3A_77 = arith.addi %add3A_41, %add3A_76 : i32
        %dma_start3A_78 = arith.constant 0 : i32
        %dma_start3A_79 = tpu.memref_slice %arg3[%add3A_77, %dma_start3A_78] : memref<2560x128xi32, #tpu.memory_space<hbm>> -> memref<8x128xi32, #tpu.memory_space<hbm>>
        %dma_start3A_80 = arith.constant 0 : i32
        %dma_start3A_81 = tpu.memref_slice %arg3[%add3A_77, %dma_start3A_80] : memref<2560x128xi32, #tpu.memory_space<hbm>> -> memref<8x128xi32, #tpu.memory_space<hbm>>
        tpu.enqueue_dma source(%dma_start3A_81 : memref<8x128xi32, #tpu.memory_space<hbm>>) target(%arg12 : memref<8x128xi32, #tpu.memory_space<vmem>>) target_semaphore(%arg19 : memref<!tpu.dma_semaphore, #tpu.memory_space<semaphore_mem>>)
      } else {
      }
      %run_scoped3A_63 = arith.constant 0 : i32
      "tpu.region"() ({
        %run_scoped3A_76 = tpu.sem_alloc : memref<!tpu.dma_semaphore, #tpu.memory_space<semaphore_mem>>
        %dma_start3A_77 = arith.constant 0 : i32
        %dma_start3A_78 = tpu.memref_slice %arg13[%run_scoped3A_63, %dma_start3A_77] : memref<8x128xi32, #tpu.memory_space<vmem>> -> memref<1x128xi32, #tpu.memory_space<vmem>>
        %dma_start3A_79 = tpu.memref_squeeze %dma_start3A_78 : memref<1x128xi32, #tpu.memory_space<vmem>> -> memref<128xi32, #tpu.memory_space<vmem>>
        %dma_start3A_80 = arith.constant 0 : i32
        %dma_start3A_81 = tpu.memref_slice %arg16[%dma_start3A_80] : memref<10240xf32, #tpu.memory_space<vmem_shared>> -> memref<10240xf32, #tpu.memory_space<vmem_shared>>
        tpu.enqueue_indirect_dma source(%arg14 : memref<128xf32, #tpu.memory_space<vmem>>) target(%dma_start3A_81 : memref<10240xf32, #tpu.memory_space<vmem_shared>>) offsets(%dma_start3A_79 : memref<128xi32, #tpu.memory_space<vmem>>) semaphore(%run_scoped3A_76 : memref<!tpu.dma_semaphore, #tpu.memory_space<semaphore_mem>>) {add = true}
        %dma_wait3A_82 = arith.constant 0 : i32
        %dma_wait3A_83 = tpu.memref_slice %arg13[%run_scoped3A_63, %dma_wait3A_82] : memref<8x128xi32, #tpu.memory_space<vmem>> -> memref<1x128xi32, #tpu.memory_space<vmem>>
        %dma_wait3A_84 = tpu.memref_squeeze %dma_wait3A_83 : memref<1x128xi32, #tpu.memory_space<vmem>> -> memref<128xi32, #tpu.memory_space<vmem>>
        %dma_wait3A_85 = arith.constant 0 : i32
        %dma_wait3A_86 = tpu.memref_slice %arg16[%dma_wait3A_85] : memref<10240xf32, #tpu.memory_space<vmem_shared>> -> memref<10240xf32, #tpu.memory_space<vmem_shared>>
        tpu.wait_indirect_dma semaphore(%run_scoped3A_76 : memref<!tpu.dma_semaphore, #tpu.memory_space<semaphore_mem>>) src(%arg14 : memref<128xf32, #tpu.memory_space<vmem>>) dst(%dma_wait3A_86 : memref<10240xf32, #tpu.memory_space<vmem_shared>>)
        tpu.yield
      }) : () -> ()
      %run_scoped3A_64 = arith.constant 1 : i32
      "tpu.region"() ({
        %run_scoped3A_76 = tpu.sem_alloc : memref<!tpu.dma_semaphore, #tpu.memory_space<semaphore_mem>>
        %dma_start3A_77 = arith.constant 0 : i32
        %dma_start3A_78 = tpu.memref_slice %arg13[%run_scoped3A_64, %dma_start3A_77] : memref<8x128xi32, #tpu.memory_space<vmem>> -> memref<1x128xi32, #tpu.memory_space<vmem>>
        %dma_start3A_79 = tpu.memref_squeeze %dma_start3A_78 : memref<1x128xi32, #tpu.memory_space<vmem>> -> memref<128xi32, #tpu.memory_space<vmem>>
        %dma_start3A_80 = arith.constant 0 : i32
        %dma_start3A_81 = tpu.memref_slice %arg16[%dma_start3A_80] : memref<10240xf32, #tpu.memory_space<vmem_shared>> -> memref<10240xf32, #tpu.memory_space<vmem_shared>>
        tpu.enqueue_indirect_dma source(%arg14 : memref<128xf32, #tpu.memory_space<vmem>>) target(%dma_start3A_81 : memref<10240xf32, #tpu.memory_space<vmem_shared>>) offsets(%dma_start3A_79 : memref<128xi32, #tpu.memory_space<vmem>>) semaphore(%run_scoped3A_76 : memref<!tpu.dma_semaphore, #tpu.memory_space<semaphore_mem>>) {add = true}
        %dma_wait3A_82 = arith.constant 0 : i32
        %dma_wait3A_83 = tpu.memref_slice %arg13[%run_scoped3A_64, %dma_wait3A_82] : memref<8x128xi32, #tpu.memory_space<vmem>> -> memref<1x128xi32, #tpu.memory_space<vmem>>
        %dma_wait3A_84 = tpu.memref_squeeze %dma_wait3A_83 : memref<1x128xi32, #tpu.memory_space<vmem>> -> memref<128xi32, #tpu.memory_space<vmem>>
        %dma_wait3A_85 = arith.constant 0 : i32
        %dma_wait3A_86 = tpu.memref_slice %arg16[%dma_wait3A_85] : memref<10240xf32, #tpu.memory_space<vmem_shared>> -> memref<10240xf32, #tpu.memory_space<vmem_shared>>
        tpu.wait_indirect_dma semaphore(%run_scoped3A_76 : memref<!tpu.dma_semaphore, #tpu.memory_space<semaphore_mem>>) src(%arg14 : memref<128xf32, #tpu.memory_space<vmem>>) dst(%dma_wait3A_86 : memref<10240xf32, #tpu.memory_space<vmem_shared>>)
        tpu.yield
      }) : () -> ()
      %run_scoped3A_65 = arith.constant 2 : i32
      "tpu.region"() ({
        %run_scoped3A_76 = tpu.sem_alloc : memref<!tpu.dma_semaphore, #tpu.memory_space<semaphore_mem>>
        %dma_start3A_77 = arith.constant 0 : i32
        %dma_start3A_78 = tpu.memref_slice %arg13[%run_scoped3A_65, %dma_start3A_77] : memref<8x128xi32, #tpu.memory_space<vmem>> -> memref<1x128xi32, #tpu.memory_space<vmem>>
        %dma_start3A_79 = tpu.memref_squeeze %dma_start3A_78 : memref<1x128xi32, #tpu.memory_space<vmem>> -> memref<128xi32, #tpu.memory_space<vmem>>
        %dma_start3A_80 = arith.constant 0 : i32
        %dma_start3A_81 = tpu.memref_slice %arg16[%dma_start3A_80] : memref<10240xf32, #tpu.memory_space<vmem_shared>> -> memref<10240xf32, #tpu.memory_space<vmem_shared>>
        tpu.enqueue_indirect_dma source(%arg14 : memref<128xf32, #tpu.memory_space<vmem>>) target(%dma_start3A_81 : memref<10240xf32, #tpu.memory_space<vmem_shared>>) offsets(%dma_start3A_79 : memref<128xi32, #tpu.memory_space<vmem>>) semaphore(%run_scoped3A_76 : memref<!tpu.dma_semaphore, #tpu.memory_space<semaphore_mem>>) {add = true}
        %dma_wait3A_82 = arith.constant 0 : i32
        %dma_wait3A_83 = tpu.memref_slice %arg13[%run_scoped3A_65, %dma_wait3A_82] : memref<8x128xi32, #tpu.memory_space<vmem>> -> memref<1x128xi32, #tpu.memory_space<vmem>>
        %dma_wait3A_84 = tpu.memref_squeeze %dma_wait3A_83 : memref<1x128xi32, #tpu.memory_space<vmem>> -> memref<128xi32, #tpu.memory_space<vmem>>
        %dma_wait3A_85 = arith.constant 0 : i32
        %dma_wait3A_86 = tpu.memref_slice %arg16[%dma_wait3A_85] : memref<10240xf32, #tpu.memory_space<vmem_shared>> -> memref<10240xf32, #tpu.memory_space<vmem_shared>>
        tpu.wait_indirect_dma semaphore(%run_scoped3A_76 : memref<!tpu.dma_semaphore, #tpu.memory_space<semaphore_mem>>) src(%arg14 : memref<128xf32, #tpu.memory_space<vmem>>) dst(%dma_wait3A_86 : memref<10240xf32, #tpu.memory_space<vmem_shared>>)
        tpu.yield
      }) : () -> ()
      %run_scoped3A_66 = arith.constant 3 : i32
      "tpu.region"() ({
        %run_scoped3A_76 = tpu.sem_alloc : memref<!tpu.dma_semaphore, #tpu.memory_space<semaphore_mem>>
        %dma_start3A_77 = arith.constant 0 : i32
        %dma_start3A_78 = tpu.memref_slice %arg13[%run_scoped3A_66, %dma_start3A_77] : memref<8x128xi32, #tpu.memory_space<vmem>> -> memref<1x128xi32, #tpu.memory_space<vmem>>
        %dma_start3A_79 = tpu.memref_squeeze %dma_start3A_78 : memref<1x128xi32, #tpu.memory_space<vmem>> -> memref<128xi32, #tpu.memory_space<vmem>>
        %dma_start3A_80 = arith.constant 0 : i32
        %dma_start3A_81 = tpu.memref_slice %arg16[%dma_start3A_80] : memref<10240xf32, #tpu.memory_space<vmem_shared>> -> memref<10240xf32, #tpu.memory_space<vmem_shared>>
        tpu.enqueue_indirect_dma source(%arg14 : memref<128xf32, #tpu.memory_space<vmem>>) target(%dma_start3A_81 : memref<10240xf32, #tpu.memory_space<vmem_shared>>) offsets(%dma_start3A_79 : memref<128xi32, #tpu.memory_space<vmem>>) semaphore(%run_scoped3A_76 : memref<!tpu.dma_semaphore, #tpu.memory_space<semaphore_mem>>) {add = true}
        %dma_wait3A_82 = arith.constant 0 : i32
        %dma_wait3A_83 = tpu.memref_slice %arg13[%run_scoped3A_66, %dma_wait3A_82] : memref<8x128xi32, #tpu.memory_space<vmem>> -> memref<1x128xi32, #tpu.memory_space<vmem>>
        %dma_wait3A_84 = tpu.memref_squeeze %dma_wait3A_83 : memref<1x128xi32, #tpu.memory_space<vmem>> -> memref<128xi32, #tpu.memory_space<vmem>>
        %dma_wait3A_85 = arith.constant 0 : i32
        %dma_wait3A_86 = tpu.memref_slice %arg16[%dma_wait3A_85] : memref<10240xf32, #tpu.memory_space<vmem_shared>> -> memref<10240xf32, #tpu.memory_space<vmem_shared>>
        tpu.wait_indirect_dma semaphore(%run_scoped3A_76 : memref<!tpu.dma_semaphore, #tpu.memory_space<semaphore_mem>>) src(%arg14 : memref<128xf32, #tpu.memory_space<vmem>>) dst(%dma_wait3A_86 : memref<10240xf32, #tpu.memory_space<vmem_shared>>)
        tpu.yield
      }) : () -> ()
      %run_scoped3A_67 = arith.constant 4 : i32
      "tpu.region"() ({
        %run_scoped3A_76 = tpu.sem_alloc : memref<!tpu.dma_semaphore, #tpu.memory_space<semaphore_mem>>
        %dma_start3A_77 = arith.constant 0 : i32
        %dma_start3A_78 = tpu.memref_slice %arg13[%run_scoped3A_67, %dma_start3A_77] : memref<8x128xi32, #tpu.memory_space<vmem>> -> memref<1x128xi32, #tpu.memory_space<vmem>>
        %dma_start3A_79 = tpu.memref_squeeze %dma_start3A_78 : memref<1x128xi32, #tpu.memory_space<vmem>> -> memref<128xi32, #tpu.memory_space<vmem>>
        %dma_start3A_80 = arith.constant 0 : i32
        %dma_start3A_81 = tpu.memref_slice %arg16[%dma_start3A_80] : memref<10240xf32, #tpu.memory_space<vmem_shared>> -> memref<10240xf32, #tpu.memory_space<vmem_shared>>
        tpu.enqueue_indirect_dma source(%arg14 : memref<128xf32, #tpu.memory_space<vmem>>) target(%dma_start3A_81 : memref<10240xf32, #tpu.memory_space<vmem_shared>>) offsets(%dma_start3A_79 : memref<128xi32, #tpu.memory_space<vmem>>) semaphore(%run_scoped3A_76 : memref<!tpu.dma_semaphore, #tpu.memory_space<semaphore_mem>>) {add = true}
        %dma_wait3A_82 = arith.constant 0 : i32
        %dma_wait3A_83 = tpu.memref_slice %arg13[%run_scoped3A_67, %dma_wait3A_82] : memref<8x128xi32, #tpu.memory_space<vmem>> -> memref<1x128xi32, #tpu.memory_space<vmem>>
        %dma_wait3A_84 = tpu.memref_squeeze %dma_wait3A_83 : memref<1x128xi32, #tpu.memory_space<vmem>> -> memref<128xi32, #tpu.memory_space<vmem>>
        %dma_wait3A_85 = arith.constant 0 : i32
        %dma_wait3A_86 = tpu.memref_slice %arg16[%dma_wait3A_85] : memref<10240xf32, #tpu.memory_space<vmem_shared>> -> memref<10240xf32, #tpu.memory_space<vmem_shared>>
        tpu.wait_indirect_dma semaphore(%run_scoped3A_76 : memref<!tpu.dma_semaphore, #tpu.memory_space<semaphore_mem>>) src(%arg14 : memref<128xf32, #tpu.memory_space<vmem>>) dst(%dma_wait3A_86 : memref<10240xf32, #tpu.memory_space<vmem_shared>>)
        tpu.yield
      }) : () -> ()
      %run_scoped3A_68 = arith.constant 5 : i32
      "tpu.region"() ({
        %run_scoped3A_76 = tpu.sem_alloc : memref<!tpu.dma_semaphore, #tpu.memory_space<semaphore_mem>>
        %dma_start3A_77 = arith.constant 0 : i32
        %dma_start3A_78 = tpu.memref_slice %arg13[%run_scoped3A_68, %dma_start3A_77] : memref<8x128xi32, #tpu.memory_space<vmem>> -> memref<1x128xi32, #tpu.memory_space<vmem>>
        %dma_start3A_79 = tpu.memref_squeeze %dma_start3A_78 : memref<1x128xi32, #tpu.memory_space<vmem>> -> memref<128xi32, #tpu.memory_space<vmem>>
        %dma_start3A_80 = arith.constant 0 : i32
        %dma_start3A_81 = tpu.memref_slice %arg16[%dma_start3A_80] : memref<10240xf32, #tpu.memory_space<vmem_shared>> -> memref<10240xf32, #tpu.memory_space<vmem_shared>>
        tpu.enqueue_indirect_dma source(%arg14 : memref<128xf32, #tpu.memory_space<vmem>>) target(%dma_start3A_81 : memref<10240xf32, #tpu.memory_space<vmem_shared>>) offsets(%dma_start3A_79 : memref<128xi32, #tpu.memory_space<vmem>>) semaphore(%run_scoped3A_76 : memref<!tpu.dma_semaphore, #tpu.memory_space<semaphore_mem>>) {add = true}
        %dma_wait3A_82 = arith.constant 0 : i32
        %dma_wait3A_83 = tpu.memref_slice %arg13[%run_scoped3A_68, %dma_wait3A_82] : memref<8x128xi32, #tpu.memory_space<vmem>> -> memref<1x128xi32, #tpu.memory_space<vmem>>
        %dma_wait3A_84 = tpu.memref_squeeze %dma_wait3A_83 : memref<1x128xi32, #tpu.memory_space<vmem>> -> memref<128xi32, #tpu.memory_space<vmem>>
        %dma_wait3A_85 = arith.constant 0 : i32
        %dma_wait3A_86 = tpu.memref_slice %arg16[%dma_wait3A_85] : memref<10240xf32, #tpu.memory_space<vmem_shared>> -> memref<10240xf32, #tpu.memory_space<vmem_shared>>
        tpu.wait_indirect_dma semaphore(%run_scoped3A_76 : memref<!tpu.dma_semaphore, #tpu.memory_space<semaphore_mem>>) src(%arg14 : memref<128xf32, #tpu.memory_space<vmem>>) dst(%dma_wait3A_86 : memref<10240xf32, #tpu.memory_space<vmem_shared>>)
        tpu.yield
      }) : () -> ()
      %run_scoped3A_69 = arith.constant 6 : i32
      "tpu.region"() ({
        %run_scoped3A_76 = tpu.sem_alloc : memref<!tpu.dma_semaphore, #tpu.memory_space<semaphore_mem>>
        %dma_start3A_77 = arith.constant 0 : i32
        %dma_start3A_78 = tpu.memref_slice %arg13[%run_scoped3A_69, %dma_start3A_77] : memref<8x128xi32, #tpu.memory_space<vmem>> -> memref<1x128xi32, #tpu.memory_space<vmem>>
        %dma_start3A_79 = tpu.memref_squeeze %dma_start3A_78 : memref<1x128xi32, #tpu.memory_space<vmem>> -> memref<128xi32, #tpu.memory_space<vmem>>
        %dma_start3A_80 = arith.constant 0 : i32
        %dma_start3A_81 = tpu.memref_slice %arg16[%dma_start3A_80] : memref<10240xf32, #tpu.memory_space<vmem_shared>> -> memref<10240xf32, #tpu.memory_space<vmem_shared>>
        tpu.enqueue_indirect_dma source(%arg14 : memref<128xf32, #tpu.memory_space<vmem>>) target(%dma_start3A_81 : memref<10240xf32, #tpu.memory_space<vmem_shared>>) offsets(%dma_start3A_79 : memref<128xi32, #tpu.memory_space<vmem>>) semaphore(%run_scoped3A_76 : memref<!tpu.dma_semaphore, #tpu.memory_space<semaphore_mem>>) {add = true}
        %dma_wait3A_82 = arith.constant 0 : i32
        %dma_wait3A_83 = tpu.memref_slice %arg13[%run_scoped3A_69, %dma_wait3A_82] : memref<8x128xi32, #tpu.memory_space<vmem>> -> memref<1x128xi32, #tpu.memory_space<vmem>>
        %dma_wait3A_84 = tpu.memref_squeeze %dma_wait3A_83 : memref<1x128xi32, #tpu.memory_space<vmem>> -> memref<128xi32, #tpu.memory_space<vmem>>
        %dma_wait3A_85 = arith.constant 0 : i32
        %dma_wait3A_86 = tpu.memref_slice %arg16[%dma_wait3A_85] : memref<10240xf32, #tpu.memory_space<vmem_shared>> -> memref<10240xf32, #tpu.memory_space<vmem_shared>>
        tpu.wait_indirect_dma semaphore(%run_scoped3A_76 : memref<!tpu.dma_semaphore, #tpu.memory_space<semaphore_mem>>) src(%arg14 : memref<128xf32, #tpu.memory_space<vmem>>) dst(%dma_wait3A_86 : memref<10240xf32, #tpu.memory_space<vmem_shared>>)
        tpu.yield
      }) : () -> ()
      %run_scoped3A_70 = arith.constant 7 : i32
      "tpu.region"() ({
        %run_scoped3A_76 = tpu.sem_alloc : memref<!tpu.dma_semaphore, #tpu.memory_space<semaphore_mem>>
        %dma_start3A_77 = arith.constant 0 : i32
        %dma_start3A_78 = tpu.memref_slice %arg13[%run_scoped3A_70, %dma_start3A_77] : memref<8x128xi32, #tpu.memory_space<vmem>> -> memref<1x128xi32, #tpu.memory_space<vmem>>
        %dma_start3A_79 = tpu.memref_squeeze %dma_start3A_78 : memref<1x128xi32, #tpu.memory_space<vmem>> -> memref<128xi32, #tpu.memory_space<vmem>>
        %dma_start3A_80 = arith.constant 0 : i32
        %dma_start3A_81 = tpu.memref_slice %arg16[%dma_start3A_80] : memref<10240xf32, #tpu.memory_space<vmem_shared>> -> memref<10240xf32, #tpu.memory_space<vmem_shared>>
        tpu.enqueue_indirect_dma source(%arg14 : memref<128xf32, #tpu.memory_space<vmem>>) target(%dma_start3A_81 : memref<10240xf32, #tpu.memory_space<vmem_shared>>) offsets(%dma_start3A_79 : memref<128xi32, #tpu.memory_space<vmem>>) semaphore(%run_scoped3A_76 : memref<!tpu.dma_semaphore, #tpu.memory_space<semaphore_mem>>) {add = true}
        %dma_wait3A_82 = arith.constant 0 : i32
        %dma_wait3A_83 = tpu.memref_slice %arg13[%run_scoped3A_70, %dma_wait3A_82] : memref<8x128xi32, #tpu.memory_space<vmem>> -> memref<1x128xi32, #tpu.memory_space<vmem>>
        %dma_wait3A_84 = tpu.memref_squeeze %dma_wait3A_83 : memref<1x128xi32, #tpu.memory_space<vmem>> -> memref<128xi32, #tpu.memory_space<vmem>>
        %dma_wait3A_85 = arith.constant 0 : i32
        %dma_wait3A_86 = tpu.memref_slice %arg16[%dma_wait3A_85] : memref<10240xf32, #tpu.memory_space<vmem_shared>> -> memref<10240xf32, #tpu.memory_space<vmem_shared>>
        tpu.wait_indirect_dma semaphore(%run_scoped3A_76 : memref<!tpu.dma_semaphore, #tpu.memory_space<semaphore_mem>>) src(%arg14 : memref<128xf32, #tpu.memory_space<vmem>>) dst(%dma_wait3A_86 : memref<10240xf32, #tpu.memory_space<vmem_shared>>)
        tpu.yield
      }) : () -> ()
      %lt3A_71 = arith.constant 4 : i32
      %lt3A_72 = arith.cmpi slt, %scan3A_36, %lt3A_71 : i32
      %convert_element_type3A_73 = arith.extui %lt3A_72 : i1 to i32
      %cond3A_74 = arith.constant 0 : i32
      %cond3A_75 = arith.cmpi ne, %convert_element_type3A_73, %cond3A_74 : i32
      scf.if %cond3A_75 {
        %add3A_76 = arith.constant 16 : i32
        %add3A_77 = arith.addi %add3A_41, %add3A_76 : i32
        %dma_wait3A_78 = arith.constant 0 : i32
        %dma_wait3A_79 = tpu.memref_slice %arg3[%add3A_77, %dma_wait3A_78] : memref<2560x128xi32, #tpu.memory_space<hbm>> -> memref<8x128xi32, #tpu.memory_space<hbm>>
        %dma_wait3A_80 = arith.constant 0 : i32
        %dma_wait3A_81 = tpu.memref_slice %arg3[%add3A_77, %dma_wait3A_80] : memref<2560x128xi32, #tpu.memory_space<hbm>> -> memref<8x128xi32, #tpu.memory_space<hbm>>
        tpu.wait_dma2 semaphore(%arg19 : memref<!tpu.dma_semaphore, #tpu.memory_space<semaphore_mem>>) src(%dma_wait3A_81 : memref<8x128xi32, #tpu.memory_space<hbm>>) dst(%arg12 : memref<8x128xi32, #tpu.memory_space<vmem>>)
      } else {
      }
    }
    %scan3A_27 = arith.constant 5 : i32
    %barrier3A_28 = arith.constant 0 : index
    tpu.barrier barrier_id(%barrier3A_28)
    %eq3A = arith.constant 0 : i32
    %eq3A_29 = arith.cmpi eq, %arg0, %eq3A : i32
    %convert_element_type3A = arith.extui %eq3A_29 : i1 to i32
    %cond3A = arith.constant 0 : i32
    %cond3A_30 = arith.cmpi ne, %convert_element_type3A, %cond3A : i32
    scf.if %cond3A_30 {
      %mul3A_36 = arith.constant 640 : i32
      %mul3A_37 = arith.muli %arg1, %mul3A_36 : i32
      %mul3A_38 = arith.constant 640 : i32
      %mul3A_39 = arith.muli %arg1, %mul3A_38 : i32
      "tpu.region"() ({
        %run_scoped3A = tpu.sem_alloc : memref<!tpu.dma_semaphore, #tpu.memory_space<semaphore_mem>>
        %dma_start3A = tpu.memref_slice %arg6[%mul3A_39] : memref<10240xf32, #tpu.memory_space<hbm>> -> memref<640xf32, #tpu.memory_space<hbm>>
        %dma_start3A_40 = tpu.memref_slice %arg16[%mul3A_37] : memref<10240xf32, #tpu.memory_space<vmem_shared>> -> memref<640xf32, #tpu.memory_space<vmem_shared>>
        tpu.enqueue_dma source(%dma_start3A_40 : memref<640xf32, #tpu.memory_space<vmem_shared>>) target(%dma_start3A : memref<640xf32, #tpu.memory_space<hbm>>) target_semaphore(%run_scoped3A : memref<!tpu.dma_semaphore, #tpu.memory_space<semaphore_mem>>)
        %dma_wait3A = tpu.memref_slice %arg6[%mul3A_39] : memref<10240xf32, #tpu.memory_space<hbm>> -> memref<640xf32, #tpu.memory_space<hbm>>
        %dma_wait3A_41 = tpu.memref_slice %arg16[%mul3A_37] : memref<10240xf32, #tpu.memory_space<vmem_shared>> -> memref<640xf32, #tpu.memory_space<vmem_shared>>
        tpu.wait_dma2 semaphore(%run_scoped3A : memref<!tpu.dma_semaphore, #tpu.memory_space<semaphore_mem>>) src(%dma_wait3A_41 : memref<640xf32, #tpu.memory_space<vmem_shared>>) dst(%dma_wait3A : memref<640xf32, #tpu.memory_space<hbm>>)
        tpu.yield
      }) : () -> ()
    } else {
    }
    %eq3A_31 = arith.constant 1 : i32
    %eq3A_32 = arith.cmpi eq, %arg0, %eq3A_31 : i32
    %convert_element_type3A_33 = arith.extui %eq3A_32 : i1 to i32
    %cond3A_34 = arith.constant 0 : i32
    %cond3A_35 = arith.cmpi ne, %convert_element_type3A_33, %cond3A_34 : i32
    scf.if %cond3A_35 {
      %mul3A_36 = arith.constant 640 : i32
      %mul3A_37 = arith.muli %arg1, %mul3A_36 : i32
      %mul3A_38 = arith.constant 640 : i32
      %mul3A_39 = arith.muli %arg1, %mul3A_38 : i32
      "tpu.region"() ({
        %run_scoped3A = tpu.sem_alloc : memref<!tpu.dma_semaphore, #tpu.memory_space<semaphore_mem>>
        %dma_start3A = tpu.memref_slice %arg7[%mul3A_39] : memref<10240xf32, #tpu.memory_space<hbm>> -> memref<640xf32, #tpu.memory_space<hbm>>
        %dma_start3A_40 = tpu.memref_slice %arg16[%mul3A_37] : memref<10240xf32, #tpu.memory_space<vmem_shared>> -> memref<640xf32, #tpu.memory_space<vmem_shared>>
        tpu.enqueue_dma source(%dma_start3A_40 : memref<640xf32, #tpu.memory_space<vmem_shared>>) target(%dma_start3A : memref<640xf32, #tpu.memory_space<hbm>>) target_semaphore(%run_scoped3A : memref<!tpu.dma_semaphore, #tpu.memory_space<semaphore_mem>>)
        %dma_wait3A = tpu.memref_slice %arg7[%mul3A_39] : memref<10240xf32, #tpu.memory_space<hbm>> -> memref<640xf32, #tpu.memory_space<hbm>>
        %dma_wait3A_41 = tpu.memref_slice %arg16[%mul3A_37] : memref<10240xf32, #tpu.memory_space<vmem_shared>> -> memref<640xf32, #tpu.memory_space<vmem_shared>>
        tpu.wait_dma2 semaphore(%run_scoped3A : memref<!tpu.dma_semaphore, #tpu.memory_space<semaphore_mem>>) src(%dma_wait3A_41 : memref<640xf32, #tpu.memory_space<vmem_shared>>) dst(%dma_wait3A : memref<640xf32, #tpu.memory_space<hbm>>)
        tpu.yield
      }) : () -> ()
    } else {
    }
    return
  }
}

#map = affine_map<(d0, d1) -> (0, 0)>
#map1 = affine_map<(d0, d1) -> (0, 0, 0)>
module attributes {stable_mosaic.version = 14 : i64} {
  func.func @_sc_scatter_body(%arg0: i32, %arg1: i32, %arg2: memref<2560x128xi32, #tpu.memory_space<hbm>>, %arg3: memref<2560x128xi32, #tpu.memory_space<hbm>>, %arg4: memref<10000x128xf32, #tpu.memory_space<hbm>>, %arg5: memref<2x10000x128xf32, #tpu.memory_space<hbm>>, %arg6: memref<8x128xi32, #tpu.memory_space<vmem>>, %arg7: memref<8x128xi32, #tpu.memory_space<vmem>>, %arg8: memref<8x128xi32, #tpu.memory_space<vmem>>, %arg9: memref<8x128xi32, #tpu.memory_space<vmem>>, %arg10: memref<128x128xf32, #tpu.memory_space<vmem>>, %arg11: memref<128x128xf32, #tpu.memory_space<vmem>>, %arg12: memref<10080x128xf32, #tpu.memory_space<vmem_shared>>, %arg13: memref<!tpu.dma_semaphore, #tpu.memory_space<semaphore_mem>>, %arg14: memref<!tpu.dma_semaphore, #tpu.memory_space<semaphore_mem>>, %arg15: memref<!tpu.dma_semaphore, #tpu.memory_space<semaphore_mem>>, %arg16: memref<!tpu.dma_semaphore, #tpu.memory_space<semaphore_mem>>) attributes {dimension_semantics = [#tpu.dimension_semantics<core_parallel>, #tpu.dimension_semantics<subcore_parallel>], iteration_bounds = array<i64: 2, 16>, scalar_prefetch = 0 : i64, scratch_operands = 11 : i64, tpu.core_type = #tpu.core_type<sc_vector_subcore>, window_params = [{transform_indices = #map}, {transform_indices = #map}, {transform_indices = #map}, {transform_indices = #map1}]} {
    %mul3A = arith.constant 16 : i32
    %mul3A_0 = arith.muli %arg0, %mul3A : i32
    %add3A = arith.addi %mul3A_0, %arg1 : i32
    %mul3A_1 = arith.constant 80 : i32
    %mul3A_2 = arith.muli %add3A, %mul3A_1 : i32
    %scan3A = arith.constant 0 : i32
    %scan3A_3 = arith.constant 0 : i32
    %scan3A_4 = arith.constant 128 : i32
    %scan3A_5 = arith.addi %scan3A_3, %scan3A_4 : i32
    %scan3A_6 = arith.constant 1 : i32
    scf.for %scan3A_27 = %scan3A_3 to %scan3A_5 step %scan3A_6  : i32 {
      %scan3A_28 = arith.constant 0 : i32
      %scan3A_29 = arith.constant 8 : i32
      %scan3A_30 = arith.addi %scan3A_28, %scan3A_29 : i32
      %scan3A_31 = arith.constant 1 : i32
      scf.for %scan3A_33 = %scan3A_28 to %scan3A_30 step %scan3A_31  : i32 {
        %broadcast_in_dim3A = arith.constant 0.000000e+00 : f32
        %broadcast_in_dim3A_34 = vector.broadcast %broadcast_in_dim3A : f32 to vector<16xf32>
        %mul3A_35 = arith.constant 16 : i32
        %mul3A_36 = arith.muli %scan3A_33, %mul3A_35 : i32
        %swap3A = arith.index_cast %scan3A_27 : i32 to index
        %swap3A_37 = arith.index_cast %mul3A_36 : i32 to index
        %swap3A_38 = tpu.vector_load %arg10[%swap3A, %swap3A_37] {strides = array<i32>} : memref<128x128xf32, #tpu.memory_space<vmem>>, vector<1x16xf32>,
        %swap3A_39 = vector.shape_cast %swap3A_38 : vector<1x16xf32> to vector<16xf32>
        %swap3A_40 = vector.shape_cast %broadcast_in_dim3A_34 : vector<16xf32> to vector<1x16xf32>
        tpu.vector_store %arg10[%swap3A, %swap3A_37], %swap3A_40 {strides = array<i32>} : memref<128x128xf32, #tpu.memory_space<vmem>>, vector<1x16xf32>,
      }
      %scan3A_32 = arith.constant 8 : i32
    }
    %scan3A_7 = arith.constant 128 : i32
    %scan3A_8 = arith.constant 0 : i32
    %scan3A_9 = arith.constant 0 : i32
    %scan3A_10 = arith.constant 8 : i32
    %scan3A_11 = arith.addi %scan3A_9, %scan3A_10 : i32
    %scan3A_12 = arith.constant 1 : i32
    scf.for %scan3A_27 = %scan3A_9 to %scan3A_11 step %scan3A_12  : i32 {
      %mul3A_28 = arith.constant 16 : i32
      %mul3A_29 = arith.muli %mul3A_28, %scan3A_27 : i32
      %add3A_30 = arith.addi %arg1, %mul3A_29 : i32
      %lt3A = arith.constant 126 : i32
      %lt3A_31 = arith.cmpi slt, %add3A_30, %lt3A : i32
      %convert_element_type3A = arith.extui %lt3A_31 : i1 to i32
      %cond3A = arith.constant 0 : i32
      %cond3A_32 = arith.cmpi ne, %convert_element_type3A, %cond3A : i32
      scf.if %cond3A_32 {
        %mul3A_33 = arith.constant 80 : i32
        %mul3A_34 = arith.muli %add3A_30, %mul3A_33 : i32
        "tpu.region"() ({
          %run_scoped3A = tpu.sem_alloc : memref<!tpu.dma_semaphore, #tpu.memory_space<semaphore_mem>>
          %dma_start3A = arith.constant 0 : i32
          %dma_start3A_35 = arith.constant 0 : i32
          %dma_start3A_36 = tpu.memref_slice %arg10[%dma_start3A, %dma_start3A_35] : memref<128x128xf32, #tpu.memory_space<vmem>> -> memref<80x128xf32, #tpu.memory_space<vmem>>
          %dma_start3A_37 = arith.constant 0 : i32
          %dma_start3A_38 = tpu.memref_slice %arg12[%mul3A_34, %dma_start3A_37] : memref<10080x128xf32, #tpu.memory_space<vmem_shared>> -> memref<80x128xf32, #tpu.memory_space<vmem_shared>>
          %dma_start3A_39 = arith.constant 0 : i32
          %dma_start3A_40 = tpu.memref_slice %arg12[%mul3A_34, %dma_start3A_39] : memref<10080x128xf32, #tpu.memory_space<vmem_shared>> -> memref<80x128xf32, #tpu.memory_space<vmem_shared>>
          %dma_start3A_41 = arith.constant 0 : i32
          %dma_start3A_42 = arith.constant 0 : i32
          %dma_start3A_43 = tpu.memref_slice %arg10[%dma_start3A_41, %dma_start3A_42] : memref<128x128xf32, #tpu.memory_space<vmem>> -> memref<80x128xf32, #tpu.memory_space<vmem>>
          tpu.enqueue_dma source(%dma_start3A_43 : memref<80x128xf32, #tpu.memory_space<vmem>>) target(%dma_start3A_40 : memref<80x128xf32, #tpu.memory_space<vmem_shared>>) target_semaphore(%run_scoped3A : memref<!tpu.dma_semaphore, #tpu.memory_space<semaphore_mem>>)
          %dma_wait3A = arith.constant 0 : i32
          %dma_wait3A_44 = arith.constant 0 : i32
          %dma_wait3A_45 = tpu.memref_slice %arg10[%dma_wait3A, %dma_wait3A_44] : memref<128x128xf32, #tpu.memory_space<vmem>> -> memref<80x128xf32, #tpu.memory_space<vmem>>
          %dma_wait3A_46 = arith.constant 0 : i32
          %dma_wait3A_47 = tpu.memref_slice %arg12[%mul3A_34, %dma_wait3A_46] : memref<10080x128xf32, #tpu.memory_space<vmem_shared>> -> memref<80x128xf32, #tpu.memory_space<vmem_shared>>
          %dma_wait3A_48 = arith.constant 0 : i32
          %dma_wait3A_49 = tpu.memref_slice %arg12[%mul3A_34, %dma_wait3A_48] : memref<10080x128xf32, #tpu.memory_space<vmem_shared>> -> memref<80x128xf32, #tpu.memory_space<vmem_shared>>
          %dma_wait3A_50 = arith.constant 0 : i32
          %dma_wait3A_51 = arith.constant 0 : i32
          %dma_wait3A_52 = tpu.memref_slice %arg10[%dma_wait3A_50, %dma_wait3A_51] : memref<128x128xf32, #tpu.memory_space<vmem>> -> memref<80x128xf32, #tpu.memory_space<vmem>>
          tpu.wait_dma2 semaphore(%run_scoped3A : memref<!tpu.dma_semaphore, #tpu.memory_space<semaphore_mem>>) src(%dma_wait3A_52 : memref<80x128xf32, #tpu.memory_space<vmem>>) dst(%dma_wait3A_49 : memref<80x128xf32, #tpu.memory_space<vmem_shared>>)
          tpu.yield
        }) : () -> ()
      } else {
      }
    }
    %scan3A_13 = arith.constant 8 : i32
    %barrier3A = arith.constant 0 : index
    tpu.barrier barrier_id(%barrier3A)
    "tpu.region"() ({
      %run_scoped3A = tpu.sem_alloc : memref<!tpu.dma_semaphore, #tpu.memory_space<semaphore_mem>>
      %dma_start3A = arith.constant 0 : i32
      %dma_start3A_27 = tpu.memref_slice %arg2[%mul3A_2, %dma_start3A] : memref<2560x128xi32, #tpu.memory_space<hbm>> -> memref<8x128xi32, #tpu.memory_space<hbm>>
      %dma_start3A_28 = arith.constant 0 : i32
      %dma_start3A_29 = tpu.memref_slice %arg2[%mul3A_2, %dma_start3A_28] : memref<2560x128xi32, #tpu.memory_space<hbm>> -> memref<8x128xi32, #tpu.memory_space<hbm>>
      tpu.enqueue_dma source(%dma_start3A_29 : memref<8x128xi32, #tpu.memory_space<hbm>>) target(%arg6 : memref<8x128xi32, #tpu.memory_space<vmem>>) target_semaphore(%run_scoped3A : memref<!tpu.dma_semaphore, #tpu.memory_space<semaphore_mem>>)
      %dma_wait3A = arith.constant 0 : i32
      %dma_wait3A_30 = tpu.memref_slice %arg2[%mul3A_2, %dma_wait3A] : memref<2560x128xi32, #tpu.memory_space<hbm>> -> memref<8x128xi32, #tpu.memory_space<hbm>>
      %dma_wait3A_31 = arith.constant 0 : i32
      %dma_wait3A_32 = tpu.memref_slice %arg2[%mul3A_2, %dma_wait3A_31] : memref<2560x128xi32, #tpu.memory_space<hbm>> -> memref<8x128xi32, #tpu.memory_space<hbm>>
      tpu.wait_dma2 semaphore(%run_scoped3A : memref<!tpu.dma_semaphore, #tpu.memory_space<semaphore_mem>>) src(%dma_wait3A_32 : memref<8x128xi32, #tpu.memory_space<hbm>>) dst(%arg6 : memref<8x128xi32, #tpu.memory_space<vmem>>)
      tpu.yield
    }) : () -> ()
    "tpu.region"() ({
      %run_scoped3A = tpu.sem_alloc : memref<!tpu.dma_semaphore, #tpu.memory_space<semaphore_mem>>
      %dma_start3A = arith.constant 0 : i32
      %dma_start3A_27 = tpu.memref_slice %arg3[%mul3A_2, %dma_start3A] : memref<2560x128xi32, #tpu.memory_space<hbm>> -> memref<8x128xi32, #tpu.memory_space<hbm>>
      %dma_start3A_28 = arith.constant 0 : i32
      %dma_start3A_29 = tpu.memref_slice %arg3[%mul3A_2, %dma_start3A_28] : memref<2560x128xi32, #tpu.memory_space<hbm>> -> memref<8x128xi32, #tpu.memory_space<hbm>>
      tpu.enqueue_dma source(%dma_start3A_29 : memref<8x128xi32, #tpu.memory_space<hbm>>) target(%arg7 : memref<8x128xi32, #tpu.memory_space<vmem>>) target_semaphore(%run_scoped3A : memref<!tpu.dma_semaphore, #tpu.memory_space<semaphore_mem>>)
      %dma_wait3A = arith.constant 0 : i32
      %dma_wait3A_30 = tpu.memref_slice %arg3[%mul3A_2, %dma_wait3A] : memref<2560x128xi32, #tpu.memory_space<hbm>> -> memref<8x128xi32, #tpu.memory_space<hbm>>
      %dma_wait3A_31 = arith.constant 0 : i32
      %dma_wait3A_32 = tpu.memref_slice %arg3[%mul3A_2, %dma_wait3A_31] : memref<2560x128xi32, #tpu.memory_space<hbm>> -> memref<8x128xi32, #tpu.memory_space<hbm>>
      tpu.wait_dma2 semaphore(%run_scoped3A : memref<!tpu.dma_semaphore, #tpu.memory_space<semaphore_mem>>) src(%dma_wait3A_32 : memref<8x128xi32, #tpu.memory_space<hbm>>) dst(%arg7 : memref<8x128xi32, #tpu.memory_space<vmem>>)
      tpu.yield
    }) : () -> ()
    %scan3A_14 = arith.constant 0 : i32
    %scan3A_15 = arith.constant 0 : i32
    %scan3A_16 = arith.constant 5 : i32
    %scan3A_17 = arith.addi %scan3A_15, %scan3A_16 : i32
    %scan3A_18 = arith.constant 1 : i32
    scf.for %scan3A_27 = %scan3A_15 to %scan3A_17 step %scan3A_18  : i32 {
      %mul3A_28 = arith.constant 2 : i32
      %mul3A_29 = arith.muli %mul3A_28, %scan3A_27 : i32
      %mul3A_30 = arith.constant 8 : i32
      %mul3A_31 = arith.muli %mul3A_29, %mul3A_30 : i32
      %add3A_32 = arith.addi %mul3A_2, %mul3A_31 : i32
      %add3A_33 = arith.constant 8 : i32
      %add3A_34 = arith.addi %add3A_32, %add3A_33 : i32
      %dma_start3A = arith.constant 0 : i32
      %dma_start3A_35 = tpu.memref_slice %arg2[%add3A_34, %dma_start3A] : memref<2560x128xi32, #tpu.memory_space<hbm>> -> memref<8x128xi32, #tpu.memory_space<hbm>>
      %dma_start3A_36 = arith.constant 0 : i32
      %dma_start3A_37 = tpu.memref_slice %arg2[%add3A_34, %dma_start3A_36] : memref<2560x128xi32, #tpu.memory_space<hbm>> -> memref<8x128xi32, #tpu.memory_space<hbm>>
      tpu.enqueue_dma source(%dma_start3A_37 : memref<8x128xi32, #tpu.memory_space<hbm>>) target(%arg8 : memref<8x128xi32, #tpu.memory_space<vmem>>) target_semaphore(%arg16 : memref<!tpu.dma_semaphore, #tpu.memory_space<semaphore_mem>>)
      %add3A_38 = arith.constant 8 : i32
      %add3A_39 = arith.addi %add3A_32, %add3A_38 : i32
      %dma_start3A_40 = arith.constant 0 : i32
      %dma_start3A_41 = tpu.memref_slice %arg3[%add3A_39, %dma_start3A_40] : memref<2560x128xi32, #tpu.memory_space<hbm>> -> memref<8x128xi32, #tpu.memory_space<hbm>>
      %dma_start3A_42 = arith.constant 0 : i32
      %dma_start3A_43 = tpu.memref_slice %arg3[%add3A_39, %dma_start3A_42] : memref<2560x128xi32, #tpu.memory_space<hbm>> -> memref<8x128xi32, #tpu.memory_space<hbm>>
      tpu.enqueue_dma source(%dma_start3A_43 : memref<8x128xi32, #tpu.memory_space<hbm>>) target(%arg9 : memref<8x128xi32, #tpu.memory_space<vmem>>) target_semaphore(%arg16 : memref<!tpu.dma_semaphore, #tpu.memory_space<semaphore_mem>>)
      %dma_start3A_44 = arith.constant 0 : i32
      %dma_start3A_45 = arith.constant 0 : i32
      %dma_start3A_46 = tpu.memref_slice %arg6[%dma_start3A_44, %dma_start3A_45] : memref<8x128xi32, #tpu.memory_space<vmem>> -> memref<1x128xi32, #tpu.memory_space<vmem>>
      %dma_start3A_47 = tpu.memref_squeeze %dma_start3A_46 : memref<1x128xi32, #tpu.memory_space<vmem>> -> memref<128xi32, #tpu.memory_space<vmem>>
      %dma_start3A_48 = arith.constant 0 : i32
      %dma_start3A_49 = arith.constant 0 : i32
      %dma_start3A_50 = tpu.memref_slice %arg4[%dma_start3A_48, %dma_start3A_49] : memref<10000x128xf32, #tpu.memory_space<hbm>> -> memref<10000x128xf32, #tpu.memory_space<hbm>>
      tpu.enqueue_indirect_dma source(%dma_start3A_50 : memref<10000x128xf32, #tpu.memory_space<hbm>>) target(%arg10 : memref<128x128xf32, #tpu.memory_space<vmem>>) offsets(%dma_start3A_47 : memref<128xi32, #tpu.memory_space<vmem>>) semaphore(%arg13 : memref<!tpu.dma_semaphore, #tpu.memory_space<semaphore_mem>>)
      %dma_start3A_51 = arith.constant 1 : i32
      %dma_start3A_52 = arith.constant 0 : i32
      %dma_start3A_53 = tpu.memref_slice %arg6[%dma_start3A_51, %dma_start3A_52] : memref<8x128xi32, #tpu.memory_space<vmem>> -> memref<1x128xi32, #tpu.memory_space<vmem>>
      %dma_start3A_54 = tpu.memref_squeeze %dma_start3A_53 : memref<1x128xi32, #tpu.memory_space<vmem>> -> memref<128xi32, #tpu.memory_space<vmem>>
      %dma_start3A_55 = arith.constant 0 : i32
      %dma_start3A_56 = arith.constant 0 : i32
      %dma_start3A_57 = tpu.memref_slice %arg4[%dma_start3A_55, %dma_start3A_56] : memref<10000x128xf32, #tpu.memory_space<hbm>> -> memref<10000x128xf32, #tpu.memory_space<hbm>>
      tpu.enqueue_indirect_dma source(%dma_start3A_57 : memref<10000x128xf32, #tpu.memory_space<hbm>>) target(%arg11 : memref<128x128xf32, #tpu.memory_space<vmem>>) offsets(%dma_start3A_54 : memref<128xi32, #tpu.memory_space<vmem>>) semaphore(%arg14 : memref<!tpu.dma_semaphore, #tpu.memory_space<semaphore_mem>>)
      %dma_wait3A = arith.constant 0 : i32
      %dma_wait3A_58 = arith.constant 0 : i32
      %dma_wait3A_59 = tpu.memref_slice %arg6[%dma_wait3A, %dma_wait3A_58] : memref<8x128xi32, #tpu.memory_space<vmem>> -> memref<1x128xi32, #tpu.memory_space<vmem>>
      %dma_wait3A_60 = tpu.memref_squeeze %dma_wait3A_59 : memref<1x128xi32, #tpu.memory_space<vmem>> -> memref<128xi32, #tpu.memory_space<vmem>>
      %dma_wait3A_61 = arith.constant 0 : i32
      %dma_wait3A_62 = arith.constant 0 : i32
      %dma_wait3A_63 = tpu.memref_slice %arg4[%dma_wait3A_61, %dma_wait3A_62] : memref<10000x128xf32, #tpu.memory_space<hbm>> -> memref<10000x128xf32, #tpu.memory_space<hbm>>
      tpu.wait_indirect_dma semaphore(%arg13 : memref<!tpu.dma_semaphore, #tpu.memory_space<semaphore_mem>>) src(%dma_wait3A_63 : memref<10000x128xf32, #tpu.memory_space<hbm>>) dst(%arg10 : memref<128x128xf32, #tpu.memory_space<vmem>>)
      %run_scoped3A = arith.constant 0 : i32
      "tpu.region"() ({
        %run_scoped3A_301 = tpu.sem_alloc : memref<!tpu.dma_semaphore, #tpu.memory_space<semaphore_mem>>
        %dma_start3A_302 = arith.constant 0 : i32
        %dma_start3A_303 = tpu.memref_slice %arg7[%run_scoped3A, %dma_start3A_302] : memref<8x128xi32, #tpu.memory_space<vmem>> -> memref<1x128xi32, #tpu.memory_space<vmem>>
        %dma_start3A_304 = tpu.memref_squeeze %dma_start3A_303 : memref<1x128xi32, #tpu.memory_space<vmem>> -> memref<128xi32, #tpu.memory_space<vmem>>
        %dma_start3A_305 = arith.constant 0 : i32
        %dma_start3A_306 = arith.constant 0 : i32
        %dma_start3A_307 = tpu.memref_slice %arg12[%dma_start3A_305, %dma_start3A_306] : memref<10080x128xf32, #tpu.memory_space<vmem_shared>> -> memref<10080x128xf32, #tpu.memory_space<vmem_shared>>
        tpu.enqueue_indirect_dma source(%arg10 : memref<128x128xf32, #tpu.memory_space<vmem>>) target(%dma_start3A_307 : memref<10080x128xf32, #tpu.memory_space<vmem_shared>>) offsets(%dma_start3A_304 : memref<128xi32, #tpu.memory_space<vmem>>) semaphore(%run_scoped3A_301 : memref<!tpu.dma_semaphore, #tpu.memory_space<semaphore_mem>>) {add = true}
        %dma_wait3A_308 = arith.constant 0 : i32
        %dma_wait3A_309 = tpu.memref_slice %arg7[%run_scoped3A, %dma_wait3A_308] : memref<8x128xi32, #tpu.memory_space<vmem>> -> memref<1x128xi32, #tpu.memory_space<vmem>>
        %dma_wait3A_310 = tpu.memref_squeeze %dma_wait3A_309 : memref<1x128xi32, #tpu.memory_space<vmem>> -> memref<128xi32, #tpu.memory_space<vmem>>
        %dma_wait3A_311 = arith.constant 0 : i32
        %dma_wait3A_312 = arith.constant 0 : i32
        %dma_wait3A_313 = tpu.memref_slice %arg12[%dma_wait3A_311, %dma_wait3A_312] : memref<10080x128xf32, #tpu.memory_space<vmem_shared>> -> memref<10080x128xf32, #tpu.memory_space<vmem_shared>>
        tpu.wait_indirect_dma semaphore(%run_scoped3A_301 : memref<!tpu.dma_semaphore, #tpu.memory_space<semaphore_mem>>) src(%arg10 : memref<128x128xf32, #tpu.memory_space<vmem>>) dst(%dma_wait3A_313 : memref<10080x128xf32, #tpu.memory_space<vmem_shared>>)
        tpu.yield
      }) : () -> ()
      %dma_start3A_64 = arith.constant 2 : i32
      %dma_start3A_65 = arith.constant 0 : i32
      %dma_start3A_66 = tpu.memref_slice %arg6[%dma_start3A_64, %dma_start3A_65] : memref<8x128xi32, #tpu.memory_space<vmem>> -> memref<1x128xi32, #tpu.memory_space<vmem>>
      %dma_start3A_67 = tpu.memref_squeeze %dma_start3A_66 : memref<1x128xi32, #tpu.memory_space<vmem>> -> memref<128xi32, #tpu.memory_space<vmem>>
      %dma_start3A_68 = arith.constant 0 : i32
      %dma_start3A_69 = arith.constant 0 : i32
      %dma_start3A_70 = tpu.memref_slice %arg4[%dma_start3A_68, %dma_start3A_69] : memref<10000x128xf32, #tpu.memory_space<hbm>> -> memref<10000x128xf32, #tpu.memory_space<hbm>>
      tpu.enqueue_indirect_dma source(%dma_start3A_70 : memref<10000x128xf32, #tpu.memory_space<hbm>>) target(%arg10 : memref<128x128xf32, #tpu.memory_space<vmem>>) offsets(%dma_start3A_67 : memref<128xi32, #tpu.memory_space<vmem>>) semaphore(%arg13 : memref<!tpu.dma_semaphore, #tpu.memory_space<semaphore_mem>>)
      %dma_wait3A_71 = arith.constant 1 : i32
      %dma_wait3A_72 = arith.constant 0 : i32
      %dma_wait3A_73 = tpu.memref_slice %arg6[%dma_wait3A_71, %dma_wait3A_72] : memref<8x128xi32, #tpu.memory_space<vmem>> -> memref<1x128xi32, #tpu.memory_space<vmem>>
      %dma_wait3A_74 = tpu.memref_squeeze %dma_wait3A_73 : memref<1x128xi32, #tpu.memory_space<vmem>> -> memref<128xi32, #tpu.memory_space<vmem>>
      %dma_wait3A_75 = arith.constant 0 : i32
      %dma_wait3A_76 = arith.constant 0 : i32
      %dma_wait3A_77 = tpu.memref_slice %arg4[%dma_wait3A_75, %dma_wait3A_76] : memref<10000x128xf32, #tpu.memory_space<hbm>> -> memref<10000x128xf32, #tpu.memory_space<hbm>>
      tpu.wait_indirect_dma semaphore(%arg14 : memref<!tpu.dma_semaphore, #tpu.memory_space<semaphore_mem>>) src(%dma_wait3A_77 : memref<10000x128xf32, #tpu.memory_space<hbm>>) dst(%arg11 : memref<128x128xf32, #tpu.memory_space<vmem>>)
      %run_scoped3A_78 = arith.constant 1 : i32
      "tpu.region"() ({
        %run_scoped3A_301 = tpu.sem_alloc : memref<!tpu.dma_semaphore, #tpu.memory_space<semaphore_mem>>
        %dma_start3A_302 = arith.constant 0 : i32
        %dma_start3A_303 = tpu.memref_slice %arg7[%run_scoped3A_78, %dma_start3A_302] : memref<8x128xi32, #tpu.memory_space<vmem>> -> memref<1x128xi32, #tpu.memory_space<vmem>>
        %dma_start3A_304 = tpu.memref_squeeze %dma_start3A_303 : memref<1x128xi32, #tpu.memory_space<vmem>> -> memref<128xi32, #tpu.memory_space<vmem>>
        %dma_start3A_305 = arith.constant 0 : i32
        %dma_start3A_306 = arith.constant 0 : i32
        %dma_start3A_307 = tpu.memref_slice %arg12[%dma_start3A_305, %dma_start3A_306] : memref<10080x128xf32, #tpu.memory_space<vmem_shared>> -> memref<10080x128xf32, #tpu.memory_space<vmem_shared>>
        tpu.enqueue_indirect_dma source(%arg11 : memref<128x128xf32, #tpu.memory_space<vmem>>) target(%dma_start3A_307 : memref<10080x128xf32, #tpu.memory_space<vmem_shared>>) offsets(%dma_start3A_304 : memref<128xi32, #tpu.memory_space<vmem>>) semaphore(%run_scoped3A_301 : memref<!tpu.dma_semaphore, #tpu.memory_space<semaphore_mem>>) {add = true}
        %dma_wait3A_308 = arith.constant 0 : i32
        %dma_wait3A_309 = tpu.memref_slice %arg7[%run_scoped3A_78, %dma_wait3A_308] : memref<8x128xi32, #tpu.memory_space<vmem>> -> memref<1x128xi32, #tpu.memory_space<vmem>>
        %dma_wait3A_310 = tpu.memref_squeeze %dma_wait3A_309 : memref<1x128xi32, #tpu.memory_space<vmem>> -> memref<128xi32, #tpu.memory_space<vmem>>
        %dma_wait3A_311 = arith.constant 0 : i32
        %dma_wait3A_312 = arith.constant 0 : i32
        %dma_wait3A_313 = tpu.memref_slice %arg12[%dma_wait3A_311, %dma_wait3A_312] : memref<10080x128xf32, #tpu.memory_space<vmem_shared>> -> memref<10080x128xf32, #tpu.memory_space<vmem_shared>>
        tpu.wait_indirect_dma semaphore(%run_scoped3A_301 : memref<!tpu.dma_semaphore, #tpu.memory_space<semaphore_mem>>) src(%arg11 : memref<128x128xf32, #tpu.memory_space<vmem>>) dst(%dma_wait3A_313 : memref<10080x128xf32, #tpu.memory_space<vmem_shared>>)
        tpu.yield
      }) : () -> ()
      %dma_start3A_79 = arith.constant 3 : i32
      %dma_start3A_80 = arith.constant 0 : i32
      %dma_start3A_81 = tpu.memref_slice %arg6[%dma_start3A_79, %dma_start3A_80] : memref<8x128xi32, #tpu.memory_space<vmem>> -> memref<1x128xi32, #tpu.memory_space<vmem>>
      %dma_start3A_82 = tpu.memref_squeeze %dma_start3A_81 : memref<1x128xi32, #tpu.memory_space<vmem>> -> memref<128xi32, #tpu.memory_space<vmem>>
      %dma_start3A_83 = arith.constant 0 : i32
      %dma_start3A_84 = arith.constant 0 : i32
      %dma_start3A_85 = tpu.memref_slice %arg4[%dma_start3A_83, %dma_start3A_84] : memref<10000x128xf32, #tpu.memory_space<hbm>> -> memref<10000x128xf32, #tpu.memory_space<hbm>>
      tpu.enqueue_indirect_dma source(%dma_start3A_85 : memref<10000x128xf32, #tpu.memory_space<hbm>>) target(%arg11 : memref<128x128xf32, #tpu.memory_space<vmem>>) offsets(%dma_start3A_82 : memref<128xi32, #tpu.memory_space<vmem>>) semaphore(%arg14 : memref<!tpu.dma_semaphore, #tpu.memory_space<semaphore_mem>>)
      %dma_wait3A_86 = arith.constant 2 : i32
      %dma_wait3A_87 = arith.constant 0 : i32
      %dma_wait3A_88 = tpu.memref_slice %arg6[%dma_wait3A_86, %dma_wait3A_87] : memref<8x128xi32, #tpu.memory_space<vmem>> -> memref<1x128xi32, #tpu.memory_space<vmem>>
      %dma_wait3A_89 = tpu.memref_squeeze %dma_wait3A_88 : memref<1x128xi32, #tpu.memory_space<vmem>> -> memref<128xi32, #tpu.memory_space<vmem>>
      %dma_wait3A_90 = arith.constant 0 : i32
      %dma_wait3A_91 = arith.constant 0 : i32
      %dma_wait3A_92 = tpu.memref_slice %arg4[%dma_wait3A_90, %dma_wait3A_91] : memref<10000x128xf32, #tpu.memory_space<hbm>> -> memref<10000x128xf32, #tpu.memory_space<hbm>>
      tpu.wait_indirect_dma semaphore(%arg13 : memref<!tpu.dma_semaphore, #tpu.memory_space<semaphore_mem>>) src(%dma_wait3A_92 : memref<10000x128xf32, #tpu.memory_space<hbm>>) dst(%arg10 : memref<128x128xf32, #tpu.memory_space<vmem>>)
      %run_scoped3A_93 = arith.constant 2 : i32
      "tpu.region"() ({
        %run_scoped3A_301 = tpu.sem_alloc : memref<!tpu.dma_semaphore, #tpu.memory_space<semaphore_mem>>
        %dma_start3A_302 = arith.constant 0 : i32
        %dma_start3A_303 = tpu.memref_slice %arg7[%run_scoped3A_93, %dma_start3A_302] : memref<8x128xi32, #tpu.memory_space<vmem>> -> memref<1x128xi32, #tpu.memory_space<vmem>>
        %dma_start3A_304 = tpu.memref_squeeze %dma_start3A_303 : memref<1x128xi32, #tpu.memory_space<vmem>> -> memref<128xi32, #tpu.memory_space<vmem>>
        %dma_start3A_305 = arith.constant 0 : i32
        %dma_start3A_306 = arith.constant 0 : i32
        %dma_start3A_307 = tpu.memref_slice %arg12[%dma_start3A_305, %dma_start3A_306] : memref<10080x128xf32, #tpu.memory_space<vmem_shared>> -> memref<10080x128xf32, #tpu.memory_space<vmem_shared>>
        tpu.enqueue_indirect_dma source(%arg10 : memref<128x128xf32, #tpu.memory_space<vmem>>) target(%dma_start3A_307 : memref<10080x128xf32, #tpu.memory_space<vmem_shared>>) offsets(%dma_start3A_304 : memref<128xi32, #tpu.memory_space<vmem>>) semaphore(%run_scoped3A_301 : memref<!tpu.dma_semaphore, #tpu.memory_space<semaphore_mem>>) {add = true}
        %dma_wait3A_308 = arith.constant 0 : i32
        %dma_wait3A_309 = tpu.memref_slice %arg7[%run_scoped3A_93, %dma_wait3A_308] : memref<8x128xi32, #tpu.memory_space<vmem>> -> memref<1x128xi32, #tpu.memory_space<vmem>>
        %dma_wait3A_310 = tpu.memref_squeeze %dma_wait3A_309 : memref<1x128xi32, #tpu.memory_space<vmem>> -> memref<128xi32, #tpu.memory_space<vmem>>
        %dma_wait3A_311 = arith.constant 0 : i32
        %dma_wait3A_312 = arith.constant 0 : i32
        %dma_wait3A_313 = tpu.memref_slice %arg12[%dma_wait3A_311, %dma_wait3A_312] : memref<10080x128xf32, #tpu.memory_space<vmem_shared>> -> memref<10080x128xf32, #tpu.memory_space<vmem_shared>>
        tpu.wait_indirect_dma semaphore(%run_scoped3A_301 : memref<!tpu.dma_semaphore, #tpu.memory_space<semaphore_mem>>) src(%arg10 : memref<128x128xf32, #tpu.memory_space<vmem>>) dst(%dma_wait3A_313 : memref<10080x128xf32, #tpu.memory_space<vmem_shared>>)
        tpu.yield
      }) : () -> ()
      %dma_start3A_94 = arith.constant 4 : i32
      %dma_start3A_95 = arith.constant 0 : i32
      %dma_start3A_96 = tpu.memref_slice %arg6[%dma_start3A_94, %dma_start3A_95] : memref<8x128xi32, #tpu.memory_space<vmem>> -> memref<1x128xi32, #tpu.memory_space<vmem>>
      %dma_start3A_97 = tpu.memref_squeeze %dma_start3A_96 : memref<1x128xi32, #tpu.memory_space<vmem>> -> memref<128xi32, #tpu.memory_space<vmem>>
      %dma_start3A_98 = arith.constant 0 : i32
      %dma_start3A_99 = arith.constant 0 : i32
      %dma_start3A_100 = tpu.memref_slice %arg4[%dma_start3A_98, %dma_start3A_99] : memref<10000x128xf32, #tpu.memory_space<hbm>> -> memref<10000x128xf32, #tpu.memory_space<hbm>>
      tpu.enqueue_indirect_dma source(%dma_start3A_100 : memref<10000x128xf32, #tpu.memory_space<hbm>>) target(%arg10 : memref<128x128xf32, #tpu.memory_space<vmem>>) offsets(%dma_start3A_97 : memref<128xi32, #tpu.memory_space<vmem>>) semaphore(%arg13 : memref<!tpu.dma_semaphore, #tpu.memory_space<semaphore_mem>>)
      %dma_wait3A_101 = arith.constant 3 : i32
      %dma_wait3A_102 = arith.constant 0 : i32
      %dma_wait3A_103 = tpu.memref_slice %arg6[%dma_wait3A_101, %dma_wait3A_102] : memref<8x128xi32, #tpu.memory_space<vmem>> -> memref<1x128xi32, #tpu.memory_space<vmem>>
      %dma_wait3A_104 = tpu.memref_squeeze %dma_wait3A_103 : memref<1x128xi32, #tpu.memory_space<vmem>> -> memref<128xi32, #tpu.memory_space<vmem>>
      %dma_wait3A_105 = arith.constant 0 : i32
      %dma_wait3A_106 = arith.constant 0 : i32
      %dma_wait3A_107 = tpu.memref_slice %arg4[%dma_wait3A_105, %dma_wait3A_106] : memref<10000x128xf32, #tpu.memory_space<hbm>> -> memref<10000x128xf32, #tpu.memory_space<hbm>>
      tpu.wait_indirect_dma semaphore(%arg14 : memref<!tpu.dma_semaphore, #tpu.memory_space<semaphore_mem>>) src(%dma_wait3A_107 : memref<10000x128xf32, #tpu.memory_space<hbm>>) dst(%arg11 : memref<128x128xf32, #tpu.memory_space<vmem>>)
      %run_scoped3A_108 = arith.constant 3 : i32
      "tpu.region"() ({
        %run_scoped3A_301 = tpu.sem_alloc : memref<!tpu.dma_semaphore, #tpu.memory_space<semaphore_mem>>
        %dma_start3A_302 = arith.constant 0 : i32
        %dma_start3A_303 = tpu.memref_slice %arg7[%run_scoped3A_108, %dma_start3A_302] : memref<8x128xi32, #tpu.memory_space<vmem>> -> memref<1x128xi32, #tpu.memory_space<vmem>>
        %dma_start3A_304 = tpu.memref_squeeze %dma_start3A_303 : memref<1x128xi32, #tpu.memory_space<vmem>> -> memref<128xi32, #tpu.memory_space<vmem>>
        %dma_start3A_305 = arith.constant 0 : i32
        %dma_start3A_306 = arith.constant 0 : i32
        %dma_start3A_307 = tpu.memref_slice %arg12[%dma_start3A_305, %dma_start3A_306] : memref<10080x128xf32, #tpu.memory_space<vmem_shared>> -> memref<10080x128xf32, #tpu.memory_space<vmem_shared>>
        tpu.enqueue_indirect_dma source(%arg11 : memref<128x128xf32, #tpu.memory_space<vmem>>) target(%dma_start3A_307 : memref<10080x128xf32, #tpu.memory_space<vmem_shared>>) offsets(%dma_start3A_304 : memref<128xi32, #tpu.memory_space<vmem>>) semaphore(%run_scoped3A_301 : memref<!tpu.dma_semaphore, #tpu.memory_space<semaphore_mem>>) {add = true}
        %dma_wait3A_308 = arith.constant 0 : i32
        %dma_wait3A_309 = tpu.memref_slice %arg7[%run_scoped3A_108, %dma_wait3A_308] : memref<8x128xi32, #tpu.memory_space<vmem>> -> memref<1x128xi32, #tpu.memory_space<vmem>>
        %dma_wait3A_310 = tpu.memref_squeeze %dma_wait3A_309 : memref<1x128xi32, #tpu.memory_space<vmem>> -> memref<128xi32, #tpu.memory_space<vmem>>
        %dma_wait3A_311 = arith.constant 0 : i32
        %dma_wait3A_312 = arith.constant 0 : i32
        %dma_wait3A_313 = tpu.memref_slice %arg12[%dma_wait3A_311, %dma_wait3A_312] : memref<10080x128xf32, #tpu.memory_space<vmem_shared>> -> memref<10080x128xf32, #tpu.memory_space<vmem_shared>>
        tpu.wait_indirect_dma semaphore(%run_scoped3A_301 : memref<!tpu.dma_semaphore, #tpu.memory_space<semaphore_mem>>) src(%arg11 : memref<128x128xf32, #tpu.memory_space<vmem>>) dst(%dma_wait3A_313 : memref<10080x128xf32, #tpu.memory_space<vmem_shared>>)
        tpu.yield
      }) : () -> ()
      %dma_start3A_109 = arith.constant 5 : i32
      %dma_start3A_110 = arith.constant 0 : i32
      %dma_start3A_111 = tpu.memref_slice %arg6[%dma_start3A_109, %dma_start3A_110] : memref<8x128xi32, #tpu.memory_space<vmem>> -> memref<1x128xi32, #tpu.memory_space<vmem>>
      %dma_start3A_112 = tpu.memref_squeeze %dma_start3A_111 : memref<1x128xi32, #tpu.memory_space<vmem>> -> memref<128xi32, #tpu.memory_space<vmem>>
      %dma_start3A_113 = arith.constant 0 : i32
      %dma_start3A_114 = arith.constant 0 : i32
      %dma_start3A_115 = tpu.memref_slice %arg4[%dma_start3A_113, %dma_start3A_114] : memref<10000x128xf32, #tpu.memory_space<hbm>> -> memref<10000x128xf32, #tpu.memory_space<hbm>>
      tpu.enqueue_indirect_dma source(%dma_start3A_115 : memref<10000x128xf32, #tpu.memory_space<hbm>>) target(%arg11 : memref<128x128xf32, #tpu.memory_space<vmem>>) offsets(%dma_start3A_112 : memref<128xi32, #tpu.memory_space<vmem>>) semaphore(%arg14 : memref<!tpu.dma_semaphore, #tpu.memory_space<semaphore_mem>>)
      %dma_wait3A_116 = arith.constant 4 : i32
      %dma_wait3A_117 = arith.constant 0 : i32
      %dma_wait3A_118 = tpu.memref_slice %arg6[%dma_wait3A_116, %dma_wait3A_117] : memref<8x128xi32, #tpu.memory_space<vmem>> -> memref<1x128xi32, #tpu.memory_space<vmem>>
      %dma_wait3A_119 = tpu.memref_squeeze %dma_wait3A_118 : memref<1x128xi32, #tpu.memory_space<vmem>> -> memref<128xi32, #tpu.memory_space<vmem>>
      %dma_wait3A_120 = arith.constant 0 : i32
      %dma_wait3A_121 = arith.constant 0 : i32
      %dma_wait3A_122 = tpu.memref_slice %arg4[%dma_wait3A_120, %dma_wait3A_121] : memref<10000x128xf32, #tpu.memory_space<hbm>> -> memref<10000x128xf32, #tpu.memory_space<hbm>>
      tpu.wait_indirect_dma semaphore(%arg13 : memref<!tpu.dma_semaphore, #tpu.memory_space<semaphore_mem>>) src(%dma_wait3A_122 : memref<10000x128xf32, #tpu.memory_space<hbm>>) dst(%arg10 : memref<128x128xf32, #tpu.memory_space<vmem>>)
      %run_scoped3A_123 = arith.constant 4 : i32
      "tpu.region"() ({
        %run_scoped3A_301 = tpu.sem_alloc : memref<!tpu.dma_semaphore, #tpu.memory_space<semaphore_mem>>
        %dma_start3A_302 = arith.constant 0 : i32
        %dma_start3A_303 = tpu.memref_slice %arg7[%run_scoped3A_123, %dma_start3A_302] : memref<8x128xi32, #tpu.memory_space<vmem>> -> memref<1x128xi32, #tpu.memory_space<vmem>>
        %dma_start3A_304 = tpu.memref_squeeze %dma_start3A_303 : memref<1x128xi32, #tpu.memory_space<vmem>> -> memref<128xi32, #tpu.memory_space<vmem>>
        %dma_start3A_305 = arith.constant 0 : i32
        %dma_start3A_306 = arith.constant 0 : i32
        %dma_start3A_307 = tpu.memref_slice %arg12[%dma_start3A_305, %dma_start3A_306] : memref<10080x128xf32, #tpu.memory_space<vmem_shared>> -> memref<10080x128xf32, #tpu.memory_space<vmem_shared>>
        tpu.enqueue_indirect_dma source(%arg10 : memref<128x128xf32, #tpu.memory_space<vmem>>) target(%dma_start3A_307 : memref<10080x128xf32, #tpu.memory_space<vmem_shared>>) offsets(%dma_start3A_304 : memref<128xi32, #tpu.memory_space<vmem>>) semaphore(%run_scoped3A_301 : memref<!tpu.dma_semaphore, #tpu.memory_space<semaphore_mem>>) {add = true}
        %dma_wait3A_308 = arith.constant 0 : i32
        %dma_wait3A_309 = tpu.memref_slice %arg7[%run_scoped3A_123, %dma_wait3A_308] : memref<8x128xi32, #tpu.memory_space<vmem>> -> memref<1x128xi32, #tpu.memory_space<vmem>>
        %dma_wait3A_310 = tpu.memref_squeeze %dma_wait3A_309 : memref<1x128xi32, #tpu.memory_space<vmem>> -> memref<128xi32, #tpu.memory_space<vmem>>
        %dma_wait3A_311 = arith.constant 0 : i32
        %dma_wait3A_312 = arith.constant 0 : i32
        %dma_wait3A_313 = tpu.memref_slice %arg12[%dma_wait3A_311, %dma_wait3A_312] : memref<10080x128xf32, #tpu.memory_space<vmem_shared>> -> memref<10080x128xf32, #tpu.memory_space<vmem_shared>>
        tpu.wait_indirect_dma semaphore(%run_scoped3A_301 : memref<!tpu.dma_semaphore, #tpu.memory_space<semaphore_mem>>) src(%arg10 : memref<128x128xf32, #tpu.memory_space<vmem>>) dst(%dma_wait3A_313 : memref<10080x128xf32, #tpu.memory_space<vmem_shared>>)
        tpu.yield
      }) : () -> ()
      %dma_start3A_124 = arith.constant 6 : i32
      %dma_start3A_125 = arith.constant 0 : i32
      %dma_start3A_126 = tpu.memref_slice %arg6[%dma_start3A_124, %dma_start3A_125] : memref<8x128xi32, #tpu.memory_space<vmem>> -> memref<1x128xi32, #tpu.memory_space<vmem>>
      %dma_start3A_127 = tpu.memref_squeeze %dma_start3A_126 : memref<1x128xi32, #tpu.memory_space<vmem>> -> memref<128xi32, #tpu.memory_space<vmem>>
      %dma_start3A_128 = arith.constant 0 : i32
      %dma_start3A_129 = arith.constant 0 : i32
      %dma_start3A_130 = tpu.memref_slice %arg4[%dma_start3A_128, %dma_start3A_129] : memref<10000x128xf32, #tpu.memory_space<hbm>> -> memref<10000x128xf32, #tpu.memory_space<hbm>>
      tpu.enqueue_indirect_dma source(%dma_start3A_130 : memref<10000x128xf32, #tpu.memory_space<hbm>>) target(%arg10 : memref<128x128xf32, #tpu.memory_space<vmem>>) offsets(%dma_start3A_127 : memref<128xi32, #tpu.memory_space<vmem>>) semaphore(%arg13 : memref<!tpu.dma_semaphore, #tpu.memory_space<semaphore_mem>>)
      %dma_wait3A_131 = arith.constant 5 : i32
      %dma_wait3A_132 = arith.constant 0 : i32
      %dma_wait3A_133 = tpu.memref_slice %arg6[%dma_wait3A_131, %dma_wait3A_132] : memref<8x128xi32, #tpu.memory_space<vmem>> -> memref<1x128xi32, #tpu.memory_space<vmem>>
      %dma_wait3A_134 = tpu.memref_squeeze %dma_wait3A_133 : memref<1x128xi32, #tpu.memory_space<vmem>> -> memref<128xi32, #tpu.memory_space<vmem>>
      %dma_wait3A_135 = arith.constant 0 : i32
      %dma_wait3A_136 = arith.constant 0 : i32
      %dma_wait3A_137 = tpu.memref_slice %arg4[%dma_wait3A_135, %dma_wait3A_136] : memref<10000x128xf32, #tpu.memory_space<hbm>> -> memref<10000x128xf32, #tpu.memory_space<hbm>>
      tpu.wait_indirect_dma semaphore(%arg14 : memref<!tpu.dma_semaphore, #tpu.memory_space<semaphore_mem>>) src(%dma_wait3A_137 : memref<10000x128xf32, #tpu.memory_space<hbm>>) dst(%arg11 : memref<128x128xf32, #tpu.memory_space<vmem>>)
      %run_scoped3A_138 = arith.constant 5 : i32
      "tpu.region"() ({
        %run_scoped3A_301 = tpu.sem_alloc : memref<!tpu.dma_semaphore, #tpu.memory_space<semaphore_mem>>
        %dma_start3A_302 = arith.constant 0 : i32
        %dma_start3A_303 = tpu.memref_slice %arg7[%run_scoped3A_138, %dma_start3A_302] : memref<8x128xi32, #tpu.memory_space<vmem>> -> memref<1x128xi32, #tpu.memory_space<vmem>>
        %dma_start3A_304 = tpu.memref_squeeze %dma_start3A_303 : memref<1x128xi32, #tpu.memory_space<vmem>> -> memref<128xi32, #tpu.memory_space<vmem>>
        %dma_start3A_305 = arith.constant 0 : i32
        %dma_start3A_306 = arith.constant 0 : i32
        %dma_start3A_307 = tpu.memref_slice %arg12[%dma_start3A_305, %dma_start3A_306] : memref<10080x128xf32, #tpu.memory_space<vmem_shared>> -> memref<10080x128xf32, #tpu.memory_space<vmem_shared>>
        tpu.enqueue_indirect_dma source(%arg11 : memref<128x128xf32, #tpu.memory_space<vmem>>) target(%dma_start3A_307 : memref<10080x128xf32, #tpu.memory_space<vmem_shared>>) offsets(%dma_start3A_304 : memref<128xi32, #tpu.memory_space<vmem>>) semaphore(%run_scoped3A_301 : memref<!tpu.dma_semaphore, #tpu.memory_space<semaphore_mem>>) {add = true}
        %dma_wait3A_308 = arith.constant 0 : i32
        %dma_wait3A_309 = tpu.memref_slice %arg7[%run_scoped3A_138, %dma_wait3A_308] : memref<8x128xi32, #tpu.memory_space<vmem>> -> memref<1x128xi32, #tpu.memory_space<vmem>>
        %dma_wait3A_310 = tpu.memref_squeeze %dma_wait3A_309 : memref<1x128xi32, #tpu.memory_space<vmem>> -> memref<128xi32, #tpu.memory_space<vmem>>
        %dma_wait3A_311 = arith.constant 0 : i32
        %dma_wait3A_312 = arith.constant 0 : i32
        %dma_wait3A_313 = tpu.memref_slice %arg12[%dma_wait3A_311, %dma_wait3A_312] : memref<10080x128xf32, #tpu.memory_space<vmem_shared>> -> memref<10080x128xf32, #tpu.memory_space<vmem_shared>>
        tpu.wait_indirect_dma semaphore(%run_scoped3A_301 : memref<!tpu.dma_semaphore, #tpu.memory_space<semaphore_mem>>) src(%arg11 : memref<128x128xf32, #tpu.memory_space<vmem>>) dst(%dma_wait3A_313 : memref<10080x128xf32, #tpu.memory_space<vmem_shared>>)
        tpu.yield
      }) : () -> ()
      %dma_start3A_139 = arith.constant 7 : i32
      %dma_start3A_140 = arith.constant 0 : i32
      %dma_start3A_141 = tpu.memref_slice %arg6[%dma_start3A_139, %dma_start3A_140] : memref<8x128xi32, #tpu.memory_space<vmem>> -> memref<1x128xi32, #tpu.memory_space<vmem>>
      %dma_start3A_142 = tpu.memref_squeeze %dma_start3A_141 : memref<1x128xi32, #tpu.memory_space<vmem>> -> memref<128xi32, #tpu.memory_space<vmem>>
      %dma_start3A_143 = arith.constant 0 : i32
      %dma_start3A_144 = arith.constant 0 : i32
      %dma_start3A_145 = tpu.memref_slice %arg4[%dma_start3A_143, %dma_start3A_144] : memref<10000x128xf32, #tpu.memory_space<hbm>> -> memref<10000x128xf32, #tpu.memory_space<hbm>>
      tpu.enqueue_indirect_dma source(%dma_start3A_145 : memref<10000x128xf32, #tpu.memory_space<hbm>>) target(%arg11 : memref<128x128xf32, #tpu.memory_space<vmem>>) offsets(%dma_start3A_142 : memref<128xi32, #tpu.memory_space<vmem>>) semaphore(%arg14 : memref<!tpu.dma_semaphore, #tpu.memory_space<semaphore_mem>>)
      %dma_wait3A_146 = arith.constant 6 : i32
      %dma_wait3A_147 = arith.constant 0 : i32
      %dma_wait3A_148 = tpu.memref_slice %arg6[%dma_wait3A_146, %dma_wait3A_147] : memref<8x128xi32, #tpu.memory_space<vmem>> -> memref<1x128xi32, #tpu.memory_space<vmem>>
      %dma_wait3A_149 = tpu.memref_squeeze %dma_wait3A_148 : memref<1x128xi32, #tpu.memory_space<vmem>> -> memref<128xi32, #tpu.memory_space<vmem>>
      %dma_wait3A_150 = arith.constant 0 : i32
      %dma_wait3A_151 = arith.constant 0 : i32
      %dma_wait3A_152 = tpu.memref_slice %arg4[%dma_wait3A_150, %dma_wait3A_151] : memref<10000x128xf32, #tpu.memory_space<hbm>> -> memref<10000x128xf32, #tpu.memory_space<hbm>>
      tpu.wait_indirect_dma semaphore(%arg13 : memref<!tpu.dma_semaphore, #tpu.memory_space<semaphore_mem>>) src(%dma_wait3A_152 : memref<10000x128xf32, #tpu.memory_space<hbm>>) dst(%arg10 : memref<128x128xf32, #tpu.memory_space<vmem>>)
      %run_scoped3A_153 = arith.constant 6 : i32
      "tpu.region"() ({
        %run_scoped3A_301 = tpu.sem_alloc : memref<!tpu.dma_semaphore, #tpu.memory_space<semaphore_mem>>
        %dma_start3A_302 = arith.constant 0 : i32
        %dma_start3A_303 = tpu.memref_slice %arg7[%run_scoped3A_153, %dma_start3A_302] : memref<8x128xi32, #tpu.memory_space<vmem>> -> memref<1x128xi32, #tpu.memory_space<vmem>>
        %dma_start3A_304 = tpu.memref_squeeze %dma_start3A_303 : memref<1x128xi32, #tpu.memory_space<vmem>> -> memref<128xi32, #tpu.memory_space<vmem>>
        %dma_start3A_305 = arith.constant 0 : i32
        %dma_start3A_306 = arith.constant 0 : i32
        %dma_start3A_307 = tpu.memref_slice %arg12[%dma_start3A_305, %dma_start3A_306] : memref<10080x128xf32, #tpu.memory_space<vmem_shared>> -> memref<10080x128xf32, #tpu.memory_space<vmem_shared>>
        tpu.enqueue_indirect_dma source(%arg10 : memref<128x128xf32, #tpu.memory_space<vmem>>) target(%dma_start3A_307 : memref<10080x128xf32, #tpu.memory_space<vmem_shared>>) offsets(%dma_start3A_304 : memref<128xi32, #tpu.memory_space<vmem>>) semaphore(%run_scoped3A_301 : memref<!tpu.dma_semaphore, #tpu.memory_space<semaphore_mem>>) {add = true}
        %dma_wait3A_308 = arith.constant 0 : i32
        %dma_wait3A_309 = tpu.memref_slice %arg7[%run_scoped3A_153, %dma_wait3A_308] : memref<8x128xi32, #tpu.memory_space<vmem>> -> memref<1x128xi32, #tpu.memory_space<vmem>>
        %dma_wait3A_310 = tpu.memref_squeeze %dma_wait3A_309 : memref<1x128xi32, #tpu.memory_space<vmem>> -> memref<128xi32, #tpu.memory_space<vmem>>
        %dma_wait3A_311 = arith.constant 0 : i32
        %dma_wait3A_312 = arith.constant 0 : i32
        %dma_wait3A_313 = tpu.memref_slice %arg12[%dma_wait3A_311, %dma_wait3A_312] : memref<10080x128xf32, #tpu.memory_space<vmem_shared>> -> memref<10080x128xf32, #tpu.memory_space<vmem_shared>>
        tpu.wait_indirect_dma semaphore(%run_scoped3A_301 : memref<!tpu.dma_semaphore, #tpu.memory_space<semaphore_mem>>) src(%arg10 : memref<128x128xf32, #tpu.memory_space<vmem>>) dst(%dma_wait3A_313 : memref<10080x128xf32, #tpu.memory_space<vmem_shared>>)
        tpu.yield
      }) : () -> ()
      %dma_wait3A_154 = arith.constant 7 : i32
      %dma_wait3A_155 = arith.constant 0 : i32
      %dma_wait3A_156 = tpu.memref_slice %arg6[%dma_wait3A_154, %dma_wait3A_155] : memref<8x128xi32, #tpu.memory_space<vmem>> -> memref<1x128xi32, #tpu.memory_space<vmem>>
      %dma_wait3A_157 = tpu.memref_squeeze %dma_wait3A_156 : memref<1x128xi32, #tpu.memory_space<vmem>> -> memref<128xi32, #tpu.memory_space<vmem>>
      %dma_wait3A_158 = arith.constant 0 : i32
      %dma_wait3A_159 = arith.constant 0 : i32
      %dma_wait3A_160 = tpu.memref_slice %arg4[%dma_wait3A_158, %dma_wait3A_159] : memref<10000x128xf32, #tpu.memory_space<hbm>> -> memref<10000x128xf32, #tpu.memory_space<hbm>>
      tpu.wait_indirect_dma semaphore(%arg14 : memref<!tpu.dma_semaphore, #tpu.memory_space<semaphore_mem>>) src(%dma_wait3A_160 : memref<10000x128xf32, #tpu.memory_space<hbm>>) dst(%arg11 : memref<128x128xf32, #tpu.memory_space<vmem>>)
      %run_scoped3A_161 = arith.constant 7 : i32
      "tpu.region"() ({
        %run_scoped3A_301 = tpu.sem_alloc : memref<!tpu.dma_semaphore, #tpu.memory_space<semaphore_mem>>
        %dma_start3A_302 = arith.constant 0 : i32
        %dma_start3A_303 = tpu.memref_slice %arg7[%run_scoped3A_161, %dma_start3A_302] : memref<8x128xi32, #tpu.memory_space<vmem>> -> memref<1x128xi32, #tpu.memory_space<vmem>>
        %dma_start3A_304 = tpu.memref_squeeze %dma_start3A_303 : memref<1x128xi32, #tpu.memory_space<vmem>> -> memref<128xi32, #tpu.memory_space<vmem>>
        %dma_start3A_305 = arith.constant 0 : i32
        %dma_start3A_306 = arith.constant 0 : i32
        %dma_start3A_307 = tpu.memref_slice %arg12[%dma_start3A_305, %dma_start3A_306] : memref<10080x128xf32, #tpu.memory_space<vmem_shared>> -> memref<10080x128xf32, #tpu.memory_space<vmem_shared>>
        tpu.enqueue_indirect_dma source(%arg11 : memref<128x128xf32, #tpu.memory_space<vmem>>) target(%dma_start3A_307 : memref<10080x128xf32, #tpu.memory_space<vmem_shared>>) offsets(%dma_start3A_304 : memref<128xi32, #tpu.memory_space<vmem>>) semaphore(%run_scoped3A_301 : memref<!tpu.dma_semaphore, #tpu.memory_space<semaphore_mem>>) {add = true}
        %dma_wait3A_308 = arith.constant 0 : i32
        %dma_wait3A_309 = tpu.memref_slice %arg7[%run_scoped3A_161, %dma_wait3A_308] : memref<8x128xi32, #tpu.memory_space<vmem>> -> memref<1x128xi32, #tpu.memory_space<vmem>>
        %dma_wait3A_310 = tpu.memref_squeeze %dma_wait3A_309 : memref<1x128xi32, #tpu.memory_space<vmem>> -> memref<128xi32, #tpu.memory_space<vmem>>
        %dma_wait3A_311 = arith.constant 0 : i32
        %dma_wait3A_312 = arith.constant 0 : i32
        %dma_wait3A_313 = tpu.memref_slice %arg12[%dma_wait3A_311, %dma_wait3A_312] : memref<10080x128xf32, #tpu.memory_space<vmem_shared>> -> memref<10080x128xf32, #tpu.memory_space<vmem_shared>>
        tpu.wait_indirect_dma semaphore(%run_scoped3A_301 : memref<!tpu.dma_semaphore, #tpu.memory_space<semaphore_mem>>) src(%arg11 : memref<128x128xf32, #tpu.memory_space<vmem>>) dst(%dma_wait3A_313 : memref<10080x128xf32, #tpu.memory_space<vmem_shared>>)
        tpu.yield
      }) : () -> ()
      %add3A_162 = arith.constant 8 : i32
      %add3A_163 = arith.addi %add3A_32, %add3A_162 : i32
      %dma_wait3A_164 = arith.constant 0 : i32
      %dma_wait3A_165 = tpu.memref_slice %arg2[%add3A_163, %dma_wait3A_164] : memref<2560x128xi32, #tpu.memory_space<hbm>> -> memref<8x128xi32, #tpu.memory_space<hbm>>
      %dma_wait3A_166 = arith.constant 0 : i32
      %dma_wait3A_167 = tpu.memref_slice %arg2[%add3A_163, %dma_wait3A_166] : memref<2560x128xi32, #tpu.memory_space<hbm>> -> memref<8x128xi32, #tpu.memory_space<hbm>>
      tpu.wait_dma2 semaphore(%arg16 : memref<!tpu.dma_semaphore, #tpu.memory_space<semaphore_mem>>) src(%dma_wait3A_167 : memref<8x128xi32, #tpu.memory_space<hbm>>) dst(%arg8 : memref<8x128xi32, #tpu.memory_space<vmem>>)
      %add3A_168 = arith.constant 8 : i32
      %add3A_169 = arith.addi %add3A_32, %add3A_168 : i32
      %dma_wait3A_170 = arith.constant 0 : i32
      %dma_wait3A_171 = tpu.memref_slice %arg3[%add3A_169, %dma_wait3A_170] : memref<2560x128xi32, #tpu.memory_space<hbm>> -> memref<8x128xi32, #tpu.memory_space<hbm>>
      %dma_wait3A_172 = arith.constant 0 : i32
      %dma_wait3A_173 = tpu.memref_slice %arg3[%add3A_169, %dma_wait3A_172] : memref<2560x128xi32, #tpu.memory_space<hbm>> -> memref<8x128xi32, #tpu.memory_space<hbm>>
      tpu.wait_dma2 semaphore(%arg16 : memref<!tpu.dma_semaphore, #tpu.memory_space<semaphore_mem>>) src(%dma_wait3A_173 : memref<8x128xi32, #tpu.memory_space<hbm>>) dst(%arg9 : memref<8x128xi32, #tpu.memory_space<vmem>>)
      %lt3A = arith.constant 4 : i32
      %lt3A_174 = arith.cmpi slt, %scan3A_27, %lt3A : i32
      %convert_element_type3A = arith.extui %lt3A_174 : i1 to i32
      %cond3A = arith.constant 0 : i32
      %cond3A_175 = arith.cmpi ne, %convert_element_type3A, %cond3A : i32
      scf.if %cond3A_175 {
        %add3A_301 = arith.constant 16 : i32
        %add3A_302 = arith.addi %add3A_32, %add3A_301 : i32
        %dma_start3A_303 = arith.constant 0 : i32
        %dma_start3A_304 = tpu.memref_slice %arg2[%add3A_302, %dma_start3A_303] : memref<2560x128xi32, #tpu.memory_space<hbm>> -> memref<8x128xi32, #tpu.memory_space<hbm>>
        %dma_start3A_305 = arith.constant 0 : i32
        %dma_start3A_306 = tpu.memref_slice %arg2[%add3A_302, %dma_start3A_305] : memref<2560x128xi32, #tpu.memory_space<hbm>> -> memref<8x128xi32, #tpu.memory_space<hbm>>
        tpu.enqueue_dma source(%dma_start3A_306 : memref<8x128xi32, #tpu.memory_space<hbm>>) target(%arg6 : memref<8x128xi32, #tpu.memory_space<vmem>>) target_semaphore(%arg15 : memref<!tpu.dma_semaphore, #tpu.memory_space<semaphore_mem>>)
        %add3A_307 = arith.constant 16 : i32
        %add3A_308 = arith.addi %add3A_32, %add3A_307 : i32
        %dma_start3A_309 = arith.constant 0 : i32
        %dma_start3A_310 = tpu.memref_slice %arg3[%add3A_308, %dma_start3A_309] : memref<2560x128xi32, #tpu.memory_space<hbm>> -> memref<8x128xi32, #tpu.memory_space<hbm>>
        %dma_start3A_311 = arith.constant 0 : i32
        %dma_start3A_312 = tpu.memref_slice %arg3[%add3A_308, %dma_start3A_311] : memref<2560x128xi32, #tpu.memory_space<hbm>> -> memref<8x128xi32, #tpu.memory_space<hbm>>
        tpu.enqueue_dma source(%dma_start3A_312 : memref<8x128xi32, #tpu.memory_space<hbm>>) target(%arg7 : memref<8x128xi32, #tpu.memory_space<vmem>>) target_semaphore(%arg15 : memref<!tpu.dma_semaphore, #tpu.memory_space<semaphore_mem>>)
      } else {
      }
      %dma_start3A_176 = arith.constant 0 : i32
      %dma_start3A_177 = arith.constant 0 : i32
      %dma_start3A_178 = tpu.memref_slice %arg8[%dma_start3A_176, %dma_start3A_177] : memref<8x128xi32, #tpu.memory_space<vmem>> -> memref<1x128xi32, #tpu.memory_space<vmem>>
      %dma_start3A_179 = tpu.memref_squeeze %dma_start3A_178 : memref<1x128xi32, #tpu.memory_space<vmem>> -> memref<128xi32, #tpu.memory_space<vmem>>
      %dma_start3A_180 = arith.constant 0 : i32
      %dma_start3A_181 = arith.constant 0 : i32
      %dma_start3A_182 = tpu.memref_slice %arg4[%dma_start3A_180, %dma_start3A_181] : memref<10000x128xf32, #tpu.memory_space<hbm>> -> memref<10000x128xf32, #tpu.memory_space<hbm>>
      tpu.enqueue_indirect_dma source(%dma_start3A_182 : memref<10000x128xf32, #tpu.memory_space<hbm>>) target(%arg10 : memref<128x128xf32, #tpu.memory_space<vmem>>) offsets(%dma_start3A_179 : memref<128xi32, #tpu.memory_space<vmem>>) semaphore(%arg13 : memref<!tpu.dma_semaphore, #tpu.memory_space<semaphore_mem>>)
      %dma_start3A_183 = arith.constant 1 : i32
      %dma_start3A_184 = arith.constant 0 : i32
      %dma_start3A_185 = tpu.memref_slice %arg8[%dma_start3A_183, %dma_start3A_184] : memref<8x128xi32, #tpu.memory_space<vmem>> -> memref<1x128xi32, #tpu.memory_space<vmem>>
      %dma_start3A_186 = tpu.memref_squeeze %dma_start3A_185 : memref<1x128xi32, #tpu.memory_space<vmem>> -> memref<128xi32, #tpu.memory_space<vmem>>
      %dma_start3A_187 = arith.constant 0 : i32
      %dma_start3A_188 = arith.constant 0 : i32
      %dma_start3A_189 = tpu.memref_slice %arg4[%dma_start3A_187, %dma_start3A_188] : memref<10000x128xf32, #tpu.memory_space<hbm>> -> memref<10000x128xf32, #tpu.memory_space<hbm>>
      tpu.enqueue_indirect_dma source(%dma_start3A_189 : memref<10000x128xf32, #tpu.memory_space<hbm>>) target(%arg11 : memref<128x128xf32, #tpu.memory_space<vmem>>) offsets(%dma_start3A_186 : memref<128xi32, #tpu.memory_space<vmem>>) semaphore(%arg14 : memref<!tpu.dma_semaphore, #tpu.memory_space<semaphore_mem>>)
      %dma_wait3A_190 = arith.constant 0 : i32
      %dma_wait3A_191 = arith.constant 0 : i32
      %dma_wait3A_192 = tpu.memref_slice %arg8[%dma_wait3A_190, %dma_wait3A_191] : memref<8x128xi32, #tpu.memory_space<vmem>> -> memref<1x128xi32, #tpu.memory_space<vmem>>
      %dma_wait3A_193 = tpu.memref_squeeze %dma_wait3A_192 : memref<1x128xi32, #tpu.memory_space<vmem>> -> memref<128xi32, #tpu.memory_space<vmem>>
      %dma_wait3A_194 = arith.constant 0 : i32
      %dma_wait3A_195 = arith.constant 0 : i32
      %dma_wait3A_196 = tpu.memref_slice %arg4[%dma_wait3A_194, %dma_wait3A_195] : memref<10000x128xf32, #tpu.memory_space<hbm>> -> memref<10000x128xf32, #tpu.memory_space<hbm>>
      tpu.wait_indirect_dma semaphore(%arg13 : memref<!tpu.dma_semaphore, #tpu.memory_space<semaphore_mem>>) src(%dma_wait3A_196 : memref<10000x128xf32, #tpu.memory_space<hbm>>) dst(%arg10 : memref<128x128xf32, #tpu.memory_space<vmem>>)
      %run_scoped3A_197 = arith.constant 0 : i32
      "tpu.region"() ({
        %run_scoped3A_301 = tpu.sem_alloc : memref<!tpu.dma_semaphore, #tpu.memory_space<semaphore_mem>>
        %dma_start3A_302 = arith.constant 0 : i32
        %dma_start3A_303 = tpu.memref_slice %arg9[%run_scoped3A_197, %dma_start3A_302] : memref<8x128xi32, #tpu.memory_space<vmem>> -> memref<1x128xi32, #tpu.memory_space<vmem>>
        %dma_start3A_304 = tpu.memref_squeeze %dma_start3A_303 : memref<1x128xi32, #tpu.memory_space<vmem>> -> memref<128xi32, #tpu.memory_space<vmem>>
        %dma_start3A_305 = arith.constant 0 : i32
        %dma_start3A_306 = arith.constant 0 : i32
        %dma_start3A_307 = tpu.memref_slice %arg12[%dma_start3A_305, %dma_start3A_306] : memref<10080x128xf32, #tpu.memory_space<vmem_shared>> -> memref<10080x128xf32, #tpu.memory_space<vmem_shared>>
        tpu.enqueue_indirect_dma source(%arg10 : memref<128x128xf32, #tpu.memory_space<vmem>>) target(%dma_start3A_307 : memref<10080x128xf32, #tpu.memory_space<vmem_shared>>) offsets(%dma_start3A_304 : memref<128xi32, #tpu.memory_space<vmem>>) semaphore(%run_scoped3A_301 : memref<!tpu.dma_semaphore, #tpu.memory_space<semaphore_mem>>) {add = true}
        %dma_wait3A_308 = arith.constant 0 : i32
        %dma_wait3A_309 = tpu.memref_slice %arg9[%run_scoped3A_197, %dma_wait3A_308] : memref<8x128xi32, #tpu.memory_space<vmem>> -> memref<1x128xi32, #tpu.memory_space<vmem>>
        %dma_wait3A_310 = tpu.memref_squeeze %dma_wait3A_309 : memref<1x128xi32, #tpu.memory_space<vmem>> -> memref<128xi32, #tpu.memory_space<vmem>>
        %dma_wait3A_311 = arith.constant 0 : i32
        %dma_wait3A_312 = arith.constant 0 : i32
        %dma_wait3A_313 = tpu.memref_slice %arg12[%dma_wait3A_311, %dma_wait3A_312] : memref<10080x128xf32, #tpu.memory_space<vmem_shared>> -> memref<10080x128xf32, #tpu.memory_space<vmem_shared>>
        tpu.wait_indirect_dma semaphore(%run_scoped3A_301 : memref<!tpu.dma_semaphore, #tpu.memory_space<semaphore_mem>>) src(%arg10 : memref<128x128xf32, #tpu.memory_space<vmem>>) dst(%dma_wait3A_313 : memref<10080x128xf32, #tpu.memory_space<vmem_shared>>)
        tpu.yield
      }) : () -> ()
      %dma_start3A_198 = arith.constant 2 : i32
      %dma_start3A_199 = arith.constant 0 : i32
      %dma_start3A_200 = tpu.memref_slice %arg8[%dma_start3A_198, %dma_start3A_199] : memref<8x128xi32, #tpu.memory_space<vmem>> -> memref<1x128xi32, #tpu.memory_space<vmem>>
      %dma_start3A_201 = tpu.memref_squeeze %dma_start3A_200 : memref<1x128xi32, #tpu.memory_space<vmem>> -> memref<128xi32, #tpu.memory_space<vmem>>
      %dma_start3A_202 = arith.constant 0 : i32
      %dma_start3A_203 = arith.constant 0 : i32
      %dma_start3A_204 = tpu.memref_slice %arg4[%dma_start3A_202, %dma_start3A_203] : memref<10000x128xf32, #tpu.memory_space<hbm>> -> memref<10000x128xf32, #tpu.memory_space<hbm>>
      tpu.enqueue_indirect_dma source(%dma_start3A_204 : memref<10000x128xf32, #tpu.memory_space<hbm>>) target(%arg10 : memref<128x128xf32, #tpu.memory_space<vmem>>) offsets(%dma_start3A_201 : memref<128xi32, #tpu.memory_space<vmem>>) semaphore(%arg13 : memref<!tpu.dma_semaphore, #tpu.memory_space<semaphore_mem>>)
      %dma_wait3A_205 = arith.constant 1 : i32
      %dma_wait3A_206 = arith.constant 0 : i32
      %dma_wait3A_207 = tpu.memref_slice %arg8[%dma_wait3A_205, %dma_wait3A_206] : memref<8x128xi32, #tpu.memory_space<vmem>> -> memref<1x128xi32, #tpu.memory_space<vmem>>
      %dma_wait3A_208 = tpu.memref_squeeze %dma_wait3A_207 : memref<1x128xi32, #tpu.memory_space<vmem>> -> memref<128xi32, #tpu.memory_space<vmem>>
      %dma_wait3A_209 = arith.constant 0 : i32
      %dma_wait3A_210 = arith.constant 0 : i32
      %dma_wait3A_211 = tpu.memref_slice %arg4[%dma_wait3A_209, %dma_wait3A_210] : memref<10000x128xf32, #tpu.memory_space<hbm>> -> memref<10000x128xf32, #tpu.memory_space<hbm>>
      tpu.wait_indirect_dma semaphore(%arg14 : memref<!tpu.dma_semaphore, #tpu.memory_space<semaphore_mem>>) src(%dma_wait3A_211 : memref<10000x128xf32, #tpu.memory_space<hbm>>) dst(%arg11 : memref<128x128xf32, #tpu.memory_space<vmem>>)
      %run_scoped3A_212 = arith.constant 1 : i32
      "tpu.region"() ({
        %run_scoped3A_301 = tpu.sem_alloc : memref<!tpu.dma_semaphore, #tpu.memory_space<semaphore_mem>>
        %dma_start3A_302 = arith.constant 0 : i32
        %dma_start3A_303 = tpu.memref_slice %arg9[%run_scoped3A_212, %dma_start3A_302] : memref<8x128xi32, #tpu.memory_space<vmem>> -> memref<1x128xi32, #tpu.memory_space<vmem>>
        %dma_start3A_304 = tpu.memref_squeeze %dma_start3A_303 : memref<1x128xi32, #tpu.memory_space<vmem>> -> memref<128xi32, #tpu.memory_space<vmem>>
        %dma_start3A_305 = arith.constant 0 : i32
        %dma_start3A_306 = arith.constant 0 : i32
        %dma_start3A_307 = tpu.memref_slice %arg12[%dma_start3A_305, %dma_start3A_306] : memref<10080x128xf32, #tpu.memory_space<vmem_shared>> -> memref<10080x128xf32, #tpu.memory_space<vmem_shared>>
        tpu.enqueue_indirect_dma source(%arg11 : memref<128x128xf32, #tpu.memory_space<vmem>>) target(%dma_start3A_307 : memref<10080x128xf32, #tpu.memory_space<vmem_shared>>) offsets(%dma_start3A_304 : memref<128xi32, #tpu.memory_space<vmem>>) semaphore(%run_scoped3A_301 : memref<!tpu.dma_semaphore, #tpu.memory_space<semaphore_mem>>) {add = true}
        %dma_wait3A_308 = arith.constant 0 : i32
        %dma_wait3A_309 = tpu.memref_slice %arg9[%run_scoped3A_212, %dma_wait3A_308] : memref<8x128xi32, #tpu.memory_space<vmem>> -> memref<1x128xi32, #tpu.memory_space<vmem>>
        %dma_wait3A_310 = tpu.memref_squeeze %dma_wait3A_309 : memref<1x128xi32, #tpu.memory_space<vmem>> -> memref<128xi32, #tpu.memory_space<vmem>>
        %dma_wait3A_311 = arith.constant 0 : i32
        %dma_wait3A_312 = arith.constant 0 : i32
        %dma_wait3A_313 = tpu.memref_slice %arg12[%dma_wait3A_311, %dma_wait3A_312] : memref<10080x128xf32, #tpu.memory_space<vmem_shared>> -> memref<10080x128xf32, #tpu.memory_space<vmem_shared>>
        tpu.wait_indirect_dma semaphore(%run_scoped3A_301 : memref<!tpu.dma_semaphore, #tpu.memory_space<semaphore_mem>>) src(%arg11 : memref<128x128xf32, #tpu.memory_space<vmem>>) dst(%dma_wait3A_313 : memref<10080x128xf32, #tpu.memory_space<vmem_shared>>)
        tpu.yield
      }) : () -> ()
      %dma_start3A_213 = arith.constant 3 : i32
      %dma_start3A_214 = arith.constant 0 : i32
      %dma_start3A_215 = tpu.memref_slice %arg8[%dma_start3A_213, %dma_start3A_214] : memref<8x128xi32, #tpu.memory_space<vmem>> -> memref<1x128xi32, #tpu.memory_space<vmem>>
      %dma_start3A_216 = tpu.memref_squeeze %dma_start3A_215 : memref<1x128xi32, #tpu.memory_space<vmem>> -> memref<128xi32, #tpu.memory_space<vmem>>
      %dma_start3A_217 = arith.constant 0 : i32
      %dma_start3A_218 = arith.constant 0 : i32
      %dma_start3A_219 = tpu.memref_slice %arg4[%dma_start3A_217, %dma_start3A_218] : memref<10000x128xf32, #tpu.memory_space<hbm>> -> memref<10000x128xf32, #tpu.memory_space<hbm>>
      tpu.enqueue_indirect_dma source(%dma_start3A_219 : memref<10000x128xf32, #tpu.memory_space<hbm>>) target(%arg11 : memref<128x128xf32, #tpu.memory_space<vmem>>) offsets(%dma_start3A_216 : memref<128xi32, #tpu.memory_space<vmem>>) semaphore(%arg14 : memref<!tpu.dma_semaphore, #tpu.memory_space<semaphore_mem>>)
      %dma_wait3A_220 = arith.constant 2 : i32
      %dma_wait3A_221 = arith.constant 0 : i32
      %dma_wait3A_222 = tpu.memref_slice %arg8[%dma_wait3A_220, %dma_wait3A_221] : memref<8x128xi32, #tpu.memory_space<vmem>> -> memref<1x128xi32, #tpu.memory_space<vmem>>
      %dma_wait3A_223 = tpu.memref_squeeze %dma_wait3A_222 : memref<1x128xi32, #tpu.memory_space<vmem>> -> memref<128xi32, #tpu.memory_space<vmem>>
      %dma_wait3A_224 = arith.constant 0 : i32
      %dma_wait3A_225 = arith.constant 0 : i32
      %dma_wait3A_226 = tpu.memref_slice %arg4[%dma_wait3A_224, %dma_wait3A_225] : memref<10000x128xf32, #tpu.memory_space<hbm>> -> memref<10000x128xf32, #tpu.memory_space<hbm>>
      tpu.wait_indirect_dma semaphore(%arg13 : memref<!tpu.dma_semaphore, #tpu.memory_space<semaphore_mem>>) src(%dma_wait3A_226 : memref<10000x128xf32, #tpu.memory_space<hbm>>) dst(%arg10 : memref<128x128xf32, #tpu.memory_space<vmem>>)
      %run_scoped3A_227 = arith.constant 2 : i32
      "tpu.region"() ({
        %run_scoped3A_301 = tpu.sem_alloc : memref<!tpu.dma_semaphore, #tpu.memory_space<semaphore_mem>>
        %dma_start3A_302 = arith.constant 0 : i32
        %dma_start3A_303 = tpu.memref_slice %arg9[%run_scoped3A_227, %dma_start3A_302] : memref<8x128xi32, #tpu.memory_space<vmem>> -> memref<1x128xi32, #tpu.memory_space<vmem>>
        %dma_start3A_304 = tpu.memref_squeeze %dma_start3A_303 : memref<1x128xi32, #tpu.memory_space<vmem>> -> memref<128xi32, #tpu.memory_space<vmem>>
        %dma_start3A_305 = arith.constant 0 : i32
        %dma_start3A_306 = arith.constant 0 : i32
        %dma_start3A_307 = tpu.memref_slice %arg12[%dma_start3A_305, %dma_start3A_306] : memref<10080x128xf32, #tpu.memory_space<vmem_shared>> -> memref<10080x128xf32, #tpu.memory_space<vmem_shared>>
        tpu.enqueue_indirect_dma source(%arg10 : memref<128x128xf32, #tpu.memory_space<vmem>>) target(%dma_start3A_307 : memref<10080x128xf32, #tpu.memory_space<vmem_shared>>) offsets(%dma_start3A_304 : memref<128xi32, #tpu.memory_space<vmem>>) semaphore(%run_scoped3A_301 : memref<!tpu.dma_semaphore, #tpu.memory_space<semaphore_mem>>) {add = true}
        %dma_wait3A_308 = arith.constant 0 : i32
        %dma_wait3A_309 = tpu.memref_slice %arg9[%run_scoped3A_227, %dma_wait3A_308] : memref<8x128xi32, #tpu.memory_space<vmem>> -> memref<1x128xi32, #tpu.memory_space<vmem>>
        %dma_wait3A_310 = tpu.memref_squeeze %dma_wait3A_309 : memref<1x128xi32, #tpu.memory_space<vmem>> -> memref<128xi32, #tpu.memory_space<vmem>>
        %dma_wait3A_311 = arith.constant 0 : i32
        %dma_wait3A_312 = arith.constant 0 : i32
        %dma_wait3A_313 = tpu.memref_slice %arg12[%dma_wait3A_311, %dma_wait3A_312] : memref<10080x128xf32, #tpu.memory_space<vmem_shared>> -> memref<10080x128xf32, #tpu.memory_space<vmem_shared>>
        tpu.wait_indirect_dma semaphore(%run_scoped3A_301 : memref<!tpu.dma_semaphore, #tpu.memory_space<semaphore_mem>>) src(%arg10 : memref<128x128xf32, #tpu.memory_space<vmem>>) dst(%dma_wait3A_313 : memref<10080x128xf32, #tpu.memory_space<vmem_shared>>)
        tpu.yield
      }) : () -> ()
      %dma_start3A_228 = arith.constant 4 : i32
      %dma_start3A_229 = arith.constant 0 : i32
      %dma_start3A_230 = tpu.memref_slice %arg8[%dma_start3A_228, %dma_start3A_229] : memref<8x128xi32, #tpu.memory_space<vmem>> -> memref<1x128xi32, #tpu.memory_space<vmem>>
      %dma_start3A_231 = tpu.memref_squeeze %dma_start3A_230 : memref<1x128xi32, #tpu.memory_space<vmem>> -> memref<128xi32, #tpu.memory_space<vmem>>
      %dma_start3A_232 = arith.constant 0 : i32
      %dma_start3A_233 = arith.constant 0 : i32
      %dma_start3A_234 = tpu.memref_slice %arg4[%dma_start3A_232, %dma_start3A_233] : memref<10000x128xf32, #tpu.memory_space<hbm>> -> memref<10000x128xf32, #tpu.memory_space<hbm>>
      tpu.enqueue_indirect_dma source(%dma_start3A_234 : memref<10000x128xf32, #tpu.memory_space<hbm>>) target(%arg10 : memref<128x128xf32, #tpu.memory_space<vmem>>) offsets(%dma_start3A_231 : memref<128xi32, #tpu.memory_space<vmem>>) semaphore(%arg13 : memref<!tpu.dma_semaphore, #tpu.memory_space<semaphore_mem>>)
      %dma_wait3A_235 = arith.constant 3 : i32
      %dma_wait3A_236 = arith.constant 0 : i32
      %dma_wait3A_237 = tpu.memref_slice %arg8[%dma_wait3A_235, %dma_wait3A_236] : memref<8x128xi32, #tpu.memory_space<vmem>> -> memref<1x128xi32, #tpu.memory_space<vmem>>
      %dma_wait3A_238 = tpu.memref_squeeze %dma_wait3A_237 : memref<1x128xi32, #tpu.memory_space<vmem>> -> memref<128xi32, #tpu.memory_space<vmem>>
      %dma_wait3A_239 = arith.constant 0 : i32
      %dma_wait3A_240 = arith.constant 0 : i32
      %dma_wait3A_241 = tpu.memref_slice %arg4[%dma_wait3A_239, %dma_wait3A_240] : memref<10000x128xf32, #tpu.memory_space<hbm>> -> memref<10000x128xf32, #tpu.memory_space<hbm>>
      tpu.wait_indirect_dma semaphore(%arg14 : memref<!tpu.dma_semaphore, #tpu.memory_space<semaphore_mem>>) src(%dma_wait3A_241 : memref<10000x128xf32, #tpu.memory_space<hbm>>) dst(%arg11 : memref<128x128xf32, #tpu.memory_space<vmem>>)
      %run_scoped3A_242 = arith.constant 3 : i32
      "tpu.region"() ({
        %run_scoped3A_301 = tpu.sem_alloc : memref<!tpu.dma_semaphore, #tpu.memory_space<semaphore_mem>>
        %dma_start3A_302 = arith.constant 0 : i32
        %dma_start3A_303 = tpu.memref_slice %arg9[%run_scoped3A_242, %dma_start3A_302] : memref<8x128xi32, #tpu.memory_space<vmem>> -> memref<1x128xi32, #tpu.memory_space<vmem>>
        %dma_start3A_304 = tpu.memref_squeeze %dma_start3A_303 : memref<1x128xi32, #tpu.memory_space<vmem>> -> memref<128xi32, #tpu.memory_space<vmem>>
        %dma_start3A_305 = arith.constant 0 : i32
        %dma_start3A_306 = arith.constant 0 : i32
        %dma_start3A_307 = tpu.memref_slice %arg12[%dma_start3A_305, %dma_start3A_306] : memref<10080x128xf32, #tpu.memory_space<vmem_shared>> -> memref<10080x128xf32, #tpu.memory_space<vmem_shared>>
        tpu.enqueue_indirect_dma source(%arg11 : memref<128x128xf32, #tpu.memory_space<vmem>>) target(%dma_start3A_307 : memref<10080x128xf32, #tpu.memory_space<vmem_shared>>) offsets(%dma_start3A_304 : memref<128xi32, #tpu.memory_space<vmem>>) semaphore(%run_scoped3A_301 : memref<!tpu.dma_semaphore, #tpu.memory_space<semaphore_mem>>) {add = true}
        %dma_wait3A_308 = arith.constant 0 : i32
        %dma_wait3A_309 = tpu.memref_slice %arg9[%run_scoped3A_242, %dma_wait3A_308] : memref<8x128xi32, #tpu.memory_space<vmem>> -> memref<1x128xi32, #tpu.memory_space<vmem>>
        %dma_wait3A_310 = tpu.memref_squeeze %dma_wait3A_309 : memref<1x128xi32, #tpu.memory_space<vmem>> -> memref<128xi32, #tpu.memory_space<vmem>>
        %dma_wait3A_311 = arith.constant 0 : i32
        %dma_wait3A_312 = arith.constant 0 : i32
        %dma_wait3A_313 = tpu.memref_slice %arg12[%dma_wait3A_311, %dma_wait3A_312] : memref<10080x128xf32, #tpu.memory_space<vmem_shared>> -> memref<10080x128xf32, #tpu.memory_space<vmem_shared>>
        tpu.wait_indirect_dma semaphore(%run_scoped3A_301 : memref<!tpu.dma_semaphore, #tpu.memory_space<semaphore_mem>>) src(%arg11 : memref<128x128xf32, #tpu.memory_space<vmem>>) dst(%dma_wait3A_313 : memref<10080x128xf32, #tpu.memory_space<vmem_shared>>)
        tpu.yield
      }) : () -> ()
      %dma_start3A_243 = arith.constant 5 : i32
      %dma_start3A_244 = arith.constant 0 : i32
      %dma_start3A_245 = tpu.memref_slice %arg8[%dma_start3A_243, %dma_start3A_244] : memref<8x128xi32, #tpu.memory_space<vmem>> -> memref<1x128xi32, #tpu.memory_space<vmem>>
      %dma_start3A_246 = tpu.memref_squeeze %dma_start3A_245 : memref<1x128xi32, #tpu.memory_space<vmem>> -> memref<128xi32, #tpu.memory_space<vmem>>
      %dma_start3A_247 = arith.constant 0 : i32
      %dma_start3A_248 = arith.constant 0 : i32
      %dma_start3A_249 = tpu.memref_slice %arg4[%dma_start3A_247, %dma_start3A_248] : memref<10000x128xf32, #tpu.memory_space<hbm>> -> memref<10000x128xf32, #tpu.memory_space<hbm>>
      tpu.enqueue_indirect_dma source(%dma_start3A_249 : memref<10000x128xf32, #tpu.memory_space<hbm>>) target(%arg11 : memref<128x128xf32, #tpu.memory_space<vmem>>) offsets(%dma_start3A_246 : memref<128xi32, #tpu.memory_space<vmem>>) semaphore(%arg14 : memref<!tpu.dma_semaphore, #tpu.memory_space<semaphore_mem>>)
      %dma_wait3A_250 = arith.constant 4 : i32
      %dma_wait3A_251 = arith.constant 0 : i32
      %dma_wait3A_252 = tpu.memref_slice %arg8[%dma_wait3A_250, %dma_wait3A_251] : memref<8x128xi32, #tpu.memory_space<vmem>> -> memref<1x128xi32, #tpu.memory_space<vmem>>
      %dma_wait3A_253 = tpu.memref_squeeze %dma_wait3A_252 : memref<1x128xi32, #tpu.memory_space<vmem>> -> memref<128xi32, #tpu.memory_space<vmem>>
      %dma_wait3A_254 = arith.constant 0 : i32
      %dma_wait3A_255 = arith.constant 0 : i32
      %dma_wait3A_256 = tpu.memref_slice %arg4[%dma_wait3A_254, %dma_wait3A_255] : memref<10000x128xf32, #tpu.memory_space<hbm>> -> memref<10000x128xf32, #tpu.memory_space<hbm>>
      tpu.wait_indirect_dma semaphore(%arg13 : memref<!tpu.dma_semaphore, #tpu.memory_space<semaphore_mem>>) src(%dma_wait3A_256 : memref<10000x128xf32, #tpu.memory_space<hbm>>) dst(%arg10 : memref<128x128xf32, #tpu.memory_space<vmem>>)
      %run_scoped3A_257 = arith.constant 4 : i32
      "tpu.region"() ({
        %run_scoped3A_301 = tpu.sem_alloc : memref<!tpu.dma_semaphore, #tpu.memory_space<semaphore_mem>>
        %dma_start3A_302 = arith.constant 0 : i32
        %dma_start3A_303 = tpu.memref_slice %arg9[%run_scoped3A_257, %dma_start3A_302] : memref<8x128xi32, #tpu.memory_space<vmem>> -> memref<1x128xi32, #tpu.memory_space<vmem>>
        %dma_start3A_304 = tpu.memref_squeeze %dma_start3A_303 : memref<1x128xi32, #tpu.memory_space<vmem>> -> memref<128xi32, #tpu.memory_space<vmem>>
        %dma_start3A_305 = arith.constant 0 : i32
        %dma_start3A_306 = arith.constant 0 : i32
        %dma_start3A_307 = tpu.memref_slice %arg12[%dma_start3A_305, %dma_start3A_306] : memref<10080x128xf32, #tpu.memory_space<vmem_shared>> -> memref<10080x128xf32, #tpu.memory_space<vmem_shared>>
        tpu.enqueue_indirect_dma source(%arg10 : memref<128x128xf32, #tpu.memory_space<vmem>>) target(%dma_start3A_307 : memref<10080x128xf32, #tpu.memory_space<vmem_shared>>) offsets(%dma_start3A_304 : memref<128xi32, #tpu.memory_space<vmem>>) semaphore(%run_scoped3A_301 : memref<!tpu.dma_semaphore, #tpu.memory_space<semaphore_mem>>) {add = true}
        %dma_wait3A_308 = arith.constant 0 : i32
        %dma_wait3A_309 = tpu.memref_slice %arg9[%run_scoped3A_257, %dma_wait3A_308] : memref<8x128xi32, #tpu.memory_space<vmem>> -> memref<1x128xi32, #tpu.memory_space<vmem>>
        %dma_wait3A_310 = tpu.memref_squeeze %dma_wait3A_309 : memref<1x128xi32, #tpu.memory_space<vmem>> -> memref<128xi32, #tpu.memory_space<vmem>>
        %dma_wait3A_311 = arith.constant 0 : i32
        %dma_wait3A_312 = arith.constant 0 : i32
        %dma_wait3A_313 = tpu.memref_slice %arg12[%dma_wait3A_311, %dma_wait3A_312] : memref<10080x128xf32, #tpu.memory_space<vmem_shared>> -> memref<10080x128xf32, #tpu.memory_space<vmem_shared>>
        tpu.wait_indirect_dma semaphore(%run_scoped3A_301 : memref<!tpu.dma_semaphore, #tpu.memory_space<semaphore_mem>>) src(%arg10 : memref<128x128xf32, #tpu.memory_space<vmem>>) dst(%dma_wait3A_313 : memref<10080x128xf32, #tpu.memory_space<vmem_shared>>)
        tpu.yield
      }) : () -> ()
      %dma_start3A_258 = arith.constant 6 : i32
      %dma_start3A_259 = arith.constant 0 : i32
      %dma_start3A_260 = tpu.memref_slice %arg8[%dma_start3A_258, %dma_start3A_259] : memref<8x128xi32, #tpu.memory_space<vmem>> -> memref<1x128xi32, #tpu.memory_space<vmem>>
      %dma_start3A_261 = tpu.memref_squeeze %dma_start3A_260 : memref<1x128xi32, #tpu.memory_space<vmem>> -> memref<128xi32, #tpu.memory_space<vmem>>
      %dma_start3A_262 = arith.constant 0 : i32
      %dma_start3A_263 = arith.constant 0 : i32
      %dma_start3A_264 = tpu.memref_slice %arg4[%dma_start3A_262, %dma_start3A_263] : memref<10000x128xf32, #tpu.memory_space<hbm>> -> memref<10000x128xf32, #tpu.memory_space<hbm>>
      tpu.enqueue_indirect_dma source(%dma_start3A_264 : memref<10000x128xf32, #tpu.memory_space<hbm>>) target(%arg10 : memref<128x128xf32, #tpu.memory_space<vmem>>) offsets(%dma_start3A_261 : memref<128xi32, #tpu.memory_space<vmem>>) semaphore(%arg13 : memref<!tpu.dma_semaphore, #tpu.memory_space<semaphore_mem>>)
      %dma_wait3A_265 = arith.constant 5 : i32
      %dma_wait3A_266 = arith.constant 0 : i32
      %dma_wait3A_267 = tpu.memref_slice %arg8[%dma_wait3A_265, %dma_wait3A_266] : memref<8x128xi32, #tpu.memory_space<vmem>> -> memref<1x128xi32, #tpu.memory_space<vmem>>
      %dma_wait3A_268 = tpu.memref_squeeze %dma_wait3A_267 : memref<1x128xi32, #tpu.memory_space<vmem>> -> memref<128xi32, #tpu.memory_space<vmem>>
      %dma_wait3A_269 = arith.constant 0 : i32
      %dma_wait3A_270 = arith.constant 0 : i32
      %dma_wait3A_271 = tpu.memref_slice %arg4[%dma_wait3A_269, %dma_wait3A_270] : memref<10000x128xf32, #tpu.memory_space<hbm>> -> memref<10000x128xf32, #tpu.memory_space<hbm>>
      tpu.wait_indirect_dma semaphore(%arg14 : memref<!tpu.dma_semaphore, #tpu.memory_space<semaphore_mem>>) src(%dma_wait3A_271 : memref<10000x128xf32, #tpu.memory_space<hbm>>) dst(%arg11 : memref<128x128xf32, #tpu.memory_space<vmem>>)
      %run_scoped3A_272 = arith.constant 5 : i32
      "tpu.region"() ({
        %run_scoped3A_301 = tpu.sem_alloc : memref<!tpu.dma_semaphore, #tpu.memory_space<semaphore_mem>>
        %dma_start3A_302 = arith.constant 0 : i32
        %dma_start3A_303 = tpu.memref_slice %arg9[%run_scoped3A_272, %dma_start3A_302] : memref<8x128xi32, #tpu.memory_space<vmem>> -> memref<1x128xi32, #tpu.memory_space<vmem>>
        %dma_start3A_304 = tpu.memref_squeeze %dma_start3A_303 : memref<1x128xi32, #tpu.memory_space<vmem>> -> memref<128xi32, #tpu.memory_space<vmem>>
        %dma_start3A_305 = arith.constant 0 : i32
        %dma_start3A_306 = arith.constant 0 : i32
        %dma_start3A_307 = tpu.memref_slice %arg12[%dma_start3A_305, %dma_start3A_306] : memref<10080x128xf32, #tpu.memory_space<vmem_shared>> -> memref<10080x128xf32, #tpu.memory_space<vmem_shared>>
        tpu.enqueue_indirect_dma source(%arg11 : memref<128x128xf32, #tpu.memory_space<vmem>>) target(%dma_start3A_307 : memref<10080x128xf32, #tpu.memory_space<vmem_shared>>) offsets(%dma_start3A_304 : memref<128xi32, #tpu.memory_space<vmem>>) semaphore(%run_scoped3A_301 : memref<!tpu.dma_semaphore, #tpu.memory_space<semaphore_mem>>) {add = true}
        %dma_wait3A_308 = arith.constant 0 : i32
        %dma_wait3A_309 = tpu.memref_slice %arg9[%run_scoped3A_272, %dma_wait3A_308] : memref<8x128xi32, #tpu.memory_space<vmem>> -> memref<1x128xi32, #tpu.memory_space<vmem>>
        %dma_wait3A_310 = tpu.memref_squeeze %dma_wait3A_309 : memref<1x128xi32, #tpu.memory_space<vmem>> -> memref<128xi32, #tpu.memory_space<vmem>>
        %dma_wait3A_311 = arith.constant 0 : i32
        %dma_wait3A_312 = arith.constant 0 : i32
        %dma_wait3A_313 = tpu.memref_slice %arg12[%dma_wait3A_311, %dma_wait3A_312] : memref<10080x128xf32, #tpu.memory_space<vmem_shared>> -> memref<10080x128xf32, #tpu.memory_space<vmem_shared>>
        tpu.wait_indirect_dma semaphore(%run_scoped3A_301 : memref<!tpu.dma_semaphore, #tpu.memory_space<semaphore_mem>>) src(%arg11 : memref<128x128xf32, #tpu.memory_space<vmem>>) dst(%dma_wait3A_313 : memref<10080x128xf32, #tpu.memory_space<vmem_shared>>)
        tpu.yield
      }) : () -> ()
      %dma_start3A_273 = arith.constant 7 : i32
      %dma_start3A_274 = arith.constant 0 : i32
      %dma_start3A_275 = tpu.memref_slice %arg8[%dma_start3A_273, %dma_start3A_274] : memref<8x128xi32, #tpu.memory_space<vmem>> -> memref<1x128xi32, #tpu.memory_space<vmem>>
      %dma_start3A_276 = tpu.memref_squeeze %dma_start3A_275 : memref<1x128xi32, #tpu.memory_space<vmem>> -> memref<128xi32, #tpu.memory_space<vmem>>
      %dma_start3A_277 = arith.constant 0 : i32
      %dma_start3A_278 = arith.constant 0 : i32
      %dma_start3A_279 = tpu.memref_slice %arg4[%dma_start3A_277, %dma_start3A_278] : memref<10000x128xf32, #tpu.memory_space<hbm>> -> memref<10000x128xf32, #tpu.memory_space<hbm>>
      tpu.enqueue_indirect_dma source(%dma_start3A_279 : memref<10000x128xf32, #tpu.memory_space<hbm>>) target(%arg11 : memref<128x128xf32, #tpu.memory_space<vmem>>) offsets(%dma_start3A_276 : memref<128xi32, #tpu.memory_space<vmem>>) semaphore(%arg14 : memref<!tpu.dma_semaphore, #tpu.memory_space<semaphore_mem>>)
      %dma_wait3A_280 = arith.constant 6 : i32
      %dma_wait3A_281 = arith.constant 0 : i32
      %dma_wait3A_282 = tpu.memref_slice %arg8[%dma_wait3A_280, %dma_wait3A_281] : memref<8x128xi32, #tpu.memory_space<vmem>> -> memref<1x128xi32, #tpu.memory_space<vmem>>
      %dma_wait3A_283 = tpu.memref_squeeze %dma_wait3A_282 : memref<1x128xi32, #tpu.memory_space<vmem>> -> memref<128xi32, #tpu.memory_space<vmem>>
      %dma_wait3A_284 = arith.constant 0 : i32
      %dma_wait3A_285 = arith.constant 0 : i32
      %dma_wait3A_286 = tpu.memref_slice %arg4[%dma_wait3A_284, %dma_wait3A_285] : memref<10000x128xf32, #tpu.memory_space<hbm>> -> memref<10000x128xf32, #tpu.memory_space<hbm>>
      tpu.wait_indirect_dma semaphore(%arg13 : memref<!tpu.dma_semaphore, #tpu.memory_space<semaphore_mem>>) src(%dma_wait3A_286 : memref<10000x128xf32, #tpu.memory_space<hbm>>) dst(%arg10 : memref<128x128xf32, #tpu.memory_space<vmem>>)
      %run_scoped3A_287 = arith.constant 6 : i32
      "tpu.region"() ({
        %run_scoped3A_301 = tpu.sem_alloc : memref<!tpu.dma_semaphore, #tpu.memory_space<semaphore_mem>>
        %dma_start3A_302 = arith.constant 0 : i32
        %dma_start3A_303 = tpu.memref_slice %arg9[%run_scoped3A_287, %dma_start3A_302] : memref<8x128xi32, #tpu.memory_space<vmem>> -> memref<1x128xi32, #tpu.memory_space<vmem>>
        %dma_start3A_304 = tpu.memref_squeeze %dma_start3A_303 : memref<1x128xi32, #tpu.memory_space<vmem>> -> memref<128xi32, #tpu.memory_space<vmem>>
        %dma_start3A_305 = arith.constant 0 : i32
        %dma_start3A_306 = arith.constant 0 : i32
        %dma_start3A_307 = tpu.memref_slice %arg12[%dma_start3A_305, %dma_start3A_306] : memref<10080x128xf32, #tpu.memory_space<vmem_shared>> -> memref<10080x128xf32, #tpu.memory_space<vmem_shared>>
        tpu.enqueue_indirect_dma source(%arg10 : memref<128x128xf32, #tpu.memory_space<vmem>>) target(%dma_start3A_307 : memref<10080x128xf32, #tpu.memory_space<vmem_shared>>) offsets(%dma_start3A_304 : memref<128xi32, #tpu.memory_space<vmem>>) semaphore(%run_scoped3A_301 : memref<!tpu.dma_semaphore, #tpu.memory_space<semaphore_mem>>) {add = true}
        %dma_wait3A_308 = arith.constant 0 : i32
        %dma_wait3A_309 = tpu.memref_slice %arg9[%run_scoped3A_287, %dma_wait3A_308] : memref<8x128xi32, #tpu.memory_space<vmem>> -> memref<1x128xi32, #tpu.memory_space<vmem>>
        %dma_wait3A_310 = tpu.memref_squeeze %dma_wait3A_309 : memref<1x128xi32, #tpu.memory_space<vmem>> -> memref<128xi32, #tpu.memory_space<vmem>>
        %dma_wait3A_311 = arith.constant 0 : i32
        %dma_wait3A_312 = arith.constant 0 : i32
        %dma_wait3A_313 = tpu.memref_slice %arg12[%dma_wait3A_311, %dma_wait3A_312] : memref<10080x128xf32, #tpu.memory_space<vmem_shared>> -> memref<10080x128xf32, #tpu.memory_space<vmem_shared>>
        tpu.wait_indirect_dma semaphore(%run_scoped3A_301 : memref<!tpu.dma_semaphore, #tpu.memory_space<semaphore_mem>>) src(%arg10 : memref<128x128xf32, #tpu.memory_space<vmem>>) dst(%dma_wait3A_313 : memref<10080x128xf32, #tpu.memory_space<vmem_shared>>)
        tpu.yield
      }) : () -> ()
      %dma_wait3A_288 = arith.constant 7 : i32
      %dma_wait3A_289 = arith.constant 0 : i32
      %dma_wait3A_290 = tpu.memref_slice %arg8[%dma_wait3A_288, %dma_wait3A_289] : memref<8x128xi32, #tpu.memory_space<vmem>> -> memref<1x128xi32, #tpu.memory_space<vmem>>
      %dma_wait3A_291 = tpu.memref_squeeze %dma_wait3A_290 : memref<1x128xi32, #tpu.memory_space<vmem>> -> memref<128xi32, #tpu.memory_space<vmem>>
      %dma_wait3A_292 = arith.constant 0 : i32
      %dma_wait3A_293 = arith.constant 0 : i32
      %dma_wait3A_294 = tpu.memref_slice %arg4[%dma_wait3A_292, %dma_wait3A_293] : memref<10000x128xf32, #tpu.memory_space<hbm>> -> memref<10000x128xf32, #tpu.memory_space<hbm>>
      tpu.wait_indirect_dma semaphore(%arg14 : memref<!tpu.dma_semaphore, #tpu.memory_space<semaphore_mem>>) src(%dma_wait3A_294 : memref<10000x128xf32, #tpu.memory_space<hbm>>) dst(%arg11 : memref<128x128xf32, #tpu.memory_space<vmem>>)
      %run_scoped3A_295 = arith.constant 7 : i32
      "tpu.region"() ({
        %run_scoped3A_301 = tpu.sem_alloc : memref<!tpu.dma_semaphore, #tpu.memory_space<semaphore_mem>>
        %dma_start3A_302 = arith.constant 0 : i32
        %dma_start3A_303 = tpu.memref_slice %arg9[%run_scoped3A_295, %dma_start3A_302] : memref<8x128xi32, #tpu.memory_space<vmem>> -> memref<1x128xi32, #tpu.memory_space<vmem>>
        %dma_start3A_304 = tpu.memref_squeeze %dma_start3A_303 : memref<1x128xi32, #tpu.memory_space<vmem>> -> memref<128xi32, #tpu.memory_space<vmem>>
        %dma_start3A_305 = arith.constant 0 : i32
        %dma_start3A_306 = arith.constant 0 : i32
        %dma_start3A_307 = tpu.memref_slice %arg12[%dma_start3A_305, %dma_start3A_306] : memref<10080x128xf32, #tpu.memory_space<vmem_shared>> -> memref<10080x128xf32, #tpu.memory_space<vmem_shared>>
        tpu.enqueue_indirect_dma source(%arg11 : memref<128x128xf32, #tpu.memory_space<vmem>>) target(%dma_start3A_307 : memref<10080x128xf32, #tpu.memory_space<vmem_shared>>) offsets(%dma_start3A_304 : memref<128xi32, #tpu.memory_space<vmem>>) semaphore(%run_scoped3A_301 : memref<!tpu.dma_semaphore, #tpu.memory_space<semaphore_mem>>) {add = true}
        %dma_wait3A_308 = arith.constant 0 : i32
        %dma_wait3A_309 = tpu.memref_slice %arg9[%run_scoped3A_295, %dma_wait3A_308] : memref<8x128xi32, #tpu.memory_space<vmem>> -> memref<1x128xi32, #tpu.memory_space<vmem>>
        %dma_wait3A_310 = tpu.memref_squeeze %dma_wait3A_309 : memref<1x128xi32, #tpu.memory_space<vmem>> -> memref<128xi32, #tpu.memory_space<vmem>>
        %dma_wait3A_311 = arith.constant 0 : i32
        %dma_wait3A_312 = arith.constant 0 : i32
        %dma_wait3A_313 = tpu.memref_slice %arg12[%dma_wait3A_311, %dma_wait3A_312] : memref<10080x128xf32, #tpu.memory_space<vmem_shared>> -> memref<10080x128xf32, #tpu.memory_space<vmem_shared>>
        tpu.wait_indirect_dma semaphore(%run_scoped3A_301 : memref<!tpu.dma_semaphore, #tpu.memory_space<semaphore_mem>>) src(%arg11 : memref<128x128xf32, #tpu.memory_space<vmem>>) dst(%dma_wait3A_313 : memref<10080x128xf32, #tpu.memory_space<vmem_shared>>)
        tpu.yield
      }) : () -> ()
      %lt3A_296 = arith.constant 4 : i32
      %lt3A_297 = arith.cmpi slt, %scan3A_27, %lt3A_296 : i32
      %convert_element_type3A_298 = arith.extui %lt3A_297 : i1 to i32
      %cond3A_299 = arith.constant 0 : i32
      %cond3A_300 = arith.cmpi ne, %convert_element_type3A_298, %cond3A_299 : i32
      scf.if %cond3A_300 {
        %add3A_301 = arith.constant 16 : i32
        %add3A_302 = arith.addi %add3A_32, %add3A_301 : i32
        %dma_wait3A_303 = arith.constant 0 : i32
        %dma_wait3A_304 = tpu.memref_slice %arg2[%add3A_302, %dma_wait3A_303] : memref<2560x128xi32, #tpu.memory_space<hbm>> -> memref<8x128xi32, #tpu.memory_space<hbm>>
        %dma_wait3A_305 = arith.constant 0 : i32
        %dma_wait3A_306 = tpu.memref_slice %arg2[%add3A_302, %dma_wait3A_305] : memref<2560x128xi32, #tpu.memory_space<hbm>> -> memref<8x128xi32, #tpu.memory_space<hbm>>
        tpu.wait_dma2 semaphore(%arg15 : memref<!tpu.dma_semaphore, #tpu.memory_space<semaphore_mem>>) src(%dma_wait3A_306 : memref<8x128xi32, #tpu.memory_space<hbm>>) dst(%arg6 : memref<8x128xi32, #tpu.memory_space<vmem>>)
        %add3A_307 = arith.constant 16 : i32
        %add3A_308 = arith.addi %add3A_32, %add3A_307 : i32
        %dma_wait3A_309 = arith.constant 0 : i32
        %dma_wait3A_310 = tpu.memref_slice %arg3[%add3A_308, %dma_wait3A_309] : memref<2560x128xi32, #tpu.memory_space<hbm>> -> memref<8x128xi32, #tpu.memory_space<hbm>>
        %dma_wait3A_311 = arith.constant 0 : i32
        %dma_wait3A_312 = tpu.memref_slice %arg3[%add3A_308, %dma_wait3A_311] : memref<2560x128xi32, #tpu.memory_space<hbm>> -> memref<8x128xi32, #tpu.memory_space<hbm>>
        tpu.wait_dma2 semaphore(%arg15 : memref<!tpu.dma_semaphore, #tpu.memory_space<semaphore_mem>>) src(%dma_wait3A_312 : memref<8x128xi32, #tpu.memory_space<hbm>>) dst(%arg7 : memref<8x128xi32, #tpu.memory_space<vmem>>)
      } else {
      }
    }
    %scan3A_19 = arith.constant 5 : i32
    %barrier3A_20 = arith.constant 0 : index
    tpu.barrier barrier_id(%barrier3A_20)
    %scan3A_21 = arith.constant 0 : i32
    %scan3A_22 = arith.constant 0 : i32
    %scan3A_23 = arith.constant 8 : i32
    %scan3A_24 = arith.addi %scan3A_22, %scan3A_23 : i32
    %scan3A_25 = arith.constant 1 : i32
    scf.for %scan3A_27 = %scan3A_22 to %scan3A_24 step %scan3A_25  : i32 {
      %mul3A_28 = arith.constant 16 : i32
      %mul3A_29 = arith.muli %mul3A_28, %scan3A_27 : i32
      %add3A_30 = arith.addi %arg1, %mul3A_29 : i32
      %lt3A = arith.constant 125 : i32
      %lt3A_31 = arith.cmpi slt, %add3A_30, %lt3A : i32
      %convert_element_type3A = arith.extui %lt3A_31 : i1 to i32
      %cond3A = arith.constant 0 : i32
      %cond3A_32 = arith.cmpi ne, %convert_element_type3A, %cond3A : i32
      scf.if %cond3A_32 {
        %mul3A_33 = arith.constant 80 : i32
        %mul3A_34 = arith.muli %add3A_30, %mul3A_33 : i32
        %mul3A_35 = arith.constant 80 : i32
        %mul3A_36 = arith.muli %add3A_30, %mul3A_35 : i32
        "tpu.region"() ({
          %run_scoped3A = tpu.sem_alloc : memref<!tpu.dma_semaphore, #tpu.memory_space<semaphore_mem>>
          %dma_start3A = arith.constant 0 : i32
          %dma_start3A_37 = tpu.memref_slice %arg5[%arg0, %mul3A_36, %dma_start3A] : memref<2x10000x128xf32, #tpu.memory_space<hbm>> -> memref<1x80x128xf32, #tpu.memory_space<hbm>>
          %dma_start3A_38 = tpu.memref_squeeze %dma_start3A_37 : memref<1x80x128xf32, #tpu.memory_space<hbm>> -> memref<80x128xf32, #tpu.memory_space<hbm>>
          %dma_start3A_39 = arith.constant 0 : i32
          %dma_start3A_40 = tpu.memref_slice %arg12[%mul3A_34, %dma_start3A_39] : memref<10080x128xf32, #tpu.memory_space<vmem_shared>> -> memref<80x128xf32, #tpu.memory_space<vmem_shared>>
          tpu.enqueue_dma source(%dma_start3A_40 : memref<80x128xf32, #tpu.memory_space<vmem_shared>>) target(%dma_start3A_38 : memref<80x128xf32, #tpu.memory_space<hbm>>) target_semaphore(%run_scoped3A : memref<!tpu.dma_semaphore, #tpu.memory_space<semaphore_mem>>)
          %dma_wait3A = arith.constant 0 : i32
          %dma_wait3A_41 = tpu.memref_slice %arg5[%arg0, %mul3A_36, %dma_wait3A] : memref<2x10000x128xf32, #tpu.memory_space<hbm>> -> memref<1x80x128xf32, #tpu.memory_space<hbm>>
          %dma_wait3A_42 = tpu.memref_squeeze %dma_wait3A_41 : memref<1x80x128xf32, #tpu.memory_space<hbm>> -> memref<80x128xf32, #tpu.memory_space<hbm>>
          %dma_wait3A_43 = arith.constant 0 : i32
          %dma_wait3A_44 = tpu.memref_slice %arg12[%mul3A_34, %dma_wait3A_43] : memref<10080x128xf32, #tpu.memory_space<vmem_shared>> -> memref<80x128xf32, #tpu.memory_space<vmem_shared>>
          tpu.wait_dma2 semaphore(%run_scoped3A : memref<!tpu.dma_semaphore, #tpu.memory_space<semaphore_mem>>) src(%dma_wait3A_44 : memref<80x128xf32, #tpu.memory_space<vmem_shared>>) dst(%dma_wait3A_42 : memref<80x128xf32, #tpu.memory_space<hbm>>)
          tpu.yield
        }) : () -> ()
      } else {
      }
    }
    %scan3A_26 = arith.constant 8 : i32
    return
  }
}

#map = affine_map<(d0, d1) -> (0, 0)>
#map1 = affine_map<(d0, d1) -> (0, 0, 0)>
module attributes {stable_mosaic.version = 14 : i64} {
  func.func @_sc_scatter_body(%arg0: i32, %arg1: i32, %arg2: memref<2560x128xi32, #tpu.memory_space<hbm>>, %arg3: memref<2560x128xi32, #tpu.memory_space<hbm>>, %arg4: memref<10000x128xf32, #tpu.memory_space<hbm>>, %arg5: memref<2x10000x128xf32, #tpu.memory_space<hbm>>, %arg6: memref<8x128xi32, #tpu.memory_space<vmem>>, %arg7: memref<8x128xi32, #tpu.memory_space<vmem>>, %arg8: memref<8x128xi32, #tpu.memory_space<vmem>>, %arg9: memref<8x128xi32, #tpu.memory_space<vmem>>, %arg10: memref<128x128xf32, #tpu.memory_space<vmem>>, %arg11: memref<128x128xf32, #tpu.memory_space<vmem>>, %arg12: memref<10080x128xf32, #tpu.memory_space<vmem_shared>>, %arg13: memref<!tpu.dma_semaphore, #tpu.memory_space<semaphore_mem>>, %arg14: memref<!tpu.dma_semaphore, #tpu.memory_space<semaphore_mem>>, %arg15: memref<!tpu.dma_semaphore, #tpu.memory_space<semaphore_mem>>, %arg16: memref<!tpu.dma_semaphore, #tpu.memory_space<semaphore_mem>>) attributes {dimension_semantics = [#tpu.dimension_semantics<core_parallel>, #tpu.dimension_semantics<subcore_parallel>], iteration_bounds = array<i64: 2, 16>, scalar_prefetch = 0 : i64, scratch_operands = 11 : i64, tpu.core_type = #tpu.core_type<sc_vector_subcore>, window_params = [{transform_indices = #map}, {transform_indices = #map}, {transform_indices = #map}, {transform_indices = #map1}]} {
    %mul3A = arith.constant 16 : i32
    %mul3A_0 = arith.muli %arg0, %mul3A : i32
    %add3A = arith.addi %mul3A_0, %arg1 : i32
    %mul3A_1 = arith.constant 80 : i32
    %mul3A_2 = arith.muli %add3A, %mul3A_1 : i32
    %scan3A = arith.constant 0 : i32
    %scan3A_3 = arith.constant 0 : i32
    %scan3A_4 = arith.constant 128 : i32
    %scan3A_5 = arith.addi %scan3A_3, %scan3A_4 : i32
    %scan3A_6 = arith.constant 1 : i32
    scf.for %scan3A_27 = %scan3A_3 to %scan3A_5 step %scan3A_6  : i32 {
      %scan3A_28 = arith.constant 0 : i32
      %scan3A_29 = arith.constant 8 : i32
      %scan3A_30 = arith.addi %scan3A_28, %scan3A_29 : i32
      %scan3A_31 = arith.constant 1 : i32
      scf.for %scan3A_33 = %scan3A_28 to %scan3A_30 step %scan3A_31  : i32 {
        %broadcast_in_dim3A = arith.constant 0.000000e+00 : f32
        %broadcast_in_dim3A_34 = vector.broadcast %broadcast_in_dim3A : f32 to vector<16xf32>
        %mul3A_35 = arith.constant 16 : i32
        %mul3A_36 = arith.muli %scan3A_33, %mul3A_35 : i32
        %swap3A = arith.index_cast %scan3A_27 : i32 to index
        %swap3A_37 = arith.index_cast %mul3A_36 : i32 to index
        %swap3A_38 = tpu.vector_load %arg10[%swap3A, %swap3A_37] {strides = array<i32>} : memref<128x128xf32, #tpu.memory_space<vmem>>, vector<1x16xf32>,
        %swap3A_39 = vector.shape_cast %swap3A_38 : vector<1x16xf32> to vector<16xf32>
        %swap3A_40 = vector.shape_cast %broadcast_in_dim3A_34 : vector<16xf32> to vector<1x16xf32>
        tpu.vector_store %arg10[%swap3A, %swap3A_37], %swap3A_40 {strides = array<i32>} : memref<128x128xf32, #tpu.memory_space<vmem>>, vector<1x16xf32>,
      }
      %scan3A_32 = arith.constant 8 : i32
    }
    %scan3A_7 = arith.constant 128 : i32
    %scan3A_8 = arith.constant 0 : i32
    %scan3A_9 = arith.constant 0 : i32
    %scan3A_10 = arith.constant 8 : i32
    %scan3A_11 = arith.addi %scan3A_9, %scan3A_10 : i32
    %scan3A_12 = arith.constant 1 : i32
    scf.for %scan3A_27 = %scan3A_9 to %scan3A_11 step %scan3A_12  : i32 {
      %mul3A_28 = arith.constant 16 : i32
      %mul3A_29 = arith.muli %mul3A_28, %scan3A_27 : i32
      %add3A_30 = arith.addi %arg1, %mul3A_29 : i32
      %lt3A = arith.constant 126 : i32
      %lt3A_31 = arith.cmpi slt, %add3A_30, %lt3A : i32
      %convert_element_type3A = arith.extui %lt3A_31 : i1 to i32
      %cond3A = arith.constant 0 : i32
      %cond3A_32 = arith.cmpi ne, %convert_element_type3A, %cond3A : i32
      scf.if %cond3A_32 {
        %mul3A_33 = arith.constant 80 : i32
        %mul3A_34 = arith.muli %add3A_30, %mul3A_33 : i32
        "tpu.region"() ({
          %run_scoped3A = tpu.sem_alloc : memref<!tpu.dma_semaphore, #tpu.memory_space<semaphore_mem>>
          %dma_start3A = arith.constant 0 : i32
          %dma_start3A_35 = arith.constant 0 : i32
          %dma_start3A_36 = tpu.memref_slice %arg10[%dma_start3A, %dma_start3A_35] : memref<128x128xf32, #tpu.memory_space<vmem>> -> memref<80x128xf32, #tpu.memory_space<vmem>>
          %dma_start3A_37 = arith.constant 0 : i32
          %dma_start3A_38 = tpu.memref_slice %arg12[%mul3A_34, %dma_start3A_37] : memref<10080x128xf32, #tpu.memory_space<vmem_shared>> -> memref<80x128xf32, #tpu.memory_space<vmem_shared>>
          %dma_start3A_39 = arith.constant 0 : i32
          %dma_start3A_40 = tpu.memref_slice %arg12[%mul3A_34, %dma_start3A_39] : memref<10080x128xf32, #tpu.memory_space<vmem_shared>> -> memref<80x128xf32, #tpu.memory_space<vmem_shared>>
          %dma_start3A_41 = arith.constant 0 : i32
          %dma_start3A_42 = arith.constant 0 : i32
          %dma_start3A_43 = tpu.memref_slice %arg10[%dma_start3A_41, %dma_start3A_42] : memref<128x128xf32, #tpu.memory_space<vmem>> -> memref<80x128xf32, #tpu.memory_space<vmem>>
          tpu.enqueue_dma source(%dma_start3A_43 : memref<80x128xf32, #tpu.memory_space<vmem>>) target(%dma_start3A_40 : memref<80x128xf32, #tpu.memory_space<vmem_shared>>) target_semaphore(%run_scoped3A : memref<!tpu.dma_semaphore, #tpu.memory_space<semaphore_mem>>)
          %dma_wait3A = arith.constant 0 : i32
          %dma_wait3A_44 = arith.constant 0 : i32
          %dma_wait3A_45 = tpu.memref_slice %arg10[%dma_wait3A, %dma_wait3A_44] : memref<128x128xf32, #tpu.memory_space<vmem>> -> memref<80x128xf32, #tpu.memory_space<vmem>>
          %dma_wait3A_46 = arith.constant 0 : i32
          %dma_wait3A_47 = tpu.memref_slice %arg12[%mul3A_34, %dma_wait3A_46] : memref<10080x128xf32, #tpu.memory_space<vmem_shared>> -> memref<80x128xf32, #tpu.memory_space<vmem_shared>>
          %dma_wait3A_48 = arith.constant 0 : i32
          %dma_wait3A_49 = tpu.memref_slice %arg12[%mul3A_34, %dma_wait3A_48] : memref<10080x128xf32, #tpu.memory_space<vmem_shared>> -> memref<80x128xf32, #tpu.memory_space<vmem_shared>>
          %dma_wait3A_50 = arith.constant 0 : i32
          %dma_wait3A_51 = arith.constant 0 : i32
          %dma_wait3A_52 = tpu.memref_slice %arg10[%dma_wait3A_50, %dma_wait3A_51] : memref<128x128xf32, #tpu.memory_space<vmem>> -> memref<80x128xf32, #tpu.memory_space<vmem>>
          tpu.wait_dma2 semaphore(%run_scoped3A : memref<!tpu.dma_semaphore, #tpu.memory_space<semaphore_mem>>) src(%dma_wait3A_52 : memref<80x128xf32, #tpu.memory_space<vmem>>) dst(%dma_wait3A_49 : memref<80x128xf32, #tpu.memory_space<vmem_shared>>)
          tpu.yield
        }) : () -> ()
      } else {
      }
    }
    %scan3A_13 = arith.constant 8 : i32
    %barrier3A = arith.constant 0 : index
    tpu.barrier barrier_id(%barrier3A)
    "tpu.region"() ({
      %run_scoped3A = tpu.sem_alloc : memref<!tpu.dma_semaphore, #tpu.memory_space<semaphore_mem>>
      %dma_start3A = arith.constant 0 : i32
      %dma_start3A_27 = tpu.memref_slice %arg2[%mul3A_2, %dma_start3A] : memref<2560x128xi32, #tpu.memory_space<hbm>> -> memref<8x128xi32, #tpu.memory_space<hbm>>
      %dma_start3A_28 = arith.constant 0 : i32
      %dma_start3A_29 = tpu.memref_slice %arg2[%mul3A_2, %dma_start3A_28] : memref<2560x128xi32, #tpu.memory_space<hbm>> -> memref<8x128xi32, #tpu.memory_space<hbm>>
      tpu.enqueue_dma source(%dma_start3A_29 : memref<8x128xi32, #tpu.memory_space<hbm>>) target(%arg6 : memref<8x128xi32, #tpu.memory_space<vmem>>) target_semaphore(%run_scoped3A : memref<!tpu.dma_semaphore, #tpu.memory_space<semaphore_mem>>)
      %dma_wait3A = arith.constant 0 : i32
      %dma_wait3A_30 = tpu.memref_slice %arg2[%mul3A_2, %dma_wait3A] : memref<2560x128xi32, #tpu.memory_space<hbm>> -> memref<8x128xi32, #tpu.memory_space<hbm>>
      %dma_wait3A_31 = arith.constant 0 : i32
      %dma_wait3A_32 = tpu.memref_slice %arg2[%mul3A_2, %dma_wait3A_31] : memref<2560x128xi32, #tpu.memory_space<hbm>> -> memref<8x128xi32, #tpu.memory_space<hbm>>
      tpu.wait_dma2 semaphore(%run_scoped3A : memref<!tpu.dma_semaphore, #tpu.memory_space<semaphore_mem>>) src(%dma_wait3A_32 : memref<8x128xi32, #tpu.memory_space<hbm>>) dst(%arg6 : memref<8x128xi32, #tpu.memory_space<vmem>>)
      tpu.yield
    }) : () -> ()
    "tpu.region"() ({
      %run_scoped3A = tpu.sem_alloc : memref<!tpu.dma_semaphore, #tpu.memory_space<semaphore_mem>>
      %dma_start3A = arith.constant 0 : i32
      %dma_start3A_27 = tpu.memref_slice %arg3[%mul3A_2, %dma_start3A] : memref<2560x128xi32, #tpu.memory_space<hbm>> -> memref<8x128xi32, #tpu.memory_space<hbm>>
      %dma_start3A_28 = arith.constant 0 : i32
      %dma_start3A_29 = tpu.memref_slice %arg3[%mul3A_2, %dma_start3A_28] : memref<2560x128xi32, #tpu.memory_space<hbm>> -> memref<8x128xi32, #tpu.memory_space<hbm>>
      tpu.enqueue_dma source(%dma_start3A_29 : memref<8x128xi32, #tpu.memory_space<hbm>>) target(%arg7 : memref<8x128xi32, #tpu.memory_space<vmem>>) target_semaphore(%run_scoped3A : memref<!tpu.dma_semaphore, #tpu.memory_space<semaphore_mem>>)
      %dma_wait3A = arith.constant 0 : i32
      %dma_wait3A_30 = tpu.memref_slice %arg3[%mul3A_2, %dma_wait3A] : memref<2560x128xi32, #tpu.memory_space<hbm>> -> memref<8x128xi32, #tpu.memory_space<hbm>>
      %dma_wait3A_31 = arith.constant 0 : i32
      %dma_wait3A_32 = tpu.memref_slice %arg3[%mul3A_2, %dma_wait3A_31] : memref<2560x128xi32, #tpu.memory_space<hbm>> -> memref<8x128xi32, #tpu.memory_space<hbm>>
      tpu.wait_dma2 semaphore(%run_scoped3A : memref<!tpu.dma_semaphore, #tpu.memory_space<semaphore_mem>>) src(%dma_wait3A_32 : memref<8x128xi32, #tpu.memory_space<hbm>>) dst(%arg7 : memref<8x128xi32, #tpu.memory_space<vmem>>)
      tpu.yield
    }) : () -> ()
    %scan3A_14 = arith.constant 0 : i32
    %scan3A_15 = arith.constant 0 : i32
    %scan3A_16 = arith.constant 5 : i32
    %scan3A_17 = arith.addi %scan3A_15, %scan3A_16 : i32
    %scan3A_18 = arith.constant 1 : i32
    scf.for %scan3A_27 = %scan3A_15 to %scan3A_17 step %scan3A_18  : i32 {
      %mul3A_28 = arith.constant 2 : i32
      %mul3A_29 = arith.muli %mul3A_28, %scan3A_27 : i32
      %mul3A_30 = arith.constant 8 : i32
      %mul3A_31 = arith.muli %mul3A_29, %mul3A_30 : i32
      %add3A_32 = arith.addi %mul3A_2, %mul3A_31 : i32
      %add3A_33 = arith.constant 8 : i32
      %add3A_34 = arith.addi %add3A_32, %add3A_33 : i32
      %dma_start3A = arith.constant 0 : i32
      %dma_start3A_35 = tpu.memref_slice %arg2[%add3A_34, %dma_start3A] : memref<2560x128xi32, #tpu.memory_space<hbm>> -> memref<8x128xi32, #tpu.memory_space<hbm>>
      %dma_start3A_36 = arith.constant 0 : i32
      %dma_start3A_37 = tpu.memref_slice %arg2[%add3A_34, %dma_start3A_36] : memref<2560x128xi32, #tpu.memory_space<hbm>> -> memref<8x128xi32, #tpu.memory_space<hbm>>
      tpu.enqueue_dma source(%dma_start3A_37 : memref<8x128xi32, #tpu.memory_space<hbm>>) target(%arg8 : memref<8x128xi32, #tpu.memory_space<vmem>>) target_semaphore(%arg16 : memref<!tpu.dma_semaphore, #tpu.memory_space<semaphore_mem>>)
      %add3A_38 = arith.constant 8 : i32
      %add3A_39 = arith.addi %add3A_32, %add3A_38 : i32
      %dma_start3A_40 = arith.constant 0 : i32
      %dma_start3A_41 = tpu.memref_slice %arg3[%add3A_39, %dma_start3A_40] : memref<2560x128xi32, #tpu.memory_space<hbm>> -> memref<8x128xi32, #tpu.memory_space<hbm>>
      %dma_start3A_42 = arith.constant 0 : i32
      %dma_start3A_43 = tpu.memref_slice %arg3[%add3A_39, %dma_start3A_42] : memref<2560x128xi32, #tpu.memory_space<hbm>> -> memref<8x128xi32, #tpu.memory_space<hbm>>
      tpu.enqueue_dma source(%dma_start3A_43 : memref<8x128xi32, #tpu.memory_space<hbm>>) target(%arg9 : memref<8x128xi32, #tpu.memory_space<vmem>>) target_semaphore(%arg16 : memref<!tpu.dma_semaphore, #tpu.memory_space<semaphore_mem>>)
      %dma_start3A_44 = arith.constant 0 : i32
      %dma_start3A_45 = arith.constant 0 : i32
      %dma_start3A_46 = tpu.memref_slice %arg6[%dma_start3A_44, %dma_start3A_45] : memref<8x128xi32, #tpu.memory_space<vmem>> -> memref<1x128xi32, #tpu.memory_space<vmem>>
      %dma_start3A_47 = tpu.memref_squeeze %dma_start3A_46 : memref<1x128xi32, #tpu.memory_space<vmem>> -> memref<128xi32, #tpu.memory_space<vmem>>
      %dma_start3A_48 = arith.constant 0 : i32
      %dma_start3A_49 = arith.constant 0 : i32
      %dma_start3A_50 = tpu.memref_slice %arg4[%dma_start3A_48, %dma_start3A_49] : memref<10000x128xf32, #tpu.memory_space<hbm>> -> memref<10000x128xf32, #tpu.memory_space<hbm>>
      tpu.enqueue_indirect_dma source(%dma_start3A_50 : memref<10000x128xf32, #tpu.memory_space<hbm>>) target(%arg10 : memref<128x128xf32, #tpu.memory_space<vmem>>) offsets(%dma_start3A_47 : memref<128xi32, #tpu.memory_space<vmem>>) semaphore(%arg13 : memref<!tpu.dma_semaphore, #tpu.memory_space<semaphore_mem>>)
      %dma_start3A_51 = arith.constant 1 : i32
      %dma_start3A_52 = arith.constant 0 : i32
      %dma_start3A_53 = tpu.memref_slice %arg6[%dma_start3A_51, %dma_start3A_52] : memref<8x128xi32, #tpu.memory_space<vmem>> -> memref<1x128xi32, #tpu.memory_space<vmem>>
      %dma_start3A_54 = tpu.memref_squeeze %dma_start3A_53 : memref<1x128xi32, #tpu.memory_space<vmem>> -> memref<128xi32, #tpu.memory_space<vmem>>
      %dma_start3A_55 = arith.constant 0 : i32
      %dma_start3A_56 = arith.constant 0 : i32
      %dma_start3A_57 = tpu.memref_slice %arg4[%dma_start3A_55, %dma_start3A_56] : memref<10000x128xf32, #tpu.memory_space<hbm>> -> memref<10000x128xf32, #tpu.memory_space<hbm>>
      tpu.enqueue_indirect_dma source(%dma_start3A_57 : memref<10000x128xf32, #tpu.memory_space<hbm>>) target(%arg11 : memref<128x128xf32, #tpu.memory_space<vmem>>) offsets(%dma_start3A_54 : memref<128xi32, #tpu.memory_space<vmem>>) semaphore(%arg14 : memref<!tpu.dma_semaphore, #tpu.memory_space<semaphore_mem>>)
      %dma_wait3A = arith.constant 0 : i32
      %dma_wait3A_58 = arith.constant 0 : i32
      %dma_wait3A_59 = tpu.memref_slice %arg6[%dma_wait3A, %dma_wait3A_58] : memref<8x128xi32, #tpu.memory_space<vmem>> -> memref<1x128xi32, #tpu.memory_space<vmem>>
      %dma_wait3A_60 = tpu.memref_squeeze %dma_wait3A_59 : memref<1x128xi32, #tpu.memory_space<vmem>> -> memref<128xi32, #tpu.memory_space<vmem>>
      %dma_wait3A_61 = arith.constant 0 : i32
      %dma_wait3A_62 = arith.constant 0 : i32
      %dma_wait3A_63 = tpu.memref_slice %arg4[%dma_wait3A_61, %dma_wait3A_62] : memref<10000x128xf32, #tpu.memory_space<hbm>> -> memref<10000x128xf32, #tpu.memory_space<hbm>>
      tpu.wait_indirect_dma semaphore(%arg13 : memref<!tpu.dma_semaphore, #tpu.memory_space<semaphore_mem>>) src(%dma_wait3A_63 : memref<10000x128xf32, #tpu.memory_space<hbm>>) dst(%arg10 : memref<128x128xf32, #tpu.memory_space<vmem>>)
      %run_scoped3A = arith.constant 0 : i32
      "tpu.region"() ({
        %run_scoped3A_301 = tpu.sem_alloc : memref<!tpu.dma_semaphore, #tpu.memory_space<semaphore_mem>>
        %dma_start3A_302 = arith.constant 0 : i32
        %dma_start3A_303 = tpu.memref_slice %arg7[%run_scoped3A, %dma_start3A_302] : memref<8x128xi32, #tpu.memory_space<vmem>> -> memref<1x128xi32, #tpu.memory_space<vmem>>
        %dma_start3A_304 = tpu.memref_squeeze %dma_start3A_303 : memref<1x128xi32, #tpu.memory_space<vmem>> -> memref<128xi32, #tpu.memory_space<vmem>>
        %dma_start3A_305 = arith.constant 0 : i32
        %dma_start3A_306 = arith.constant 0 : i32
        %dma_start3A_307 = tpu.memref_slice %arg12[%dma_start3A_305, %dma_start3A_306] : memref<10080x128xf32, #tpu.memory_space<vmem_shared>> -> memref<10080x128xf32, #tpu.memory_space<vmem_shared>>
        tpu.enqueue_indirect_dma source(%arg10 : memref<128x128xf32, #tpu.memory_space<vmem>>) target(%dma_start3A_307 : memref<10080x128xf32, #tpu.memory_space<vmem_shared>>) offsets(%dma_start3A_304 : memref<128xi32, #tpu.memory_space<vmem>>) semaphore(%run_scoped3A_301 : memref<!tpu.dma_semaphore, #tpu.memory_space<semaphore_mem>>) {add = true}
        %dma_wait3A_308 = arith.constant 0 : i32
        %dma_wait3A_309 = tpu.memref_slice %arg7[%run_scoped3A, %dma_wait3A_308] : memref<8x128xi32, #tpu.memory_space<vmem>> -> memref<1x128xi32, #tpu.memory_space<vmem>>
        %dma_wait3A_310 = tpu.memref_squeeze %dma_wait3A_309 : memref<1x128xi32, #tpu.memory_space<vmem>> -> memref<128xi32, #tpu.memory_space<vmem>>
        %dma_wait3A_311 = arith.constant 0 : i32
        %dma_wait3A_312 = arith.constant 0 : i32
        %dma_wait3A_313 = tpu.memref_slice %arg12[%dma_wait3A_311, %dma_wait3A_312] : memref<10080x128xf32, #tpu.memory_space<vmem_shared>> -> memref<10080x128xf32, #tpu.memory_space<vmem_shared>>
        tpu.wait_indirect_dma semaphore(%run_scoped3A_301 : memref<!tpu.dma_semaphore, #tpu.memory_space<semaphore_mem>>) src(%arg10 : memref<128x128xf32, #tpu.memory_space<vmem>>) dst(%dma_wait3A_313 : memref<10080x128xf32, #tpu.memory_space<vmem_shared>>)
        tpu.yield
      }) : () -> ()
      %dma_start3A_64 = arith.constant 2 : i32
      %dma_start3A_65 = arith.constant 0 : i32
      %dma_start3A_66 = tpu.memref_slice %arg6[%dma_start3A_64, %dma_start3A_65] : memref<8x128xi32, #tpu.memory_space<vmem>> -> memref<1x128xi32, #tpu.memory_space<vmem>>
      %dma_start3A_67 = tpu.memref_squeeze %dma_start3A_66 : memref<1x128xi32, #tpu.memory_space<vmem>> -> memref<128xi32, #tpu.memory_space<vmem>>
      %dma_start3A_68 = arith.constant 0 : i32
      %dma_start3A_69 = arith.constant 0 : i32
      %dma_start3A_70 = tpu.memref_slice %arg4[%dma_start3A_68, %dma_start3A_69] : memref<10000x128xf32, #tpu.memory_space<hbm>> -> memref<10000x128xf32, #tpu.memory_space<hbm>>
      tpu.enqueue_indirect_dma source(%dma_start3A_70 : memref<10000x128xf32, #tpu.memory_space<hbm>>) target(%arg10 : memref<128x128xf32, #tpu.memory_space<vmem>>) offsets(%dma_start3A_67 : memref<128xi32, #tpu.memory_space<vmem>>) semaphore(%arg13 : memref<!tpu.dma_semaphore, #tpu.memory_space<semaphore_mem>>)
      %dma_wait3A_71 = arith.constant 1 : i32
      %dma_wait3A_72 = arith.constant 0 : i32
      %dma_wait3A_73 = tpu.memref_slice %arg6[%dma_wait3A_71, %dma_wait3A_72] : memref<8x128xi32, #tpu.memory_space<vmem>> -> memref<1x128xi32, #tpu.memory_space<vmem>>
      %dma_wait3A_74 = tpu.memref_squeeze %dma_wait3A_73 : memref<1x128xi32, #tpu.memory_space<vmem>> -> memref<128xi32, #tpu.memory_space<vmem>>
      %dma_wait3A_75 = arith.constant 0 : i32
      %dma_wait3A_76 = arith.constant 0 : i32
      %dma_wait3A_77 = tpu.memref_slice %arg4[%dma_wait3A_75, %dma_wait3A_76] : memref<10000x128xf32, #tpu.memory_space<hbm>> -> memref<10000x128xf32, #tpu.memory_space<hbm>>
      tpu.wait_indirect_dma semaphore(%arg14 : memref<!tpu.dma_semaphore, #tpu.memory_space<semaphore_mem>>) src(%dma_wait3A_77 : memref<10000x128xf32, #tpu.memory_space<hbm>>) dst(%arg11 : memref<128x128xf32, #tpu.memory_space<vmem>>)
      %run_scoped3A_78 = arith.constant 1 : i32
      "tpu.region"() ({
        %run_scoped3A_301 = tpu.sem_alloc : memref<!tpu.dma_semaphore, #tpu.memory_space<semaphore_mem>>
        %dma_start3A_302 = arith.constant 0 : i32
        %dma_start3A_303 = tpu.memref_slice %arg7[%run_scoped3A_78, %dma_start3A_302] : memref<8x128xi32, #tpu.memory_space<vmem>> -> memref<1x128xi32, #tpu.memory_space<vmem>>
        %dma_start3A_304 = tpu.memref_squeeze %dma_start3A_303 : memref<1x128xi32, #tpu.memory_space<vmem>> -> memref<128xi32, #tpu.memory_space<vmem>>
        %dma_start3A_305 = arith.constant 0 : i32
        %dma_start3A_306 = arith.constant 0 : i32
        %dma_start3A_307 = tpu.memref_slice %arg12[%dma_start3A_305, %dma_start3A_306] : memref<10080x128xf32, #tpu.memory_space<vmem_shared>> -> memref<10080x128xf32, #tpu.memory_space<vmem_shared>>
        tpu.enqueue_indirect_dma source(%arg11 : memref<128x128xf32, #tpu.memory_space<vmem>>) target(%dma_start3A_307 : memref<10080x128xf32, #tpu.memory_space<vmem_shared>>) offsets(%dma_start3A_304 : memref<128xi32, #tpu.memory_space<vmem>>) semaphore(%run_scoped3A_301 : memref<!tpu.dma_semaphore, #tpu.memory_space<semaphore_mem>>) {add = true}
        %dma_wait3A_308 = arith.constant 0 : i32
        %dma_wait3A_309 = tpu.memref_slice %arg7[%run_scoped3A_78, %dma_wait3A_308] : memref<8x128xi32, #tpu.memory_space<vmem>> -> memref<1x128xi32, #tpu.memory_space<vmem>>
        %dma_wait3A_310 = tpu.memref_squeeze %dma_wait3A_309 : memref<1x128xi32, #tpu.memory_space<vmem>> -> memref<128xi32, #tpu.memory_space<vmem>>
        %dma_wait3A_311 = arith.constant 0 : i32
        %dma_wait3A_312 = arith.constant 0 : i32
        %dma_wait3A_313 = tpu.memref_slice %arg12[%dma_wait3A_311, %dma_wait3A_312] : memref<10080x128xf32, #tpu.memory_space<vmem_shared>> -> memref<10080x128xf32, #tpu.memory_space<vmem_shared>>
        tpu.wait_indirect_dma semaphore(%run_scoped3A_301 : memref<!tpu.dma_semaphore, #tpu.memory_space<semaphore_mem>>) src(%arg11 : memref<128x128xf32, #tpu.memory_space<vmem>>) dst(%dma_wait3A_313 : memref<10080x128xf32, #tpu.memory_space<vmem_shared>>)
        tpu.yield
      }) : () -> ()
      %dma_start3A_79 = arith.constant 3 : i32
      %dma_start3A_80 = arith.constant 0 : i32
      %dma_start3A_81 = tpu.memref_slice %arg6[%dma_start3A_79, %dma_start3A_80] : memref<8x128xi32, #tpu.memory_space<vmem>> -> memref<1x128xi32, #tpu.memory_space<vmem>>
      %dma_start3A_82 = tpu.memref_squeeze %dma_start3A_81 : memref<1x128xi32, #tpu.memory_space<vmem>> -> memref<128xi32, #tpu.memory_space<vmem>>
      %dma_start3A_83 = arith.constant 0 : i32
      %dma_start3A_84 = arith.constant 0 : i32
      %dma_start3A_85 = tpu.memref_slice %arg4[%dma_start3A_83, %dma_start3A_84] : memref<10000x128xf32, #tpu.memory_space<hbm>> -> memref<10000x128xf32, #tpu.memory_space<hbm>>
      tpu.enqueue_indirect_dma source(%dma_start3A_85 : memref<10000x128xf32, #tpu.memory_space<hbm>>) target(%arg11 : memref<128x128xf32, #tpu.memory_space<vmem>>) offsets(%dma_start3A_82 : memref<128xi32, #tpu.memory_space<vmem>>) semaphore(%arg14 : memref<!tpu.dma_semaphore, #tpu.memory_space<semaphore_mem>>)
      %dma_wait3A_86 = arith.constant 2 : i32
      %dma_wait3A_87 = arith.constant 0 : i32
      %dma_wait3A_88 = tpu.memref_slice %arg6[%dma_wait3A_86, %dma_wait3A_87] : memref<8x128xi32, #tpu.memory_space<vmem>> -> memref<1x128xi32, #tpu.memory_space<vmem>>
      %dma_wait3A_89 = tpu.memref_squeeze %dma_wait3A_88 : memref<1x128xi32, #tpu.memory_space<vmem>> -> memref<128xi32, #tpu.memory_space<vmem>>
      %dma_wait3A_90 = arith.constant 0 : i32
      %dma_wait3A_91 = arith.constant 0 : i32
      %dma_wait3A_92 = tpu.memref_slice %arg4[%dma_wait3A_90, %dma_wait3A_91] : memref<10000x128xf32, #tpu.memory_space<hbm>> -> memref<10000x128xf32, #tpu.memory_space<hbm>>
      tpu.wait_indirect_dma semaphore(%arg13 : memref<!tpu.dma_semaphore, #tpu.memory_space<semaphore_mem>>) src(%dma_wait3A_92 : memref<10000x128xf32, #tpu.memory_space<hbm>>) dst(%arg10 : memref<128x128xf32, #tpu.memory_space<vmem>>)
      %run_scoped3A_93 = arith.constant 2 : i32
      "tpu.region"() ({
        %run_scoped3A_301 = tpu.sem_alloc : memref<!tpu.dma_semaphore, #tpu.memory_space<semaphore_mem>>
        %dma_start3A_302 = arith.constant 0 : i32
        %dma_start3A_303 = tpu.memref_slice %arg7[%run_scoped3A_93, %dma_start3A_302] : memref<8x128xi32, #tpu.memory_space<vmem>> -> memref<1x128xi32, #tpu.memory_space<vmem>>
        %dma_start3A_304 = tpu.memref_squeeze %dma_start3A_303 : memref<1x128xi32, #tpu.memory_space<vmem>> -> memref<128xi32, #tpu.memory_space<vmem>>
        %dma_start3A_305 = arith.constant 0 : i32
        %dma_start3A_306 = arith.constant 0 : i32
        %dma_start3A_307 = tpu.memref_slice %arg12[%dma_start3A_305, %dma_start3A_306] : memref<10080x128xf32, #tpu.memory_space<vmem_shared>> -> memref<10080x128xf32, #tpu.memory_space<vmem_shared>>
        tpu.enqueue_indirect_dma source(%arg10 : memref<128x128xf32, #tpu.memory_space<vmem>>) target(%dma_start3A_307 : memref<10080x128xf32, #tpu.memory_space<vmem_shared>>) offsets(%dma_start3A_304 : memref<128xi32, #tpu.memory_space<vmem>>) semaphore(%run_scoped3A_301 : memref<!tpu.dma_semaphore, #tpu.memory_space<semaphore_mem>>) {add = true}
        %dma_wait3A_308 = arith.constant 0 : i32
        %dma_wait3A_309 = tpu.memref_slice %arg7[%run_scoped3A_93, %dma_wait3A_308] : memref<8x128xi32, #tpu.memory_space<vmem>> -> memref<1x128xi32, #tpu.memory_space<vmem>>
        %dma_wait3A_310 = tpu.memref_squeeze %dma_wait3A_309 : memref<1x128xi32, #tpu.memory_space<vmem>> -> memref<128xi32, #tpu.memory_space<vmem>>
        %dma_wait3A_311 = arith.constant 0 : i32
        %dma_wait3A_312 = arith.constant 0 : i32
        %dma_wait3A_313 = tpu.memref_slice %arg12[%dma_wait3A_311, %dma_wait3A_312] : memref<10080x128xf32, #tpu.memory_space<vmem_shared>> -> memref<10080x128xf32, #tpu.memory_space<vmem_shared>>
        tpu.wait_indirect_dma semaphore(%run_scoped3A_301 : memref<!tpu.dma_semaphore, #tpu.memory_space<semaphore_mem>>) src(%arg10 : memref<128x128xf32, #tpu.memory_space<vmem>>) dst(%dma_wait3A_313 : memref<10080x128xf32, #tpu.memory_space<vmem_shared>>)
        tpu.yield
      }) : () -> ()
      %dma_start3A_94 = arith.constant 4 : i32
      %dma_start3A_95 = arith.constant 0 : i32
      %dma_start3A_96 = tpu.memref_slice %arg6[%dma_start3A_94, %dma_start3A_95] : memref<8x128xi32, #tpu.memory_space<vmem>> -> memref<1x128xi32, #tpu.memory_space<vmem>>
      %dma_start3A_97 = tpu.memref_squeeze %dma_start3A_96 : memref<1x128xi32, #tpu.memory_space<vmem>> -> memref<128xi32, #tpu.memory_space<vmem>>
      %dma_start3A_98 = arith.constant 0 : i32
      %dma_start3A_99 = arith.constant 0 : i32
      %dma_start3A_100 = tpu.memref_slice %arg4[%dma_start3A_98, %dma_start3A_99] : memref<10000x128xf32, #tpu.memory_space<hbm>> -> memref<10000x128xf32, #tpu.memory_space<hbm>>
      tpu.enqueue_indirect_dma source(%dma_start3A_100 : memref<10000x128xf32, #tpu.memory_space<hbm>>) target(%arg10 : memref<128x128xf32, #tpu.memory_space<vmem>>) offsets(%dma_start3A_97 : memref<128xi32, #tpu.memory_space<vmem>>) semaphore(%arg13 : memref<!tpu.dma_semaphore, #tpu.memory_space<semaphore_mem>>)
      %dma_wait3A_101 = arith.constant 3 : i32
      %dma_wait3A_102 = arith.constant 0 : i32
      %dma_wait3A_103 = tpu.memref_slice %arg6[%dma_wait3A_101, %dma_wait3A_102] : memref<8x128xi32, #tpu.memory_space<vmem>> -> memref<1x128xi32, #tpu.memory_space<vmem>>
      %dma_wait3A_104 = tpu.memref_squeeze %dma_wait3A_103 : memref<1x128xi32, #tpu.memory_space<vmem>> -> memref<128xi32, #tpu.memory_space<vmem>>
      %dma_wait3A_105 = arith.constant 0 : i32
      %dma_wait3A_106 = arith.constant 0 : i32
      %dma_wait3A_107 = tpu.memref_slice %arg4[%dma_wait3A_105, %dma_wait3A_106] : memref<10000x128xf32, #tpu.memory_space<hbm>> -> memref<10000x128xf32, #tpu.memory_space<hbm>>
      tpu.wait_indirect_dma semaphore(%arg14 : memref<!tpu.dma_semaphore, #tpu.memory_space<semaphore_mem>>) src(%dma_wait3A_107 : memref<10000x128xf32, #tpu.memory_space<hbm>>) dst(%arg11 : memref<128x128xf32, #tpu.memory_space<vmem>>)
      %run_scoped3A_108 = arith.constant 3 : i32
      "tpu.region"() ({
        %run_scoped3A_301 = tpu.sem_alloc : memref<!tpu.dma_semaphore, #tpu.memory_space<semaphore_mem>>
        %dma_start3A_302 = arith.constant 0 : i32
        %dma_start3A_303 = tpu.memref_slice %arg7[%run_scoped3A_108, %dma_start3A_302] : memref<8x128xi32, #tpu.memory_space<vmem>> -> memref<1x128xi32, #tpu.memory_space<vmem>>
        %dma_start3A_304 = tpu.memref_squeeze %dma_start3A_303 : memref<1x128xi32, #tpu.memory_space<vmem>> -> memref<128xi32, #tpu.memory_space<vmem>>
        %dma_start3A_305 = arith.constant 0 : i32
        %dma_start3A_306 = arith.constant 0 : i32
        %dma_start3A_307 = tpu.memref_slice %arg12[%dma_start3A_305, %dma_start3A_306] : memref<10080x128xf32, #tpu.memory_space<vmem_shared>> -> memref<10080x128xf32, #tpu.memory_space<vmem_shared>>
        tpu.enqueue_indirect_dma source(%arg11 : memref<128x128xf32, #tpu.memory_space<vmem>>) target(%dma_start3A_307 : memref<10080x128xf32, #tpu.memory_space<vmem_shared>>) offsets(%dma_start3A_304 : memref<128xi32, #tpu.memory_space<vmem>>) semaphore(%run_scoped3A_301 : memref<!tpu.dma_semaphore, #tpu.memory_space<semaphore_mem>>) {add = true}
        %dma_wait3A_308 = arith.constant 0 : i32
        %dma_wait3A_309 = tpu.memref_slice %arg7[%run_scoped3A_108, %dma_wait3A_308] : memref<8x128xi32, #tpu.memory_space<vmem>> -> memref<1x128xi32, #tpu.memory_space<vmem>>
        %dma_wait3A_310 = tpu.memref_squeeze %dma_wait3A_309 : memref<1x128xi32, #tpu.memory_space<vmem>> -> memref<128xi32, #tpu.memory_space<vmem>>
        %dma_wait3A_311 = arith.constant 0 : i32
        %dma_wait3A_312 = arith.constant 0 : i32
        %dma_wait3A_313 = tpu.memref_slice %arg12[%dma_wait3A_311, %dma_wait3A_312] : memref<10080x128xf32, #tpu.memory_space<vmem_shared>> -> memref<10080x128xf32, #tpu.memory_space<vmem_shared>>
        tpu.wait_indirect_dma semaphore(%run_scoped3A_301 : memref<!tpu.dma_semaphore, #tpu.memory_space<semaphore_mem>>) src(%arg11 : memref<128x128xf32, #tpu.memory_space<vmem>>) dst(%dma_wait3A_313 : memref<10080x128xf32, #tpu.memory_space<vmem_shared>>)
        tpu.yield
      }) : () -> ()
      %dma_start3A_109 = arith.constant 5 : i32
      %dma_start3A_110 = arith.constant 0 : i32
      %dma_start3A_111 = tpu.memref_slice %arg6[%dma_start3A_109, %dma_start3A_110] : memref<8x128xi32, #tpu.memory_space<vmem>> -> memref<1x128xi32, #tpu.memory_space<vmem>>
      %dma_start3A_112 = tpu.memref_squeeze %dma_start3A_111 : memref<1x128xi32, #tpu.memory_space<vmem>> -> memref<128xi32, #tpu.memory_space<vmem>>
      %dma_start3A_113 = arith.constant 0 : i32
      %dma_start3A_114 = arith.constant 0 : i32
      %dma_start3A_115 = tpu.memref_slice %arg4[%dma_start3A_113, %dma_start3A_114] : memref<10000x128xf32, #tpu.memory_space<hbm>> -> memref<10000x128xf32, #tpu.memory_space<hbm>>
      tpu.enqueue_indirect_dma source(%dma_start3A_115 : memref<10000x128xf32, #tpu.memory_space<hbm>>) target(%arg11 : memref<128x128xf32, #tpu.memory_space<vmem>>) offsets(%dma_start3A_112 : memref<128xi32, #tpu.memory_space<vmem>>) semaphore(%arg14 : memref<!tpu.dma_semaphore, #tpu.memory_space<semaphore_mem>>)
      %dma_wait3A_116 = arith.constant 4 : i32
      %dma_wait3A_117 = arith.constant 0 : i32
      %dma_wait3A_118 = tpu.memref_slice %arg6[%dma_wait3A_116, %dma_wait3A_117] : memref<8x128xi32, #tpu.memory_space<vmem>> -> memref<1x128xi32, #tpu.memory_space<vmem>>
      %dma_wait3A_119 = tpu.memref_squeeze %dma_wait3A_118 : memref<1x128xi32, #tpu.memory_space<vmem>> -> memref<128xi32, #tpu.memory_space<vmem>>
      %dma_wait3A_120 = arith.constant 0 : i32
      %dma_wait3A_121 = arith.constant 0 : i32
      %dma_wait3A_122 = tpu.memref_slice %arg4[%dma_wait3A_120, %dma_wait3A_121] : memref<10000x128xf32, #tpu.memory_space<hbm>> -> memref<10000x128xf32, #tpu.memory_space<hbm>>
      tpu.wait_indirect_dma semaphore(%arg13 : memref<!tpu.dma_semaphore, #tpu.memory_space<semaphore_mem>>) src(%dma_wait3A_122 : memref<10000x128xf32, #tpu.memory_space<hbm>>) dst(%arg10 : memref<128x128xf32, #tpu.memory_space<vmem>>)
      %run_scoped3A_123 = arith.constant 4 : i32
      "tpu.region"() ({
        %run_scoped3A_301 = tpu.sem_alloc : memref<!tpu.dma_semaphore, #tpu.memory_space<semaphore_mem>>
        %dma_start3A_302 = arith.constant 0 : i32
        %dma_start3A_303 = tpu.memref_slice %arg7[%run_scoped3A_123, %dma_start3A_302] : memref<8x128xi32, #tpu.memory_space<vmem>> -> memref<1x128xi32, #tpu.memory_space<vmem>>
        %dma_start3A_304 = tpu.memref_squeeze %dma_start3A_303 : memref<1x128xi32, #tpu.memory_space<vmem>> -> memref<128xi32, #tpu.memory_space<vmem>>
        %dma_start3A_305 = arith.constant 0 : i32
        %dma_start3A_306 = arith.constant 0 : i32
        %dma_start3A_307 = tpu.memref_slice %arg12[%dma_start3A_305, %dma_start3A_306] : memref<10080x128xf32, #tpu.memory_space<vmem_shared>> -> memref<10080x128xf32, #tpu.memory_space<vmem_shared>>
        tpu.enqueue_indirect_dma source(%arg10 : memref<128x128xf32, #tpu.memory_space<vmem>>) target(%dma_start3A_307 : memref<10080x128xf32, #tpu.memory_space<vmem_shared>>) offsets(%dma_start3A_304 : memref<128xi32, #tpu.memory_space<vmem>>) semaphore(%run_scoped3A_301 : memref<!tpu.dma_semaphore, #tpu.memory_space<semaphore_mem>>) {add = true}
        %dma_wait3A_308 = arith.constant 0 : i32
        %dma_wait3A_309 = tpu.memref_slice %arg7[%run_scoped3A_123, %dma_wait3A_308] : memref<8x128xi32, #tpu.memory_space<vmem>> -> memref<1x128xi32, #tpu.memory_space<vmem>>
        %dma_wait3A_310 = tpu.memref_squeeze %dma_wait3A_309 : memref<1x128xi32, #tpu.memory_space<vmem>> -> memref<128xi32, #tpu.memory_space<vmem>>
        %dma_wait3A_311 = arith.constant 0 : i32
        %dma_wait3A_312 = arith.constant 0 : i32
        %dma_wait3A_313 = tpu.memref_slice %arg12[%dma_wait3A_311, %dma_wait3A_312] : memref<10080x128xf32, #tpu.memory_space<vmem_shared>> -> memref<10080x128xf32, #tpu.memory_space<vmem_shared>>
        tpu.wait_indirect_dma semaphore(%run_scoped3A_301 : memref<!tpu.dma_semaphore, #tpu.memory_space<semaphore_mem>>) src(%arg10 : memref<128x128xf32, #tpu.memory_space<vmem>>) dst(%dma_wait3A_313 : memref<10080x128xf32, #tpu.memory_space<vmem_shared>>)
        tpu.yield
      }) : () -> ()
      %dma_start3A_124 = arith.constant 6 : i32
      %dma_start3A_125 = arith.constant 0 : i32
      %dma_start3A_126 = tpu.memref_slice %arg6[%dma_start3A_124, %dma_start3A_125] : memref<8x128xi32, #tpu.memory_space<vmem>> -> memref<1x128xi32, #tpu.memory_space<vmem>>
      %dma_start3A_127 = tpu.memref_squeeze %dma_start3A_126 : memref<1x128xi32, #tpu.memory_space<vmem>> -> memref<128xi32, #tpu.memory_space<vmem>>
      %dma_start3A_128 = arith.constant 0 : i32
      %dma_start3A_129 = arith.constant 0 : i32
      %dma_start3A_130 = tpu.memref_slice %arg4[%dma_start3A_128, %dma_start3A_129] : memref<10000x128xf32, #tpu.memory_space<hbm>> -> memref<10000x128xf32, #tpu.memory_space<hbm>>
      tpu.enqueue_indirect_dma source(%dma_start3A_130 : memref<10000x128xf32, #tpu.memory_space<hbm>>) target(%arg10 : memref<128x128xf32, #tpu.memory_space<vmem>>) offsets(%dma_start3A_127 : memref<128xi32, #tpu.memory_space<vmem>>) semaphore(%arg13 : memref<!tpu.dma_semaphore, #tpu.memory_space<semaphore_mem>>)
      %dma_wait3A_131 = arith.constant 5 : i32
      %dma_wait3A_132 = arith.constant 0 : i32
      %dma_wait3A_133 = tpu.memref_slice %arg6[%dma_wait3A_131, %dma_wait3A_132] : memref<8x128xi32, #tpu.memory_space<vmem>> -> memref<1x128xi32, #tpu.memory_space<vmem>>
      %dma_wait3A_134 = tpu.memref_squeeze %dma_wait3A_133 : memref<1x128xi32, #tpu.memory_space<vmem>> -> memref<128xi32, #tpu.memory_space<vmem>>
      %dma_wait3A_135 = arith.constant 0 : i32
      %dma_wait3A_136 = arith.constant 0 : i32
      %dma_wait3A_137 = tpu.memref_slice %arg4[%dma_wait3A_135, %dma_wait3A_136] : memref<10000x128xf32, #tpu.memory_space<hbm>> -> memref<10000x128xf32, #tpu.memory_space<hbm>>
      tpu.wait_indirect_dma semaphore(%arg14 : memref<!tpu.dma_semaphore, #tpu.memory_space<semaphore_mem>>) src(%dma_wait3A_137 : memref<10000x128xf32, #tpu.memory_space<hbm>>) dst(%arg11 : memref<128x128xf32, #tpu.memory_space<vmem>>)
      %run_scoped3A_138 = arith.constant 5 : i32
      "tpu.region"() ({
        %run_scoped3A_301 = tpu.sem_alloc : memref<!tpu.dma_semaphore, #tpu.memory_space<semaphore_mem>>
        %dma_start3A_302 = arith.constant 0 : i32
        %dma_start3A_303 = tpu.memref_slice %arg7[%run_scoped3A_138, %dma_start3A_302] : memref<8x128xi32, #tpu.memory_space<vmem>> -> memref<1x128xi32, #tpu.memory_space<vmem>>
        %dma_start3A_304 = tpu.memref_squeeze %dma_start3A_303 : memref<1x128xi32, #tpu.memory_space<vmem>> -> memref<128xi32, #tpu.memory_space<vmem>>
        %dma_start3A_305 = arith.constant 0 : i32
        %dma_start3A_306 = arith.constant 0 : i32
        %dma_start3A_307 = tpu.memref_slice %arg12[%dma_start3A_305, %dma_start3A_306] : memref<10080x128xf32, #tpu.memory_space<vmem_shared>> -> memref<10080x128xf32, #tpu.memory_space<vmem_shared>>
        tpu.enqueue_indirect_dma source(%arg11 : memref<128x128xf32, #tpu.memory_space<vmem>>) target(%dma_start3A_307 : memref<10080x128xf32, #tpu.memory_space<vmem_shared>>) offsets(%dma_start3A_304 : memref<128xi32, #tpu.memory_space<vmem>>) semaphore(%run_scoped3A_301 : memref<!tpu.dma_semaphore, #tpu.memory_space<semaphore_mem>>) {add = true}
        %dma_wait3A_308 = arith.constant 0 : i32
        %dma_wait3A_309 = tpu.memref_slice %arg7[%run_scoped3A_138, %dma_wait3A_308] : memref<8x128xi32, #tpu.memory_space<vmem>> -> memref<1x128xi32, #tpu.memory_space<vmem>>
        %dma_wait3A_310 = tpu.memref_squeeze %dma_wait3A_309 : memref<1x128xi32, #tpu.memory_space<vmem>> -> memref<128xi32, #tpu.memory_space<vmem>>
        %dma_wait3A_311 = arith.constant 0 : i32
        %dma_wait3A_312 = arith.constant 0 : i32
        %dma_wait3A_313 = tpu.memref_slice %arg12[%dma_wait3A_311, %dma_wait3A_312] : memref<10080x128xf32, #tpu.memory_space<vmem_shared>> -> memref<10080x128xf32, #tpu.memory_space<vmem_shared>>
        tpu.wait_indirect_dma semaphore(%run_scoped3A_301 : memref<!tpu.dma_semaphore, #tpu.memory_space<semaphore_mem>>) src(%arg11 : memref<128x128xf32, #tpu.memory_space<vmem>>) dst(%dma_wait3A_313 : memref<10080x128xf32, #tpu.memory_space<vmem_shared>>)
        tpu.yield
      }) : () -> ()
      %dma_start3A_139 = arith.constant 7 : i32
      %dma_start3A_140 = arith.constant 0 : i32
      %dma_start3A_141 = tpu.memref_slice %arg6[%dma_start3A_139, %dma_start3A_140] : memref<8x128xi32, #tpu.memory_space<vmem>> -> memref<1x128xi32, #tpu.memory_space<vmem>>
      %dma_start3A_142 = tpu.memref_squeeze %dma_start3A_141 : memref<1x128xi32, #tpu.memory_space<vmem>> -> memref<128xi32, #tpu.memory_space<vmem>>
      %dma_start3A_143 = arith.constant 0 : i32
      %dma_start3A_144 = arith.constant 0 : i32
      %dma_start3A_145 = tpu.memref_slice %arg4[%dma_start3A_143, %dma_start3A_144] : memref<10000x128xf32, #tpu.memory_space<hbm>> -> memref<10000x128xf32, #tpu.memory_space<hbm>>
      tpu.enqueue_indirect_dma source(%dma_start3A_145 : memref<10000x128xf32, #tpu.memory_space<hbm>>) target(%arg11 : memref<128x128xf32, #tpu.memory_space<vmem>>) offsets(%dma_start3A_142 : memref<128xi32, #tpu.memory_space<vmem>>) semaphore(%arg14 : memref<!tpu.dma_semaphore, #tpu.memory_space<semaphore_mem>>)
      %dma_wait3A_146 = arith.constant 6 : i32
      %dma_wait3A_147 = arith.constant 0 : i32
      %dma_wait3A_148 = tpu.memref_slice %arg6[%dma_wait3A_146, %dma_wait3A_147] : memref<8x128xi32, #tpu.memory_space<vmem>> -> memref<1x128xi32, #tpu.memory_space<vmem>>
      %dma_wait3A_149 = tpu.memref_squeeze %dma_wait3A_148 : memref<1x128xi32, #tpu.memory_space<vmem>> -> memref<128xi32, #tpu.memory_space<vmem>>
      %dma_wait3A_150 = arith.constant 0 : i32
      %dma_wait3A_151 = arith.constant 0 : i32
      %dma_wait3A_152 = tpu.memref_slice %arg4[%dma_wait3A_150, %dma_wait3A_151] : memref<10000x128xf32, #tpu.memory_space<hbm>> -> memref<10000x128xf32, #tpu.memory_space<hbm>>
      tpu.wait_indirect_dma semaphore(%arg13 : memref<!tpu.dma_semaphore, #tpu.memory_space<semaphore_mem>>) src(%dma_wait3A_152 : memref<10000x128xf32, #tpu.memory_space<hbm>>) dst(%arg10 : memref<128x128xf32, #tpu.memory_space<vmem>>)
      %run_scoped3A_153 = arith.constant 6 : i32
      "tpu.region"() ({
        %run_scoped3A_301 = tpu.sem_alloc : memref<!tpu.dma_semaphore, #tpu.memory_space<semaphore_mem>>
        %dma_start3A_302 = arith.constant 0 : i32
        %dma_start3A_303 = tpu.memref_slice %arg7[%run_scoped3A_153, %dma_start3A_302] : memref<8x128xi32, #tpu.memory_space<vmem>> -> memref<1x128xi32, #tpu.memory_space<vmem>>
        %dma_start3A_304 = tpu.memref_squeeze %dma_start3A_303 : memref<1x128xi32, #tpu.memory_space<vmem>> -> memref<128xi32, #tpu.memory_space<vmem>>
        %dma_start3A_305 = arith.constant 0 : i32
        %dma_start3A_306 = arith.constant 0 : i32
        %dma_start3A_307 = tpu.memref_slice %arg12[%dma_start3A_305, %dma_start3A_306] : memref<10080x128xf32, #tpu.memory_space<vmem_shared>> -> memref<10080x128xf32, #tpu.memory_space<vmem_shared>>
        tpu.enqueue_indirect_dma source(%arg10 : memref<128x128xf32, #tpu.memory_space<vmem>>) target(%dma_start3A_307 : memref<10080x128xf32, #tpu.memory_space<vmem_shared>>) offsets(%dma_start3A_304 : memref<128xi32, #tpu.memory_space<vmem>>) semaphore(%run_scoped3A_301 : memref<!tpu.dma_semaphore, #tpu.memory_space<semaphore_mem>>) {add = true}
        %dma_wait3A_308 = arith.constant 0 : i32
        %dma_wait3A_309 = tpu.memref_slice %arg7[%run_scoped3A_153, %dma_wait3A_308] : memref<8x128xi32, #tpu.memory_space<vmem>> -> memref<1x128xi32, #tpu.memory_space<vmem>>
        %dma_wait3A_310 = tpu.memref_squeeze %dma_wait3A_309 : memref<1x128xi32, #tpu.memory_space<vmem>> -> memref<128xi32, #tpu.memory_space<vmem>>
        %dma_wait3A_311 = arith.constant 0 : i32
        %dma_wait3A_312 = arith.constant 0 : i32
        %dma_wait3A_313 = tpu.memref_slice %arg12[%dma_wait3A_311, %dma_wait3A_312] : memref<10080x128xf32, #tpu.memory_space<vmem_shared>> -> memref<10080x128xf32, #tpu.memory_space<vmem_shared>>
        tpu.wait_indirect_dma semaphore(%run_scoped3A_301 : memref<!tpu.dma_semaphore, #tpu.memory_space<semaphore_mem>>) src(%arg10 : memref<128x128xf32, #tpu.memory_space<vmem>>) dst(%dma_wait3A_313 : memref<10080x128xf32, #tpu.memory_space<vmem_shared>>)
        tpu.yield
      }) : () -> ()
      %dma_wait3A_154 = arith.constant 7 : i32
      %dma_wait3A_155 = arith.constant 0 : i32
      %dma_wait3A_156 = tpu.memref_slice %arg6[%dma_wait3A_154, %dma_wait3A_155] : memref<8x128xi32, #tpu.memory_space<vmem>> -> memref<1x128xi32, #tpu.memory_space<vmem>>
      %dma_wait3A_157 = tpu.memref_squeeze %dma_wait3A_156 : memref<1x128xi32, #tpu.memory_space<vmem>> -> memref<128xi32, #tpu.memory_space<vmem>>
      %dma_wait3A_158 = arith.constant 0 : i32
      %dma_wait3A_159 = arith.constant 0 : i32
      %dma_wait3A_160 = tpu.memref_slice %arg4[%dma_wait3A_158, %dma_wait3A_159] : memref<10000x128xf32, #tpu.memory_space<hbm>> -> memref<10000x128xf32, #tpu.memory_space<hbm>>
      tpu.wait_indirect_dma semaphore(%arg14 : memref<!tpu.dma_semaphore, #tpu.memory_space<semaphore_mem>>) src(%dma_wait3A_160 : memref<10000x128xf32, #tpu.memory_space<hbm>>) dst(%arg11 : memref<128x128xf32, #tpu.memory_space<vmem>>)
      %run_scoped3A_161 = arith.constant 7 : i32
      "tpu.region"() ({
        %run_scoped3A_301 = tpu.sem_alloc : memref<!tpu.dma_semaphore, #tpu.memory_space<semaphore_mem>>
        %dma_start3A_302 = arith.constant 0 : i32
        %dma_start3A_303 = tpu.memref_slice %arg7[%run_scoped3A_161, %dma_start3A_302] : memref<8x128xi32, #tpu.memory_space<vmem>> -> memref<1x128xi32, #tpu.memory_space<vmem>>
        %dma_start3A_304 = tpu.memref_squeeze %dma_start3A_303 : memref<1x128xi32, #tpu.memory_space<vmem>> -> memref<128xi32, #tpu.memory_space<vmem>>
        %dma_start3A_305 = arith.constant 0 : i32
        %dma_start3A_306 = arith.constant 0 : i32
        %dma_start3A_307 = tpu.memref_slice %arg12[%dma_start3A_305, %dma_start3A_306] : memref<10080x128xf32, #tpu.memory_space<vmem_shared>> -> memref<10080x128xf32, #tpu.memory_space<vmem_shared>>
        tpu.enqueue_indirect_dma source(%arg11 : memref<128x128xf32, #tpu.memory_space<vmem>>) target(%dma_start3A_307 : memref<10080x128xf32, #tpu.memory_space<vmem_shared>>) offsets(%dma_start3A_304 : memref<128xi32, #tpu.memory_space<vmem>>) semaphore(%run_scoped3A_301 : memref<!tpu.dma_semaphore, #tpu.memory_space<semaphore_mem>>) {add = true}
        %dma_wait3A_308 = arith.constant 0 : i32
        %dma_wait3A_309 = tpu.memref_slice %arg7[%run_scoped3A_161, %dma_wait3A_308] : memref<8x128xi32, #tpu.memory_space<vmem>> -> memref<1x128xi32, #tpu.memory_space<vmem>>
        %dma_wait3A_310 = tpu.memref_squeeze %dma_wait3A_309 : memref<1x128xi32, #tpu.memory_space<vmem>> -> memref<128xi32, #tpu.memory_space<vmem>>
        %dma_wait3A_311 = arith.constant 0 : i32
        %dma_wait3A_312 = arith.constant 0 : i32
        %dma_wait3A_313 = tpu.memref_slice %arg12[%dma_wait3A_311, %dma_wait3A_312] : memref<10080x128xf32, #tpu.memory_space<vmem_shared>> -> memref<10080x128xf32, #tpu.memory_space<vmem_shared>>
        tpu.wait_indirect_dma semaphore(%run_scoped3A_301 : memref<!tpu.dma_semaphore, #tpu.memory_space<semaphore_mem>>) src(%arg11 : memref<128x128xf32, #tpu.memory_space<vmem>>) dst(%dma_wait3A_313 : memref<10080x128xf32, #tpu.memory_space<vmem_shared>>)
        tpu.yield
      }) : () -> ()
      %add3A_162 = arith.constant 8 : i32
      %add3A_163 = arith.addi %add3A_32, %add3A_162 : i32
      %dma_wait3A_164 = arith.constant 0 : i32
      %dma_wait3A_165 = tpu.memref_slice %arg2[%add3A_163, %dma_wait3A_164] : memref<2560x128xi32, #tpu.memory_space<hbm>> -> memref<8x128xi32, #tpu.memory_space<hbm>>
      %dma_wait3A_166 = arith.constant 0 : i32
      %dma_wait3A_167 = tpu.memref_slice %arg2[%add3A_163, %dma_wait3A_166] : memref<2560x128xi32, #tpu.memory_space<hbm>> -> memref<8x128xi32, #tpu.memory_space<hbm>>
      tpu.wait_dma2 semaphore(%arg16 : memref<!tpu.dma_semaphore, #tpu.memory_space<semaphore_mem>>) src(%dma_wait3A_167 : memref<8x128xi32, #tpu.memory_space<hbm>>) dst(%arg8 : memref<8x128xi32, #tpu.memory_space<vmem>>)
      %add3A_168 = arith.constant 8 : i32
      %add3A_169 = arith.addi %add3A_32, %add3A_168 : i32
      %dma_wait3A_170 = arith.constant 0 : i32
      %dma_wait3A_171 = tpu.memref_slice %arg3[%add3A_169, %dma_wait3A_170] : memref<2560x128xi32, #tpu.memory_space<hbm>> -> memref<8x128xi32, #tpu.memory_space<hbm>>
      %dma_wait3A_172 = arith.constant 0 : i32
      %dma_wait3A_173 = tpu.memref_slice %arg3[%add3A_169, %dma_wait3A_172] : memref<2560x128xi32, #tpu.memory_space<hbm>> -> memref<8x128xi32, #tpu.memory_space<hbm>>
      tpu.wait_dma2 semaphore(%arg16 : memref<!tpu.dma_semaphore, #tpu.memory_space<semaphore_mem>>) src(%dma_wait3A_173 : memref<8x128xi32, #tpu.memory_space<hbm>>) dst(%arg9 : memref<8x128xi32, #tpu.memory_space<vmem>>)
      %lt3A = arith.constant 4 : i32
      %lt3A_174 = arith.cmpi slt, %scan3A_27, %lt3A : i32
      %convert_element_type3A = arith.extui %lt3A_174 : i1 to i32
      %cond3A = arith.constant 0 : i32
      %cond3A_175 = arith.cmpi ne, %convert_element_type3A, %cond3A : i32
      scf.if %cond3A_175 {
        %add3A_301 = arith.constant 16 : i32
        %add3A_302 = arith.addi %add3A_32, %add3A_301 : i32
        %dma_start3A_303 = arith.constant 0 : i32
        %dma_start3A_304 = tpu.memref_slice %arg2[%add3A_302, %dma_start3A_303] : memref<2560x128xi32, #tpu.memory_space<hbm>> -> memref<8x128xi32, #tpu.memory_space<hbm>>
        %dma_start3A_305 = arith.constant 0 : i32
        %dma_start3A_306 = tpu.memref_slice %arg2[%add3A_302, %dma_start3A_305] : memref<2560x128xi32, #tpu.memory_space<hbm>> -> memref<8x128xi32, #tpu.memory_space<hbm>>
        tpu.enqueue_dma source(%dma_start3A_306 : memref<8x128xi32, #tpu.memory_space<hbm>>) target(%arg6 : memref<8x128xi32, #tpu.memory_space<vmem>>) target_semaphore(%arg15 : memref<!tpu.dma_semaphore, #tpu.memory_space<semaphore_mem>>)
        %add3A_307 = arith.constant 16 : i32
        %add3A_308 = arith.addi %add3A_32, %add3A_307 : i32
        %dma_start3A_309 = arith.constant 0 : i32
        %dma_start3A_310 = tpu.memref_slice %arg3[%add3A_308, %dma_start3A_309] : memref<2560x128xi32, #tpu.memory_space<hbm>> -> memref<8x128xi32, #tpu.memory_space<hbm>>
        %dma_start3A_311 = arith.constant 0 : i32
        %dma_start3A_312 = tpu.memref_slice %arg3[%add3A_308, %dma_start3A_311] : memref<2560x128xi32, #tpu.memory_space<hbm>> -> memref<8x128xi32, #tpu.memory_space<hbm>>
        tpu.enqueue_dma source(%dma_start3A_312 : memref<8x128xi32, #tpu.memory_space<hbm>>) target(%arg7 : memref<8x128xi32, #tpu.memory_space<vmem>>) target_semaphore(%arg15 : memref<!tpu.dma_semaphore, #tpu.memory_space<semaphore_mem>>)
      } else {
      }
      %dma_start3A_176 = arith.constant 0 : i32
      %dma_start3A_177 = arith.constant 0 : i32
      %dma_start3A_178 = tpu.memref_slice %arg8[%dma_start3A_176, %dma_start3A_177] : memref<8x128xi32, #tpu.memory_space<vmem>> -> memref<1x128xi32, #tpu.memory_space<vmem>>
      %dma_start3A_179 = tpu.memref_squeeze %dma_start3A_178 : memref<1x128xi32, #tpu.memory_space<vmem>> -> memref<128xi32, #tpu.memory_space<vmem>>
      %dma_start3A_180 = arith.constant 0 : i32
      %dma_start3A_181 = arith.constant 0 : i32
      %dma_start3A_182 = tpu.memref_slice %arg4[%dma_start3A_180, %dma_start3A_181] : memref<10000x128xf32, #tpu.memory_space<hbm>> -> memref<10000x128xf32, #tpu.memory_space<hbm>>
      tpu.enqueue_indirect_dma source(%dma_start3A_182 : memref<10000x128xf32, #tpu.memory_space<hbm>>) target(%arg10 : memref<128x128xf32, #tpu.memory_space<vmem>>) offsets(%dma_start3A_179 : memref<128xi32, #tpu.memory_space<vmem>>) semaphore(%arg13 : memref<!tpu.dma_semaphore, #tpu.memory_space<semaphore_mem>>)
      %dma_start3A_183 = arith.constant 1 : i32
      %dma_start3A_184 = arith.constant 0 : i32
      %dma_start3A_185 = tpu.memref_slice %arg8[%dma_start3A_183, %dma_start3A_184] : memref<8x128xi32, #tpu.memory_space<vmem>> -> memref<1x128xi32, #tpu.memory_space<vmem>>
      %dma_start3A_186 = tpu.memref_squeeze %dma_start3A_185 : memref<1x128xi32, #tpu.memory_space<vmem>> -> memref<128xi32, #tpu.memory_space<vmem>>
      %dma_start3A_187 = arith.constant 0 : i32
      %dma_start3A_188 = arith.constant 0 : i32
      %dma_start3A_189 = tpu.memref_slice %arg4[%dma_start3A_187, %dma_start3A_188] : memref<10000x128xf32, #tpu.memory_space<hbm>> -> memref<10000x128xf32, #tpu.memory_space<hbm>>
      tpu.enqueue_indirect_dma source(%dma_start3A_189 : memref<10000x128xf32, #tpu.memory_space<hbm>>) target(%arg11 : memref<128x128xf32, #tpu.memory_space<vmem>>) offsets(%dma_start3A_186 : memref<128xi32, #tpu.memory_space<vmem>>) semaphore(%arg14 : memref<!tpu.dma_semaphore, #tpu.memory_space<semaphore_mem>>)
      %dma_wait3A_190 = arith.constant 0 : i32
      %dma_wait3A_191 = arith.constant 0 : i32
      %dma_wait3A_192 = tpu.memref_slice %arg8[%dma_wait3A_190, %dma_wait3A_191] : memref<8x128xi32, #tpu.memory_space<vmem>> -> memref<1x128xi32, #tpu.memory_space<vmem>>
      %dma_wait3A_193 = tpu.memref_squeeze %dma_wait3A_192 : memref<1x128xi32, #tpu.memory_space<vmem>> -> memref<128xi32, #tpu.memory_space<vmem>>
      %dma_wait3A_194 = arith.constant 0 : i32
      %dma_wait3A_195 = arith.constant 0 : i32
      %dma_wait3A_196 = tpu.memref_slice %arg4[%dma_wait3A_194, %dma_wait3A_195] : memref<10000x128xf32, #tpu.memory_space<hbm>> -> memref<10000x128xf32, #tpu.memory_space<hbm>>
      tpu.wait_indirect_dma semaphore(%arg13 : memref<!tpu.dma_semaphore, #tpu.memory_space<semaphore_mem>>) src(%dma_wait3A_196 : memref<10000x128xf32, #tpu.memory_space<hbm>>) dst(%arg10 : memref<128x128xf32, #tpu.memory_space<vmem>>)
      %run_scoped3A_197 = arith.constant 0 : i32
      "tpu.region"() ({
        %run_scoped3A_301 = tpu.sem_alloc : memref<!tpu.dma_semaphore, #tpu.memory_space<semaphore_mem>>
        %dma_start3A_302 = arith.constant 0 : i32
        %dma_start3A_303 = tpu.memref_slice %arg9[%run_scoped3A_197, %dma_start3A_302] : memref<8x128xi32, #tpu.memory_space<vmem>> -> memref<1x128xi32, #tpu.memory_space<vmem>>
        %dma_start3A_304 = tpu.memref_squeeze %dma_start3A_303 : memref<1x128xi32, #tpu.memory_space<vmem>> -> memref<128xi32, #tpu.memory_space<vmem>>
        %dma_start3A_305 = arith.constant 0 : i32
        %dma_start3A_306 = arith.constant 0 : i32
        %dma_start3A_307 = tpu.memref_slice %arg12[%dma_start3A_305, %dma_start3A_306] : memref<10080x128xf32, #tpu.memory_space<vmem_shared>> -> memref<10080x128xf32, #tpu.memory_space<vmem_shared>>
        tpu.enqueue_indirect_dma source(%arg10 : memref<128x128xf32, #tpu.memory_space<vmem>>) target(%dma_start3A_307 : memref<10080x128xf32, #tpu.memory_space<vmem_shared>>) offsets(%dma_start3A_304 : memref<128xi32, #tpu.memory_space<vmem>>) semaphore(%run_scoped3A_301 : memref<!tpu.dma_semaphore, #tpu.memory_space<semaphore_mem>>) {add = true}
        %dma_wait3A_308 = arith.constant 0 : i32
        %dma_wait3A_309 = tpu.memref_slice %arg9[%run_scoped3A_197, %dma_wait3A_308] : memref<8x128xi32, #tpu.memory_space<vmem>> -> memref<1x128xi32, #tpu.memory_space<vmem>>
        %dma_wait3A_310 = tpu.memref_squeeze %dma_wait3A_309 : memref<1x128xi32, #tpu.memory_space<vmem>> -> memref<128xi32, #tpu.memory_space<vmem>>
        %dma_wait3A_311 = arith.constant 0 : i32
        %dma_wait3A_312 = arith.constant 0 : i32
        %dma_wait3A_313 = tpu.memref_slice %arg12[%dma_wait3A_311, %dma_wait3A_312] : memref<10080x128xf32, #tpu.memory_space<vmem_shared>> -> memref<10080x128xf32, #tpu.memory_space<vmem_shared>>
        tpu.wait_indirect_dma semaphore(%run_scoped3A_301 : memref<!tpu.dma_semaphore, #tpu.memory_space<semaphore_mem>>) src(%arg10 : memref<128x128xf32, #tpu.memory_space<vmem>>) dst(%dma_wait3A_313 : memref<10080x128xf32, #tpu.memory_space<vmem_shared>>)
        tpu.yield
      }) : () -> ()
      %dma_start3A_198 = arith.constant 2 : i32
      %dma_start3A_199 = arith.constant 0 : i32
      %dma_start3A_200 = tpu.memref_slice %arg8[%dma_start3A_198, %dma_start3A_199] : memref<8x128xi32, #tpu.memory_space<vmem>> -> memref<1x128xi32, #tpu.memory_space<vmem>>
      %dma_start3A_201 = tpu.memref_squeeze %dma_start3A_200 : memref<1x128xi32, #tpu.memory_space<vmem>> -> memref<128xi32, #tpu.memory_space<vmem>>
      %dma_start3A_202 = arith.constant 0 : i32
      %dma_start3A_203 = arith.constant 0 : i32
      %dma_start3A_204 = tpu.memref_slice %arg4[%dma_start3A_202, %dma_start3A_203] : memref<10000x128xf32, #tpu.memory_space<hbm>> -> memref<10000x128xf32, #tpu.memory_space<hbm>>
      tpu.enqueue_indirect_dma source(%dma_start3A_204 : memref<10000x128xf32, #tpu.memory_space<hbm>>) target(%arg10 : memref<128x128xf32, #tpu.memory_space<vmem>>) offsets(%dma_start3A_201 : memref<128xi32, #tpu.memory_space<vmem>>) semaphore(%arg13 : memref<!tpu.dma_semaphore, #tpu.memory_space<semaphore_mem>>)
      %dma_wait3A_205 = arith.constant 1 : i32
      %dma_wait3A_206 = arith.constant 0 : i32
      %dma_wait3A_207 = tpu.memref_slice %arg8[%dma_wait3A_205, %dma_wait3A_206] : memref<8x128xi32, #tpu.memory_space<vmem>> -> memref<1x128xi32, #tpu.memory_space<vmem>>
      %dma_wait3A_208 = tpu.memref_squeeze %dma_wait3A_207 : memref<1x128xi32, #tpu.memory_space<vmem>> -> memref<128xi32, #tpu.memory_space<vmem>>
      %dma_wait3A_209 = arith.constant 0 : i32
      %dma_wait3A_210 = arith.constant 0 : i32
      %dma_wait3A_211 = tpu.memref_slice %arg4[%dma_wait3A_209, %dma_wait3A_210] : memref<10000x128xf32, #tpu.memory_space<hbm>> -> memref<10000x128xf32, #tpu.memory_space<hbm>>
      tpu.wait_indirect_dma semaphore(%arg14 : memref<!tpu.dma_semaphore, #tpu.memory_space<semaphore_mem>>) src(%dma_wait3A_211 : memref<10000x128xf32, #tpu.memory_space<hbm>>) dst(%arg11 : memref<128x128xf32, #tpu.memory_space<vmem>>)
      %run_scoped3A_212 = arith.constant 1 : i32
      "tpu.region"() ({
        %run_scoped3A_301 = tpu.sem_alloc : memref<!tpu.dma_semaphore, #tpu.memory_space<semaphore_mem>>
        %dma_start3A_302 = arith.constant 0 : i32
        %dma_start3A_303 = tpu.memref_slice %arg9[%run_scoped3A_212, %dma_start3A_302] : memref<8x128xi32, #tpu.memory_space<vmem>> -> memref<1x128xi32, #tpu.memory_space<vmem>>
        %dma_start3A_304 = tpu.memref_squeeze %dma_start3A_303 : memref<1x128xi32, #tpu.memory_space<vmem>> -> memref<128xi32, #tpu.memory_space<vmem>>
        %dma_start3A_305 = arith.constant 0 : i32
        %dma_start3A_306 = arith.constant 0 : i32
        %dma_start3A_307 = tpu.memref_slice %arg12[%dma_start3A_305, %dma_start3A_306] : memref<10080x128xf32, #tpu.memory_space<vmem_shared>> -> memref<10080x128xf32, #tpu.memory_space<vmem_shared>>
        tpu.enqueue_indirect_dma source(%arg11 : memref<128x128xf32, #tpu.memory_space<vmem>>) target(%dma_start3A_307 : memref<10080x128xf32, #tpu.memory_space<vmem_shared>>) offsets(%dma_start3A_304 : memref<128xi32, #tpu.memory_space<vmem>>) semaphore(%run_scoped3A_301 : memref<!tpu.dma_semaphore, #tpu.memory_space<semaphore_mem>>) {add = true}
        %dma_wait3A_308 = arith.constant 0 : i32
        %dma_wait3A_309 = tpu.memref_slice %arg9[%run_scoped3A_212, %dma_wait3A_308] : memref<8x128xi32, #tpu.memory_space<vmem>> -> memref<1x128xi32, #tpu.memory_space<vmem>>
        %dma_wait3A_310 = tpu.memref_squeeze %dma_wait3A_309 : memref<1x128xi32, #tpu.memory_space<vmem>> -> memref<128xi32, #tpu.memory_space<vmem>>
        %dma_wait3A_311 = arith.constant 0 : i32
        %dma_wait3A_312 = arith.constant 0 : i32
        %dma_wait3A_313 = tpu.memref_slice %arg12[%dma_wait3A_311, %dma_wait3A_312] : memref<10080x128xf32, #tpu.memory_space<vmem_shared>> -> memref<10080x128xf32, #tpu.memory_space<vmem_shared>>
        tpu.wait_indirect_dma semaphore(%run_scoped3A_301 : memref<!tpu.dma_semaphore, #tpu.memory_space<semaphore_mem>>) src(%arg11 : memref<128x128xf32, #tpu.memory_space<vmem>>) dst(%dma_wait3A_313 : memref<10080x128xf32, #tpu.memory_space<vmem_shared>>)
        tpu.yield
      }) : () -> ()
      %dma_start3A_213 = arith.constant 3 : i32
      %dma_start3A_214 = arith.constant 0 : i32
      %dma_start3A_215 = tpu.memref_slice %arg8[%dma_start3A_213, %dma_start3A_214] : memref<8x128xi32, #tpu.memory_space<vmem>> -> memref<1x128xi32, #tpu.memory_space<vmem>>
      %dma_start3A_216 = tpu.memref_squeeze %dma_start3A_215 : memref<1x128xi32, #tpu.memory_space<vmem>> -> memref<128xi32, #tpu.memory_space<vmem>>
      %dma_start3A_217 = arith.constant 0 : i32
      %dma_start3A_218 = arith.constant 0 : i32
      %dma_start3A_219 = tpu.memref_slice %arg4[%dma_start3A_217, %dma_start3A_218] : memref<10000x128xf32, #tpu.memory_space<hbm>> -> memref<10000x128xf32, #tpu.memory_space<hbm>>
      tpu.enqueue_indirect_dma source(%dma_start3A_219 : memref<10000x128xf32, #tpu.memory_space<hbm>>) target(%arg11 : memref<128x128xf32, #tpu.memory_space<vmem>>) offsets(%dma_start3A_216 : memref<128xi32, #tpu.memory_space<vmem>>) semaphore(%arg14 : memref<!tpu.dma_semaphore, #tpu.memory_space<semaphore_mem>>)
      %dma_wait3A_220 = arith.constant 2 : i32
      %dma_wait3A_221 = arith.constant 0 : i32
      %dma_wait3A_222 = tpu.memref_slice %arg8[%dma_wait3A_220, %dma_wait3A_221] : memref<8x128xi32, #tpu.memory_space<vmem>> -> memref<1x128xi32, #tpu.memory_space<vmem>>
      %dma_wait3A_223 = tpu.memref_squeeze %dma_wait3A_222 : memref<1x128xi32, #tpu.memory_space<vmem>> -> memref<128xi32, #tpu.memory_space<vmem>>
      %dma_wait3A_224 = arith.constant 0 : i32
      %dma_wait3A_225 = arith.constant 0 : i32
      %dma_wait3A_226 = tpu.memref_slice %arg4[%dma_wait3A_224, %dma_wait3A_225] : memref<10000x128xf32, #tpu.memory_space<hbm>> -> memref<10000x128xf32, #tpu.memory_space<hbm>>
      tpu.wait_indirect_dma semaphore(%arg13 : memref<!tpu.dma_semaphore, #tpu.memory_space<semaphore_mem>>) src(%dma_wait3A_226 : memref<10000x128xf32, #tpu.memory_space<hbm>>) dst(%arg10 : memref<128x128xf32, #tpu.memory_space<vmem>>)
      %run_scoped3A_227 = arith.constant 2 : i32
      "tpu.region"() ({
        %run_scoped3A_301 = tpu.sem_alloc : memref<!tpu.dma_semaphore, #tpu.memory_space<semaphore_mem>>
        %dma_start3A_302 = arith.constant 0 : i32
        %dma_start3A_303 = tpu.memref_slice %arg9[%run_scoped3A_227, %dma_start3A_302] : memref<8x128xi32, #tpu.memory_space<vmem>> -> memref<1x128xi32, #tpu.memory_space<vmem>>
        %dma_start3A_304 = tpu.memref_squeeze %dma_start3A_303 : memref<1x128xi32, #tpu.memory_space<vmem>> -> memref<128xi32, #tpu.memory_space<vmem>>
        %dma_start3A_305 = arith.constant 0 : i32
        %dma_start3A_306 = arith.constant 0 : i32
        %dma_start3A_307 = tpu.memref_slice %arg12[%dma_start3A_305, %dma_start3A_306] : memref<10080x128xf32, #tpu.memory_space<vmem_shared>> -> memref<10080x128xf32, #tpu.memory_space<vmem_shared>>
        tpu.enqueue_indirect_dma source(%arg10 : memref<128x128xf32, #tpu.memory_space<vmem>>) target(%dma_start3A_307 : memref<10080x128xf32, #tpu.memory_space<vmem_shared>>) offsets(%dma_start3A_304 : memref<128xi32, #tpu.memory_space<vmem>>) semaphore(%run_scoped3A_301 : memref<!tpu.dma_semaphore, #tpu.memory_space<semaphore_mem>>) {add = true}
        %dma_wait3A_308 = arith.constant 0 : i32
        %dma_wait3A_309 = tpu.memref_slice %arg9[%run_scoped3A_227, %dma_wait3A_308] : memref<8x128xi32, #tpu.memory_space<vmem>> -> memref<1x128xi32, #tpu.memory_space<vmem>>
        %dma_wait3A_310 = tpu.memref_squeeze %dma_wait3A_309 : memref<1x128xi32, #tpu.memory_space<vmem>> -> memref<128xi32, #tpu.memory_space<vmem>>
        %dma_wait3A_311 = arith.constant 0 : i32
        %dma_wait3A_312 = arith.constant 0 : i32
        %dma_wait3A_313 = tpu.memref_slice %arg12[%dma_wait3A_311, %dma_wait3A_312] : memref<10080x128xf32, #tpu.memory_space<vmem_shared>> -> memref<10080x128xf32, #tpu.memory_space<vmem_shared>>
        tpu.wait_indirect_dma semaphore(%run_scoped3A_301 : memref<!tpu.dma_semaphore, #tpu.memory_space<semaphore_mem>>) src(%arg10 : memref<128x128xf32, #tpu.memory_space<vmem>>) dst(%dma_wait3A_313 : memref<10080x128xf32, #tpu.memory_space<vmem_shared>>)
        tpu.yield
      }) : () -> ()
      %dma_start3A_228 = arith.constant 4 : i32
      %dma_start3A_229 = arith.constant 0 : i32
      %dma_start3A_230 = tpu.memref_slice %arg8[%dma_start3A_228, %dma_start3A_229] : memref<8x128xi32, #tpu.memory_space<vmem>> -> memref<1x128xi32, #tpu.memory_space<vmem>>
      %dma_start3A_231 = tpu.memref_squeeze %dma_start3A_230 : memref<1x128xi32, #tpu.memory_space<vmem>> -> memref<128xi32, #tpu.memory_space<vmem>>
      %dma_start3A_232 = arith.constant 0 : i32
      %dma_start3A_233 = arith.constant 0 : i32
      %dma_start3A_234 = tpu.memref_slice %arg4[%dma_start3A_232, %dma_start3A_233] : memref<10000x128xf32, #tpu.memory_space<hbm>> -> memref<10000x128xf32, #tpu.memory_space<hbm>>
      tpu.enqueue_indirect_dma source(%dma_start3A_234 : memref<10000x128xf32, #tpu.memory_space<hbm>>) target(%arg10 : memref<128x128xf32, #tpu.memory_space<vmem>>) offsets(%dma_start3A_231 : memref<128xi32, #tpu.memory_space<vmem>>) semaphore(%arg13 : memref<!tpu.dma_semaphore, #tpu.memory_space<semaphore_mem>>)
      %dma_wait3A_235 = arith.constant 3 : i32
      %dma_wait3A_236 = arith.constant 0 : i32
      %dma_wait3A_237 = tpu.memref_slice %arg8[%dma_wait3A_235, %dma_wait3A_236] : memref<8x128xi32, #tpu.memory_space<vmem>> -> memref<1x128xi32, #tpu.memory_space<vmem>>
      %dma_wait3A_238 = tpu.memref_squeeze %dma_wait3A_237 : memref<1x128xi32, #tpu.memory_space<vmem>> -> memref<128xi32, #tpu.memory_space<vmem>>
      %dma_wait3A_239 = arith.constant 0 : i32
      %dma_wait3A_240 = arith.constant 0 : i32
      %dma_wait3A_241 = tpu.memref_slice %arg4[%dma_wait3A_239, %dma_wait3A_240] : memref<10000x128xf32, #tpu.memory_space<hbm>> -> memref<10000x128xf32, #tpu.memory_space<hbm>>
      tpu.wait_indirect_dma semaphore(%arg14 : memref<!tpu.dma_semaphore, #tpu.memory_space<semaphore_mem>>) src(%dma_wait3A_241 : memref<10000x128xf32, #tpu.memory_space<hbm>>) dst(%arg11 : memref<128x128xf32, #tpu.memory_space<vmem>>)
      %run_scoped3A_242 = arith.constant 3 : i32
      "tpu.region"() ({
        %run_scoped3A_301 = tpu.sem_alloc : memref<!tpu.dma_semaphore, #tpu.memory_space<semaphore_mem>>
        %dma_start3A_302 = arith.constant 0 : i32
        %dma_start3A_303 = tpu.memref_slice %arg9[%run_scoped3A_242, %dma_start3A_302] : memref<8x128xi32, #tpu.memory_space<vmem>> -> memref<1x128xi32, #tpu.memory_space<vmem>>
        %dma_start3A_304 = tpu.memref_squeeze %dma_start3A_303 : memref<1x128xi32, #tpu.memory_space<vmem>> -> memref<128xi32, #tpu.memory_space<vmem>>
        %dma_start3A_305 = arith.constant 0 : i32
        %dma_start3A_306 = arith.constant 0 : i32
        %dma_start3A_307 = tpu.memref_slice %arg12[%dma_start3A_305, %dma_start3A_306] : memref<10080x128xf32, #tpu.memory_space<vmem_shared>> -> memref<10080x128xf32, #tpu.memory_space<vmem_shared>>
        tpu.enqueue_indirect_dma source(%arg11 : memref<128x128xf32, #tpu.memory_space<vmem>>) target(%dma_start3A_307 : memref<10080x128xf32, #tpu.memory_space<vmem_shared>>) offsets(%dma_start3A_304 : memref<128xi32, #tpu.memory_space<vmem>>) semaphore(%run_scoped3A_301 : memref<!tpu.dma_semaphore, #tpu.memory_space<semaphore_mem>>) {add = true}
        %dma_wait3A_308 = arith.constant 0 : i32
        %dma_wait3A_309 = tpu.memref_slice %arg9[%run_scoped3A_242, %dma_wait3A_308] : memref<8x128xi32, #tpu.memory_space<vmem>> -> memref<1x128xi32, #tpu.memory_space<vmem>>
        %dma_wait3A_310 = tpu.memref_squeeze %dma_wait3A_309 : memref<1x128xi32, #tpu.memory_space<vmem>> -> memref<128xi32, #tpu.memory_space<vmem>>
        %dma_wait3A_311 = arith.constant 0 : i32
        %dma_wait3A_312 = arith.constant 0 : i32
        %dma_wait3A_313 = tpu.memref_slice %arg12[%dma_wait3A_311, %dma_wait3A_312] : memref<10080x128xf32, #tpu.memory_space<vmem_shared>> -> memref<10080x128xf32, #tpu.memory_space<vmem_shared>>
        tpu.wait_indirect_dma semaphore(%run_scoped3A_301 : memref<!tpu.dma_semaphore, #tpu.memory_space<semaphore_mem>>) src(%arg11 : memref<128x128xf32, #tpu.memory_space<vmem>>) dst(%dma_wait3A_313 : memref<10080x128xf32, #tpu.memory_space<vmem_shared>>)
        tpu.yield
      }) : () -> ()
      %dma_start3A_243 = arith.constant 5 : i32
      %dma_start3A_244 = arith.constant 0 : i32
      %dma_start3A_245 = tpu.memref_slice %arg8[%dma_start3A_243, %dma_start3A_244] : memref<8x128xi32, #tpu.memory_space<vmem>> -> memref<1x128xi32, #tpu.memory_space<vmem>>
      %dma_start3A_246 = tpu.memref_squeeze %dma_start3A_245 : memref<1x128xi32, #tpu.memory_space<vmem>> -> memref<128xi32, #tpu.memory_space<vmem>>
      %dma_start3A_247 = arith.constant 0 : i32
      %dma_start3A_248 = arith.constant 0 : i32
      %dma_start3A_249 = tpu.memref_slice %arg4[%dma_start3A_247, %dma_start3A_248] : memref<10000x128xf32, #tpu.memory_space<hbm>> -> memref<10000x128xf32, #tpu.memory_space<hbm>>
      tpu.enqueue_indirect_dma source(%dma_start3A_249 : memref<10000x128xf32, #tpu.memory_space<hbm>>) target(%arg11 : memref<128x128xf32, #tpu.memory_space<vmem>>) offsets(%dma_start3A_246 : memref<128xi32, #tpu.memory_space<vmem>>) semaphore(%arg14 : memref<!tpu.dma_semaphore, #tpu.memory_space<semaphore_mem>>)
      %dma_wait3A_250 = arith.constant 4 : i32
      %dma_wait3A_251 = arith.constant 0 : i32
      %dma_wait3A_252 = tpu.memref_slice %arg8[%dma_wait3A_250, %dma_wait3A_251] : memref<8x128xi32, #tpu.memory_space<vmem>> -> memref<1x128xi32, #tpu.memory_space<vmem>>
      %dma_wait3A_253 = tpu.memref_squeeze %dma_wait3A_252 : memref<1x128xi32, #tpu.memory_space<vmem>> -> memref<128xi32, #tpu.memory_space<vmem>>
      %dma_wait3A_254 = arith.constant 0 : i32
      %dma_wait3A_255 = arith.constant 0 : i32
      %dma_wait3A_256 = tpu.memref_slice %arg4[%dma_wait3A_254, %dma_wait3A_255] : memref<10000x128xf32, #tpu.memory_space<hbm>> -> memref<10000x128xf32, #tpu.memory_space<hbm>>
      tpu.wait_indirect_dma semaphore(%arg13 : memref<!tpu.dma_semaphore, #tpu.memory_space<semaphore_mem>>) src(%dma_wait3A_256 : memref<10000x128xf32, #tpu.memory_space<hbm>>) dst(%arg10 : memref<128x128xf32, #tpu.memory_space<vmem>>)
      %run_scoped3A_257 = arith.constant 4 : i32
      "tpu.region"() ({
        %run_scoped3A_301 = tpu.sem_alloc : memref<!tpu.dma_semaphore, #tpu.memory_space<semaphore_mem>>
        %dma_start3A_302 = arith.constant 0 : i32
        %dma_start3A_303 = tpu.memref_slice %arg9[%run_scoped3A_257, %dma_start3A_302] : memref<8x128xi32, #tpu.memory_space<vmem>> -> memref<1x128xi32, #tpu.memory_space<vmem>>
        %dma_start3A_304 = tpu.memref_squeeze %dma_start3A_303 : memref<1x128xi32, #tpu.memory_space<vmem>> -> memref<128xi32, #tpu.memory_space<vmem>>
        %dma_start3A_305 = arith.constant 0 : i32
        %dma_start3A_306 = arith.constant 0 : i32
        %dma_start3A_307 = tpu.memref_slice %arg12[%dma_start3A_305, %dma_start3A_306] : memref<10080x128xf32, #tpu.memory_space<vmem_shared>> -> memref<10080x128xf32, #tpu.memory_space<vmem_shared>>
        tpu.enqueue_indirect_dma source(%arg10 : memref<128x128xf32, #tpu.memory_space<vmem>>) target(%dma_start3A_307 : memref<10080x128xf32, #tpu.memory_space<vmem_shared>>) offsets(%dma_start3A_304 : memref<128xi32, #tpu.memory_space<vmem>>) semaphore(%run_scoped3A_301 : memref<!tpu.dma_semaphore, #tpu.memory_space<semaphore_mem>>) {add = true}
        %dma_wait3A_308 = arith.constant 0 : i32
        %dma_wait3A_309 = tpu.memref_slice %arg9[%run_scoped3A_257, %dma_wait3A_308] : memref<8x128xi32, #tpu.memory_space<vmem>> -> memref<1x128xi32, #tpu.memory_space<vmem>>
        %dma_wait3A_310 = tpu.memref_squeeze %dma_wait3A_309 : memref<1x128xi32, #tpu.memory_space<vmem>> -> memref<128xi32, #tpu.memory_space<vmem>>
        %dma_wait3A_311 = arith.constant 0 : i32
        %dma_wait3A_312 = arith.constant 0 : i32
        %dma_wait3A_313 = tpu.memref_slice %arg12[%dma_wait3A_311, %dma_wait3A_312] : memref<10080x128xf32, #tpu.memory_space<vmem_shared>> -> memref<10080x128xf32, #tpu.memory_space<vmem_shared>>
        tpu.wait_indirect_dma semaphore(%run_scoped3A_301 : memref<!tpu.dma_semaphore, #tpu.memory_space<semaphore_mem>>) src(%arg10 : memref<128x128xf32, #tpu.memory_space<vmem>>) dst(%dma_wait3A_313 : memref<10080x128xf32, #tpu.memory_space<vmem_shared>>)
        tpu.yield
      }) : () -> ()
      %dma_start3A_258 = arith.constant 6 : i32
      %dma_start3A_259 = arith.constant 0 : i32
      %dma_start3A_260 = tpu.memref_slice %arg8[%dma_start3A_258, %dma_start3A_259] : memref<8x128xi32, #tpu.memory_space<vmem>> -> memref<1x128xi32, #tpu.memory_space<vmem>>
      %dma_start3A_261 = tpu.memref_squeeze %dma_start3A_260 : memref<1x128xi32, #tpu.memory_space<vmem>> -> memref<128xi32, #tpu.memory_space<vmem>>
      %dma_start3A_262 = arith.constant 0 : i32
      %dma_start3A_263 = arith.constant 0 : i32
      %dma_start3A_264 = tpu.memref_slice %arg4[%dma_start3A_262, %dma_start3A_263] : memref<10000x128xf32, #tpu.memory_space<hbm>> -> memref<10000x128xf32, #tpu.memory_space<hbm>>
      tpu.enqueue_indirect_dma source(%dma_start3A_264 : memref<10000x128xf32, #tpu.memory_space<hbm>>) target(%arg10 : memref<128x128xf32, #tpu.memory_space<vmem>>) offsets(%dma_start3A_261 : memref<128xi32, #tpu.memory_space<vmem>>) semaphore(%arg13 : memref<!tpu.dma_semaphore, #tpu.memory_space<semaphore_mem>>)
      %dma_wait3A_265 = arith.constant 5 : i32
      %dma_wait3A_266 = arith.constant 0 : i32
      %dma_wait3A_267 = tpu.memref_slice %arg8[%dma_wait3A_265, %dma_wait3A_266] : memref<8x128xi32, #tpu.memory_space<vmem>> -> memref<1x128xi32, #tpu.memory_space<vmem>>
      %dma_wait3A_268 = tpu.memref_squeeze %dma_wait3A_267 : memref<1x128xi32, #tpu.memory_space<vmem>> -> memref<128xi32, #tpu.memory_space<vmem>>
      %dma_wait3A_269 = arith.constant 0 : i32
      %dma_wait3A_270 = arith.constant 0 : i32
      %dma_wait3A_271 = tpu.memref_slice %arg4[%dma_wait3A_269, %dma_wait3A_270] : memref<10000x128xf32, #tpu.memory_space<hbm>> -> memref<10000x128xf32, #tpu.memory_space<hbm>>
      tpu.wait_indirect_dma semaphore(%arg14 : memref<!tpu.dma_semaphore, #tpu.memory_space<semaphore_mem>>) src(%dma_wait3A_271 : memref<10000x128xf32, #tpu.memory_space<hbm>>) dst(%arg11 : memref<128x128xf32, #tpu.memory_space<vmem>>)
      %run_scoped3A_272 = arith.constant 5 : i32
      "tpu.region"() ({
        %run_scoped3A_301 = tpu.sem_alloc : memref<!tpu.dma_semaphore, #tpu.memory_space<semaphore_mem>>
        %dma_start3A_302 = arith.constant 0 : i32
        %dma_start3A_303 = tpu.memref_slice %arg9[%run_scoped3A_272, %dma_start3A_302] : memref<8x128xi32, #tpu.memory_space<vmem>> -> memref<1x128xi32, #tpu.memory_space<vmem>>
        %dma_start3A_304 = tpu.memref_squeeze %dma_start3A_303 : memref<1x128xi32, #tpu.memory_space<vmem>> -> memref<128xi32, #tpu.memory_space<vmem>>
        %dma_start3A_305 = arith.constant 0 : i32
        %dma_start3A_306 = arith.constant 0 : i32
        %dma_start3A_307 = tpu.memref_slice %arg12[%dma_start3A_305, %dma_start3A_306] : memref<10080x128xf32, #tpu.memory_space<vmem_shared>> -> memref<10080x128xf32, #tpu.memory_space<vmem_shared>>
        tpu.enqueue_indirect_dma source(%arg11 : memref<128x128xf32, #tpu.memory_space<vmem>>) target(%dma_start3A_307 : memref<10080x128xf32, #tpu.memory_space<vmem_shared>>) offsets(%dma_start3A_304 : memref<128xi32, #tpu.memory_space<vmem>>) semaphore(%run_scoped3A_301 : memref<!tpu.dma_semaphore, #tpu.memory_space<semaphore_mem>>) {add = true}
        %dma_wait3A_308 = arith.constant 0 : i32
        %dma_wait3A_309 = tpu.memref_slice %arg9[%run_scoped3A_272, %dma_wait3A_308] : memref<8x128xi32, #tpu.memory_space<vmem>> -> memref<1x128xi32, #tpu.memory_space<vmem>>
        %dma_wait3A_310 = tpu.memref_squeeze %dma_wait3A_309 : memref<1x128xi32, #tpu.memory_space<vmem>> -> memref<128xi32, #tpu.memory_space<vmem>>
        %dma_wait3A_311 = arith.constant 0 : i32
        %dma_wait3A_312 = arith.constant 0 : i32
        %dma_wait3A_313 = tpu.memref_slice %arg12[%dma_wait3A_311, %dma_wait3A_312] : memref<10080x128xf32, #tpu.memory_space<vmem_shared>> -> memref<10080x128xf32, #tpu.memory_space<vmem_shared>>
        tpu.wait_indirect_dma semaphore(%run_scoped3A_301 : memref<!tpu.dma_semaphore, #tpu.memory_space<semaphore_mem>>) src(%arg11 : memref<128x128xf32, #tpu.memory_space<vmem>>) dst(%dma_wait3A_313 : memref<10080x128xf32, #tpu.memory_space<vmem_shared>>)
        tpu.yield
      }) : () -> ()
      %dma_start3A_273 = arith.constant 7 : i32
      %dma_start3A_274 = arith.constant 0 : i32
      %dma_start3A_275 = tpu.memref_slice %arg8[%dma_start3A_273, %dma_start3A_274] : memref<8x128xi32, #tpu.memory_space<vmem>> -> memref<1x128xi32, #tpu.memory_space<vmem>>
      %dma_start3A_276 = tpu.memref_squeeze %dma_start3A_275 : memref<1x128xi32, #tpu.memory_space<vmem>> -> memref<128xi32, #tpu.memory_space<vmem>>
      %dma_start3A_277 = arith.constant 0 : i32
      %dma_start3A_278 = arith.constant 0 : i32
      %dma_start3A_279 = tpu.memref_slice %arg4[%dma_start3A_277, %dma_start3A_278] : memref<10000x128xf32, #tpu.memory_space<hbm>> -> memref<10000x128xf32, #tpu.memory_space<hbm>>
      tpu.enqueue_indirect_dma source(%dma_start3A_279 : memref<10000x128xf32, #tpu.memory_space<hbm>>) target(%arg11 : memref<128x128xf32, #tpu.memory_space<vmem>>) offsets(%dma_start3A_276 : memref<128xi32, #tpu.memory_space<vmem>>) semaphore(%arg14 : memref<!tpu.dma_semaphore, #tpu.memory_space<semaphore_mem>>)
      %dma_wait3A_280 = arith.constant 6 : i32
      %dma_wait3A_281 = arith.constant 0 : i32
      %dma_wait3A_282 = tpu.memref_slice %arg8[%dma_wait3A_280, %dma_wait3A_281] : memref<8x128xi32, #tpu.memory_space<vmem>> -> memref<1x128xi32, #tpu.memory_space<vmem>>
      %dma_wait3A_283 = tpu.memref_squeeze %dma_wait3A_282 : memref<1x128xi32, #tpu.memory_space<vmem>> -> memref<128xi32, #tpu.memory_space<vmem>>
      %dma_wait3A_284 = arith.constant 0 : i32
      %dma_wait3A_285 = arith.constant 0 : i32
      %dma_wait3A_286 = tpu.memref_slice %arg4[%dma_wait3A_284, %dma_wait3A_285] : memref<10000x128xf32, #tpu.memory_space<hbm>> -> memref<10000x128xf32, #tpu.memory_space<hbm>>
      tpu.wait_indirect_dma semaphore(%arg13 : memref<!tpu.dma_semaphore, #tpu.memory_space<semaphore_mem>>) src(%dma_wait3A_286 : memref<10000x128xf32, #tpu.memory_space<hbm>>) dst(%arg10 : memref<128x128xf32, #tpu.memory_space<vmem>>)
      %run_scoped3A_287 = arith.constant 6 : i32
      "tpu.region"() ({
        %run_scoped3A_301 = tpu.sem_alloc : memref<!tpu.dma_semaphore, #tpu.memory_space<semaphore_mem>>
        %dma_start3A_302 = arith.constant 0 : i32
        %dma_start3A_303 = tpu.memref_slice %arg9[%run_scoped3A_287, %dma_start3A_302] : memref<8x128xi32, #tpu.memory_space<vmem>> -> memref<1x128xi32, #tpu.memory_space<vmem>>
        %dma_start3A_304 = tpu.memref_squeeze %dma_start3A_303 : memref<1x128xi32, #tpu.memory_space<vmem>> -> memref<128xi32, #tpu.memory_space<vmem>>
        %dma_start3A_305 = arith.constant 0 : i32
        %dma_start3A_306 = arith.constant 0 : i32
        %dma_start3A_307 = tpu.memref_slice %arg12[%dma_start3A_305, %dma_start3A_306] : memref<10080x128xf32, #tpu.memory_space<vmem_shared>> -> memref<10080x128xf32, #tpu.memory_space<vmem_shared>>
        tpu.enqueue_indirect_dma source(%arg10 : memref<128x128xf32, #tpu.memory_space<vmem>>) target(%dma_start3A_307 : memref<10080x128xf32, #tpu.memory_space<vmem_shared>>) offsets(%dma_start3A_304 : memref<128xi32, #tpu.memory_space<vmem>>) semaphore(%run_scoped3A_301 : memref<!tpu.dma_semaphore, #tpu.memory_space<semaphore_mem>>) {add = true}
        %dma_wait3A_308 = arith.constant 0 : i32
        %dma_wait3A_309 = tpu.memref_slice %arg9[%run_scoped3A_287, %dma_wait3A_308] : memref<8x128xi32, #tpu.memory_space<vmem>> -> memref<1x128xi32, #tpu.memory_space<vmem>>
        %dma_wait3A_310 = tpu.memref_squeeze %dma_wait3A_309 : memref<1x128xi32, #tpu.memory_space<vmem>> -> memref<128xi32, #tpu.memory_space<vmem>>
        %dma_wait3A_311 = arith.constant 0 : i32
        %dma_wait3A_312 = arith.constant 0 : i32
        %dma_wait3A_313 = tpu.memref_slice %arg12[%dma_wait3A_311, %dma_wait3A_312] : memref<10080x128xf32, #tpu.memory_space<vmem_shared>> -> memref<10080x128xf32, #tpu.memory_space<vmem_shared>>
        tpu.wait_indirect_dma semaphore(%run_scoped3A_301 : memref<!tpu.dma_semaphore, #tpu.memory_space<semaphore_mem>>) src(%arg10 : memref<128x128xf32, #tpu.memory_space<vmem>>) dst(%dma_wait3A_313 : memref<10080x128xf32, #tpu.memory_space<vmem_shared>>)
        tpu.yield
      }) : () -> ()
      %dma_wait3A_288 = arith.constant 7 : i32
      %dma_wait3A_289 = arith.constant 0 : i32
      %dma_wait3A_290 = tpu.memref_slice %arg8[%dma_wait3A_288, %dma_wait3A_289] : memref<8x128xi32, #tpu.memory_space<vmem>> -> memref<1x128xi32, #tpu.memory_space<vmem>>
      %dma_wait3A_291 = tpu.memref_squeeze %dma_wait3A_290 : memref<1x128xi32, #tpu.memory_space<vmem>> -> memref<128xi32, #tpu.memory_space<vmem>>
      %dma_wait3A_292 = arith.constant 0 : i32
      %dma_wait3A_293 = arith.constant 0 : i32
      %dma_wait3A_294 = tpu.memref_slice %arg4[%dma_wait3A_292, %dma_wait3A_293] : memref<10000x128xf32, #tpu.memory_space<hbm>> -> memref<10000x128xf32, #tpu.memory_space<hbm>>
      tpu.wait_indirect_dma semaphore(%arg14 : memref<!tpu.dma_semaphore, #tpu.memory_space<semaphore_mem>>) src(%dma_wait3A_294 : memref<10000x128xf32, #tpu.memory_space<hbm>>) dst(%arg11 : memref<128x128xf32, #tpu.memory_space<vmem>>)
      %run_scoped3A_295 = arith.constant 7 : i32
      "tpu.region"() ({
        %run_scoped3A_301 = tpu.sem_alloc : memref<!tpu.dma_semaphore, #tpu.memory_space<semaphore_mem>>
        %dma_start3A_302 = arith.constant 0 : i32
        %dma_start3A_303 = tpu.memref_slice %arg9[%run_scoped3A_295, %dma_start3A_302] : memref<8x128xi32, #tpu.memory_space<vmem>> -> memref<1x128xi32, #tpu.memory_space<vmem>>
        %dma_start3A_304 = tpu.memref_squeeze %dma_start3A_303 : memref<1x128xi32, #tpu.memory_space<vmem>> -> memref<128xi32, #tpu.memory_space<vmem>>
        %dma_start3A_305 = arith.constant 0 : i32
        %dma_start3A_306 = arith.constant 0 : i32
        %dma_start3A_307 = tpu.memref_slice %arg12[%dma_start3A_305, %dma_start3A_306] : memref<10080x128xf32, #tpu.memory_space<vmem_shared>> -> memref<10080x128xf32, #tpu.memory_space<vmem_shared>>
        tpu.enqueue_indirect_dma source(%arg11 : memref<128x128xf32, #tpu.memory_space<vmem>>) target(%dma_start3A_307 : memref<10080x128xf32, #tpu.memory_space<vmem_shared>>) offsets(%dma_start3A_304 : memref<128xi32, #tpu.memory_space<vmem>>) semaphore(%run_scoped3A_301 : memref<!tpu.dma_semaphore, #tpu.memory_space<semaphore_mem>>) {add = true}
        %dma_wait3A_308 = arith.constant 0 : i32
        %dma_wait3A_309 = tpu.memref_slice %arg9[%run_scoped3A_295, %dma_wait3A_308] : memref<8x128xi32, #tpu.memory_space<vmem>> -> memref<1x128xi32, #tpu.memory_space<vmem>>
        %dma_wait3A_310 = tpu.memref_squeeze %dma_wait3A_309 : memref<1x128xi32, #tpu.memory_space<vmem>> -> memref<128xi32, #tpu.memory_space<vmem>>
        %dma_wait3A_311 = arith.constant 0 : i32
        %dma_wait3A_312 = arith.constant 0 : i32
        %dma_wait3A_313 = tpu.memref_slice %arg12[%dma_wait3A_311, %dma_wait3A_312] : memref<10080x128xf32, #tpu.memory_space<vmem_shared>> -> memref<10080x128xf32, #tpu.memory_space<vmem_shared>>
        tpu.wait_indirect_dma semaphore(%run_scoped3A_301 : memref<!tpu.dma_semaphore, #tpu.memory_space<semaphore_mem>>) src(%arg11 : memref<128x128xf32, #tpu.memory_space<vmem>>) dst(%dma_wait3A_313 : memref<10080x128xf32, #tpu.memory_space<vmem_shared>>)
        tpu.yield
      }) : () -> ()
      %lt3A_296 = arith.constant 4 : i32
      %lt3A_297 = arith.cmpi slt, %scan3A_27, %lt3A_296 : i32
      %convert_element_type3A_298 = arith.extui %lt3A_297 : i1 to i32
      %cond3A_299 = arith.constant 0 : i32
      %cond3A_300 = arith.cmpi ne, %convert_element_type3A_298, %cond3A_299 : i32
      scf.if %cond3A_300 {
        %add3A_301 = arith.constant 16 : i32
        %add3A_302 = arith.addi %add3A_32, %add3A_301 : i32
        %dma_wait3A_303 = arith.constant 0 : i32
        %dma_wait3A_304 = tpu.memref_slice %arg2[%add3A_302, %dma_wait3A_303] : memref<2560x128xi32, #tpu.memory_space<hbm>> -> memref<8x128xi32, #tpu.memory_space<hbm>>
        %dma_wait3A_305 = arith.constant 0 : i32
        %dma_wait3A_306 = tpu.memref_slice %arg2[%add3A_302, %dma_wait3A_305] : memref<2560x128xi32, #tpu.memory_space<hbm>> -> memref<8x128xi32, #tpu.memory_space<hbm>>
        tpu.wait_dma2 semaphore(%arg15 : memref<!tpu.dma_semaphore, #tpu.memory_space<semaphore_mem>>) src(%dma_wait3A_306 : memref<8x128xi32, #tpu.memory_space<hbm>>) dst(%arg6 : memref<8x128xi32, #tpu.memory_space<vmem>>)
        %add3A_307 = arith.constant 16 : i32
        %add3A_308 = arith.addi %add3A_32, %add3A_307 : i32
        %dma_wait3A_309 = arith.constant 0 : i32
        %dma_wait3A_310 = tpu.memref_slice %arg3[%add3A_308, %dma_wait3A_309] : memref<2560x128xi32, #tpu.memory_space<hbm>> -> memref<8x128xi32, #tpu.memory_space<hbm>>
        %dma_wait3A_311 = arith.constant 0 : i32
        %dma_wait3A_312 = tpu.memref_slice %arg3[%add3A_308, %dma_wait3A_311] : memref<2560x128xi32, #tpu.memory_space<hbm>> -> memref<8x128xi32, #tpu.memory_space<hbm>>
        tpu.wait_dma2 semaphore(%arg15 : memref<!tpu.dma_semaphore, #tpu.memory_space<semaphore_mem>>) src(%dma_wait3A_312 : memref<8x128xi32, #tpu.memory_space<hbm>>) dst(%arg7 : memref<8x128xi32, #tpu.memory_space<vmem>>)
      } else {
      }
    }
    %scan3A_19 = arith.constant 5 : i32
    %barrier3A_20 = arith.constant 0 : index
    tpu.barrier barrier_id(%barrier3A_20)
    %scan3A_21 = arith.constant 0 : i32
    %scan3A_22 = arith.constant 0 : i32
    %scan3A_23 = arith.constant 8 : i32
    %scan3A_24 = arith.addi %scan3A_22, %scan3A_23 : i32
    %scan3A_25 = arith.constant 1 : i32
    scf.for %scan3A_27 = %scan3A_22 to %scan3A_24 step %scan3A_25  : i32 {
      %mul3A_28 = arith.constant 16 : i32
      %mul3A_29 = arith.muli %mul3A_28, %scan3A_27 : i32
      %add3A_30 = arith.addi %arg1, %mul3A_29 : i32
      %lt3A = arith.constant 125 : i32
      %lt3A_31 = arith.cmpi slt, %add3A_30, %lt3A : i32
      %convert_element_type3A = arith.extui %lt3A_31 : i1 to i32
      %cond3A = arith.constant 0 : i32
      %cond3A_32 = arith.cmpi ne, %convert_element_type3A, %cond3A : i32
      scf.if %cond3A_32 {
        %mul3A_33 = arith.constant 80 : i32
        %mul3A_34 = arith.muli %add3A_30, %mul3A_33 : i32
        %mul3A_35 = arith.constant 80 : i32
        %mul3A_36 = arith.muli %add3A_30, %mul3A_35 : i32
        "tpu.region"() ({
          %run_scoped3A = tpu.sem_alloc : memref<!tpu.dma_semaphore, #tpu.memory_space<semaphore_mem>>
          %dma_start3A = arith.constant 0 : i32
          %dma_start3A_37 = tpu.memref_slice %arg5[%arg0, %mul3A_36, %dma_start3A] : memref<2x10000x128xf32, #tpu.memory_space<hbm>> -> memref<1x80x128xf32, #tpu.memory_space<hbm>>
          %dma_start3A_38 = tpu.memref_squeeze %dma_start3A_37 : memref<1x80x128xf32, #tpu.memory_space<hbm>> -> memref<80x128xf32, #tpu.memory_space<hbm>>
          %dma_start3A_39 = arith.constant 0 : i32
          %dma_start3A_40 = tpu.memref_slice %arg12[%mul3A_34, %dma_start3A_39] : memref<10080x128xf32, #tpu.memory_space<vmem_shared>> -> memref<80x128xf32, #tpu.memory_space<vmem_shared>>
          tpu.enqueue_dma source(%dma_start3A_40 : memref<80x128xf32, #tpu.memory_space<vmem_shared>>) target(%dma_start3A_38 : memref<80x128xf32, #tpu.memory_space<hbm>>) target_semaphore(%run_scoped3A : memref<!tpu.dma_semaphore, #tpu.memory_space<semaphore_mem>>)
          %dma_wait3A = arith.constant 0 : i32
          %dma_wait3A_41 = tpu.memref_slice %arg5[%arg0, %mul3A_36, %dma_wait3A] : memref<2x10000x128xf32, #tpu.memory_space<hbm>> -> memref<1x80x128xf32, #tpu.memory_space<hbm>>
          %dma_wait3A_42 = tpu.memref_squeeze %dma_wait3A_41 : memref<1x80x128xf32, #tpu.memory_space<hbm>> -> memref<80x128xf32, #tpu.memory_space<hbm>>
          %dma_wait3A_43 = arith.constant 0 : i32
          %dma_wait3A_44 = tpu.memref_slice %arg12[%mul3A_34, %dma_wait3A_43] : memref<10080x128xf32, #tpu.memory_space<vmem_shared>> -> memref<80x128xf32, #tpu.memory_space<vmem_shared>>
          tpu.wait_dma2 semaphore(%run_scoped3A : memref<!tpu.dma_semaphore, #tpu.memory_space<semaphore_mem>>) src(%dma_wait3A_44 : memref<80x128xf32, #tpu.memory_space<vmem_shared>>) dst(%dma_wait3A_42 : memref<80x128xf32, #tpu.memory_space<hbm>>)
          tpu.yield
        }) : () -> ()
      } else {
      }
    }
    %scan3A_26 = arith.constant 8 : i32
    return
  }
}

module attributes {stable_mosaic.version = 14 : i64} {
  func.func @_tc_proj_body(%arg0: i32, %arg1: memref<1000x128xf32, #tpu.memory_space<vmem>>, %arg2: memref<1000x1xi32, #tpu.memory_space<vmem>>, %arg3: memref<1000x1xi32, #tpu.memory_space<vmem>>, %arg4: memref<1000x2xf32, #tpu.memory_space<vmem>>, %arg5: memref<51x32xf32, #tpu.memory_space<vmem>>, %arg6: memref<21x32xf32, #tpu.memory_space<vmem>>, %arg7: memref<192x128xf32, #tpu.memory_space<vmem>>, %arg8: memref<1x128xf32, #tpu.memory_space<vmem>>, %arg9: memref<128x128xf32, #tpu.memory_space<vmem>>, %arg10: memref<1000x128xf32, #tpu.memory_space<vmem>>) attributes {dimension_semantics = [#tpu.dimension_semantics<arbitrary>], iteration_bounds = array<i64: 10>, scalar_prefetch = 0 : i64, scratch_operands = 0 : i64, tpu.core_type = #tpu.core_type<tc>, window_params = [{transform_indices = @transform_0, window_bounds = array<i64: 1000, 128>}, {transform_indices = @transform_1, window_bounds = array<i64: 1000, 1>}, {transform_indices = @transform_2, window_bounds = array<i64: 1000, 1>}, {transform_indices = @transform_3, window_bounds = array<i64: 1000, 2>}, {pipeline_mode = #tpu.pipeline_mode<synchronous>, transform_indices = @transform_4, window_bounds = array<i64: 51, 32>}, {pipeline_mode = #tpu.pipeline_mode<synchronous>, transform_indices = @transform_5, window_bounds = array<i64: 21, 32>}, {pipeline_mode = #tpu.pipeline_mode<synchronous>, transform_indices = @transform_6, window_bounds = array<i64: 192, 128>}, {pipeline_mode = #tpu.pipeline_mode<synchronous>, transform_indices = @transform_7, window_bounds = array<i64: 1, 128>}, {pipeline_mode = #tpu.pipeline_mode<synchronous>, transform_indices = @transform_8, window_bounds = array<i64: 128, 128>}, {transform_indices = @transform_9, window_bounds = array<i64: 1000, 128>}]} {
    %iota3A = tpu.iota {dimensions = array<i32: 1>} : vector<1000x51xi32>
    %get3A = arith.constant 0 : index
    %get3A_0 = arith.constant 0 : index
    %get3A_1 = vector.load %arg2[%get3A, %get3A_0] : memref<1000x1xi32, #tpu.memory_space<vmem>>, vector<1000x1xi32>
    %eq3A = vector.broadcast %get3A_1 : vector<1000x1xi32> to vector<1000x51xi32>
    %eq3A_2 = arith.cmpi eq, %iota3A, %eq3A : vector<1000x51xi32>
    %convert_element_type3A = arith.extui %eq3A_2 : vector<1000x51xi1> to vector<1000x51xi32>
    %convert_element_type3A_3 = arith.sitofp %convert_element_type3A : vector<1000x51xi32> to vector<1000x51xf32>
    %iota3A_4 = tpu.iota {dimensions = array<i32: 1>} : vector<1000x21xi32>
    %get3A_5 = arith.constant 0 : index
    %get3A_6 = arith.constant 0 : index
    %get3A_7 = vector.load %arg3[%get3A_5, %get3A_6] : memref<1000x1xi32, #tpu.memory_space<vmem>>, vector<1000x1xi32>
    %eq3A_8 = vector.broadcast %get3A_7 : vector<1000x1xi32> to vector<1000x21xi32>
    %eq3A_9 = arith.cmpi eq, %iota3A_4, %eq3A_8 : vector<1000x21xi32>
    %convert_element_type3A_10 = arith.extui %eq3A_9 : vector<1000x21xi1> to vector<1000x21xi32>
    %convert_element_type3A_11 = arith.sitofp %convert_element_type3A_10 : vector<1000x21xi32> to vector<1000x21xf32>
    %get3A_12 = arith.constant 0 : index
    %get3A_13 = arith.constant 0 : index
    %get3A_14 = vector.load %arg5[%get3A_12, %get3A_13] : memref<51x32xf32, #tpu.memory_space<vmem>>, vector<51x32xf32>
    %dot_general3A = arith.constant dense<0.000000e+00> : vector<1000x32xf32>
    %dot_general3A_15 = tpu.matmul %convert_element_type3A_3, %get3A_14, %dot_general3A {dimension_numbers = #tpu.dot_dimension_numbers<[1], [0], [0], [1], [0, 0, 1, 1], [], []>, precision = #tpu.contract_precision<fp32>, transpose_lhs_hint = false} : vector<1000x51xf32>, vector<51x32xf32>, vector<1000x32xf32> -> vector<1000x32xf32>
    %get3A_16 = arith.constant 0 : index
    %get3A_17 = arith.constant 0 : index
    %get3A_18 = vector.load %arg6[%get3A_16, %get3A_17] : memref<21x32xf32, #tpu.memory_space<vmem>>, vector<21x32xf32>
    %dot_general3A_19 = arith.constant dense<0.000000e+00> : vector<1000x32xf32>
    %dot_general3A_20 = tpu.matmul %convert_element_type3A_11, %get3A_18, %dot_general3A_19 {dimension_numbers = #tpu.dot_dimension_numbers<[1], [0], [0], [1], [0, 0, 1, 1], [], []>, precision = #tpu.contract_precision<fp32>, transpose_lhs_hint = false} : vector<1000x21xf32>, vector<21x32xf32>, vector<1000x32xf32> -> vector<1000x32xf32>
    %get3A_21 = arith.constant 0 : index
    %get3A_22 = arith.constant 0 : index
    %get3A_23 = vector.load %arg1[%get3A_21, %get3A_22] : memref<1000x128xf32, #tpu.memory_space<vmem>>, vector<1000x128xf32>
    %concatenate3A = tpu.concatenate %get3A_23, %dot_general3A_15, %dot_general3A_20 in 1 : vector<1000x128xf32>, vector<1000x32xf32>, vector<1000x32xf32> -> vector<1000x192xf32>
    %get3A_24 = arith.constant 0 : index
    %get3A_25 = arith.constant 0 : index
    %get3A_26 = vector.load %arg7[%get3A_24, %get3A_25] : memref<192x128xf32, #tpu.memory_space<vmem>>, vector<192x128xf32>
    %dot_general3A_27 = arith.constant dense<0.000000e+00> : vector<1000x128xf32>
    %dot_general3A_28 = tpu.matmul %concatenate3A, %get3A_26, %dot_general3A_27 {dimension_numbers = #tpu.dot_dimension_numbers<[1], [0], [0], [1], [0, 0, 1, 1], [], []>, transpose_lhs_hint = false} : vector<1000x192xf32>, vector<192x128xf32>, vector<1000x128xf32> -> vector<1000x128xf32>
    %get3A_29 = arith.constant 0 : index
    %get3A_30 = arith.constant 0 : index
    %get3A_31 = vector.load %arg8[%get3A_29, %get3A_30] : memref<1x128xf32, #tpu.memory_space<vmem>>, vector<1x128xf32>
    %add3A = vector.broadcast %get3A_31 : vector<1x128xf32> to vector<1000x128xf32>
    %add3A_32 = arith.addf %dot_general3A_28, %add3A : vector<1000x128xf32>
    %max3A = arith.constant 0.000000e+00 : f32
    %max3A_33 = vector.broadcast %max3A : f32 to vector<1000x128xf32>
    %max3A_34 = arith.maximumf %add3A_32, %max3A_33 : vector<1000x128xf32>
    %get3A_35 = arith.constant 0 : index
    %get3A_36 = arith.constant 0 : index
    %get3A_37 = vector.load %arg4[%get3A_35, %get3A_36] : memref<1000x2xf32, #tpu.memory_space<vmem>>, vector<1000x1xf32>
    %get3A_38 = vector.shape_cast %get3A_37 : vector<1000x1xf32> to vector<1000xf32>
    %add3A_39 = arith.constant 1.000000e+00 : f32
    %add3A_40 = vector.broadcast %add3A_39 : f32 to vector<1000xf32>
    %add3A_41 = arith.addf %add3A_40, %get3A_38 : vector<1000xf32>
    %get3A_42 = arith.constant 0 : index
    %get3A_43 = arith.constant 1 : index
    %get3A_44 = vector.load %arg4[%get3A_42, %get3A_43] : memref<1000x2xf32, #tpu.memory_space<vmem>>, vector<1000x1xf32>
    %get3A_45 = vector.shape_cast %get3A_44 : vector<1000x1xf32> to vector<1000xf32>
    %add3A_46 = arith.addf %add3A_41, %get3A_45 : vector<1000xf32>
    %rsqrt3A = math.rsqrt %add3A_46 : vector<1000xf32>
    %get3A_47 = arith.constant 0 : index
    %get3A_48 = arith.constant 0 : index
    %get3A_49 = vector.load %arg9[%get3A_47, %get3A_48] : memref<128x128xf32, #tpu.memory_space<vmem>>, vector<128x128xf32>
    %dot_general3A_50 = arith.constant dense<0.000000e+00> : vector<1000x128xf32>
    %dot_general3A_51 = tpu.matmul %max3A_34, %get3A_49, %dot_general3A_50 {dimension_numbers = #tpu.dot_dimension_numbers<[1], [0], [0], [1], [0, 0, 1, 1], [], []>, transpose_lhs_hint = false} : vector<1000x128xf32>, vector<128x128xf32>, vector<1000x128xf32> -> vector<1000x128xf32>
    %broadcast_in_dim3A = vector.shape_cast %rsqrt3A : vector<1000xf32> to vector<1000x1xf32>
    %mul3A = vector.broadcast %broadcast_in_dim3A : vector<1000x1xf32> to vector<1000x128xf32>
    %mul3A_52 = arith.mulf %dot_general3A_51, %mul3A : vector<1000x128xf32>
    %swap3A = arith.constant 0 : index
    %swap3A_53 = arith.constant 0 : index
    %swap3A_54 = vector.load %arg10[%swap3A, %swap3A_53] : memref<1000x128xf32, #tpu.memory_space<vmem>>, vector<1000x128xf32>
    tpu.vector_store %arg10[%swap3A, %swap3A_53], %mul3A_52 {strides = array<i32>} : memref<1000x128xf32, #tpu.memory_space<vmem>>, vector<1000x128xf32>,
    return
  }
  func.func @transform_0(%arg0: i32) -> (i32, i32) {
    %c0_i32 = arith.constant 0 : i32
    %c0_i32_0 = arith.constant 0 : i32
    return %arg0, %c0_i32 : i32, i32
  }
  func.func @transform_1(%arg0: i32) -> (i32, i32) {
    %c0_i32 = arith.constant 0 : i32
    %c0_i32_0 = arith.constant 0 : i32
    return %arg0, %c0_i32 : i32, i32
  }
  func.func @transform_2(%arg0: i32) -> (i32, i32) {
    %c0_i32 = arith.constant 0 : i32
    %c0_i32_0 = arith.constant 0 : i32
    return %arg0, %c0_i32 : i32, i32
  }
  func.func @transform_3(%arg0: i32) -> (i32, i32) {
    %c0_i32 = arith.constant 0 : i32
    %c0_i32_0 = arith.constant 0 : i32
    return %arg0, %c0_i32 : i32, i32
  }
  func.func @transform_4(%arg0: i32) -> (i32, i32) {
    %c0_i32 = arith.constant 0 : i32
    %c0_i32_0 = arith.constant 0 : i32
    %c0_i32_1 = arith.constant 0 : i32
    return %c0_i32, %c0_i32_0 : i32, i32
  }
  func.func @transform_5(%arg0: i32) -> (i32, i32) {
    %c0_i32 = arith.constant 0 : i32
    %c0_i32_0 = arith.constant 0 : i32
    %c0_i32_1 = arith.constant 0 : i32
    return %c0_i32, %c0_i32_0 : i32, i32
  }
  func.func @transform_6(%arg0: i32) -> (i32, i32) {
    %c0_i32 = arith.constant 0 : i32
    %c0_i32_0 = arith.constant 0 : i32
    %c0_i32_1 = arith.constant 0 : i32
    return %c0_i32, %c0_i32_0 : i32, i32
  }
  func.func @transform_7(%arg0: i32) -> (i32, i32) {
    %c0_i32 = arith.constant 0 : i32
    %c0_i32_0 = arith.constant 0 : i32
    %c0_i32_1 = arith.constant 0 : i32
    return %c0_i32, %c0_i32_0 : i32, i32
  }
  func.func @transform_8(%arg0: i32) -> (i32, i32) {
    %c0_i32 = arith.constant 0 : i32
    %c0_i32_0 = arith.constant 0 : i32
    %c0_i32_1 = arith.constant 0 : i32
    return %c0_i32, %c0_i32_0 : i32, i32
  }
  func.func @transform_9(%arg0: i32) -> (i32, i32) {
    %c0_i32 = arith.constant 0 : i32
    %c0_i32_0 = arith.constant 0 : i32
    return %arg0, %c0_i32 : i32, i32
  }
}

module attributes {stable_mosaic.version = 14 : i64} {
  func.func @_tc_mid_body(%arg0: i32, %arg1: memref<1000x128xf32, #tpu.memory_space<vmem>>, %arg2: memref<1000x128xf32, #tpu.memory_space<vmem>>, %arg3: memref<1000x128xf32, #tpu.memory_space<vmem>>, %arg4: memref<1000x2xf32, #tpu.memory_space<vmem>>, %arg5: memref<1x128xf32, #tpu.memory_space<vmem>>, %arg6: memref<128x128xf32, #tpu.memory_space<vmem>>, %arg7: memref<1000x128xf32, #tpu.memory_space<vmem>>) attributes {dimension_semantics = [#tpu.dimension_semantics<arbitrary>], iteration_bounds = array<i64: 10>, scalar_prefetch = 0 : i64, scratch_operands = 0 : i64, tpu.core_type = #tpu.core_type<tc>, window_params = [{transform_indices = @transform_0, window_bounds = array<i64: 1000, 128>}, {transform_indices = @transform_1, window_bounds = array<i64: 1000, 128>}, {transform_indices = @transform_2, window_bounds = array<i64: 1000, 128>}, {transform_indices = @transform_3, window_bounds = array<i64: 1000, 2>}, {pipeline_mode = #tpu.pipeline_mode<synchronous>, transform_indices = @transform_4, window_bounds = array<i64: 1, 128>}, {pipeline_mode = #tpu.pipeline_mode<synchronous>, transform_indices = @transform_5, window_bounds = array<i64: 128, 128>}, {transform_indices = @transform_6, window_bounds = array<i64: 1000, 128>}]} {
    %get3A = arith.constant 0 : index
    %get3A_0 = arith.constant 0 : index
    %get3A_1 = vector.load %arg4[%get3A, %get3A_0] : memref<1000x2xf32, #tpu.memory_space<vmem>>, vector<1000x1xf32>
    %get3A_2 = vector.shape_cast %get3A_1 : vector<1000x1xf32> to vector<1000xf32>
    %add3A = arith.constant 1.000000e+00 : f32
    %add3A_3 = vector.broadcast %add3A : f32 to vector<1000xf32>
    %add3A_4 = arith.addf %add3A_3, %get3A_2 : vector<1000xf32>
    %get3A_5 = arith.constant 0 : index
    %get3A_6 = arith.constant 1 : index
    %get3A_7 = vector.load %arg4[%get3A_5, %get3A_6] : memref<1000x2xf32, #tpu.memory_space<vmem>>, vector<1000x1xf32>
    %get3A_8 = vector.shape_cast %get3A_7 : vector<1000x1xf32> to vector<1000xf32>
    %add3A_9 = arith.addf %add3A_4, %get3A_8 : vector<1000xf32>
    %rsqrt3A = math.rsqrt %add3A_9 : vector<1000xf32>
    %broadcast_in_dim3A = vector.shape_cast %rsqrt3A : vector<1000xf32> to vector<1000x1xf32>
    %get3A_10 = arith.constant 0 : index
    %get3A_11 = arith.constant 0 : index
    %get3A_12 = vector.load %arg1[%get3A_10, %get3A_11] : memref<1000x128xf32, #tpu.memory_space<vmem>>, vector<1000x128xf32>
    %get3A_13 = arith.constant 0 : index
    %get3A_14 = arith.constant 0 : index
    %get3A_15 = vector.load %arg2[%get3A_13, %get3A_14] : memref<1000x128xf32, #tpu.memory_space<vmem>>, vector<1000x128xf32>
    %add3A_16 = arith.addf %get3A_12, %get3A_15 : vector<1000x128xf32>
    %get3A_17 = arith.constant 0 : index
    %get3A_18 = arith.constant 0 : index
    %get3A_19 = vector.load %arg3[%get3A_17, %get3A_18] : memref<1000x128xf32, #tpu.memory_space<vmem>>, vector<1000x128xf32>
    %add3A_20 = arith.addf %add3A_16, %get3A_19 : vector<1000x128xf32>
    %mul3A = vector.broadcast %broadcast_in_dim3A : vector<1000x1xf32> to vector<1000x128xf32>
    %mul3A_21 = arith.mulf %add3A_20, %mul3A : vector<1000x128xf32>
    %get3A_22 = arith.constant 0 : index
    %get3A_23 = arith.constant 0 : index
    %get3A_24 = vector.load %arg5[%get3A_22, %get3A_23] : memref<1x128xf32, #tpu.memory_space<vmem>>, vector<1x128xf32>
    %add3A_25 = vector.broadcast %get3A_24 : vector<1x128xf32> to vector<1000x128xf32>
    %add3A_26 = arith.addf %mul3A_21, %add3A_25 : vector<1000x128xf32>
    %max3A = arith.constant 0.000000e+00 : f32
    %max3A_27 = vector.broadcast %max3A : f32 to vector<1000x128xf32>
    %max3A_28 = arith.maximumf %add3A_26, %max3A_27 : vector<1000x128xf32>
    %get3A_29 = arith.constant 0 : index
    %get3A_30 = arith.constant 0 : index
    %get3A_31 = vector.load %arg6[%get3A_29, %get3A_30] : memref<128x128xf32, #tpu.memory_space<vmem>>, vector<128x128xf32>
    %dot_general3A = arith.constant dense<0.000000e+00> : vector<1000x128xf32>
    %dot_general3A_32 = tpu.matmul %max3A_28, %get3A_31, %dot_general3A {dimension_numbers = #tpu.dot_dimension_numbers<[1], [0], [0], [1], [0, 0, 1, 1], [], []>, transpose_lhs_hint = false} : vector<1000x128xf32>, vector<128x128xf32>, vector<1000x128xf32> -> vector<1000x128xf32>
    %mul3A_33 = vector.broadcast %broadcast_in_dim3A : vector<1000x1xf32> to vector<1000x128xf32>
    %mul3A_34 = arith.mulf %dot_general3A_32, %mul3A_33 : vector<1000x128xf32>
    %swap3A = arith.constant 0 : index
    %swap3A_35 = arith.constant 0 : index
    %swap3A_36 = vector.load %arg7[%swap3A, %swap3A_35] : memref<1000x128xf32, #tpu.memory_space<vmem>>, vector<1000x128xf32>
    tpu.vector_store %arg7[%swap3A, %swap3A_35], %mul3A_34 {strides = array<i32>} : memref<1000x128xf32, #tpu.memory_space<vmem>>, vector<1000x128xf32>,
    return
  }
  func.func @transform_0(%arg0: i32) -> (i32, i32) {
    %c0_i32 = arith.constant 0 : i32
    %c0_i32_0 = arith.constant 0 : i32
    return %arg0, %c0_i32 : i32, i32
  }
  func.func @transform_1(%arg0: i32) -> (i32, i32) {
    %c0_i32 = arith.constant 0 : i32
    %c0_i32_0 = arith.constant 0 : i32
    return %arg0, %c0_i32 : i32, i32
  }
  func.func @transform_2(%arg0: i32) -> (i32, i32) {
    %c0_i32 = arith.constant 0 : i32
    %c0_i32_0 = arith.constant 0 : i32
    return %arg0, %c0_i32 : i32, i32
  }
  func.func @transform_3(%arg0: i32) -> (i32, i32) {
    %c0_i32 = arith.constant 0 : i32
    %c0_i32_0 = arith.constant 0 : i32
    return %arg0, %c0_i32 : i32, i32
  }
  func.func @transform_4(%arg0: i32) -> (i32, i32) {
    %c0_i32 = arith.constant 0 : i32
    %c0_i32_0 = arith.constant 0 : i32
    %c0_i32_1 = arith.constant 0 : i32
    return %c0_i32, %c0_i32_0 : i32, i32
  }
  func.func @transform_5(%arg0: i32) -> (i32, i32) {
    %c0_i32 = arith.constant 0 : i32
    %c0_i32_0 = arith.constant 0 : i32
    %c0_i32_1 = arith.constant 0 : i32
    return %c0_i32, %c0_i32_0 : i32, i32
  }
  func.func @transform_6(%arg0: i32) -> (i32, i32) {
    %c0_i32 = arith.constant 0 : i32
    %c0_i32_0 = arith.constant 0 : i32
    return %arg0, %c0_i32 : i32, i32
  }
}

module attributes {stable_mosaic.version = 14 : i64} {
  func.func @_tc_final_body(%arg0: memref<10000x128xf32, #tpu.memory_space<vmem>>, %arg1: memref<10000x128xf32, #tpu.memory_space<vmem>>, %arg2: memref<10000x128xf32, #tpu.memory_space<vmem>>, %arg3: memref<10000x2xf32, #tpu.memory_space<vmem>>, %arg4: memref<1x128xf32, #tpu.memory_space<vmem>>, %arg5: memref<1x10000xi32, #tpu.memory_space<vmem>>, %arg6: memref<128x1xf32, #tpu.memory_space<vmem>>, %arg7: memref<1x1xf32, #tpu.memory_space<vmem>>, %arg8: memref<64x1xf32, #tpu.memory_space<vmem>>) attributes {dimension_semantics = [], scalar_prefetch = 0 : i64, scratch_operands = 0 : i64, tpu.core_type = #tpu.core_type<tc>} {
    %get3A = arith.constant 0 : index
    %get3A_0 = arith.constant 0 : index
    %get3A_1 = vector.load %arg3[%get3A, %get3A_0] : memref<10000x2xf32, #tpu.memory_space<vmem>>, vector<10000x1xf32>
    %get3A_2 = vector.shape_cast %get3A_1 : vector<10000x1xf32> to vector<10000xf32>
    %add3A = arith.constant 1.000000e+00 : f32
    %add3A_3 = vector.broadcast %add3A : f32 to vector<10000xf32>
    %add3A_4 = arith.addf %add3A_3, %get3A_2 : vector<10000xf32>
    %get3A_5 = arith.constant 0 : index
    %get3A_6 = arith.constant 1 : index
    %get3A_7 = vector.load %arg3[%get3A_5, %get3A_6] : memref<10000x2xf32, #tpu.memory_space<vmem>>, vector<10000x1xf32>
    %get3A_8 = vector.shape_cast %get3A_7 : vector<10000x1xf32> to vector<10000xf32>
    %add3A_9 = arith.addf %add3A_4, %get3A_8 : vector<10000xf32>
    %rsqrt3A = math.rsqrt %add3A_9 : vector<10000xf32>
    %broadcast_in_dim3A = vector.shape_cast %rsqrt3A : vector<10000xf32> to vector<10000x1xf32>
    %get3A_10 = arith.constant 0 : index
    %get3A_11 = arith.constant 0 : index
    %get3A_12 = vector.load %arg0[%get3A_10, %get3A_11] : memref<10000x128xf32, #tpu.memory_space<vmem>>, vector<10000x128xf32>
    %get3A_13 = arith.constant 0 : index
    %get3A_14 = arith.constant 0 : index
    %get3A_15 = vector.load %arg1[%get3A_13, %get3A_14] : memref<10000x128xf32, #tpu.memory_space<vmem>>, vector<10000x128xf32>
    %add3A_16 = arith.addf %get3A_12, %get3A_15 : vector<10000x128xf32>
    %get3A_17 = arith.constant 0 : index
    %get3A_18 = arith.constant 0 : index
    %get3A_19 = vector.load %arg2[%get3A_17, %get3A_18] : memref<10000x128xf32, #tpu.memory_space<vmem>>, vector<10000x128xf32>
    %add3A_20 = arith.addf %add3A_16, %get3A_19 : vector<10000x128xf32>
    %mul3A = vector.broadcast %broadcast_in_dim3A : vector<10000x1xf32> to vector<10000x128xf32>
    %mul3A_21 = arith.mulf %add3A_20, %mul3A : vector<10000x128xf32>
    %get3A_22 = arith.constant 0 : index
    %get3A_23 = arith.constant 0 : index
    %get3A_24 = vector.load %arg4[%get3A_22, %get3A_23] : memref<1x128xf32, #tpu.memory_space<vmem>>, vector<1x128xf32>
    %add3A_25 = vector.broadcast %get3A_24 : vector<1x128xf32> to vector<10000x128xf32>
    %add3A_26 = arith.addf %mul3A_21, %add3A_25 : vector<10000x128xf32>
    %max3A = arith.constant 0.000000e+00 : f32
    %max3A_27 = vector.broadcast %max3A : f32 to vector<10000x128xf32>
    %max3A_28 = arith.maximumf %add3A_26, %max3A_27 : vector<10000x128xf32>
    %iota3A = tpu.iota {dimensions = array<i32: 0>} : vector<64x10000xi32>
    %get3A_29 = arith.constant 0 : index
    %get3A_30 = arith.constant 0 : index
    %get3A_31 = vector.load %arg5[%get3A_29, %get3A_30] : memref<1x10000xi32, #tpu.memory_space<vmem>>, vector<1x10000xi32>
    %eq3A = vector.broadcast %get3A_31 : vector<1x10000xi32> to vector<64x10000xi32>
    %eq3A_32 = arith.cmpi eq, %iota3A, %eq3A : vector<64x10000xi32>
    %convert_element_type3A = arith.extui %eq3A_32 : vector<64x10000xi1> to vector<64x10000xi32>
    %convert_element_type3A_33 = arith.sitofp %convert_element_type3A : vector<64x10000xi32> to vector<64x10000xf32>
    %dot_general3A = arith.constant dense<0.000000e+00> : vector<64x128xf32>
    %dot_general3A_34 = tpu.matmul %convert_element_type3A_33, %max3A_28, %dot_general3A {dimension_numbers = #tpu.dot_dimension_numbers<[1], [0], [0], [1], [0, 0, 1, 1], [], []>, precision = #tpu.contract_precision<fp32>, transpose_lhs_hint = false} : vector<64x10000xf32>, vector<10000x128xf32>, vector<64x128xf32> -> vector<64x128xf32>
    %reduce_sum3A = arith.constant dense<0.000000e+00> : vector<64xf32>
    %reduce_sum3A_35 = vector.multi_reduction <add>, %convert_element_type3A_33, %reduce_sum3A [1] : vector<64x10000xf32> to vector<64xf32>
    %broadcast_in_dim3A_36 = vector.shape_cast %reduce_sum3A_35 : vector<64xf32> to vector<64x1xf32>
    %max3A_37 = arith.constant 1.000000e+00 : f32
    %max3A_38 = vector.broadcast %max3A_37 : f32 to vector<64x1xf32>
    %max3A_39 = arith.maximumf %broadcast_in_dim3A_36, %max3A_38 : vector<64x1xf32>
    %div3A = vector.broadcast %max3A_39 : vector<64x1xf32> to vector<64x128xf32>
    %div3A_40 = arith.divf %dot_general3A_34, %div3A : vector<64x128xf32>
    %get3A_41 = arith.constant 0 : index
    %get3A_42 = arith.constant 0 : index
    %get3A_43 = vector.load %arg6[%get3A_41, %get3A_42] : memref<128x1xf32, #tpu.memory_space<vmem>>, vector<128x1xf32>
    %dot_general3A_44 = arith.constant dense<0.000000e+00> : vector<64x1xf32>
    %dot_general3A_45 = tpu.matmul %div3A_40, %get3A_43, %dot_general3A_44 {dimension_numbers = #tpu.dot_dimension_numbers<[1], [0], [0], [1], [0, 0, 1, 1], [], []>, transpose_lhs_hint = false} : vector<64x128xf32>, vector<128x1xf32>, vector<64x1xf32> -> vector<64x1xf32>
    %get3A_46 = arith.constant 0 : index
    %get3A_47 = arith.constant 0 : index
    %get3A_48 = vector.load %arg7[%get3A_46, %get3A_47] : memref<1x1xf32, #tpu.memory_space<vmem>>, vector<1x1xf32>
    %add3A_49 = vector.broadcast %get3A_48 : vector<1x1xf32> to vector<64x1xf32>
    %add3A_50 = arith.addf %dot_general3A_45, %add3A_49 : vector<64x1xf32>
    %swap3A = arith.constant 0 : index
    %swap3A_51 = arith.constant 0 : index
    %swap3A_52 = vector.load %arg8[%swap3A, %swap3A_51] : memref<64x1xf32, #tpu.memory_space<vmem>>, vector<64x1xf32>
    tpu.vector_store %arg8[%swap3A, %swap3A_51], %add3A_50 {strides = array<i32>} : memref<64x1xf32, #tpu.memory_space<vmem>>, vector<64x1xf32>,
    return
  }
}

</mosaic_0001>

<sc_bundles>
// kernel: kernel.11.cloned.1.call-start
scs
__scs_entry_jumppad:
0x0: {  	(pc) =	sbr.rel $0x88, $3  }
0x1: {  	(tag) =	ssettag $0x0;
	lr =	simm.s32 $0x1  }
0x2: {  	[smem:$0x3F91] =	sst lr;
	_ =	strace $0xD0000000  }
0x3: {  	_ = 	snop  }
0x4: {  	_ = 	snop  }
0x5: {  	_ = 	snop  }
0x6: {  	_ = 	snop  }
0x7: {  	_ = 	snop  }
__scs_overlays_trampoline_lowered:
0x8: {  	[smem:$0x3FA0] =	sst s0  }
0x9: {  	[smem:$0x3FA1] =	sst s1  }
0xa: {  	[smem:$0x3FA2] =	sst s2  }
0xb: {  	[smem:$0x3FA3] =	sst s3  }
0xc: {  	[smem:$0x3FA4] =	sst s4  }
0xd: {  	[smem:$0x3FA5] =	sst s5  }
0xe: {  	[smem:$0x3FA6] =	sst s6  }
0xf: {  	[smem:$0x3FA7] =	sst s7  }
0x10: {  	[smem:$0x3FA8] =	sst s8  }
0x11: {  	[smem:$0x3FA9] =	sst s9;
	s0 =	simm.s32 @!p0 $0x0  }
0x12: {  	s1 =	sld [smem:$0x3F8F];
	s0 =	simm.s32 @p0 $0x1  }
0x13: {  	[smem:$0x3FAA] =	sst s0;
	s0 =	simm.s32 @!p1 $0x0  }
0x14: {  	s2 =	sld [smem:$0x3F8E];
	s0 =	simm.s32 @p1 $0x1  }
0x15: {  	[smem:$0x3FAB] =	sst s0;
	s0 =	simm.s32 @!p2 $0x0  }
0x16: {  	s3 =	sld [smem:$0x3FDB];
	s0 =	simm.s32 @p2 $0x1  }
0x17: {  	s4 =	simm.s32 $0x1BF5;
	[smem:$0x3FAD] =	sst s0  }
0x18: {  	s0 =	sld [smem:$0x3F90];
	_ =	swait.ge [sflag:s4], $0x0  }
0x19: {  	s7 =	sld [smem:$0x3F91]  }
0x1a: {  	s8 =	sadd.s32 $0xFFFFE003, lr  }
0x1b: {  	s9 =	sadd.s32 $0xFFFFFEF7, lr;
	s5 =	simm.s32 $0xFFFFFFFF;
	p2 =	slt.u32 s8, $0xFFFFF086  }
0x1c: {  	p1 =	slt.u32 s9, $0xF7A;
	s5 =	simm.s32 @!p2 $0x0  }
0x1d: {  	s5 =	simm.s32 @p1 $0x1;
	p0 =	seq.s32 s7, s2  }
0x1e: {  	s7 =	smul.u32 @!p0 $0xF7A, s2;
	p2 =	seq.s32 @!p0 s5, $0x0  }
0x1f: {  	s9 =	smul.u32 $0xF7A, s1;
	s8 =	simm.s32 @!p0 $0x1BF5;
	p2 =	por !p2, p0  }
0x20: {  	[sflag:s8] =	ssyncset.s32 @!p0 $0xFFFFF086;
	s6 =	sadd.s32 @!p0 s3, s7;
	s7 =	simm.s32 @!p0 $0x108  }
0x21: {  	s3 =	sadd.s32 s3, s9;
	s6 =	sadd.s32 @!p0 $0x88, s6;
	s7 =	simm.s32 @p2 $0x1082  }
0x22: {  	[simem:s7], [sflag:s8] =	dma.local @!p0 [hbm:s6], $0xF7A  }
0x23: {  	s9 =	sor.u32 $0xD0000000, s2;
	s6 =	simm.s32 $0x108;
	_ =	swait.ge @!p0 [sflag:s8], $0x0  }
0x24: {  	s3 =	sadd.s32 $0x88, s3;
	s6 =	simm.s32 @!p1 $0x1082;
	[sflag:s4] =	ssyncset.s32 $0xFFFFF086  }
0x25: {  	[simem:s6], [sflag:s4] =	dma.local [hbm:s3], $0xF7A  }
0x26: {  	[smem:$0x3F91] =	sst s1;
	(tag) =	ssettag s2;
	_ =	strace s9  }
0x27: {  	s1 =	sld [smem:$0x3FA1]  }
0x28: {  	s2 =	sld [smem:$0x3FA2]  }
0x29: {  	s4 =	sld [smem:$0x3FA4]  }
0x2a: {  	p0 =	seq.s32 s5, $0x0;
	s5 =	sld [smem:$0x3FA5]  }
0x2b: {  	s6 =	sld [smem:$0x3FA6]  }
0x2c: {  	s7 =	sld [smem:$0x3FA7]  }
0x2d: {  	s3 =	simm.s32 $0x108;
	s8 =	sld [smem:$0x3FA8]  }
0x2e: {  	s3 =	simm.s32 @!p0 $0x1082;
	s9 =	sld [smem:$0x3FA9]  }
0x2f: {  	lr =	sadd.s32 s0, s3;
	s0 =	sld [smem:$0x3FA0]  }
0x30: {  	s3 =	sld [smem:$0x3FA3]  }
0x31: {  	[smem:$0x3FAC] =	sst s10  }
0x32: {  	s10 =	sld [smem:$0x3FAA];
	_ =	sdelay $0x3  }
0x33: {  	p0 =	seq.s32 s10, $0x1;
	s10 =	sld [smem:$0x3FAC];
	_ =	sdelay $0x3  }
0x34: {  	[smem:$0x3FAC] =	sst s10  }
0x35: {  	s10 =	sld [smem:$0x3FAB];
	_ =	sdelay $0x3  }
0x36: {  	p1 =	seq.s32 s10, $0x1;
	s10 =	sld [smem:$0x3FAC];
	_ =	sdelay $0x3  }
0x37: {  	[smem:$0x3FAC] =	sst s10  }
0x38: {  	s10 =	sld [smem:$0x3FAD]  }
0x39: {  	_ = 	snop;
	(pc) =	sbr.ind lr, $3  }
0x3a: {  	_ = 	snop  }
0x3b: {  	_ = 	snop  }
0x3c: {  	p2 =	seq.s32 s10, $0x1;
	s10 =	sld [smem:$0x3FAC]  }
0x3d: {  	_ =	shalt  }
0x3e: {  	_ =	shalt  }
0x3f: {  	_ =	shalt  }
0x40: {  	_ =	shalt  }
0x41: {  	_ =	shalt  }
0x42: {  	_ =	shalt  }
0x43: {  	_ =	shalt  }
0x44: {  	_ =	shalt  }
0x45: {  	_ =	shalt  }
0x46: {  	_ =	shalt  }
0x47: {  	_ =	shalt  }
0x48: {  	_ =	shalt  }
0x49: {  	_ =	shalt  }
0x4a: {  	_ =	shalt  }
0x4b: {  	_ =	shalt  }
0x4c: {  	_ =	shalt  }
0x4d: {  	_ =	shalt  }
0x4e: {  	_ =	shalt  }
0x4f: {  	_ =	shalt  }
0x50: {  	_ =	shalt  }
0x51: {  	_ =	shalt  }
0x52: {  	_ =	shalt  }
0x53: {  	_ =	shalt  }
0x54: {  	_ =	shalt  }
0x55: {  	_ =	shalt  }
0x56: {  	_ =	shalt  }
0x57: {  	_ =	shalt  }
0x58: {  	_ =	shalt  }
0x59: {  	_ =	shalt  }
0x5a: {  	_ =	shalt  }
0x5b: {  	_ =	shalt  }
0x5c: {  	_ =	shalt  }
0x5d: {  	_ =	shalt  }
0x5e: {  	_ =	shalt  }
0x5f: {  	_ =	shalt  }
0x60: {  	_ =	shalt  }
0x61: {  	_ =	shalt  }
0x62: {  	_ =	shalt  }
0x63: {  	_ =	shalt  }
0x64: {  	_ =	shalt  }
0x65: {  	_ =	shalt  }
0x66: {  	_ =	shalt  }
0x67: {  	_ =	shalt  }
0x68: {  	_ =	shalt  }
0x69: {  	_ =	shalt  }
0x6a: {  	_ =	shalt  }
0x6b: {  	_ =	shalt  }
0x6c: {  	_ =	shalt  }
0x6d: {  	_ =	shalt  }
0x6e: {  	_ =	shalt  }
0x6f: {  	_ =	shalt  }
0x70: {  	_ =	shalt  }
0x71: {  	_ =	shalt  }
0x72: {  	_ =	shalt  }
0x73: {  	_ =	shalt  }
0x74: {  	_ =	shalt  }
0x75: {  	_ =	shalt  }
0x76: {  	_ =	shalt  }
0x77: {  	_ =	shalt  }
0x78: {  	_ =	shalt  }
0x79: {  	_ =	shalt  }
0x7a: {  	_ =	shalt  }
0x7b: {  	_ =	shalt  }
0x7c: {  	_ =	shalt  }
0x7d: {  	_ =	shalt  }
0x7e: {  	_ =	shalt  }
0x7f: {  	_ =	shalt  }
0x80: {  	_ =	shalt  }
0x81: {  	_ =	shalt  }
0x82: {  	_ =	shalt  }
0x83: {  	_ =	shalt  }
0x84: {  	_ =	shalt  }
0x85: {  	_ =	shalt  }
0x86: {  	_ =	shalt  }
0x87: {  	_ =	shalt  }
.Lfunc_end0:
.L_simem_size_0:
called_computation.1_lowered:
.L_overlay_start_0:
0x88: {  	s2 =	sld [smem:$0x3FD9]  }
0x89: {  	s3 =	sld [smem:$0x3FFE];
	_ =	sdelay $0x1  }
0x8a: {  	s1 =	srdreg.scid  }
0x8b: {  	s0 =	sand.u32 $0x1, s1  }
0x8c: {  	s16 =	sshll.u32 s0, $0xA;
	s2 =	sadd.s32 s3, s2  }
0x8d: {  	s2 =	sadd.s32 s2, s16  }
0x8e: {  	[smem:$0x3FB8] =	sst s2  }
0x8f: {  	_ = 	snop  }
0x90: {  	(tm) =	ssettm $0x1  }
0x91: {  	s17 =	sld [smem:$0x3FFB];
	_ =	sdelay $0x3  }
0x92: {  	_ =	strace s17  }
0x93: {  	s2 =	sld [smem:$0x3FFC];
	_ =	sdelay $0x3  }
0x94: {  	_ =	strace s2  }
0x95: {  	s2 =	sld [smem:$0x3FFD];
	_ =	sdelay $0x3  }
0x96: {  	_ =	strace s2  }
0x97: {  	_ =	strace $0x8FFFFFFF  }
0x98: {  	s18 =	sld [smem:$0x3FDB];
	_ =	sdelay $0x1  }
0x99: {  	s19 =	simm.s32 $_scs_section_size  }
0x9a: {  	s4 =	simm.s32 $_size__tile_overlayer_lowered;
	s5 =	simm.s32 $_tile_overlayer_lowered  }
0x9b: {  	s22 =	simm.s32 $0x1BFF;
	s21 =	sshll.u32 s5, $0x1;
	s2 =	sadd.s32 s19, s18  }
0x9c: {  	s6 =	simm.s32 $0x0;
	s20 =	sshll.u32 s4, $0x1;
	s4 =	sadd.s32 s21, s2  }
0x9d: {  	[timem:s6], [sflag:s22] =	dma.local [hbm:s4], s20  }
0x9e: {  	_ =	swait.ge [sflag:s22], s20  }
0x9f: {  	s3 =	ssub.s32 $0x0, s20;
	[sflag:s22] =	ssyncset.done $0x0  }
0xa0: {  	[sflag:s22] =	ssyncadd.s32 s3;
	_ =	sdelay $0x1  }
0xa1: {  	s23 =	simm.s32 $0x1B8B  }
0xa2: {  	_ =	swait.ge [sflag:s23], $0x1  }
0xa3: {  	[sflag:s23] =	ssyncset.done $0x0  }
0xa4: {  	s25 =	simm.s32 $0x1B8E;
	s24 =	sld [smem:$0x3FFE];
	[sflag:s23] =	ssyncadd.s32 $0xFFFFFFFF  }
0xa5: {  	s26 =	simm.s32 $execute0_lowered;
	[smem:$0x3FD2] =	sst s25  }
0xa6: {  	s4 =	sshll.u32 s26, $0x1;
	_ =	strace $0x80000049;
	[dreg:$0x1] =	wrdreg $0xFFFFFFFF  }
0xa7: {  	s28 =	simm.s32 $_size_execute0_lowered;
	s2 =	sadd.s32 s2, s4;
	[dreg:$0x0] =	wrdreg $0x0  }
0xa8: {  	s4 =	sshll.u32 s28, $0x1;
	[dreg:$0x2] =	wrdreg s2  }
0xa9: {  	[dreg:$0x3] =	wrdreg s4  }
0xaa: {  	[dreg:$0x4] =	wrdreg $0xC0  }
0xab: {  	_ =	task [dreg:s6], $0x5FFFF  }
0xac: {  	[dreg:$0x1] =	wrdreg $0xFFFFFFFF  }
0xad: {  	[dreg:$0x0] =	wrdreg $0x60  }
0xae: {  	[dreg:$0x2] =	wrdreg s24  }
0xaf: {  	[dreg:$0x3] =	wrdreg $0x90000  }
0xb0: {  	[dreg:$0x4] =	wrdreg $0x9  }
0xb1: {  	_ =	task.clear_ibuf [dreg:s6], $0x5FFFF;
	_ =	strace $0x90000049  }
0xb2: {  	s29 =	simm.s32 $0x9;
	_ =	strace $0x8000004B  }
0xb3: {  	_ =	swait.ge [sflag:s29], $0x1  }
0xb4: {  	[sflag:s29] =	ssyncadd.s32 $0xFFFFFFFF  }
0xb5: {  	_ =	strace $0x9000004B  }
0xb6: {  	_ =	sfence  }
0xb7: {  	s30 =	sld [smem:$0x0];
	_ =	sdelay $0x2  }
0xb8: {  	s31 =	sshll.u32 s1, $0xD;
	s1 =	sshrl.u32 s1, $0x2  }
0xb9: {  	s3 =	sand.u32 $0x4000, s31;
	s1 =	sadd.s32 s1, s30  }
0xba: {  	s0 =	sor.u32 s3, s0;
	s1 =	sshll.u32 s1, $0x11  }
0xbb: {  	s0 =	sor.u32 s1, s0  }
0xbc: {  	s0 =	sadd.s32 $0x8F2B, s0  }
0xbd: {  	[sflag:s0] =	ssyncadd.remote.s32 $0x1  }
0xbe: {  	_ =	sfence.sel $0xFFFF  }
0xbf: {  	[dreg:$0x0] =	wrdreg $0xFFFFFFFF;
	(pc) =	sbr.abs _section_cstart, $3  }
0xc0: {  	[dreg:$0x1] =	wrdreg $0xFFFFFFFF  }
0xc1: {  	_ =	task.clear_ibuf [dreg:s6], $0x2FFFF;
	_ =	strace $0x9FFFFFFF  }
0xc2: {  	(tm) =	ssettm $0x7FFFFFFF  }
0xc3: {  	_ =	shalt  }
tec
execute0_lowered:
.L_overlay_start_1:
0x0: {  	(tag) =	ssettag $0x1  }
0x1: {  	s0 =	srdreg.scid  }
0x2: {  	s24 =	stileid.u32;
	s28 =	simm.s32 $0x5;
	s30 =	simm.s32 $0x800  }
0x3: {  	s31 =	simm.s32 $0xC00;
	s1 =	sand.u32 $0x1, s0;
	s7 =	smul.u32 $0x2800, s24  }
0x4: {  	s29 =	simm.s32 $0xA80;
	s6 =	sor.u32 $0x10, s24;
	s4 =	smul.u32 $0x138800, s1  }
0x5: {  	s0 =	rddreg [dreg:$0x0];
	s9 =	sor.u32 $0x20, s24;
	s10 =	smul.u32 $0x2800, s6  }
0x6: {  	s12 =	sor.u32 $0x30, s24;
	s17 =	sor.u32 $0x40, s24;
	s13 =	smul.u32 $0x2800, s9  }
0x7: {  	s18 =	sor.u32 $0x50, s24;
	s21 =	sor.u32 $0x60, s24;
	s15 =	smul.u32 $0x2800, s12  }
0x8: {  	s22 =	sor.u32 $0x70, s24;
	s2 =	sshll.u32 s1, $0x4;
	s19 =	smul.u32 $0x2800, s17  }
0x9: {  	s5 =	sadd.s32 $0x36000, s0;
	s8 =	sadd.s32 $0x4200, s0;
	s25 =	smul.u32 $0x2800, s21  }
0xa: {  	s11 =	sadd.s32 $0x67200, s0;
	s14 =	ssub.s32 $0x2, s1;
	s23 =	smul.u32 $0x2800, s22  }
0xb: {  	s1 =	smul.u32 $0x5000, s1;
	p0 =	sgt.u32 s22, $0x7D;
	s3 =	sor.u32 s24, s2  }
0xc: {  	p1 =	sgt.u32 s22, $0x7C;
	s16 =	sshrl.u32 s14, $0x1;
	s3 =	smul.u32 $0x500, s3  }
0xd: {  	s2 =	rddreg [dreg:$0x1];
	s20 =	ssub.s32 s14, s16;
	s16 =	smul.u32 $0x2800, s18  }
0xe: {  	s7 =	sadd.s32 s4, s7;
	s10 =	sadd.s32 s4, s10;
	s13 =	sadd.s32 s4, s13  }
0xf: {  	s15 =	sadd.s32 s4, s15;
	s19 =	sadd.s32 s4, s19;
	s7 =	sshrl.u32 s7, $0x3  }
0x10: {  	s10 =	sshrl.u32 s10, $0x3;
	s13 =	sshrl.u32 s13, $0x3;
	s14 =	sadd.s32 s4, s16  }
0x11: {  	s16 =	sadd.s32 s4, s25;
	s4 =	sadd.s32 s4, s23;
	s26 =	sadd.s32 s5, s3  }
0x12: {  	s7 =	sadd.s32 s11, s7;
	s25 =	sadd.s32 s11, s10;
	[dreg:$0x3] =	wrdreg s26  }
0x13: {  	s10 =	sshrl.u32 s15, $0x3;
	s3 =	sadd.s32 s8, s3;
	[dreg:$0x4] =	wrdreg s7  }
0x14: {  	[dreg:$0x5] =	wrdreg s25;
	s26 =	sadd.s32 s11, s13;
	s13 =	sshrl.u32 s19, $0x3  }
0x15: {  	s14 =	sshrl.u32 s14, $0x3;
	s7 =	sadd.s32 s11, s10;
	s25 =	smul.u32 $0x500, s24  }
0x16: {  	s23 =	sshrl.u32 s16, $0x3;
	[dreg:$0xc] =	wrdreg s3;
	s10 =	smul.u32 $0xA000, s12  }
0x17: {  	s4 =	sshrl.u32 s4, $0x3;
	s12 =	smul.u32 $0xA000, s18;
	[dreg:$0x6] =	wrdreg s26  }
0x18: {  	s16 =	sadd.s32 $0xE200, s0;
	s18 =	smul.u32 $0xA000, s22;
	[dreg:$0x7] =	wrdreg s7  }
0x19: {  	s15 =	sadd.s32 s11, s13;
	s19 =	sadd.s32 s11, s14;
	s7 =	sadd.s32 s11, s23  }
0x1a: {  	s4 =	sadd.s32 s11, s4;
	s26 =	sadd.s32 s1, s5;
	s5 =	smul.u32 $0xA000, s24  }
0x1b: {  	s1 =	sadd.s32 s1, s8;
	s8 =	smul.u32 $0xA000, s9;
	[dreg:$0x8] =	wrdreg s15  }
0x1c: {  	s13 =	simm.s32 $0x0;
	s11 =	smul.u32 $0xA000, s17;
	[dreg:$0x9] =	wrdreg s19  }
0x1d: {  	s9 =	smax.u32 s20, $0x1;
	s17 =	smul.u32 $0xA000, s21;
	[dreg:$0xa] =	wrdreg s7  }
0x1e: {  	[dreg:$0xb] =	wrdreg s4;
	s14 =	sadd.s32 s25, s26;
	s15 =	sadd.s32 s25, s1  }
0x1f: {  	[smem:$0x7FF] =	sst s13;
	s7 =	smul.u32 $0xA000, s6;
	s4 =	sshrl.u32 s10, $0x2  }
0x20: {  	s21 =	sshrl.u32 s12, $0x2;
	s23 =	sshrl.u32 s18, $0x2;
	s6 =	simm.s32 $0xD00  }
0x21: {  	s10 =	simm.s32 $0xB00;
	s12 =	simm.s32 $0xB80;
	s18 =	simm.s32 $0xF80  }
0x22: {  	_ =	strace $0x8000004A;
	[dreg:$0xd] =	wrdreg s9;
	s3 =	sshrl.u32 s5, $0x2  }
0x23: {  	s0 =	sshrl.u32 s8, $0x2;
	s19 =	sadd.s32 s4, s2;
	s22 =	sshrl.u32 s17, $0x2  }
0x24: {  	s26 =	sadd.s32 s23, s2;
	s5 =	simm.s32 $0x2;
	s4 =	simm.s32 $0x980  }
0x25: {  	s8 =	simm.s32 $0xD80;
	s9 =	simm.s32 $0xE00;
	s17 =	simm.s32 $0xF00  }
0x26: {  	s23 =	simm.s32 $0x0;
	s24 =	sadd.s32 s3, s2;
	s1 =	sshrl.u32 s7, $0x2  }
0x27: {  	s3 =	sshrl.u32 s11, $0x2;
	s0 =	sadd.s32 s0, s2;
	[dreg:$0x11] =	wrdreg s19  }
0x28: {  	s25 =	sadd.s32 s22, s2;
	[dreg:$0x15] =	wrdreg s26;
	s26 =	simm.s32 $0x1000  }
0x29: {  	s22 =	simm.s32 $0x4;
	s7 =	simm.s32 $0xA00;
	[dreg:$0x10] =	wrdreg s0  }
.Ltmp0:
0x2a: {  	s11 =	simm.s32 $0xE80;
	[dreg:$0x14] =	wrdreg s25;
	(pc) =	sbr.rel .LBB2_1-.Ltmp0, $4  }
0x2b: {  	s19 =	simm.s32 $0x3;
	s1 =	sadd.s32 s1, s2;
	[dreg:$0xe] =	wrdreg s24  }
0x2c: {  	s20 =	sadd.s32 s3, s2;
	s0 =	sadd.s32 s21, s2;
	[dreg:$0xf] =	wrdreg s1  }
0x2d: {  	s3 =	simm.s32 $0x1;
	s25 =	simm.s32 $0xC80;
	[dreg:$0x12] =	wrdreg s20  }
0x2e: {  	v0 =	vimm.f32 $0.0e+00;
	[dreg:$0x13] =	wrdreg s0;
	s1 =	simm.s32 $0x80;
	s0 =	simm.s32 $0x5000  }
.LBB2_6:
0x2f: {  	s20 =	stileid.u32;
	[bflag:$0x0] =	sbarrier.arrive $0xFFFF  }
0x30: {  	s20 =	sshll.u32 s20, $0x6;
	s24 =	rddreg [dreg:$0xe]  }
0x31: {  	s23 =	rddreg [dreg:$0x4];
	s20 =	sor.u32 $0x1C05, s20;
	s21 =	sshrl.u32 s24, $0x3  }
0x32: {  	[hbm:s23], [sflag:s20] =	dma.local [spmem:s21], $0x500  }
0x33: {  	_ =	swait.ge [sflag:s28], $0x500  }
0x34: {  	[sflag:s28] =	ssyncset.done $0x0;
	s23 =	rddreg [dreg:$0xf]  }
0x35: {  	[sflag:s28] =	ssyncadd.s32 $0xFFFFFB00;
	s21 =	sshrl.u32 s23, $0x3;
	s23 =	rddreg [dreg:$0x5]  }
0x36: {  	[hbm:s23], [sflag:s20] =	dma.local [spmem:s21], $0x500  }
0x37: {  	_ =	swait.ge [sflag:s28], $0x500  }
0x38: {  	[sflag:s28] =	ssyncset.done $0x0;
	s23 =	rddreg [dreg:$0x10]  }
0x39: {  	[sflag:s28] =	ssyncadd.s32 $0xFFFFFB00;
	s21 =	sshrl.u32 s23, $0x3;
	s23 =	rddreg [dreg:$0x6]  }
0x3a: {  	[hbm:s23], [sflag:s20] =	dma.local [spmem:s21], $0x500  }
0x3b: {  	_ =	swait.ge [sflag:s28], $0x500  }
0x3c: {  	[sflag:s28] =	ssyncset.done $0x0;
	s23 =	rddreg [dreg:$0x11]  }
0x3d: {  	[sflag:s28] =	ssyncadd.s32 $0xFFFFFB00;
	s21 =	sshrl.u32 s23, $0x3;
	s23 =	rddreg [dreg:$0x7]  }
0x3e: {  	[hbm:s23], [sflag:s20] =	dma.local [spmem:s21], $0x500  }
0x3f: {  	_ =	swait.ge [sflag:s28], $0x500  }
0x40: {  	[sflag:s28] =	ssyncset.done $0x0;
	s23 =	rddreg [dreg:$0x12]  }
0x41: {  	[sflag:s28] =	ssyncadd.s32 $0xFFFFFB00;
	s21 =	sshrl.u32 s23, $0x3;
	s23 =	rddreg [dreg:$0x8]  }
0x42: {  	[hbm:s23], [sflag:s20] =	dma.local [spmem:s21], $0x500  }
0x43: {  	_ =	swait.ge [sflag:s28], $0x500  }
0x44: {  	[sflag:s28] =	ssyncset.done $0x0;
	s23 =	rddreg [dreg:$0x13]  }
0x45: {  	[sflag:s28] =	ssyncadd.s32 $0xFFFFFB00;
	s21 =	sshrl.u32 s23, $0x3;
	s23 =	rddreg [dreg:$0x9]  }
0x46: {  	[hbm:s23], [sflag:s20] =	dma.local [spmem:s21], $0x500  }
0x47: {  	_ =	swait.ge [sflag:s28], $0x500  }
0x48: {  	[sflag:s28] =	ssyncset.done $0x0;
	s23 =	rddreg [dreg:$0x14]  }
0x49: {  	[sflag:s28] =	ssyncadd.s32 $0xFFFFFB00;
	s21 =	sshrl.u32 s23, $0x3;
	s23 =	rddreg [dreg:$0xa]  }
0x4a: {  	[hbm:s23], [sflag:s20] =	dma.local [spmem:s21], $0x500  }
0x4b: {  	_ =	swait.ge [sflag:s28], $0x500  }
0x4c: {  	[sflag:s28] =	ssyncset.done $0x0;
	s21 =	rddreg [dreg:$0x15]  }
0x4d: {  	s23 =	rddreg [dreg:$0xb];
	[sflag:s28] =	ssyncadd.s32 $0xFFFFFB00;
	s21 =	sshrl.u32 @!p1 s21, $0x3  }
0x4e: {  	[hbm:s23], [sflag:s20] =	dma.local @!p1 [spmem:s21], $0x500  }
0x4f: {  	s20 =	simm.s32 @!p1 $0x5  }
0x50: {  	_ =	swait.ge @!p1 [sflag:s20], $0x500  }
0x51: {  	s21 =	rddreg [dreg:$0x16]  }
0x52: {  	s23 =	sadd.s32 $0x1, s21;
	s21 =	rddreg [dreg:$0xd]  }
0x53: {  	p2 =	sne.s32 s23, s21  }
.Ltmp1:
0x54: {  	_ = 	snop;
	(pc) =	sbr.rel @!p2 .LBB2_7-.Ltmp1, $3  }
0x55: {  	_ =	sdelay $0x1  }
0x56: {  	[sflag:s20] =	ssyncset.done @!p1 $0x0  }
0x57: {  	[sflag:s20] =	ssyncadd.s32 @!p1 $0xFFFFFB00  }
.LBB2_1:
0x58: {  	[dreg:$0x16] =	wrdreg s23;
	s20 =	simm.s32 $0x0;
	s21 =	simm.s32 $0x200  }
.LBB2_2:
0x59: {  	p2 =	sne.s32 s21, $0xFE00;
	[tilespmem:s20+$0x1070] =	vst v0  }
0x5a: {  	[tilespmem:s20+$0x1000] =	vst v0  }
0x5b: {  	[tilespmem:s20+$0x1010] =	vst v0  }
.Ltmp2:
0x5c: {  	[tilespmem:s20+$0x1020] =	vst v0;
	(pc) =	sbr.rel @p2 .LBB2_2-.Ltmp2, $4  }
0x5d: {  	[tilespmem:s20+$0x1030] =	vst v0  }
0x5e: {  	[tilespmem:s20+$0x1040] =	vst v0  }
0x5f: {  	[tilespmem:s20+$0x1050] =	vst v0  }
0x60: {  	[tilespmem:s20+$0x1060] =	vst v0;
	s20 =	sshra.s32 s21, $0x2;
	s21 =	sadd.s32 $0x200, s21  }
0x61: {  	[tilespmem:s20+$0x1070] =	vst v0  }
0x62: {  	[tilespmem:s20+$0x1000] =	vst v0  }
0x63: {  	[tilespmem:s20+$0x1010] =	vst v0  }
0x64: {  	[tilespmem:s20+$0x1020] =	vst v0  }
0x65: {  	[tilespmem:s20+$0x1030] =	vst v0  }
0x66: {  	[tilespmem:s20+$0x1040] =	vst v0  }
0x67: {  	[tilespmem:s20+$0x1050] =	vst v0  }
0x68: {  	[tilespmem:s20+$0x1060] =	vst v0  }
0x69: {  	[spmem:s24] =	stream.linear.scatter [tilespmem:s26], [sflag:$0x5], $0x2800, $0x38;
	[tilespmem:$0x1CB00] =	vst v63  }
0x6a: {  	_ =	swait.ge [sflag:s28], $0x2800  }
0x6b: {  	[sflag:s28] =	ssyncset.done $0x0  }
0x6c: {  	s23 =	rddreg [dreg:$0xf];
	[sflag:s28] =	ssyncadd.s32 $0xFFFFD800  }
0x6d: {  	[spmem:s23] =	stream.linear.scatter [tilespmem:s26], [sflag:$0x5], $0x2800, $0x38;
	[tilespmem:$0x1CB00] =	vst v63  }
0x6e: {  	_ =	swait.ge [sflag:s28], $0x2800  }
0x6f: {  	[sflag:s28] =	ssyncset.done $0x0  }
0x70: {  	s24 =	rddreg [dreg:$0x10];
	[sflag:s28] =	ssyncadd.s32 $0xFFFFD800  }
0x71: {  	[spmem:s24] =	stream.linear.scatter [tilespmem:s26], [sflag:$0x5], $0x2800, $0x38;
	[tilespmem:$0x1CB00] =	vst v63  }
0x72: {  	_ =	swait.ge [sflag:s28], $0x2800  }
0x73: {  	[sflag:s28] =	ssyncset.done $0x0  }
0x74: {  	s21 =	rddreg [dreg:$0x11];
	[sflag:s28] =	ssyncadd.s32 $0xFFFFD800  }
0x75: {  	[spmem:s21] =	stream.linear.scatter [tilespmem:s26], [sflag:$0x5], $0x2800, $0x38;
	[tilespmem:$0x1CB00] =	vst v63  }
0x76: {  	_ =	swait.ge [sflag:s28], $0x2800  }
0x77: {  	[sflag:s28] =	ssyncset.done $0x0  }
0x78: {  	s23 =	rddreg [dreg:$0x12];
	[sflag:s28] =	ssyncadd.s32 $0xFFFFD800  }
0x79: {  	[spmem:s23] =	stream.linear.scatter [tilespmem:s26], [sflag:$0x5], $0x2800, $0x38;
	[tilespmem:$0x1CB00] =	vst v63  }
0x7a: {  	_ =	swait.ge [sflag:s28], $0x2800  }
0x7b: {  	[sflag:s28] =	ssyncset.done $0x0  }
0x7c: {  	s24 =	rddreg [dreg:$0x13];
	[sflag:s28] =	ssyncadd.s32 $0xFFFFD800  }
0x7d: {  	[spmem:s24] =	stream.linear.scatter [tilespmem:s26], [sflag:$0x5], $0x2800, $0x38;
	[tilespmem:$0x1CB00] =	vst v63  }
0x7e: {  	_ =	swait.ge [sflag:s28], $0x2800  }
0x7f: {  	[sflag:s28] =	ssyncset.done $0x0  }
0x80: {  	s21 =	rddreg [dreg:$0x14];
	[sflag:s28] =	ssyncadd.s32 $0xFFFFD800  }
0x81: {  	[spmem:s21] =	stream.linear.scatter [tilespmem:s26], [sflag:$0x5], $0x2800, $0x38;
	[tilespmem:$0x1CB00] =	vst v63  }
0x82: {  	_ =	swait.ge [sflag:s28], $0x2800  }
0x83: {  	[sflag:s28] =	ssyncset.done $0x0  }
0x84: {  	s20 =	simm.s32 @!p0 $0x1000;
	s21 =	rddreg [dreg:$0x15];
	[sflag:s28] =	ssyncadd.s32 $0xFFFFD800  }
0x85: {  	[spmem:s21] =	stream.linear.scatter @!p0 [tilespmem:s20], [sflag:$0x5], $0x2800, $0x38;
	[tilespmem:$0x1CB00] =	vst v63  }
0x86: {  	s20 =	simm.s32 @!p0 $0x5  }
0x87: {  	_ =	swait.ge @!p0 [sflag:s20], $0x2800  }
0x88: {  	[sflag:s20] =	ssyncset.done @!p0 $0x0  }
0x89: {  	[sflag:s20] =	ssyncadd.s32 @!p0 $0xFFFFD800  }
0x8a: {  	[bflag:$0x0] =	sbarrier.arrive $0xFFFF  }
0x8b: {  	s20 =	simm.s32 $0x0;
	s23 =	rddreg [dreg:$0x3]  }
0x8c: {  	[tilespmem:s20], [sflag:$0x5] =	stream.linear.gather [hbm4b:s23+s20], $0x400, $0x38;
	[tilespmem:$0x1CB00] =	vst v63  }
0x8d: {  	_ =	swait.ge [sflag:s28], $0x400  }
0x8e: {  	[sflag:s28] =	ssyncset.done $0x0  }
0x8f: {  	s23 =	simm.s32 $0x400;
	s24 =	rddreg [dreg:$0xc];
	[sflag:s28] =	ssyncadd.s32 $0xFFFFFC00  }
0x90: {  	[tilespmem:s23], [sflag:$0x5] =	stream.linear.gather [hbm4b:s24+s20], $0x400, $0x38;
	[tilespmem:$0x1CB00] =	vst v63  }
0x91: {  	_ =	swait.ge [sflag:s28], $0x400  }
0x92: {  	[sflag:s28] =	ssyncset.done $0x0  }
0x93: {  	[sflag:s28] =	ssyncadd.s32 $0xFFFFFC00  }
.LBB2_4:
0x94: {  	s21 =	sadd.s32 s20, s14  }
0x95: {  	s24 =	sadd.s32 s20, s15;
	s21 =	sadd.s32 $0x80, s21  }
0x96: {  	[tilespmem:s30], [sflag:$0x4] =	stream.linear.gather [hbm4b:s21+s13], $0x400, $0x38;
	[tilespmem:$0x1CB00] =	vst v63  }
0x97: {  	s21 =	sadd.s32 $0x80, s24  }
0x98: {  	[tilespmem:s31], [sflag:$0x4] =	stream.linear.gather [hbm4b:s21+s13], $0x400, $0x38;
	[tilespmem:$0x1CB00] =	vst v63  }
0x99: {  	_ = 	snop  }
0x9a: {  	[tilespmem:s26], [sflag:$0x1] =	stream.indirect.gather [hbm4b:s16+s1], $0x80, s13, s1, $0xb8;
	[tilespmem:$0x1CB00] =	vst v63  }
0x9b: {  	_ = 	snop  }
0x9c: {  	[tilespmem:s0], [sflag:$0x2] =	stream.indirect.gather [hbm4b:s16+s1], $0x80, s1, s1, $0xb8;
	[tilespmem:$0x1CB00] =	vst v63  }
0x9d: {  	_ =	swait.ge [sflag:s3], $0x4000  }
0x9e: {  	[sflag:s3] =	ssyncset.done $0x0  }
0x9f: {  	s23 =	simm.s32 $0x400;
	[sflag:s3] =	ssyncadd.s32 $0xFFFFC000  }
0xa0: {  	[spmem:s2] =	stream.indirect.scatter.add.f32 [tilespmem:s26], [sflag:$0x5], $0x80, s23, s1, $0xb8;
	[tilespmem:$0x1CB00] =	vst v63  }
0xa1: {  	_ =	swait.ge [sflag:s28], $0x4000  }
0xa2: {  	[sflag:s28] =	ssyncset.done $0x0  }
0xa3: {  	s24 =	simm.s32 $0x100;
	[sflag:s28] =	ssyncadd.s32 $0xFFFFC000  }
0xa4: {  	[tilespmem:s26], [sflag:$0x1] =	stream.indirect.gather [hbm4b:s16+s1], $0x80, s24, s1, $0xb8;
	[tilespmem:$0x1CB00] =	vst v63  }
0xa5: {  	_ =	swait.ge [sflag:s5], $0x4000  }
0xa6: {  	[sflag:s5] =	ssyncset.done $0x0  }
0xa7: {  	s23 =	simm.s32 $0x480;
	[sflag:s5] =	ssyncadd.s32 $0xFFFFC000  }
0xa8: {  	[spmem:s2] =	stream.indirect.scatter.add.f32 [tilespmem:s0], [sflag:$0x5], $0x80, s23, s1, $0xb8;
	[tilespmem:$0x1CB00] =	vst v63  }
0xa9: {  	_ =	swait.ge [sflag:s28], $0x4000  }
0xaa: {  	[sflag:s28] =	ssyncset.done $0x0  }
0xab: {  	s24 =	simm.s32 $0x180;
	[sflag:s28] =	ssyncadd.s32 $0xFFFFC000  }
0xac: {  	[tilespmem:s0], [sflag:$0x2] =	stream.indirect.gather [hbm4b:s16+s1], $0x80, s24, s1, $0xb8;
	[tilespmem:$0x1CB00] =	vst v63  }
0xad: {  	_ =	swait.ge [sflag:s3], $0x4000  }
0xae: {  	[sflag:s3] =	ssyncset.done $0x0  }
0xaf: {  	s23 =	simm.s32 $0x500;
	[sflag:s3] =	ssyncadd.s32 $0xFFFFC000  }
0xb0: {  	[spmem:s2] =	stream.indirect.scatter.add.f32 [tilespmem:s26], [sflag:$0x5], $0x80, s23, s1, $0xb8;
	[tilespmem:$0x1CB00] =	vst v63  }
0xb1: {  	_ =	swait.ge [sflag:s28], $0x4000  }
0xb2: {  	[sflag:s28] =	ssyncset.done $0x0  }
0xb3: {  	s24 =	simm.s32 $0x200;
	[sflag:s28] =	ssyncadd.s32 $0xFFFFC000  }
0xb4: {  	[tilespmem:s26], [sflag:$0x1] =	stream.indirect.gather [hbm4b:s16+s1], $0x80, s24, s1, $0xb8;
	[tilespmem:$0x1CB00] =	vst v63  }
0xb5: {  	_ =	swait.ge [sflag:s5], $0x4000  }
0xb6: {  	[sflag:s5] =	ssyncset.done $0x0  }
0xb7: {  	s23 =	simm.s32 $0x580;
	[sflag:s5] =	ssyncadd.s32 $0xFFFFC000  }
0xb8: {  	[spmem:s2] =	stream.indirect.scatter.add.f32 [tilespmem:s0], [sflag:$0x5], $0x80, s23, s1, $0xb8;
	[tilespmem:$0x1CB00] =	vst v63  }
0xb9: {  	_ =	swait.ge [sflag:s28], $0x4000  }
0xba: {  	[sflag:s28] =	ssyncset.done $0x0  }
0xbb: {  	s24 =	simm.s32 $0x280;
	[sflag:s28] =	ssyncadd.s32 $0xFFFFC000  }
0xbc: {  	[tilespmem:s0], [sflag:$0x2] =	stream.indirect.gather [hbm4b:s16+s1], $0x80, s24, s1, $0xb8;
	[tilespmem:$0x1CB00] =	vst v63  }
0xbd: {  	_ =	swait.ge [sflag:s3], $0x4000  }
0xbe: {  	[sflag:s3] =	ssyncset.done $0x0  }
0xbf: {  	s23 =	simm.s32 $0x600;
	[sflag:s3] =	ssyncadd.s32 $0xFFFFC000  }
0xc0: {  	[spmem:s2] =	stream.indirect.scatter.add.f32 [tilespmem:s26], [sflag:$0x5], $0x80, s23, s1, $0xb8;
	[tilespmem:$0x1CB00] =	vst v63  }
0xc1: {  	_ =	swait.ge [sflag:s28], $0x4000  }
0xc2: {  	[sflag:s28] =	ssyncset.done $0x0  }
0xc3: {  	s24 =	simm.s32 $0x300;
	[sflag:s28] =	ssyncadd.s32 $0xFFFFC000  }
0xc4: {  	[tilespmem:s26], [sflag:$0x1] =	stream.indirect.gather [hbm4b:s16+s1], $0x80, s24, s1, $0xb8;
	[tilespmem:$0x1CB00] =	vst v63  }
0xc5: {  	_ =	swait.ge [sflag:s5], $0x4000  }
0xc6: {  	[sflag:s5] =	ssyncset.done $0x0  }
0xc7: {  	s23 =	simm.s32 $0x680;
	[sflag:s5] =	ssyncadd.s32 $0xFFFFC000  }
0xc8: {  	[spmem:s2] =	stream.indirect.scatter.add.f32 [tilespmem:s0], [sflag:$0x5], $0x80, s23, s1, $0xb8;
	[tilespmem:$0x1CB00] =	vst v63  }
0xc9: {  	_ =	swait.ge [sflag:s28], $0x4000  }
0xca: {  	[sflag:s28] =	ssyncset.done $0x0  }
0xcb: {  	s24 =	simm.s32 $0x380;
	[sflag:s28] =	ssyncadd.s32 $0xFFFFC000  }
0xcc: {  	[tilespmem:s0], [sflag:$0x2] =	stream.indirect.gather [hbm4b:s16+s1], $0x80, s24, s1, $0xb8;
	[tilespmem:$0x1CB00] =	vst v63  }
0xcd: {  	_ =	swait.ge [sflag:s3], $0x4000  }
0xce: {  	[sflag:s3] =	ssyncset.done $0x0  }
0xcf: {  	s23 =	simm.s32 $0x700;
	[sflag:s3] =	ssyncadd.s32 $0xFFFFC000  }
0xd0: {  	[spmem:s2] =	stream.indirect.scatter.add.f32 [tilespmem:s26], [sflag:$0x5], $0x80, s23, s1, $0xb8;
	[tilespmem:$0x1CB00] =	vst v63  }
0xd1: {  	_ =	swait.ge [sflag:s28], $0x4000  }
0xd2: {  	[sflag:s28] =	ssyncset.done $0x0  }
0xd3: {  	[sflag:s28] =	ssyncadd.s32 $0xFFFFC000  }
0xd4: {  	_ =	swait.ge [sflag:s5], $0x4000  }
0xd5: {  	[sflag:s5] =	ssyncset.done $0x0  }
0xd6: {  	s24 =	simm.s32 $0x780;
	[sflag:s5] =	ssyncadd.s32 $0xFFFFC000  }
0xd7: {  	[spmem:s2] =	stream.indirect.scatter.add.f32 [tilespmem:s0], [sflag:$0x5], $0x80, s24, s1, $0xb8;
	[tilespmem:$0x1CB00] =	vst v63  }
0xd8: {  	_ =	swait.ge [sflag:s28], $0x4000  }
0xd9: {  	[sflag:s28] =	ssyncset.done $0x0  }
0xda: {  	[sflag:s28] =	ssyncadd.s32 $0xFFFFC000  }
0xdb: {  	_ =	swait.ge [sflag:s22], $0x400  }
0xdc: {  	[sflag:s22] =	ssyncset.done $0x0  }
0xdd: {  	[sflag:s22] =	ssyncadd.s32 $0xFFFFFC00  }
0xde: {  	p2 =	seq.s32 s20, $0x400;
	_ =	swait.ge [sflag:s22], $0x400  }
0xdf: {  	s21 =	sadd.s32 @!p2 s20, s14;
	[sflag:s22] =	ssyncset.done $0x0  }
0xe0: {  	s21 =	sadd.s32 @!p2 $0x100, s21;
	s23 =	simm.s32 @!p2 $0x0;
	[sflag:s22] =	ssyncadd.s32 $0xFFFFFC00  }
0xe1: {  	[tilespmem:s23], [sflag:$0x3] =	stream.linear.gather @!p2 [hbm4b:s21+s23], $0x400, $0x38;
	[tilespmem:$0x1CB00] =	vst v63  }
0xe2: {  	s21 =	sadd.s32 @!p2 s20, s15  }
0xe3: {  	s24 =	simm.s32 @!p2 $0x400;
	s21 =	sadd.s32 @!p2 $0x100, s21  }
0xe4: {  	[tilespmem:s24], [sflag:$0x3] =	stream.linear.gather @!p2 [hbm4b:s21+s23], $0x400, $0x38;
	[tilespmem:$0x1CB00] =	vst v63  }
0xe5: {  	_ = 	snop  }
0xe6: {  	[tilespmem:s26], [sflag:$0x1] =	stream.indirect.gather [hbm4b:s16+s1], $0x80, s30, s1, $0xb8;
	[tilespmem:$0x1CB00] =	vst v63  }
0xe7: {  	s23 =	simm.s32 $0x880  }
0xe8: {  	[tilespmem:s0], [sflag:$0x2] =	stream.indirect.gather [hbm4b:s16+s1], $0x80, s23, s1, $0xb8;
	[tilespmem:$0x1CB00] =	vst v63  }
0xe9: {  	_ =	swait.ge [sflag:s3], $0x4000  }
0xea: {  	[sflag:s3] =	ssyncset.done $0x0  }
0xeb: {  	[sflag:s3] =	ssyncadd.s32 $0xFFFFC000  }
0xec: {  	[spmem:s2] =	stream.indirect.scatter.add.f32 [tilespmem:s26], [sflag:$0x5], $0x80, s31, s1, $0xb8;
	[tilespmem:$0x1CB00] =	vst v63  }
0xed: {  	_ =	swait.ge [sflag:s28], $0x4000  }
0xee: {  	[sflag:s28] =	ssyncset.done $0x0  }
0xef: {  	s24 =	simm.s32 $0x900;
	[sflag:s28] =	ssyncadd.s32 $0xFFFFC000  }
0xf0: {  	[tilespmem:s26], [sflag:$0x1] =	stream.indirect.gather [hbm4b:s16+s1], $0x80, s24, s1, $0xb8;
	[tilespmem:$0x1CB00] =	vst v63  }
0xf1: {  	_ =	swait.ge [sflag:s5], $0x4000  }
0xf2: {  	[sflag:s5] =	ssyncset.done $0x0  }
0xf3: {  	[sflag:s5] =	ssyncadd.s32 $0xFFFFC000  }
0xf4: {  	[spmem:s2] =	stream.indirect.scatter.add.f32 [tilespmem:s0], [sflag:$0x5], $0x80, s25, s1, $0xb8;
	[tilespmem:$0x1CB00] =	vst v63  }
0xf5: {  	_ =	swait.ge [sflag:s28], $0x4000  }
0xf6: {  	[sflag:s28] =	ssyncset.done $0x0  }
0xf7: {  	[sflag:s28] =	ssyncadd.s32 $0xFFFFC000  }
0xf8: {  	[tilespmem:s0], [sflag:$0x2] =	stream.indirect.gather [hbm4b:s16+s1], $0x80, s4, s1, $0xb8;
	[tilespmem:$0x1CB00] =	vst v63  }
0xf9: {  	_ =	swait.ge [sflag:s3], $0x4000  }
0xfa: {  	[sflag:s3] =	ssyncset.done $0x0  }
0xfb: {  	[sflag:s3] =	ssyncadd.s32 $0xFFFFC000  }
0xfc: {  	[spmem:s2] =	stream.indirect.scatter.add.f32 [tilespmem:s26], [sflag:$0x5], $0x80, s6, s1, $0xb8;
	[tilespmem:$0x1CB00] =	vst v63  }
0xfd: {  	_ =	swait.ge [sflag:s28], $0x4000  }
0xfe: {  	[sflag:s28] =	ssyncset.done $0x0  }
0xff: {  	[sflag:s28] =	ssyncadd.s32 $0xFFFFC000  }
0x100: {  	[tilespmem:s26], [sflag:$0x1] =	stream.indirect.gather [hbm4b:s16+s1], $0x80, s7, s1, $0xb8;
	[tilespmem:$0x1CB00] =	vst v63  }
0x101: {  	_ =	swait.ge [sflag:s5], $0x4000  }
0x102: {  	[sflag:s5] =	ssyncset.done $0x0  }
0x103: {  	[sflag:s5] =	ssyncadd.s32 $0xFFFFC000  }
0x104: {  	[spmem:s2] =	stream.indirect.scatter.add.f32 [tilespmem:s0], [sflag:$0x5], $0x80, s8, s1, $0xb8;
	[tilespmem:$0x1CB00] =	vst v63  }
0x105: {  	_ =	swait.ge [sflag:s28], $0x4000  }
0x106: {  	[sflag:s28] =	ssyncset.done $0x0  }
0x107: {  	[sflag:s28] =	ssyncadd.s32 $0xFFFFC000  }
0x108: {  	[tilespmem:s0], [sflag:$0x2] =	stream.indirect.gather [hbm4b:s16+s1], $0x80, s29, s1, $0xb8;
	[tilespmem:$0x1CB00] =	vst v63  }
0x109: {  	_ =	swait.ge [sflag:s3], $0x4000  }
0x10a: {  	[sflag:s3] =	ssyncset.done $0x0  }
0x10b: {  	[sflag:s3] =	ssyncadd.s32 $0xFFFFC000  }
0x10c: {  	[spmem:s2] =	stream.indirect.scatter.add.f32 [tilespmem:s26], [sflag:$0x5], $0x80, s9, s1, $0xb8;
	[tilespmem:$0x1CB00] =	vst v63  }
0x10d: {  	_ =	swait.ge [sflag:s28], $0x4000  }
0x10e: {  	[sflag:s28] =	ssyncset.done $0x0  }
0x10f: {  	[sflag:s28] =	ssyncadd.s32 $0xFFFFC000  }
0x110: {  	[tilespmem:s26], [sflag:$0x1] =	stream.indirect.gather [hbm4b:s16+s1], $0x80, s10, s1, $0xb8;
	[tilespmem:$0x1CB00] =	vst v63  }
0x111: {  	_ =	swait.ge [sflag:s5], $0x4000  }
0x112: {  	[sflag:s5] =	ssyncset.done $0x0  }
0x113: {  	[sflag:s5] =	ssyncadd.s32 $0xFFFFC000  }
0x114: {  	[spmem:s2] =	stream.indirect.scatter.add.f32 [tilespmem:s0], [sflag:$0x5], $0x80, s11, s1, $0xb8;
	[tilespmem:$0x1CB00] =	vst v63  }
0x115: {  	_ =	swait.ge [sflag:s28], $0x4000  }
0x116: {  	[sflag:s28] =	ssyncset.done $0x0  }
0x117: {  	[sflag:s28] =	ssyncadd.s32 $0xFFFFC000  }
0x118: {  	[tilespmem:s0], [sflag:$0x2] =	stream.indirect.gather [hbm4b:s16+s1], $0x80, s12, s1, $0xb8;
	[tilespmem:$0x1CB00] =	vst v63  }
0x119: {  	_ =	swait.ge [sflag:s3], $0x4000  }
0x11a: {  	[sflag:s3] =	ssyncset.done $0x0  }
0x11b: {  	[sflag:s3] =	ssyncadd.s32 $0xFFFFC000  }
0x11c: {  	[spmem:s2] =	stream.indirect.scatter.add.f32 [tilespmem:s26], [sflag:$0x5], $0x80, s17, s1, $0xb8;
	[tilespmem:$0x1CB00] =	vst v63  }
0x11d: {  	_ =	swait.ge [sflag:s28], $0x4000  }
0x11e: {  	[sflag:s28] =	ssyncset.done $0x0  }
0x11f: {  	[sflag:s28] =	ssyncadd.s32 $0xFFFFC000  }
0x120: {  	_ =	swait.ge [sflag:s5], $0x4000  }
0x121: {  	[sflag:s5] =	ssyncset.done $0x0  }
.Ltmp3:
0x122: {  	[sflag:s5] =	ssyncadd.s32 $0xFFFFC000;
	(pc) =	sbr.rel @p2 .LBB2_6-.Ltmp3, $4  }
0x123: {  	[spmem:s2] =	stream.indirect.scatter.add.f32 [tilespmem:s0], [sflag:$0x5], $0x80, s18, s1, $0xb8;
	[tilespmem:$0x1CB00] =	vst v63  }
0x124: {  	_ =	swait.ge [sflag:s28], $0x4000  }
0x125: {  	[sflag:s28] =	ssyncset.done $0x0  }
0x126: {  	[sflag:s28] =	ssyncadd.s32 $0xFFFFC000  }
0x127: {  	_ =	swait.ge [sflag:s19], $0x400  }
.Ltmp4:
0x128: {  	[sflag:s19] =	ssyncset.done $0x0;
	(pc) =	sbr.rel .LBB2_4-.Ltmp4, $4  }
0x129: {  	[sflag:s19] =	ssyncadd.s32 $0xFFFFFC00  }
0x12a: {  	_ =	swait.ge [sflag:s19], $0x400  }
0x12b: {  	[sflag:s19] =	ssyncset.done $0x0  }
0x12c: {  	s20 =	sadd.s32 $0x100, s20;
	[sflag:s19] =	ssyncadd.s32 $0xFFFFFC00  }
.LBB2_7:
0x12d: {  	_ =	sfence.sel $0x180000  }
0x12e: {  	[bflag:$0x0] =	sbarrier.arrive $0xFFFF  }
0x12f: {  	_ =	strace $0x9000004A  }
0x130: {  	s0 =	stileid.u32;
	[bflag:$0x2] =	sbarrier.arrive $0xFFFF  }
0x131: {  	p0 =	sne.s32 s0, $0x0;
	s0 =	rddreg [dreg:$0x2]  }
0x132: {  	s0 =	sadd.s32 @!p0 $0x100000, s0  }
0x133: {  	[sflag:s0] =	ssyncadd.tile.s32 @!p0 $0x1;
	_ =	shalt  }
.Lfunc_end2:
_tile_overlayer_lowered:
.L_overlay_start_2:
0x134: {  	(tag) =	ssettag $0x2  }
0x135: {  	s0 =	rddreg [dreg:$0x0];
	s2 =	stileid.u32  }
0x136: {  	s1 =	rddreg [dreg:$0x1];
	p0 =	sne.s32 s2, $0x0  }
0x137: {  	s3 =	rddreg [dreg:$0x2];
	[bflag:$0x3] =	sbarrier.arrive $0xFFFF;
	s2 =	simm.s32 @!p0 $0x1C05  }
0x138: {  	[timem:s3], [sflag:s2] =	dma.local @!p0 [hbm:s0], s1  }
0x139: {  	s0 =	simm.s32 @!p0 $0x5  }
0x13a: {  	_ =	swait.ge @!p0 [sflag:s0], s1  }
0x13b: {  	s1 =	ssub.s32 @!p0 $0x0, s1;
	[sflag:s0] =	ssyncset.done @!p0 $0x0  }
0x13c: {  	[sflag:s0] =	ssyncadd.s32 @!p0 s1  }
0x13d: {  	[bflag:$0x3] =	sbarrier.arrive $0xFFFF  }
0x13e: {  	_ =	shalt  }

// kernel: kernel.14.cloned.1.call-start
scs
__scs_entry_jumppad:
0x0: {  	(pc) =	sbr.rel $0x88, $3  }
0x1: {  	(tag) =	ssettag $0x0;
	lr =	simm.s32 $0x1  }
0x2: {  	[smem:$0x3F91] =	sst lr;
	_ =	strace $0xD0000000  }
0x3: {  	_ = 	snop  }
0x4: {  	_ = 	snop  }
0x5: {  	_ = 	snop  }
0x6: {  	_ = 	snop  }
0x7: {  	_ = 	snop  }
__scs_overlays_trampoline_lowered:
0x8: {  	[smem:$0x3FA0] =	sst s0  }
0x9: {  	[smem:$0x3FA1] =	sst s1  }
0xa: {  	[smem:$0x3FA2] =	sst s2  }
0xb: {  	[smem:$0x3FA3] =	sst s3  }
0xc: {  	[smem:$0x3FA4] =	sst s4  }
0xd: {  	[smem:$0x3FA5] =	sst s5  }
0xe: {  	[smem:$0x3FA6] =	sst s6  }
0xf: {  	[smem:$0x3FA7] =	sst s7  }
0x10: {  	[smem:$0x3FA8] =	sst s8  }
0x11: {  	[smem:$0x3FA9] =	sst s9;
	s0 =	simm.s32 @!p0 $0x0  }
0x12: {  	s1 =	sld [smem:$0x3F8F];
	s0 =	simm.s32 @p0 $0x1  }
0x13: {  	[smem:$0x3FAA] =	sst s0;
	s0 =	simm.s32 @!p1 $0x0  }
0x14: {  	s2 =	sld [smem:$0x3F8E];
	s0 =	simm.s32 @p1 $0x1  }
0x15: {  	[smem:$0x3FAB] =	sst s0;
	s0 =	simm.s32 @!p2 $0x0  }
0x16: {  	s3 =	sld [smem:$0x3FDB];
	s0 =	simm.s32 @p2 $0x1  }
0x17: {  	s4 =	simm.s32 $0x1BF5;
	[smem:$0x3FAD] =	sst s0  }
0x18: {  	s0 =	sld [smem:$0x3F90];
	_ =	swait.ge [sflag:s4], $0x0  }
0x19: {  	s7 =	sld [smem:$0x3F91]  }
0x1a: {  	s8 =	sadd.s32 $0xFFFFE003, lr  }
0x1b: {  	s9 =	sadd.s32 $0xFFFFFEF7, lr;
	s5 =	simm.s32 $0xFFFFFFFF;
	p2 =	slt.u32 s8, $0xFFFFF086  }
0x1c: {  	p1 =	slt.u32 s9, $0xF7A;
	s5 =	simm.s32 @!p2 $0x0  }
0x1d: {  	s5 =	simm.s32 @p1 $0x1;
	p0 =	seq.s32 s7, s2  }
0x1e: {  	s7 =	smul.u32 @!p0 $0xF7A, s2;
	p2 =	seq.s32 @!p0 s5, $0x0  }
0x1f: {  	s9 =	smul.u32 $0xF7A, s1;
	s8 =	simm.s32 @!p0 $0x1BF5;
	p2 =	por !p2, p0  }
0x20: {  	[sflag:s8] =	ssyncset.s32 @!p0 $0xFFFFF086;
	s6 =	sadd.s32 @!p0 s3, s7;
	s7 =	simm.s32 @!p0 $0x108  }
0x21: {  	s3 =	sadd.s32 s3, s9;
	s6 =	sadd.s32 @!p0 $0x88, s6;
	s7 =	simm.s32 @p2 $0x1082  }
0x22: {  	[simem:s7], [sflag:s8] =	dma.local @!p0 [hbm:s6], $0xF7A  }
0x23: {  	s9 =	sor.u32 $0xD0000000, s2;
	s6 =	simm.s32 $0x108;
	_ =	swait.ge @!p0 [sflag:s8], $0x0  }
0x24: {  	s3 =	sadd.s32 $0x88, s3;
	s6 =	simm.s32 @!p1 $0x1082;
	[sflag:s4] =	ssyncset.s32 $0xFFFFF086  }
0x25: {  	[simem:s6], [sflag:s4] =	dma.local [hbm:s3], $0xF7A  }
0x26: {  	[smem:$0x3F91] =	sst s1;
	(tag) =	ssettag s2;
	_ =	strace s9  }
0x27: {  	s1 =	sld [smem:$0x3FA1]  }
0x28: {  	s2 =	sld [smem:$0x3FA2]  }
0x29: {  	s4 =	sld [smem:$0x3FA4]  }
0x2a: {  	p0 =	seq.s32 s5, $0x0;
	s5 =	sld [smem:$0x3FA5]  }
0x2b: {  	s6 =	sld [smem:$0x3FA6]  }
0x2c: {  	s7 =	sld [smem:$0x3FA7]  }
0x2d: {  	s3 =	simm.s32 $0x108;
	s8 =	sld [smem:$0x3FA8]  }
0x2e: {  	s3 =	simm.s32 @!p0 $0x1082;
	s9 =	sld [smem:$0x3FA9]  }
0x2f: {  	lr =	sadd.s32 s0, s3;
	s0 =	sld [smem:$0x3FA0]  }
0x30: {  	s3 =	sld [smem:$0x3FA3]  }
0x31: {  	[smem:$0x3FAC] =	sst s10  }
0x32: {  	s10 =	sld [smem:$0x3FAA];
	_ =	sdelay $0x3  }
0x33: {  	p0 =	seq.s32 s10, $0x1;
	s10 =	sld [smem:$0x3FAC];
	_ =	sdelay $0x3  }
0x34: {  	[smem:$0x3FAC] =	sst s10  }
0x35: {  	s10 =	sld [smem:$0x3FAB];
	_ =	sdelay $0x3  }
0x36: {  	p1 =	seq.s32 s10, $0x1;
	s10 =	sld [smem:$0x3FAC];
	_ =	sdelay $0x3  }
0x37: {  	[smem:$0x3FAC] =	sst s10  }
0x38: {  	s10 =	sld [smem:$0x3FAD]  }
0x39: {  	_ = 	snop;
	(pc) =	sbr.ind lr, $3  }
0x3a: {  	_ = 	snop  }
0x3b: {  	_ = 	snop  }
0x3c: {  	p2 =	seq.s32 s10, $0x1;
	s10 =	sld [smem:$0x3FAC]  }
0x3d: {  	_ =	shalt  }
0x3e: {  	_ =	shalt  }
0x3f: {  	_ =	shalt  }
0x40: {  	_ =	shalt  }
0x41: {  	_ =	shalt  }
0x42: {  	_ =	shalt  }
0x43: {  	_ =	shalt  }
0x44: {  	_ =	shalt  }
0x45: {  	_ =	shalt  }
0x46: {  	_ =	shalt  }
0x47: {  	_ =	shalt  }
0x48: {  	_ =	shalt  }
0x49: {  	_ =	shalt  }
0x4a: {  	_ =	shalt  }
0x4b: {  	_ =	shalt  }
0x4c: {  	_ =	shalt  }
0x4d: {  	_ =	shalt  }
0x4e: {  	_ =	shalt  }
0x4f: {  	_ =	shalt  }
0x50: {  	_ =	shalt  }
0x51: {  	_ =	shalt  }
0x52: {  	_ =	shalt  }
0x53: {  	_ =	shalt  }
0x54: {  	_ =	shalt  }
0x55: {  	_ =	shalt  }
0x56: {  	_ =	shalt  }
0x57: {  	_ =	shalt  }
0x58: {  	_ =	shalt  }
0x59: {  	_ =	shalt  }
0x5a: {  	_ =	shalt  }
0x5b: {  	_ =	shalt  }
0x5c: {  	_ =	shalt  }
0x5d: {  	_ =	shalt  }
0x5e: {  	_ =	shalt  }
0x5f: {  	_ =	shalt  }
0x60: {  	_ =	shalt  }
0x61: {  	_ =	shalt  }
0x62: {  	_ =	shalt  }
0x63: {  	_ =	shalt  }
0x64: {  	_ =	shalt  }
0x65: {  	_ =	shalt  }
0x66: {  	_ =	shalt  }
0x67: {  	_ =	shalt  }
0x68: {  	_ =	shalt  }
0x69: {  	_ =	shalt  }
0x6a: {  	_ =	shalt  }
0x6b: {  	_ =	shalt  }
0x6c: {  	_ =	shalt  }
0x6d: {  	_ =	shalt  }
0x6e: {  	_ =	shalt  }
0x6f: {  	_ =	shalt  }
0x70: {  	_ =	shalt  }
0x71: {  	_ =	shalt  }
0x72: {  	_ =	shalt  }
0x73: {  	_ =	shalt  }
0x74: {  	_ =	shalt  }
0x75: {  	_ =	shalt  }
0x76: {  	_ =	shalt  }
0x77: {  	_ =	shalt  }
0x78: {  	_ =	shalt  }
0x79: {  	_ =	shalt  }
0x7a: {  	_ =	shalt  }
0x7b: {  	_ =	shalt  }
0x7c: {  	_ =	shalt  }
0x7d: {  	_ =	shalt  }
0x7e: {  	_ =	shalt  }
0x7f: {  	_ =	shalt  }
0x80: {  	_ =	shalt  }
0x81: {  	_ =	shalt  }
0x82: {  	_ =	shalt  }
0x83: {  	_ =	shalt  }
0x84: {  	_ =	shalt  }
0x85: {  	_ =	shalt  }
0x86: {  	_ =	shalt  }
0x87: {  	_ =	shalt  }
.Lfunc_end0:
.L_simem_size_0:
called_computation.2_lowered:
.L_overlay_start_0:
0x88: {  	s2 =	sld [smem:$0x3FD9]  }
0x89: {  	s3 =	sld [smem:$0x3FFE];
	_ =	sdelay $0x1  }
0x8a: {  	s1 =	srdreg.scid  }
0x8b: {  	s0 =	sand.u32 $0x1, s1  }
0x8c: {  	s16 =	sshll.u32 s0, $0xA;
	s2 =	sadd.s32 s3, s2  }
0x8d: {  	s2 =	sadd.s32 s2, s16  }
0x8e: {  	[smem:$0x3FB8] =	sst s2  }
0x8f: {  	_ = 	snop  }
0x90: {  	(tm) =	ssettm $0x1  }
0x91: {  	s17 =	sld [smem:$0x3FFB];
	_ =	sdelay $0x3  }
0x92: {  	_ =	strace s17  }
0x93: {  	s2 =	sld [smem:$0x3FFC];
	_ =	sdelay $0x3  }
0x94: {  	_ =	strace s2  }
0x95: {  	s2 =	sld [smem:$0x3FFD];
	_ =	sdelay $0x3  }
0x96: {  	_ =	strace s2  }
0x97: {  	_ =	strace $0x8FFFFFFF  }
0x98: {  	s18 =	sld [smem:$0x3FDB];
	_ =	sdelay $0x1  }
0x99: {  	s19 =	simm.s32 $_scs_section_size  }
0x9a: {  	s4 =	simm.s32 $_size__tile_overlayer_lowered;
	s5 =	simm.s32 $_tile_overlayer_lowered  }
0x9b: {  	s22 =	simm.s32 $0x1BFF;
	s21 =	sshll.u32 s5, $0x1;
	s2 =	sadd.s32 s19, s18  }
0x9c: {  	s6 =	simm.s32 $0x0;
	s20 =	sshll.u32 s4, $0x1;
	s4 =	sadd.s32 s21, s2  }
0x9d: {  	[timem:s6], [sflag:s22] =	dma.local [hbm:s4], s20  }
0x9e: {  	_ =	swait.ge [sflag:s22], s20  }
0x9f: {  	s3 =	ssub.s32 $0x0, s20;
	[sflag:s22] =	ssyncset.done $0x0  }
0xa0: {  	[sflag:s22] =	ssyncadd.s32 s3;
	_ =	sdelay $0x1  }
0xa1: {  	s23 =	simm.s32 $0x1B8B  }
0xa2: {  	_ =	swait.ge [sflag:s23], $0x1  }
0xa3: {  	[sflag:s23] =	ssyncset.done $0x0  }
0xa4: {  	s25 =	simm.s32 $0x1B8E;
	s24 =	sld [smem:$0x3FFE];
	[sflag:s23] =	ssyncadd.s32 $0xFFFFFFFF  }
0xa5: {  	s26 =	simm.s32 $execute0_lowered;
	[smem:$0x3FD2] =	sst s25  }
0xa6: {  	s4 =	sshll.u32 s26, $0x1;
	_ =	strace $0x8000004C;
	[dreg:$0x1] =	wrdreg $0xFFFFFFFF  }
0xa7: {  	s28 =	simm.s32 $_size_execute0_lowered;
	s2 =	sadd.s32 s2, s4;
	[dreg:$0x0] =	wrdreg $0x0  }
0xa8: {  	s4 =	sshll.u32 s28, $0x1;
	[dreg:$0x2] =	wrdreg s2  }
0xa9: {  	[dreg:$0x3] =	wrdreg s4  }
0xaa: {  	[dreg:$0x4] =	wrdreg $0xC0  }
0xab: {  	_ =	task [dreg:s6], $0x5FFFF  }
0xac: {  	[dreg:$0x1] =	wrdreg $0xFFFFFFFF  }
0xad: {  	[dreg:$0x0] =	wrdreg $0x60  }
0xae: {  	[dreg:$0x2] =	wrdreg s24  }
0xaf: {  	[dreg:$0x3] =	wrdreg $0x90000  }
0xb0: {  	[dreg:$0x4] =	wrdreg $0x9  }
0xb1: {  	_ =	task.clear_ibuf [dreg:s6], $0x5FFFF;
	_ =	strace $0x9000004C  }
0xb2: {  	s29 =	simm.s32 $0x9;
	_ =	strace $0x8000004E  }
0xb3: {  	_ =	swait.ge [sflag:s29], $0x1  }
0xb4: {  	[sflag:s29] =	ssyncadd.s32 $0xFFFFFFFF  }
0xb5: {  	_ =	strace $0x9000004E  }
0xb6: {  	_ =	sfence  }
0xb7: {  	s30 =	sld [smem:$0x0];
	_ =	sdelay $0x2  }
0xb8: {  	s31 =	sshll.u32 s1, $0xD;
	s1 =	sshrl.u32 s1, $0x2  }
0xb9: {  	s3 =	sand.u32 $0x4000, s31;
	s1 =	sadd.s32 s1, s30  }
0xba: {  	s0 =	sor.u32 s3, s0;
	s1 =	sshll.u32 s1, $0x11  }
0xbb: {  	s0 =	sor.u32 s1, s0  }
0xbc: {  	s0 =	sadd.s32 $0x8F2B, s0  }
0xbd: {  	[sflag:s0] =	ssyncadd.remote.s32 $0x1  }
0xbe: {  	_ =	sfence.sel $0xFFFF  }
0xbf: {  	[dreg:$0x0] =	wrdreg $0xFFFFFFFF;
	(pc) =	sbr.abs _section_cstart, $3  }
0xc0: {  	[dreg:$0x1] =	wrdreg $0xFFFFFFFF  }
0xc1: {  	_ =	task.clear_ibuf [dreg:s6], $0x2FFFF;
	_ =	strace $0x9FFFFFFF  }
0xc2: {  	(tm) =	ssettm $0x7FFFFFFF  }
0xc3: {  	_ =	shalt  }
tec
execute0_lowered:
.L_overlay_start_1:
0x0: {  	(tag) =	ssettag $0x1  }
0x1: {  	s0 =	srdreg.scid  }
0x2: {  	s24 =	stileid.u32;
	s28 =	simm.s32 $0x5;
	s30 =	simm.s32 $0x800  }
0x3: {  	s31 =	simm.s32 $0xC00;
	s1 =	sand.u32 $0x1, s0;
	s7 =	smul.u32 $0x2800, s24  }
0x4: {  	s29 =	simm.s32 $0xA80;
	s6 =	sor.u32 $0x10, s24;
	s4 =	smul.u32 $0x138800, s1  }
0x5: {  	s0 =	rddreg [dreg:$0x0];
	s9 =	sor.u32 $0x20, s24;
	s10 =	smul.u32 $0x2800, s6  }
0x6: {  	s12 =	sor.u32 $0x30, s24;
	s17 =	sor.u32 $0x40, s24;
	s13 =	smul.u32 $0x2800, s9  }
0x7: {  	s18 =	sor.u32 $0x50, s24;
	s21 =	sor.u32 $0x60, s24;
	s15 =	smul.u32 $0x2800, s12  }
0x8: {  	s22 =	sor.u32 $0x70, s24;
	s2 =	sshll.u32 s1, $0x4;
	s19 =	smul.u32 $0x2800, s17  }
0x9: {  	s5 =	sadd.s32 $0x36000, s0;
	s8 =	sadd.s32 $0x4200, s0;
	s25 =	smul.u32 $0x2800, s21  }
0xa: {  	s11 =	sadd.s32 $0x67200, s0;
	s14 =	ssub.s32 $0x2, s1;
	s23 =	smul.u32 $0x2800, s22  }
0xb: {  	s1 =	smul.u32 $0x5000, s1;
	p0 =	sgt.u32 s22, $0x7D;
	s3 =	sor.u32 s24, s2  }
0xc: {  	p1 =	sgt.u32 s22, $0x7C;
	s16 =	sshrl.u32 s14, $0x1;
	s3 =	smul.u32 $0x500, s3  }
0xd: {  	s2 =	rddreg [dreg:$0x1];
	s20 =	ssub.s32 s14, s16;
	s16 =	smul.u32 $0x2800, s18  }
0xe: {  	s7 =	sadd.s32 s4, s7;
	s10 =	sadd.s32 s4, s10;
	s13 =	sadd.s32 s4, s13  }
0xf: {  	s15 =	sadd.s32 s4, s15;
	s19 =	sadd.s32 s4, s19;
	s7 =	sshrl.u32 s7, $0x3  }
0x10: {  	s10 =	sshrl.u32 s10, $0x3;
	s13 =	sshrl.u32 s13, $0x3;
	s14 =	sadd.s32 s4, s16  }
0x11: {  	s16 =	sadd.s32 s4, s25;
	s4 =	sadd.s32 s4, s23;
	s26 =	sadd.s32 s5, s3  }
0x12: {  	s7 =	sadd.s32 s11, s7;
	s25 =	sadd.s32 s11, s10;
	[dreg:$0x3] =	wrdreg s26  }
0x13: {  	s10 =	sshrl.u32 s15, $0x3;
	s3 =	sadd.s32 s8, s3;
	[dreg:$0x4] =	wrdreg s7  }
0x14: {  	[dreg:$0x5] =	wrdreg s25;
	s26 =	sadd.s32 s11, s13;
	s13 =	sshrl.u32 s19, $0x3  }
0x15: {  	s14 =	sshrl.u32 s14, $0x3;
	s7 =	sadd.s32 s11, s10;
	s25 =	smul.u32 $0x500, s24  }
0x16: {  	s23 =	sshrl.u32 s16, $0x3;
	[dreg:$0xc] =	wrdreg s3;
	s10 =	smul.u32 $0xA000, s12  }
0x17: {  	s4 =	sshrl.u32 s4, $0x3;
	s12 =	smul.u32 $0xA000, s18;
	[dreg:$0x6] =	wrdreg s26  }
0x18: {  	s16 =	sadd.s32 $0xE200, s0;
	s18 =	smul.u32 $0xA000, s22;
	[dreg:$0x7] =	wrdreg s7  }
0x19: {  	s15 =	sadd.s32 s11, s13;
	s19 =	sadd.s32 s11, s14;
	s7 =	sadd.s32 s11, s23  }
0x1a: {  	s4 =	sadd.s32 s11, s4;
	s26 =	sadd.s32 s1, s5;
	s5 =	smul.u32 $0xA000, s24  }
0x1b: {  	s1 =	sadd.s32 s1, s8;
	s8 =	smul.u32 $0xA000, s9;
	[dreg:$0x8] =	wrdreg s15  }
0x1c: {  	s13 =	simm.s32 $0x0;
	s11 =	smul.u32 $0xA000, s17;
	[dreg:$0x9] =	wrdreg s19  }
0x1d: {  	s9 =	smax.u32 s20, $0x1;
	s17 =	smul.u32 $0xA000, s21;
	[dreg:$0xa] =	wrdreg s7  }
0x1e: {  	[dreg:$0xb] =	wrdreg s4;
	s14 =	sadd.s32 s25, s26;
	s15 =	sadd.s32 s25, s1  }
0x1f: {  	[smem:$0x7FF] =	sst s13;
	s7 =	smul.u32 $0xA000, s6;
	s4 =	sshrl.u32 s10, $0x2  }
0x20: {  	s21 =	sshrl.u32 s12, $0x2;
	s23 =	sshrl.u32 s18, $0x2;
	s6 =	simm.s32 $0xD00  }
0x21: {  	s10 =	simm.s32 $0xB00;
	s12 =	simm.s32 $0xB80;
	s18 =	simm.s32 $0xF80  }
0x22: {  	_ =	strace $0x8000004D;
	[dreg:$0xd] =	wrdreg s9;
	s3 =	sshrl.u32 s5, $0x2  }
0x23: {  	s0 =	sshrl.u32 s8, $0x2;
	s19 =	sadd.s32 s4, s2;
	s22 =	sshrl.u32 s17, $0x2  }
0x24: {  	s26 =	sadd.s32 s23, s2;
	s5 =	simm.s32 $0x2;
	s4 =	simm.s32 $0x980  }
0x25: {  	s8 =	simm.s32 $0xD80;
	s9 =	simm.s32 $0xE00;
	s17 =	simm.s32 $0xF00  }
0x26: {  	s23 =	simm.s32 $0x0;
	s24 =	sadd.s32 s3, s2;
	s1 =	sshrl.u32 s7, $0x2  }
0x27: {  	s3 =	sshrl.u32 s11, $0x2;
	s0 =	sadd.s32 s0, s2;
	[dreg:$0x11] =	wrdreg s19  }
0x28: {  	s25 =	sadd.s32 s22, s2;
	[dreg:$0x15] =	wrdreg s26;
	s26 =	simm.s32 $0x1000  }
0x29: {  	s22 =	simm.s32 $0x4;
	s7 =	simm.s32 $0xA00;
	[dreg:$0x10] =	wrdreg s0  }
.Ltmp0:
0x2a: {  	s11 =	simm.s32 $0xE80;
	[dreg:$0x14] =	wrdreg s25;
	(pc) =	sbr.rel .LBB2_1-.Ltmp0, $4  }
0x2b: {  	s19 =	simm.s32 $0x3;
	s1 =	sadd.s32 s1, s2;
	[dreg:$0xe] =	wrdreg s24  }
0x2c: {  	s20 =	sadd.s32 s3, s2;
	s0 =	sadd.s32 s21, s2;
	[dreg:$0xf] =	wrdreg s1  }
0x2d: {  	s3 =	simm.s32 $0x1;
	s25 =	simm.s32 $0xC80;
	[dreg:$0x12] =	wrdreg s20  }
0x2e: {  	v0 =	vimm.f32 $0.0e+00;
	[dreg:$0x13] =	wrdreg s0;
	s1 =	simm.s32 $0x80;
	s0 =	simm.s32 $0x5000  }
.LBB2_6:
0x2f: {  	s20 =	stileid.u32;
	[bflag:$0x0] =	sbarrier.arrive $0xFFFF  }
0x30: {  	s20 =	sshll.u32 s20, $0x6;
	s24 =	rddreg [dreg:$0xe]  }
0x31: {  	s23 =	rddreg [dreg:$0x4];
	s20 =	sor.u32 $0x1C05, s20;
	s21 =	sshrl.u32 s24, $0x3  }
0x32: {  	[hbm:s23], [sflag:s20] =	dma.local [spmem:s21], $0x500  }
0x33: {  	_ =	swait.ge [sflag:s28], $0x500  }
0x34: {  	[sflag:s28] =	ssyncset.done $0x0;
	s23 =	rddreg [dreg:$0xf]  }
0x35: {  	[sflag:s28] =	ssyncadd.s32 $0xFFFFFB00;
	s21 =	sshrl.u32 s23, $0x3;
	s23 =	rddreg [dreg:$0x5]  }
0x36: {  	[hbm:s23], [sflag:s20] =	dma.local [spmem:s21], $0x500  }
0x37: {  	_ =	swait.ge [sflag:s28], $0x500  }
0x38: {  	[sflag:s28] =	ssyncset.done $0x0;
	s23 =	rddreg [dreg:$0x10]  }
0x39: {  	[sflag:s28] =	ssyncadd.s32 $0xFFFFFB00;
	s21 =	sshrl.u32 s23, $0x3;
	s23 =	rddreg [dreg:$0x6]  }
0x3a: {  	[hbm:s23], [sflag:s20] =	dma.local [spmem:s21], $0x500  }
0x3b: {  	_ =	swait.ge [sflag:s28], $0x500  }
0x3c: {  	[sflag:s28] =	ssyncset.done $0x0;
	s23 =	rddreg [dreg:$0x11]  }
0x3d: {  	[sflag:s28] =	ssyncadd.s32 $0xFFFFFB00;
	s21 =	sshrl.u32 s23, $0x3;
	s23 =	rddreg [dreg:$0x7]  }
0x3e: {  	[hbm:s23], [sflag:s20] =	dma.local [spmem:s21], $0x500  }
0x3f: {  	_ =	swait.ge [sflag:s28], $0x500  }
0x40: {  	[sflag:s28] =	ssyncset.done $0x0;
	s23 =	rddreg [dreg:$0x12]  }
0x41: {  	[sflag:s28] =	ssyncadd.s32 $0xFFFFFB00;
	s21 =	sshrl.u32 s23, $0x3;
	s23 =	rddreg [dreg:$0x8]  }
0x42: {  	[hbm:s23], [sflag:s20] =	dma.local [spmem:s21], $0x500  }
0x43: {  	_ =	swait.ge [sflag:s28], $0x500  }
0x44: {  	[sflag:s28] =	ssyncset.done $0x0;
	s23 =	rddreg [dreg:$0x13]  }
0x45: {  	[sflag:s28] =	ssyncadd.s32 $0xFFFFFB00;
	s21 =	sshrl.u32 s23, $0x3;
	s23 =	rddreg [dreg:$0x9]  }
0x46: {  	[hbm:s23], [sflag:s20] =	dma.local [spmem:s21], $0x500  }
0x47: {  	_ =	swait.ge [sflag:s28], $0x500  }
0x48: {  	[sflag:s28] =	ssyncset.done $0x0;
	s23 =	rddreg [dreg:$0x14]  }
0x49: {  	[sflag:s28] =	ssyncadd.s32 $0xFFFFFB00;
	s21 =	sshrl.u32 s23, $0x3;
	s23 =	rddreg [dreg:$0xa]  }
0x4a: {  	[hbm:s23], [sflag:s20] =	dma.local [spmem:s21], $0x500  }
0x4b: {  	_ =	swait.ge [sflag:s28], $0x500  }
0x4c: {  	[sflag:s28] =	ssyncset.done $0x0;
	s21 =	rddreg [dreg:$0x15]  }
0x4d: {  	s23 =	rddreg [dreg:$0xb];
	[sflag:s28] =	ssyncadd.s32 $0xFFFFFB00;
	s21 =	sshrl.u32 @!p1 s21, $0x3  }
0x4e: {  	[hbm:s23], [sflag:s20] =	dma.local @!p1 [spmem:s21], $0x500  }
0x4f: {  	s20 =	simm.s32 @!p1 $0x5  }
0x50: {  	_ =	swait.ge @!p1 [sflag:s20], $0x500  }
0x51: {  	s21 =	rddreg [dreg:$0x16]  }
0x52: {  	s23 =	sadd.s32 $0x1, s21;
	s21 =	rddreg [dreg:$0xd]  }
0x53: {  	p2 =	sne.s32 s23, s21  }
.Ltmp1:
0x54: {  	_ = 	snop;
	(pc) =	sbr.rel @!p2 .LBB2_7-.Ltmp1, $3  }
0x55: {  	_ =	sdelay $0x1  }
0x56: {  	[sflag:s20] =	ssyncset.done @!p1 $0x0  }
0x57: {  	[sflag:s20] =	ssyncadd.s32 @!p1 $0xFFFFFB00  }
.LBB2_1:
0x58: {  	[dreg:$0x16] =	wrdreg s23;
	s20 =	simm.s32 $0x0;
	s21 =	simm.s32 $0x200  }
.LBB2_2:
0x59: {  	p2 =	sne.s32 s21, $0xFE00;
	[tilespmem:s20+$0x1070] =	vst v0  }
0x5a: {  	[tilespmem:s20+$0x1000] =	vst v0  }
0x5b: {  	[tilespmem:s20+$0x1010] =	vst v0  }
.Ltmp2:
0x5c: {  	[tilespmem:s20+$0x1020] =	vst v0;
	(pc) =	sbr.rel @p2 .LBB2_2-.Ltmp2, $4  }
0x5d: {  	[tilespmem:s20+$0x1030] =	vst v0  }
0x5e: {  	[tilespmem:s20+$0x1040] =	vst v0  }
0x5f: {  	[tilespmem:s20+$0x1050] =	vst v0  }
0x60: {  	[tilespmem:s20+$0x1060] =	vst v0;
	s20 =	sshra.s32 s21, $0x2;
	s21 =	sadd.s32 $0x200, s21  }
0x61: {  	[tilespmem:s20+$0x1070] =	vst v0  }
0x62: {  	[tilespmem:s20+$0x1000] =	vst v0  }
0x63: {  	[tilespmem:s20+$0x1010] =	vst v0  }
0x64: {  	[tilespmem:s20+$0x1020] =	vst v0  }
0x65: {  	[tilespmem:s20+$0x1030] =	vst v0  }
0x66: {  	[tilespmem:s20+$0x1040] =	vst v0  }
0x67: {  	[tilespmem:s20+$0x1050] =	vst v0  }
0x68: {  	[tilespmem:s20+$0x1060] =	vst v0  }
0x69: {  	[spmem:s24] =	stream.linear.scatter [tilespmem:s26], [sflag:$0x5], $0x2800, $0x38;
	[tilespmem:$0x1CB00] =	vst v63  }
0x6a: {  	_ =	swait.ge [sflag:s28], $0x2800  }
0x6b: {  	[sflag:s28] =	ssyncset.done $0x0  }
0x6c: {  	s23 =	rddreg [dreg:$0xf];
	[sflag:s28] =	ssyncadd.s32 $0xFFFFD800  }
0x6d: {  	[spmem:s23] =	stream.linear.scatter [tilespmem:s26], [sflag:$0x5], $0x2800, $0x38;
	[tilespmem:$0x1CB00] =	vst v63  }
0x6e: {  	_ =	swait.ge [sflag:s28], $0x2800  }
0x6f: {  	[sflag:s28] =	ssyncset.done $0x0  }
0x70: {  	s24 =	rddreg [dreg:$0x10];
	[sflag:s28] =	ssyncadd.s32 $0xFFFFD800  }
0x71: {  	[spmem:s24] =	stream.linear.scatter [tilespmem:s26], [sflag:$0x5], $0x2800, $0x38;
	[tilespmem:$0x1CB00] =	vst v63  }
0x72: {  	_ =	swait.ge [sflag:s28], $0x2800  }
0x73: {  	[sflag:s28] =	ssyncset.done $0x0  }
0x74: {  	s21 =	rddreg [dreg:$0x11];
	[sflag:s28] =	ssyncadd.s32 $0xFFFFD800  }
0x75: {  	[spmem:s21] =	stream.linear.scatter [tilespmem:s26], [sflag:$0x5], $0x2800, $0x38;
	[tilespmem:$0x1CB00] =	vst v63  }
0x76: {  	_ =	swait.ge [sflag:s28], $0x2800  }
0x77: {  	[sflag:s28] =	ssyncset.done $0x0  }
0x78: {  	s23 =	rddreg [dreg:$0x12];
	[sflag:s28] =	ssyncadd.s32 $0xFFFFD800  }
0x79: {  	[spmem:s23] =	stream.linear.scatter [tilespmem:s26], [sflag:$0x5], $0x2800, $0x38;
	[tilespmem:$0x1CB00] =	vst v63  }
0x7a: {  	_ =	swait.ge [sflag:s28], $0x2800  }
0x7b: {  	[sflag:s28] =	ssyncset.done $0x0  }
0x7c: {  	s24 =	rddreg [dreg:$0x13];
	[sflag:s28] =	ssyncadd.s32 $0xFFFFD800  }
0x7d: {  	[spmem:s24] =	stream.linear.scatter [tilespmem:s26], [sflag:$0x5], $0x2800, $0x38;
	[tilespmem:$0x1CB00] =	vst v63  }
0x7e: {  	_ =	swait.ge [sflag:s28], $0x2800  }
0x7f: {  	[sflag:s28] =	ssyncset.done $0x0  }
0x80: {  	s21 =	rddreg [dreg:$0x14];
	[sflag:s28] =	ssyncadd.s32 $0xFFFFD800  }
0x81: {  	[spmem:s21] =	stream.linear.scatter [tilespmem:s26], [sflag:$0x5], $0x2800, $0x38;
	[tilespmem:$0x1CB00] =	vst v63  }
0x82: {  	_ =	swait.ge [sflag:s28], $0x2800  }
0x83: {  	[sflag:s28] =	ssyncset.done $0x0  }
0x84: {  	s20 =	simm.s32 @!p0 $0x1000;
	s21 =	rddreg [dreg:$0x15];
	[sflag:s28] =	ssyncadd.s32 $0xFFFFD800  }
0x85: {  	[spmem:s21] =	stream.linear.scatter @!p0 [tilespmem:s20], [sflag:$0x5], $0x2800, $0x38;
	[tilespmem:$0x1CB00] =	vst v63  }
0x86: {  	s20 =	simm.s32 @!p0 $0x5  }
0x87: {  	_ =	swait.ge @!p0 [sflag:s20], $0x2800  }
0x88: {  	[sflag:s20] =	ssyncset.done @!p0 $0x0  }
0x89: {  	[sflag:s20] =	ssyncadd.s32 @!p0 $0xFFFFD800  }
0x8a: {  	[bflag:$0x0] =	sbarrier.arrive $0xFFFF  }
0x8b: {  	s20 =	simm.s32 $0x0;
	s23 =	rddreg [dreg:$0x3]  }
0x8c: {  	[tilespmem:s20], [sflag:$0x5] =	stream.linear.gather [hbm4b:s23+s20], $0x400, $0x38;
	[tilespmem:$0x1CB00] =	vst v63  }
0x8d: {  	_ =	swait.ge [sflag:s28], $0x400  }
0x8e: {  	[sflag:s28] =	ssyncset.done $0x0  }
0x8f: {  	s23 =	simm.s32 $0x400;
	s24 =	rddreg [dreg:$0xc];
	[sflag:s28] =	ssyncadd.s32 $0xFFFFFC00  }
0x90: {  	[tilespmem:s23], [sflag:$0x5] =	stream.linear.gather [hbm4b:s24+s20], $0x400, $0x38;
	[tilespmem:$0x1CB00] =	vst v63  }
0x91: {  	_ =	swait.ge [sflag:s28], $0x400  }
0x92: {  	[sflag:s28] =	ssyncset.done $0x0  }
0x93: {  	[sflag:s28] =	ssyncadd.s32 $0xFFFFFC00  }
.LBB2_4:
0x94: {  	s21 =	sadd.s32 s20, s14  }
0x95: {  	s24 =	sadd.s32 s20, s15;
	s21 =	sadd.s32 $0x80, s21  }
0x96: {  	[tilespmem:s30], [sflag:$0x4] =	stream.linear.gather [hbm4b:s21+s13], $0x400, $0x38;
	[tilespmem:$0x1CB00] =	vst v63  }
0x97: {  	s21 =	sadd.s32 $0x80, s24  }
0x98: {  	[tilespmem:s31], [sflag:$0x4] =	stream.linear.gather [hbm4b:s21+s13], $0x400, $0x38;
	[tilespmem:$0x1CB00] =	vst v63  }
0x99: {  	_ = 	snop  }
0x9a: {  	[tilespmem:s26], [sflag:$0x1] =	stream.indirect.gather [hbm4b:s16+s1], $0x80, s13, s1, $0xb8;
	[tilespmem:$0x1CB00] =	vst v63  }
0x9b: {  	_ = 	snop  }
0x9c: {  	[tilespmem:s0], [sflag:$0x2] =	stream.indirect.gather [hbm4b:s16+s1], $0x80, s1, s1, $0xb8;
	[tilespmem:$0x1CB00] =	vst v63  }
0x9d: {  	_ =	swait.ge [sflag:s3], $0x4000  }
0x9e: {  	[sflag:s3] =	ssyncset.done $0x0  }
0x9f: {  	s23 =	simm.s32 $0x400;
	[sflag:s3] =	ssyncadd.s32 $0xFFFFC000  }
0xa0: {  	[spmem:s2] =	stream.indirect.scatter.add.f32 [tilespmem:s26], [sflag:$0x5], $0x80, s23, s1, $0xb8;
	[tilespmem:$0x1CB00] =	vst v63  }
0xa1: {  	_ =	swait.ge [sflag:s28], $0x4000  }
0xa2: {  	[sflag:s28] =	ssyncset.done $0x0  }
0xa3: {  	s24 =	simm.s32 $0x100;
	[sflag:s28] =	ssyncadd.s32 $0xFFFFC000  }
0xa4: {  	[tilespmem:s26], [sflag:$0x1] =	stream.indirect.gather [hbm4b:s16+s1], $0x80, s24, s1, $0xb8;
	[tilespmem:$0x1CB00] =	vst v63  }
0xa5: {  	_ =	swait.ge [sflag:s5], $0x4000  }
0xa6: {  	[sflag:s5] =	ssyncset.done $0x0  }
0xa7: {  	s23 =	simm.s32 $0x480;
	[sflag:s5] =	ssyncadd.s32 $0xFFFFC000  }
0xa8: {  	[spmem:s2] =	stream.indirect.scatter.add.f32 [tilespmem:s0], [sflag:$0x5], $0x80, s23, s1, $0xb8;
	[tilespmem:$0x1CB00] =	vst v63  }
0xa9: {  	_ =	swait.ge [sflag:s28], $0x4000  }
0xaa: {  	[sflag:s28] =	ssyncset.done $0x0  }
0xab: {  	s24 =	simm.s32 $0x180;
	[sflag:s28] =	ssyncadd.s32 $0xFFFFC000  }
0xac: {  	[tilespmem:s0], [sflag:$0x2] =	stream.indirect.gather [hbm4b:s16+s1], $0x80, s24, s1, $0xb8;
	[tilespmem:$0x1CB00] =	vst v63  }
0xad: {  	_ =	swait.ge [sflag:s3], $0x4000  }
0xae: {  	[sflag:s3] =	ssyncset.done $0x0  }
0xaf: {  	s23 =	simm.s32 $0x500;
	[sflag:s3] =	ssyncadd.s32 $0xFFFFC000  }
0xb0: {  	[spmem:s2] =	stream.indirect.scatter.add.f32 [tilespmem:s26], [sflag:$0x5], $0x80, s23, s1, $0xb8;
	[tilespmem:$0x1CB00] =	vst v63  }
0xb1: {  	_ =	swait.ge [sflag:s28], $0x4000  }
0xb2: {  	[sflag:s28] =	ssyncset.done $0x0  }
0xb3: {  	s24 =	simm.s32 $0x200;
	[sflag:s28] =	ssyncadd.s32 $0xFFFFC000  }
0xb4: {  	[tilespmem:s26], [sflag:$0x1] =	stream.indirect.gather [hbm4b:s16+s1], $0x80, s24, s1, $0xb8;
	[tilespmem:$0x1CB00] =	vst v63  }
0xb5: {  	_ =	swait.ge [sflag:s5], $0x4000  }
0xb6: {  	[sflag:s5] =	ssyncset.done $0x0  }
0xb7: {  	s23 =	simm.s32 $0x580;
	[sflag:s5] =	ssyncadd.s32 $0xFFFFC000  }
0xb8: {  	[spmem:s2] =	stream.indirect.scatter.add.f32 [tilespmem:s0], [sflag:$0x5], $0x80, s23, s1, $0xb8;
	[tilespmem:$0x1CB00] =	vst v63  }
0xb9: {  	_ =	swait.ge [sflag:s28], $0x4000  }
0xba: {  	[sflag:s28] =	ssyncset.done $0x0  }
0xbb: {  	s24 =	simm.s32 $0x280;
	[sflag:s28] =	ssyncadd.s32 $0xFFFFC000  }
0xbc: {  	[tilespmem:s0], [sflag:$0x2] =	stream.indirect.gather [hbm4b:s16+s1], $0x80, s24, s1, $0xb8;
	[tilespmem:$0x1CB00] =	vst v63  }
0xbd: {  	_ =	swait.ge [sflag:s3], $0x4000  }
0xbe: {  	[sflag:s3] =	ssyncset.done $0x0  }
0xbf: {  	s23 =	simm.s32 $0x600;
	[sflag:s3] =	ssyncadd.s32 $0xFFFFC000  }
0xc0: {  	[spmem:s2] =	stream.indirect.scatter.add.f32 [tilespmem:s26], [sflag:$0x5], $0x80, s23, s1, $0xb8;
	[tilespmem:$0x1CB00] =	vst v63  }
0xc1: {  	_ =	swait.ge [sflag:s28], $0x4000  }
0xc2: {  	[sflag:s28] =	ssyncset.done $0x0  }
0xc3: {  	s24 =	simm.s32 $0x300;
	[sflag:s28] =	ssyncadd.s32 $0xFFFFC000  }
0xc4: {  	[tilespmem:s26], [sflag:$0x1] =	stream.indirect.gather [hbm4b:s16+s1], $0x80, s24, s1, $0xb8;
	[tilespmem:$0x1CB00] =	vst v63  }
0xc5: {  	_ =	swait.ge [sflag:s5], $0x4000  }
0xc6: {  	[sflag:s5] =	ssyncset.done $0x0  }
0xc7: {  	s23 =	simm.s32 $0x680;
	[sflag:s5] =	ssyncadd.s32 $0xFFFFC000  }
0xc8: {  	[spmem:s2] =	stream.indirect.scatter.add.f32 [tilespmem:s0], [sflag:$0x5], $0x80, s23, s1, $0xb8;
	[tilespmem:$0x1CB00] =	vst v63  }
0xc9: {  	_ =	swait.ge [sflag:s28], $0x4000  }
0xca: {  	[sflag:s28] =	ssyncset.done $0x0  }
0xcb: {  	s24 =	simm.s32 $0x380;
	[sflag:s28] =	ssyncadd.s32 $0xFFFFC000  }
0xcc: {  	[tilespmem:s0], [sflag:$0x2] =	stream.indirect.gather [hbm4b:s16+s1], $0x80, s24, s1, $0xb8;
	[tilespmem:$0x1CB00] =	vst v63  }
0xcd: {  	_ =	swait.ge [sflag:s3], $0x4000  }
0xce: {  	[sflag:s3] =	ssyncset.done $0x0  }
0xcf: {  	s23 =	simm.s32 $0x700;
	[sflag:s3] =	ssyncadd.s32 $0xFFFFC000  }
0xd0: {  	[spmem:s2] =	stream.indirect.scatter.add.f32 [tilespmem:s26], [sflag:$0x5], $0x80, s23, s1, $0xb8;
	[tilespmem:$0x1CB00] =	vst v63  }
0xd1: {  	_ =	swait.ge [sflag:s28], $0x4000  }
0xd2: {  	[sflag:s28] =	ssyncset.done $0x0  }
0xd3: {  	[sflag:s28] =	ssyncadd.s32 $0xFFFFC000  }
0xd4: {  	_ =	swait.ge [sflag:s5], $0x4000  }
0xd5: {  	[sflag:s5] =	ssyncset.done $0x0  }
0xd6: {  	s24 =	simm.s32 $0x780;
	[sflag:s5] =	ssyncadd.s32 $0xFFFFC000  }
0xd7: {  	[spmem:s2] =	stream.indirect.scatter.add.f32 [tilespmem:s0], [sflag:$0x5], $0x80, s24, s1, $0xb8;
	[tilespmem:$0x1CB00] =	vst v63  }
0xd8: {  	_ =	swait.ge [sflag:s28], $0x4000  }
0xd9: {  	[sflag:s28] =	ssyncset.done $0x0  }
0xda: {  	[sflag:s28] =	ssyncadd.s32 $0xFFFFC000  }
0xdb: {  	_ =	swait.ge [sflag:s22], $0x400  }
0xdc: {  	[sflag:s22] =	ssyncset.done $0x0  }
0xdd: {  	[sflag:s22] =	ssyncadd.s32 $0xFFFFFC00  }
0xde: {  	p2 =	seq.s32 s20, $0x400;
	_ =	swait.ge [sflag:s22], $0x400  }
0xdf: {  	s21 =	sadd.s32 @!p2 s20, s14;
	[sflag:s22] =	ssyncset.done $0x0  }
0xe0: {  	s21 =	sadd.s32 @!p2 $0x100, s21;
	s23 =	simm.s32 @!p2 $0x0;
	[sflag:s22] =	ssyncadd.s32 $0xFFFFFC00  }
0xe1: {  	[tilespmem:s23], [sflag:$0x3] =	stream.linear.gather @!p2 [hbm4b:s21+s23], $0x400, $0x38;
	[tilespmem:$0x1CB00] =	vst v63  }
0xe2: {  	s21 =	sadd.s32 @!p2 s20, s15  }
0xe3: {  	s24 =	simm.s32 @!p2 $0x400;
	s21 =	sadd.s32 @!p2 $0x100, s21  }
0xe4: {  	[tilespmem:s24], [sflag:$0x3] =	stream.linear.gather @!p2 [hbm4b:s21+s23], $0x400, $0x38;
	[tilespmem:$0x1CB00] =	vst v63  }
0xe5: {  	_ = 	snop  }
0xe6: {  	[tilespmem:s26], [sflag:$0x1] =	stream.indirect.gather [hbm4b:s16+s1], $0x80, s30, s1, $0xb8;
	[tilespmem:$0x1CB00] =	vst v63  }
0xe7: {  	s23 =	simm.s32 $0x880  }
0xe8: {  	[tilespmem:s0], [sflag:$0x2] =	stream.indirect.gather [hbm4b:s16+s1], $0x80, s23, s1, $0xb8;
	[tilespmem:$0x1CB00] =	vst v63  }
0xe9: {  	_ =	swait.ge [sflag:s3], $0x4000  }
0xea: {  	[sflag:s3] =	ssyncset.done $0x0  }
0xeb: {  	[sflag:s3] =	ssyncadd.s32 $0xFFFFC000  }
0xec: {  	[spmem:s2] =	stream.indirect.scatter.add.f32 [tilespmem:s26], [sflag:$0x5], $0x80, s31, s1, $0xb8;
	[tilespmem:$0x1CB00] =	vst v63  }
0xed: {  	_ =	swait.ge [sflag:s28], $0x4000  }
0xee: {  	[sflag:s28] =	ssyncset.done $0x0  }
0xef: {  	s24 =	simm.s32 $0x900;
	[sflag:s28] =	ssyncadd.s32 $0xFFFFC000  }
0xf0: {  	[tilespmem:s26], [sflag:$0x1] =	stream.indirect.gather [hbm4b:s16+s1], $0x80, s24, s1, $0xb8;
	[tilespmem:$0x1CB00] =	vst v63  }
0xf1: {  	_ =	swait.ge [sflag:s5], $0x4000  }
0xf2: {  	[sflag:s5] =	ssyncset.done $0x0  }
0xf3: {  	[sflag:s5] =	ssyncadd.s32 $0xFFFFC000  }
0xf4: {  	[spmem:s2] =	stream.indirect.scatter.add.f32 [tilespmem:s0], [sflag:$0x5], $0x80, s25, s1, $0xb8;
	[tilespmem:$0x1CB00] =	vst v63  }
0xf5: {  	_ =	swait.ge [sflag:s28], $0x4000  }
0xf6: {  	[sflag:s28] =	ssyncset.done $0x0  }
0xf7: {  	[sflag:s28] =	ssyncadd.s32 $0xFFFFC000  }
0xf8: {  	[tilespmem:s0], [sflag:$0x2] =	stream.indirect.gather [hbm4b:s16+s1], $0x80, s4, s1, $0xb8;
	[tilespmem:$0x1CB00] =	vst v63  }
0xf9: {  	_ =	swait.ge [sflag:s3], $0x4000  }
0xfa: {  	[sflag:s3] =	ssyncset.done $0x0  }
0xfb: {  	[sflag:s3] =	ssyncadd.s32 $0xFFFFC000  }
0xfc: {  	[spmem:s2] =	stream.indirect.scatter.add.f32 [tilespmem:s26], [sflag:$0x5], $0x80, s6, s1, $0xb8;
	[tilespmem:$0x1CB00] =	vst v63  }
0xfd: {  	_ =	swait.ge [sflag:s28], $0x4000  }
0xfe: {  	[sflag:s28] =	ssyncset.done $0x0  }
0xff: {  	[sflag:s28] =	ssyncadd.s32 $0xFFFFC000  }
0x100: {  	[tilespmem:s26], [sflag:$0x1] =	stream.indirect.gather [hbm4b:s16+s1], $0x80, s7, s1, $0xb8;
	[tilespmem:$0x1CB00] =	vst v63  }
0x101: {  	_ =	swait.ge [sflag:s5], $0x4000  }
0x102: {  	[sflag:s5] =	ssyncset.done $0x0  }
0x103: {  	[sflag:s5] =	ssyncadd.s32 $0xFFFFC000  }
0x104: {  	[spmem:s2] =	stream.indirect.scatter.add.f32 [tilespmem:s0], [sflag:$0x5], $0x80, s8, s1, $0xb8;
	[tilespmem:$0x1CB00] =	vst v63  }
0x105: {  	_ =	swait.ge [sflag:s28], $0x4000  }
0x106: {  	[sflag:s28] =	ssyncset.done $0x0  }
0x107: {  	[sflag:s28] =	ssyncadd.s32 $0xFFFFC000  }
0x108: {  	[tilespmem:s0], [sflag:$0x2] =	stream.indirect.gather [hbm4b:s16+s1], $0x80, s29, s1, $0xb8;
	[tilespmem:$0x1CB00] =	vst v63  }
0x109: {  	_ =	swait.ge [sflag:s3], $0x4000  }
0x10a: {  	[sflag:s3] =	ssyncset.done $0x0  }
0x10b: {  	[sflag:s3] =	ssyncadd.s32 $0xFFFFC000  }
0x10c: {  	[spmem:s2] =	stream.indirect.scatter.add.f32 [tilespmem:s26], [sflag:$0x5], $0x80, s9, s1, $0xb8;
	[tilespmem:$0x1CB00] =	vst v63  }
0x10d: {  	_ =	swait.ge [sflag:s28], $0x4000  }
0x10e: {  	[sflag:s28] =	ssyncset.done $0x0  }
0x10f: {  	[sflag:s28] =	ssyncadd.s32 $0xFFFFC000  }
0x110: {  	[tilespmem:s26], [sflag:$0x1] =	stream.indirect.gather [hbm4b:s16+s1], $0x80, s10, s1, $0xb8;
	[tilespmem:$0x1CB00] =	vst v63  }
0x111: {  	_ =	swait.ge [sflag:s5], $0x4000  }
0x112: {  	[sflag:s5] =	ssyncset.done $0x0  }
0x113: {  	[sflag:s5] =	ssyncadd.s32 $0xFFFFC000  }
0x114: {  	[spmem:s2] =	stream.indirect.scatter.add.f32 [tilespmem:s0], [sflag:$0x5], $0x80, s11, s1, $0xb8;
	[tilespmem:$0x1CB00] =	vst v63  }
0x115: {  	_ =	swait.ge [sflag:s28], $0x4000  }
0x116: {  	[sflag:s28] =	ssyncset.done $0x0  }
0x117: {  	[sflag:s28] =	ssyncadd.s32 $0xFFFFC000  }
0x118: {  	[tilespmem:s0], [sflag:$0x2] =	stream.indirect.gather [hbm4b:s16+s1], $0x80, s12, s1, $0xb8;
	[tilespmem:$0x1CB00] =	vst v63  }
0x119: {  	_ =	swait.ge [sflag:s3], $0x4000  }
0x11a: {  	[sflag:s3] =	ssyncset.done $0x0  }
0x11b: {  	[sflag:s3] =	ssyncadd.s32 $0xFFFFC000  }
0x11c: {  	[spmem:s2] =	stream.indirect.scatter.add.f32 [tilespmem:s26], [sflag:$0x5], $0x80, s17, s1, $0xb8;
	[tilespmem:$0x1CB00] =	vst v63  }
0x11d: {  	_ =	swait.ge [sflag:s28], $0x4000  }
0x11e: {  	[sflag:s28] =	ssyncset.done $0x0  }
0x11f: {  	[sflag:s28] =	ssyncadd.s32 $0xFFFFC000  }
0x120: {  	_ =	swait.ge [sflag:s5], $0x4000  }
0x121: {  	[sflag:s5] =	ssyncset.done $0x0  }
.Ltmp3:
0x122: {  	[sflag:s5] =	ssyncadd.s32 $0xFFFFC000;
	(pc) =	sbr.rel @p2 .LBB2_6-.Ltmp3, $4  }
0x123: {  	[spmem:s2] =	stream.indirect.scatter.add.f32 [tilespmem:s0], [sflag:$0x5], $0x80, s18, s1, $0xb8;
	[tilespmem:$0x1CB00] =	vst v63  }
0x124: {  	_ =	swait.ge [sflag:s28], $0x4000  }
0x125: {  	[sflag:s28] =	ssyncset.done $0x0  }
0x126: {  	[sflag:s28] =	ssyncadd.s32 $0xFFFFC000  }
0x127: {  	_ =	swait.ge [sflag:s19], $0x400  }
.Ltmp4:
0x128: {  	[sflag:s19] =	ssyncset.done $0x0;
	(pc) =	sbr.rel .LBB2_4-.Ltmp4, $4  }
0x129: {  	[sflag:s19] =	ssyncadd.s32 $0xFFFFFC00  }
0x12a: {  	_ =	swait.ge [sflag:s19], $0x400  }
0x12b: {  	[sflag:s19] =	ssyncset.done $0x0  }
0x12c: {  	s20 =	sadd.s32 $0x100, s20;
	[sflag:s19] =	ssyncadd.s32 $0xFFFFFC00  }
.LBB2_7:
0x12d: {  	_ =	sfence.sel $0x180000  }
0x12e: {  	[bflag:$0x0] =	sbarrier.arrive $0xFFFF  }
0x12f: {  	_ =	strace $0x9000004D  }
0x130: {  	s0 =	stileid.u32;
	[bflag:$0x2] =	sbarrier.arrive $0xFFFF  }
0x131: {  	p0 =	sne.s32 s0, $0x0;
	s0 =	rddreg [dreg:$0x2]  }
0x132: {  	s0 =	sadd.s32 @!p0 $0x100000, s0  }
0x133: {  	[sflag:s0] =	ssyncadd.tile.s32 @!p0 $0x1;
	_ =	shalt  }
.Lfunc_end2:
_tile_overlayer_lowered:
.L_overlay_start_2:
0x134: {  	(tag) =	ssettag $0x2  }
0x135: {  	s0 =	rddreg [dreg:$0x0];
	s2 =	stileid.u32  }
0x136: {  	s1 =	rddreg [dreg:$0x1];
	p0 =	sne.s32 s2, $0x0  }
0x137: {  	s3 =	rddreg [dreg:$0x2];
	[bflag:$0x3] =	sbarrier.arrive $0xFFFF;
	s2 =	simm.s32 @!p0 $0x1C05  }
0x138: {  	[timem:s3], [sflag:s2] =	dma.local @!p0 [hbm:s0], s1  }
0x139: {  	s0 =	simm.s32 @!p0 $0x5  }
0x13a: {  	_ =	swait.ge @!p0 [sflag:s0], s1  }
0x13b: {  	s1 =	ssub.s32 @!p0 $0x0, s1;
	[sflag:s0] =	ssyncset.done @!p0 $0x0  }
0x13c: {  	[sflag:s0] =	ssyncadd.s32 @!p0 s1  }
0x13d: {  	[bflag:$0x3] =	sbarrier.arrive $0xFFFF  }
0x13e: {  	_ =	shalt  }

// kernel: kernel.8.cloned.1.call-start
scs
__scs_entry_jumppad:
0x0: {  	(pc) =	sbr.rel $0x88, $3  }
0x1: {  	(tag) =	ssettag $0x0;
	lr =	simm.s32 $0x1  }
0x2: {  	[smem:$0x3F91] =	sst lr;
	_ =	strace $0xD0000000  }
0x3: {  	_ = 	snop  }
0x4: {  	_ = 	snop  }
0x5: {  	_ = 	snop  }
0x6: {  	_ = 	snop  }
0x7: {  	_ = 	snop  }
__scs_overlays_trampoline_lowered:
0x8: {  	[smem:$0x3FA0] =	sst s0  }
0x9: {  	[smem:$0x3FA1] =	sst s1  }
0xa: {  	[smem:$0x3FA2] =	sst s2  }
0xb: {  	[smem:$0x3FA3] =	sst s3  }
0xc: {  	[smem:$0x3FA4] =	sst s4  }
0xd: {  	[smem:$0x3FA5] =	sst s5  }
0xe: {  	[smem:$0x3FA6] =	sst s6  }
0xf: {  	[smem:$0x3FA7] =	sst s7  }
0x10: {  	[smem:$0x3FA8] =	sst s8  }
0x11: {  	[smem:$0x3FA9] =	sst s9;
	s0 =	simm.s32 @!p0 $0x0  }
0x12: {  	s1 =	sld [smem:$0x3F8F];
	s0 =	simm.s32 @p0 $0x1  }
0x13: {  	[smem:$0x3FAA] =	sst s0;
	s0 =	simm.s32 @!p1 $0x0  }
0x14: {  	s2 =	sld [smem:$0x3F8E];
	s0 =	simm.s32 @p1 $0x1  }
0x15: {  	[smem:$0x3FAB] =	sst s0;
	s0 =	simm.s32 @!p2 $0x0  }
0x16: {  	s3 =	sld [smem:$0x3FDB];
	s0 =	simm.s32 @p2 $0x1  }
0x17: {  	s4 =	simm.s32 $0x1BF5;
	[smem:$0x3FAD] =	sst s0  }
0x18: {  	s0 =	sld [smem:$0x3F90];
	_ =	swait.ge [sflag:s4], $0x0  }
0x19: {  	s7 =	sld [smem:$0x3F91]  }
0x1a: {  	s8 =	sadd.s32 $0xFFFFE003, lr  }
0x1b: {  	s9 =	sadd.s32 $0xFFFFFEF7, lr;
	s5 =	simm.s32 $0xFFFFFFFF;
	p2 =	slt.u32 s8, $0xFFFFF086  }
0x1c: {  	p1 =	slt.u32 s9, $0xF7A;
	s5 =	simm.s32 @!p2 $0x0  }
0x1d: {  	s5 =	simm.s32 @p1 $0x1;
	p0 =	seq.s32 s7, s2  }
0x1e: {  	s7 =	smul.u32 @!p0 $0xF7A, s2;
	p2 =	seq.s32 @!p0 s5, $0x0  }
0x1f: {  	s9 =	smul.u32 $0xF7A, s1;
	s8 =	simm.s32 @!p0 $0x1BF5;
	p2 =	por !p2, p0  }
0x20: {  	[sflag:s8] =	ssyncset.s32 @!p0 $0xFFFFF086;
	s6 =	sadd.s32 @!p0 s3, s7;
	s7 =	simm.s32 @!p0 $0x108  }
0x21: {  	s3 =	sadd.s32 s3, s9;
	s6 =	sadd.s32 @!p0 $0x88, s6;
	s7 =	simm.s32 @p2 $0x1082  }
0x22: {  	[simem:s7], [sflag:s8] =	dma.local @!p0 [hbm:s6], $0xF7A  }
0x23: {  	s9 =	sor.u32 $0xD0000000, s2;
	s6 =	simm.s32 $0x108;
	_ =	swait.ge @!p0 [sflag:s8], $0x0  }
0x24: {  	s3 =	sadd.s32 $0x88, s3;
	s6 =	simm.s32 @!p1 $0x1082;
	[sflag:s4] =	ssyncset.s32 $0xFFFFF086  }
0x25: {  	[simem:s6], [sflag:s4] =	dma.local [hbm:s3], $0xF7A  }
0x26: {  	[smem:$0x3F91] =	sst s1;
	(tag) =	ssettag s2;
	_ =	strace s9  }
0x27: {  	s1 =	sld [smem:$0x3FA1]  }
0x28: {  	s2 =	sld [smem:$0x3FA2]  }
0x29: {  	s4 =	sld [smem:$0x3FA4]  }
0x2a: {  	p0 =	seq.s32 s5, $0x0;
	s5 =	sld [smem:$0x3FA5]  }
0x2b: {  	s6 =	sld [smem:$0x3FA6]  }
0x2c: {  	s7 =	sld [smem:$0x3FA7]  }
0x2d: {  	s3 =	simm.s32 $0x108;
	s8 =	sld [smem:$0x3FA8]  }
0x2e: {  	s3 =	simm.s32 @!p0 $0x1082;
	s9 =	sld [smem:$0x3FA9]  }
0x2f: {  	lr =	sadd.s32 s0, s3;
	s0 =	sld [smem:$0x3FA0]  }
0x30: {  	s3 =	sld [smem:$0x3FA3]  }
0x31: {  	[smem:$0x3FAC] =	sst s10  }
0x32: {  	s10 =	sld [smem:$0x3FAA];
	_ =	sdelay $0x3  }
0x33: {  	p0 =	seq.s32 s10, $0x1;
	s10 =	sld [smem:$0x3FAC];
	_ =	sdelay $0x3  }
0x34: {  	[smem:$0x3FAC] =	sst s10  }
0x35: {  	s10 =	sld [smem:$0x3FAB];
	_ =	sdelay $0x3  }
0x36: {  	p1 =	seq.s32 s10, $0x1;
	s10 =	sld [smem:$0x3FAC];
	_ =	sdelay $0x3  }
0x37: {  	[smem:$0x3FAC] =	sst s10  }
0x38: {  	s10 =	sld [smem:$0x3FAD]  }
0x39: {  	_ = 	snop;
	(pc) =	sbr.ind lr, $3  }
0x3a: {  	_ = 	snop  }
0x3b: {  	_ = 	snop  }
0x3c: {  	p2 =	seq.s32 s10, $0x1;
	s10 =	sld [smem:$0x3FAC]  }
0x3d: {  	_ =	shalt  }
0x3e: {  	_ =	shalt  }
0x3f: {  	_ =	shalt  }
0x40: {  	_ =	shalt  }
0x41: {  	_ =	shalt  }
0x42: {  	_ =	shalt  }
0x43: {  	_ =	shalt  }
0x44: {  	_ =	shalt  }
0x45: {  	_ =	shalt  }
0x46: {  	_ =	shalt  }
0x47: {  	_ =	shalt  }
0x48: {  	_ =	shalt  }
0x49: {  	_ =	shalt  }
0x4a: {  	_ =	shalt  }
0x4b: {  	_ =	shalt  }
0x4c: {  	_ =	shalt  }
0x4d: {  	_ =	shalt  }
0x4e: {  	_ =	shalt  }
0x4f: {  	_ =	shalt  }
0x50: {  	_ =	shalt  }
0x51: {  	_ =	shalt  }
0x52: {  	_ =	shalt  }
0x53: {  	_ =	shalt  }
0x54: {  	_ =	shalt  }
0x55: {  	_ =	shalt  }
0x56: {  	_ =	shalt  }
0x57: {  	_ =	shalt  }
0x58: {  	_ =	shalt  }
0x59: {  	_ =	shalt  }
0x5a: {  	_ =	shalt  }
0x5b: {  	_ =	shalt  }
0x5c: {  	_ =	shalt  }
0x5d: {  	_ =	shalt  }
0x5e: {  	_ =	shalt  }
0x5f: {  	_ =	shalt  }
0x60: {  	_ =	shalt  }
0x61: {  	_ =	shalt  }
0x62: {  	_ =	shalt  }
0x63: {  	_ =	shalt  }
0x64: {  	_ =	shalt  }
0x65: {  	_ =	shalt  }
0x66: {  	_ =	shalt  }
0x67: {  	_ =	shalt  }
0x68: {  	_ =	shalt  }
0x69: {  	_ =	shalt  }
0x6a: {  	_ =	shalt  }
0x6b: {  	_ =	shalt  }
0x6c: {  	_ =	shalt  }
0x6d: {  	_ =	shalt  }
0x6e: {  	_ =	shalt  }
0x6f: {  	_ =	shalt  }
0x70: {  	_ =	shalt  }
0x71: {  	_ =	shalt  }
0x72: {  	_ =	shalt  }
0x73: {  	_ =	shalt  }
0x74: {  	_ =	shalt  }
0x75: {  	_ =	shalt  }
0x76: {  	_ =	shalt  }
0x77: {  	_ =	shalt  }
0x78: {  	_ =	shalt  }
0x79: {  	_ =	shalt  }
0x7a: {  	_ =	shalt  }
0x7b: {  	_ =	shalt  }
0x7c: {  	_ =	shalt  }
0x7d: {  	_ =	shalt  }
0x7e: {  	_ =	shalt  }
0x7f: {  	_ =	shalt  }
0x80: {  	_ =	shalt  }
0x81: {  	_ =	shalt  }
0x82: {  	_ =	shalt  }
0x83: {  	_ =	shalt  }
0x84: {  	_ =	shalt  }
0x85: {  	_ =	shalt  }
0x86: {  	_ =	shalt  }
0x87: {  	_ =	shalt  }
.Lfunc_end0:
.L_simem_size_0:
called_computation_lowered:
.L_overlay_start_0:
0x88: {  	s2 =	sld [smem:$0x3FD9]  }
0x89: {  	s3 =	sld [smem:$0x3FFE];
	_ =	sdelay $0x1  }
0x8a: {  	s1 =	srdreg.scid  }
0x8b: {  	s0 =	sand.u32 $0x1, s1  }
0x8c: {  	s17 =	sshll.u32 s0, $0xA;
	s2 =	sadd.s32 s3, s2  }
0x8d: {  	s2 =	sadd.s32 s2, s17  }
0x8e: {  	[smem:$0x3FB8] =	sst s2  }
0x8f: {  	_ = 	snop  }
0x90: {  	s2 =	sld [smem:$0x3FC9]  }
0x91: {  	s18 =	sld [smem:$0x3FC4];
	(tm) =	ssettm $0x1  }
0x92: {  	s4 =	sld [smem:$0x3FFB];
	_ =	sdelay $0x3  }
0x93: {  	_ =	strace s4  }
0x94: {  	s4 =	sld [smem:$0x3FFC];
	_ =	sdelay $0x3  }
0x95: {  	_ =	strace s4  }
0x96: {  	s4 =	sld [smem:$0x3FFD];
	_ =	sdelay $0x3  }
0x97: {  	_ =	strace s4  }
0x98: {  	_ =	strace $0x8FFFFFFF  }
0x99: {  	s19 =	sld [smem:$0x3FDB];
	_ =	sdelay $0x1  }
0x9a: {  	s5 =	simm.s32 $_scs_section_size  }
0x9b: {  	s6 =	simm.s32 $_size__tile_overlayer_lowered;
	s7 =	simm.s32 $_tile_overlayer_lowered  }
0x9c: {  	s22 =	simm.s32 $0x1BFF;
	s21 =	sshll.u32 s7, $0x1;
	s4 =	sadd.s32 s5, s19  }
0x9d: {  	s8 =	simm.s32 $0x0;
	s20 =	sshll.u32 s6, $0x1;
	s6 =	sadd.s32 s21, s4  }
0x9e: {  	[timem:s8], [sflag:s22] =	dma.local [hbm:s6], s20  }
0x9f: {  	_ =	swait.ge [sflag:s22], s20  }
0xa0: {  	s5 =	ssub.s32 $0x0, s20;
	[sflag:s22] =	ssyncset.done $0x0  }
0xa1: {  	[sflag:s22] =	ssyncadd.s32 s5;
	_ =	sdelay $0x1  }
0xa2: {  	s23 =	simm.s32 $0x1B8B  }
0xa3: {  	_ =	swait.ge [sflag:s23], $0x1  }
0xa4: {  	[sflag:s23] =	ssyncset.done $0x0  }
0xa5: {  	s25 =	simm.s32 $0x1B8E;
	s24 =	sld [smem:$0x3FFE];
	[sflag:s23] =	ssyncadd.s32 $0xFFFFFFFF  }
0xa6: {  	s26 =	simm.s32 $execute0_lowered;
	[smem:$0x3FD2] =	sst s25  }
0xa7: {  	s6 =	sshll.u32 s26, $0x1;
	_ =	strace $0x80000046;
	[dreg:$0x1] =	wrdreg $0xFFFFFFFF  }
0xa8: {  	s28 =	simm.s32 $_size_execute0_lowered;
	s4 =	sadd.s32 s4, s6;
	[dreg:$0x0] =	wrdreg $0x0  }
0xa9: {  	s6 =	sshll.u32 s28, $0x1;
	[dreg:$0x2] =	wrdreg s4  }
0xaa: {  	[dreg:$0x3] =	wrdreg s6  }
0xab: {  	[dreg:$0x4] =	wrdreg $0xC0  }
0xac: {  	_ =	task [dreg:s8], $0x5FFFF  }
0xad: {  	[dreg:$0x1] =	wrdreg $0xFFFFFFFF  }
0xae: {  	[dreg:$0x0] =	wrdreg $0x60  }
0xaf: {  	[dreg:$0x2] =	wrdreg s2  }
0xb0: {  	[dreg:$0x3] =	wrdreg s24  }
0xb1: {  	[dreg:$0x4] =	wrdreg s18  }
0xb2: {  	[dreg:$0x5] =	wrdreg $0x33800  }
0xb3: {  	[dreg:$0x6] =	wrdreg $0x9  }
0xb4: {  	_ =	task.clear_ibuf [dreg:s8], $0x7FFFF;
	_ =	strace $0x90000046  }
0xb5: {  	s29 =	simm.s32 $0x9;
	_ =	strace $0x80000048  }
0xb6: {  	_ =	swait.ge [sflag:s29], $0x1  }
0xb7: {  	[sflag:s29] =	ssyncadd.s32 $0xFFFFFFFF  }
0xb8: {  	_ =	strace $0x90000048  }
0xb9: {  	_ =	sfence  }
0xba: {  	s30 =	sld [smem:$0x0];
	_ =	sdelay $0x2  }
0xbb: {  	s31 =	sshll.u32 s1, $0xD;
	s1 =	sshrl.u32 s1, $0x2  }
0xbc: {  	s3 =	sand.u32 $0x4000, s31;
	s1 =	sadd.s32 s1, s30  }
0xbd: {  	s0 =	sor.u32 s3, s0;
	s1 =	sshll.u32 s1, $0x11  }
0xbe: {  	s0 =	sor.u32 s1, s0  }
0xbf: {  	s0 =	sadd.s32 $0x8F2B, s0  }
0xc0: {  	[sflag:s0] =	ssyncadd.remote.s32 $0x1  }
0xc1: {  	_ =	sfence.sel $0xFFFF  }
0xc2: {  	[dreg:$0x0] =	wrdreg $0xFFFFFFFF;
	(pc) =	sbr.abs _section_cstart, $3  }
0xc3: {  	[dreg:$0x1] =	wrdreg $0xFFFFFFFF  }
0xc4: {  	_ =	task.clear_ibuf [dreg:s8], $0x2FFFF;
	_ =	strace $0x9FFFFFFF  }
0xc5: {  	(tm) =	ssettm $0x7FFFFFFF  }
tec
execute0_lowered:
.L_overlay_start_1:
0x0: {  	(tag) =	ssettag $0x1  }
0x1: {  	s0 =	rddreg [dreg:$0x0]  }
0x2: {  	s4 =	rddreg [dreg:$0x1]  }
0x3: {  	s2 =	rddreg [dreg:$0x3]  }
0x4: {  	s3 =	simm.s32 $0x0;
	s5 =	srdreg.scid;
	s1 =	stileid.u32  }
0x5: {  	s28 =	simm.s32 $0x2900;
	s29 =	simm.s32 $0x2980;
	s30 =	simm.s32 $0x2A00  }
0x6: {  	s31 =	simm.s32 $0x2A80;
	[smem:$0x7FF] =	sst s3;
	s6 =	sand.u32 $0x1, s5  }
0x7: {  	s9 =	smul.u32 $0x280, s1;
	s5 =	sshll.u32 s6, $0x4;
	s22 =	ssub.s32 $0x2, s6  }
0x8: {  	p0 =	seq.s32 s6, $0x1;
	s6 =	smul.u32 $0x5000, s6;
	s8 =	sor.u32 s1, s5  }
0x9: {  	s7 =	sadd.s32 $0x4200, s4;
	s10 =	sadd.s32 $0xEE00, s4;
	s11 =	smul.u32 $0x500, s8  }
0xa: {  	_ =	strace $0x80000047;
	s13 =	smul.u32 $0xA, s8;
	s14 =	sor.u32 $0x20, s8  }
0xb: {  	s12 =	sshrl.u32 s22, $0x1;
	s21 =	sadd.s32 s9, s2;
	s15 =	smul.u32 $0xA, s14  }
0xc: {  	s9 =	sshrl.u32 s9, $0x3;
	s16 =	sor.u32 $0x40, s8;
	s14 =	smul.u32 $0x500, s14  }
0xd: {  	s12 =	ssub.s32 s22, s12;
	s8 =	sor.u32 $0x60, s8;
	s17 =	smul.u32 $0xA, s16  }
0xe: {  	[dreg:$0x5] =	wrdreg s21;
	s24 =	smax.u32 s12, $0x1;
	s25 =	smul.u32 $0x500, s16  }
0xf: {  	s19 =	smul.u32 $0x500, s8;
	s23 =	sadd.s32 s7, s11;
	[dreg:$0x7] =	wrdreg s24  }
0x10: {  	s12 =	simm.s32 $0x2F80;
	s26 =	sadd.s32 s0, s13;
	[dreg:$0x6] =	wrdreg s23  }
0x11: {  	s11 =	sadd.s32 s10, s11;
	s13 =	smul.u32 $0xA, s8;
	[dreg:$0x8] =	wrdreg s26  }
0x12: {  	[dreg:$0x9] =	wrdreg s11;
	s16 =	sadd.s32 s0, s15;
	s18 =	sadd.s32 s10, s14  }
0x13: {  	s20 =	sadd.s32 s0, s17;
	s14 =	simm.s32 $0xE800;
	s22 =	sadd.s32 s10, s25  }
0x14: {  	s23 =	smul.u32 $0x500, s1;
	s25 =	sadd.s32 s6, s7;
	s26 =	sadd.s32 s10, s19  }
0x15: {  	s19 =	simm.s32 $0x4;
	s6 =	simm.s32 $0x3;
	[dreg:$0xa] =	wrdreg s16  }
0x16: {  	s7 =	simm.s32 $0x2D00;
	s10 =	simm.s32 $0x2E80;
	[dreg:$0xb] =	wrdreg s18  }
0x17: {  	s11 =	simm.s32 $0x2F00;
	s15 =	simm.s32 $0x0;
	[dreg:$0xc] =	wrdreg s20  }
0x18: {  	[dreg:$0xd] =	wrdreg s22;
	s14 =	simm.s32 @!p0 $0xE200;
	s0 =	sadd.s32 s0, s13  }
0x19: {  	[dreg:$0xf] =	wrdreg s26;
	p0 =	sgt.u32 s8, $0x7C;
	s20 =	simm.s32 $0x5  }
0x1a: {  	s22 =	simm.s32 $0x80;
	s26 =	simm.s32 $0x3080;
	s18 =	simm.s32 $0x2C00  }
.Ltmp0:
0x1b: {  	s8 =	simm.s32 $0x2D80;
	s13 =	simm.s32 $0x3000;
	(pc) =	sbr.rel .LBB2_1-.Ltmp0, $4  }
0x1c: {  	[dreg:$0xe] =	wrdreg s0;
	s24 =	sadd.s32 s14, s4;
	s17 =	sadd.s32 s23, s25  }
0x1d: {  	s23 =	simm.s32 $0x1;
	s25 =	simm.s32 $0x2C80;
	s4 =	simm.s32 $0x2B80  }
0x1e: {  	s14 =	simm.s32 $0x2;
	s0 =	sadd.s32 s24, s9;
	s24 =	simm.s32 $0x2880  }
0x1f: {  	v0 =	vimm.f32 $0.0e+00;
	v1 =	vimm.f32 $1.000000000e+00;
	s9 =	simm.s32 $0x2E00;
	[dreg:$0x10] =	wrdreg s0;
	s0 =	simm.s32 $0x2B00  }
.LBB2_4:
0x20: {  	s1 =	stileid.u32;
	[bflag:$0x0] =	sbarrier.arrive $0xFFFF  }
0x21: {  	s1 =	sshll.u32 s1, $0x6;
	s21 =	rddreg [dreg:$0x5]  }
0x22: {  	s16 =	rddreg [dreg:$0x10];
	s1 =	sor.u32 $0x1C04, s1;
	s5 =	sshrl.u32 s21, $0x3  }
0x23: {  	[hbm:s16], [sflag:s1] =	dma.local [spmem:s5], $0x50  }
0x24: {  	_ =	swait.ge [sflag:s19], $0x50  }
0x25: {  	s15 =	sadd.s32 $0x1, s15;
	s16 =	rddreg [dreg:$0x7]  }
0x26: {  	p1 =	sne.s32 s15, s16  }
.Ltmp1:
0x27: {  	_ = 	snop;
	(pc) =	sbr.rel @!p1 .LBB2_5-.Ltmp1, $3  }
0x28: {  	_ =	sdelay $0x1  }
0x29: {  	[sflag:s19] =	ssyncset.done $0x0  }
0x2a: {  	[sflag:s19] =	ssyncadd.s32 $0xFFFFFFB0  }
.LBB2_1:
0x2b: {  	[tilespmem:$0x3100] =	vst v0  }
0x2c: {  	[tilespmem:$0x3110] =	vst v0  }
0x2d: {  	[tilespmem:$0x3120] =	vst v0  }
0x2e: {  	[tilespmem:$0x3130] =	vst v0  }
0x2f: {  	[tilespmem:$0x3140] =	vst v0  }
0x30: {  	[tilespmem:$0x3150] =	vst v0  }
0x31: {  	[tilespmem:$0x3160] =	vst v0  }
0x32: {  	[tilespmem:$0x3170] =	vst v0  }
0x33: {  	[tilespmem:$0x3180] =	vst v0  }
0x34: {  	[tilespmem:$0x3190] =	vst v0  }
0x35: {  	[tilespmem:$0x31A0] =	vst v0  }
0x36: {  	[tilespmem:$0x31B0] =	vst v0  }
0x37: {  	[tilespmem:$0x31C0] =	vst v0  }
0x38: {  	[tilespmem:$0x31D0] =	vst v0  }
0x39: {  	[tilespmem:$0x31E0] =	vst v0  }
0x3a: {  	[tilespmem:$0x31F0] =	vst v0  }
0x3b: {  	[tilespmem:$0x3200] =	vst v0  }
0x3c: {  	[tilespmem:$0x3210] =	vst v0  }
0x3d: {  	[tilespmem:$0x3220] =	vst v0  }
0x3e: {  	[tilespmem:$0x3230] =	vst v0  }
0x3f: {  	[tilespmem:$0x3240] =	vst v0  }
0x40: {  	[tilespmem:$0x3250] =	vst v0  }
0x41: {  	[tilespmem:$0x3260] =	vst v0  }
0x42: {  	[tilespmem:$0x3270] =	vst v0  }
0x43: {  	[tilespmem:$0x3280] =	vst v0  }
0x44: {  	[tilespmem:$0x3290] =	vst v0  }
0x45: {  	[tilespmem:$0x32A0] =	vst v0  }
0x46: {  	[tilespmem:$0x32B0] =	vst v0  }
0x47: {  	[tilespmem:$0x32C0] =	vst v0  }
0x48: {  	[tilespmem:$0x32D0] =	vst v0  }
0x49: {  	[tilespmem:$0x32E0] =	vst v0  }
0x4a: {  	[tilespmem:$0x32F0] =	vst v0  }
0x4b: {  	[tilespmem:$0x3300] =	vst v0  }
0x4c: {  	[tilespmem:$0x3310] =	vst v0  }
0x4d: {  	[tilespmem:$0x3320] =	vst v0  }
0x4e: {  	[tilespmem:$0x3330] =	vst v0  }
0x4f: {  	[tilespmem:$0x3340] =	vst v0  }
0x50: {  	[tilespmem:$0x3350] =	vst v0  }
0x51: {  	[tilespmem:$0x3360] =	vst v0  }
0x52: {  	[tilespmem:$0x3370] =	vst v0  }
0x53: {  	[tilespmem:$0x3080] =	vst v1  }
0x54: {  	[tilespmem:$0x3090] =	vst v1  }
0x55: {  	[tilespmem:$0x30A0] =	vst v1  }
0x56: {  	[tilespmem:$0x30B0] =	vst v1  }
0x57: {  	[tilespmem:$0x30C0] =	vst v1  }
0x58: {  	[tilespmem:$0x30D0] =	vst v1  }
0x59: {  	[tilespmem:$0x30E0] =	vst v1  }
0x5a: {  	[tilespmem:$0x30F0] =	vst v1;
	s1 =	simm.s32 $0x3100  }
0x5b: {  	[spmem:s21] =	stream.linear.scatter [tilespmem:s1], [sflag:$0x4], $0x280, $0x38;
	[tilespmem:$0x3600] =	vst v63  }
0x5c: {  	_ =	swait.ge [sflag:s19], $0x280  }
0x5d: {  	[sflag:s19] =	ssyncset.done $0x0  }
0x5e: {  	[sflag:s19] =	ssyncadd.s32 $0xFFFFFD80  }
0x5f: {  	[bflag:$0x0] =	sbarrier.arrive $0xFFFF  }
0x60: {  	s16 =	rddreg [dreg:$0x8]  }
0x61: {  	[tilespmem:s3], [sflag:$0x5] =	stream.linear.gather [hbm4b:s16+s3], $0x50, $0x38;
	[tilespmem:$0x3600] =	vst v63  }
0x62: {  	_ =	swait.ge [sflag:s20], $0x50  }
0x63: {  	[sflag:s20] =	ssyncset.done $0x0  }
0x64: {  	[sflag:s20] =	ssyncadd.s32 $0xFFFFFFB0  }
0x65: {  	s16 =	simm.s32 $0x50;
	s5 =	rddreg [dreg:$0x2]  }
0x66: {  	[tilespmem:s22], [sflag:$0x1] =	stream.indirect.gather [hbm4b:s5+s16], $0x80, s3, s16, $0xb8;
	[tilespmem:$0x3600] =	vst v63  }
0x67: {  	_ =	swait.ge [sflag:s23], $0x2800  }
0x68: {  	[sflag:s23] =	ssyncset.done $0x0  }
0x69: {  	s21 =	rddreg [dreg:$0x9];
	[sflag:s23] =	ssyncadd.s32 $0xFFFFD800  }
0x6a: {  	[hbm4b:s21+s3] =	stream.linear.scatter [tilespmem:s22], [sflag:$0x4], $0x2800, $0x38;
	[tilespmem:$0x3600] =	vst v63  }
0x6b: {  	_ =	swait.ge [sflag:s19], $0x2800  }
0x6c: {  	[sflag:s19] =	ssyncset.done $0x0  }
0x6d: {  	s21 =	rddreg [dreg:$0xa];
	[sflag:s19] =	ssyncadd.s32 $0xFFFFD800  }
0x6e: {  	[tilespmem:s3], [sflag:$0x5] =	stream.linear.gather [hbm4b:s21+s3], $0x50, $0x38;
	[tilespmem:$0x3600] =	vst v63  }
0x6f: {  	_ =	swait.ge [sflag:s20], $0x50  }
0x70: {  	[sflag:s20] =	ssyncset.done $0x0  }
0x71: {  	[sflag:s20] =	ssyncadd.s32 $0xFFFFFFB0  }
0x72: {  	[tilespmem:s22], [sflag:$0x1] =	stream.indirect.gather [hbm4b:s5+s16], $0x80, s3, s16, $0xb8;
	[tilespmem:$0x3600] =	vst v63  }
0x73: {  	_ =	swait.ge [sflag:s23], $0x2800  }
0x74: {  	[sflag:s23] =	ssyncset.done $0x0  }
0x75: {  	s21 =	rddreg [dreg:$0xb];
	[sflag:s23] =	ssyncadd.s32 $0xFFFFD800  }
0x76: {  	[hbm4b:s21+s3] =	stream.linear.scatter [tilespmem:s22], [sflag:$0x4], $0x2800, $0x38;
	[tilespmem:$0x3600] =	vst v63  }
0x77: {  	_ =	swait.ge [sflag:s19], $0x2800  }
0x78: {  	[sflag:s19] =	ssyncset.done $0x0  }
0x79: {  	s21 =	rddreg [dreg:$0xc];
	[sflag:s19] =	ssyncadd.s32 $0xFFFFD800  }
0x7a: {  	[tilespmem:s3], [sflag:$0x5] =	stream.linear.gather [hbm4b:s21+s3], $0x50, $0x38;
	[tilespmem:$0x3600] =	vst v63  }
0x7b: {  	_ =	swait.ge [sflag:s20], $0x50  }
0x7c: {  	[sflag:s20] =	ssyncset.done $0x0  }
0x7d: {  	[sflag:s20] =	ssyncadd.s32 $0xFFFFFFB0  }
0x7e: {  	[tilespmem:s22], [sflag:$0x1] =	stream.indirect.gather [hbm4b:s5+s16], $0x80, s3, s16, $0xb8;
	[tilespmem:$0x3600] =	vst v63  }
0x7f: {  	_ =	swait.ge [sflag:s23], $0x2800  }
0x80: {  	[sflag:s23] =	ssyncset.done $0x0  }
0x81: {  	s16 =	rddreg [dreg:$0xd];
	[sflag:s23] =	ssyncadd.s32 $0xFFFFD800  }
0x82: {  	[hbm4b:s16+s3] =	stream.linear.scatter [tilespmem:s22], [sflag:$0x4], $0x2800, $0x38;
	[tilespmem:$0x3600] =	vst v63  }
0x83: {  	_ =	swait.ge [sflag:s19], $0x2800  }
0x84: {  	s21 =	simm.s32 @!p0 $0x5;
	[sflag:s19] =	ssyncset.done $0x0  }
0x85: {  	s16 =	simm.s32 @!p0 $0x0;
	s1 =	rddreg [dreg:$0xe];
	[sflag:s19] =	ssyncadd.s32 $0xFFFFD800  }
0x86: {  	[tilespmem:s16], [sflag:$0x5] =	stream.linear.gather @!p0 [hbm4b:s1+s16], $0x50, $0x38;
	[tilespmem:$0x3600] =	vst v63  }
0x87: {  	_ =	swait.ge @!p0 [sflag:s21], $0x50  }
0x88: {  	[sflag:s21] =	ssyncset.done @!p0 $0x0  }
0x89: {  	s1 =	simm.s32 @!p0 $0x80;
	[sflag:s21] =	ssyncadd.s32 @!p0 $0xFFFFFFB0;
	s21 =	simm.s32 @!p0 $0x50  }
0x8a: {  	[tilespmem:s1], [sflag:$0x1] =	stream.indirect.gather @!p0 [hbm4b:s5+s21], $0x80, s16, s21, $0xb8;
	[tilespmem:$0x3600] =	vst v63  }
0x8b: {  	s21 =	simm.s32 @!p0 $0x1  }
0x8c: {  	_ =	swait.ge @!p0 [sflag:s21], $0x2800  }
0x8d: {  	[sflag:s21] =	ssyncset.done @!p0 $0x0  }
0x8e: {  	s5 =	rddreg [dreg:$0xf];
	[sflag:s21] =	ssyncadd.s32 @!p0 $0xFFFFD800  }
0x8f: {  	[hbm4b:s5+s16] =	stream.linear.scatter @!p0 [tilespmem:s1], [sflag:$0x4], $0x2800, $0x38;
	[tilespmem:$0x3600] =	vst v63  }
0x90: {  	s1 =	simm.s32 @!p0 $0x4  }
0x91: {  	_ =	swait.ge @!p0 [sflag:s1], $0x2800  }
0x92: {  	[sflag:s1] =	ssyncset.done @!p0 $0x0  }
0x93: {  	s21 =	rddreg [dreg:$0x6];
	[sflag:s1] =	ssyncadd.s32 @!p0 $0xFFFFD800  }
0x94: {  	[tilespmem:s24], [sflag:$0x4] =	stream.linear.gather [hbm4b:s21+s3], $0x400, $0x38;
	[tilespmem:$0x3600] =	vst v63  }
0x95: {  	_ =	swait.ge [sflag:s19], $0x400  }
0x96: {  	[sflag:s19] =	ssyncset.done $0x0  }
0x97: {  	s16 =	simm.s32 $0xFFFFFC00;
	[sflag:s19] =	ssyncadd.s32 $0xFFFFFC00  }
.LBB2_2:
0x98: {  	s1 =	sadd.s32 s16, s17  }
0x99: {  	s1 =	sadd.s32 $0x480, s1  }
0x9a: {  	[tilespmem:s25], [sflag:$0x3] =	stream.linear.gather [hbm4b:s1+s3], $0x400, $0x38;
	[tilespmem:$0x3600] =	vst v63  }
0x9b: {  	_ = 	snop  }
0x9c: {  	[spmem:s2] =	stream.indirect.scatter.add.f32 [tilespmem:s26], [sflag:$0x4], $0x1, s24, s22, $0xb8;
	[tilespmem:$0x3600] =	vst v63  }
0x9d: {  	_ =	swait.ge [sflag:s19], $0x80  }
0x9e: {  	[sflag:s19] =	ssyncset.done $0x0  }
0x9f: {  	[sflag:s19] =	ssyncadd.s32 $0xFFFFFF80  }
0xa0: {  	[spmem:s2] =	stream.indirect.scatter.add.f32 [tilespmem:s26], [sflag:$0x4], $0x1, s28, s22, $0xb8;
	[tilespmem:$0x3600] =	vst v63  }
0xa1: {  	_ =	swait.ge [sflag:s19], $0x80  }
0xa2: {  	[sflag:s19] =	ssyncset.done $0x0  }
0xa3: {  	[sflag:s19] =	ssyncadd.s32 $0xFFFFFF80  }
0xa4: {  	[spmem:s2] =	stream.indirect.scatter.add.f32 [tilespmem:s26], [sflag:$0x4], $0x1, s29, s22, $0xb8;
	[tilespmem:$0x3600] =	vst v63  }
0xa5: {  	_ =	swait.ge [sflag:s19], $0x80  }
0xa6: {  	[sflag:s19] =	ssyncset.done $0x0  }
0xa7: {  	[sflag:s19] =	ssyncadd.s32 $0xFFFFFF80  }
0xa8: {  	[spmem:s2] =	stream.indirect.scatter.add.f32 [tilespmem:s26], [sflag:$0x4], $0x1, s30, s22, $0xb8;
	[tilespmem:$0x3600] =	vst v63  }
0xa9: {  	_ =	swait.ge [sflag:s19], $0x80  }
0xaa: {  	[sflag:s19] =	ssyncset.done $0x0  }
0xab: {  	[sflag:s19] =	ssyncadd.s32 $0xFFFFFF80  }
0xac: {  	[spmem:s2] =	stream.indirect.scatter.add.f32 [tilespmem:s26], [sflag:$0x4], $0x1, s31, s22, $0xb8;
	[tilespmem:$0x3600] =	vst v63  }
0xad: {  	_ =	swait.ge [sflag:s19], $0x80  }
0xae: {  	[sflag:s19] =	ssyncset.done $0x0  }
0xaf: {  	[sflag:s19] =	ssyncadd.s32 $0xFFFFFF80  }
0xb0: {  	[spmem:s2] =	stream.indirect.scatter.add.f32 [tilespmem:s26], [sflag:$0x4], $0x1, s0, s22, $0xb8;
	[tilespmem:$0x3600] =	vst v63  }
0xb1: {  	_ =	swait.ge [sflag:s19], $0x80  }
0xb2: {  	[sflag:s19] =	ssyncset.done $0x0  }
0xb3: {  	[sflag:s19] =	ssyncadd.s32 $0xFFFFFF80  }
0xb4: {  	[spmem:s2] =	stream.indirect.scatter.add.f32 [tilespmem:s26], [sflag:$0x4], $0x1, s4, s22, $0xb8;
	[tilespmem:$0x3600] =	vst v63  }
0xb5: {  	_ =	swait.ge [sflag:s19], $0x80  }
0xb6: {  	[sflag:s19] =	ssyncset.done $0x0  }
0xb7: {  	[sflag:s19] =	ssyncadd.s32 $0xFFFFFF80  }
0xb8: {  	[spmem:s2] =	stream.indirect.scatter.add.f32 [tilespmem:s26], [sflag:$0x4], $0x1, s18, s22, $0xb8;
	[tilespmem:$0x3600] =	vst v63  }
0xb9: {  	_ =	swait.ge [sflag:s19], $0x80  }
0xba: {  	[sflag:s19] =	ssyncset.done $0x0  }
0xbb: {  	[sflag:s19] =	ssyncadd.s32 $0xFFFFFF80  }
0xbc: {  	p1 =	seq.s32 s16, $0x0;
	_ =	swait.ge [sflag:s6], $0x400  }
0xbd: {  	s21 =	simm.s32 @!p1 $0x0;
	s1 =	sadd.s32 @!p1 s16, s17;
	[sflag:s6] =	ssyncset.done $0x0  }
0xbe: {  	s5 =	simm.s32 @!p1 $0x2880;
	s1 =	sadd.s32 @!p1 $0x500, s1;
	[sflag:s6] =	ssyncadd.s32 $0xFFFFFC00  }
0xbf: {  	[tilespmem:s5], [sflag:$0x2] =	stream.linear.gather @!p1 [hbm4b:s1+s21], $0x400, $0x38;
	[tilespmem:$0x3600] =	vst v63  }
0xc0: {  	_ = 	snop  }
0xc1: {  	[spmem:s2] =	stream.indirect.scatter.add.f32 [tilespmem:s26], [sflag:$0x4], $0x1, s25, s22, $0xb8;
	[tilespmem:$0x3600] =	vst v63  }
0xc2: {  	_ =	swait.ge [sflag:s19], $0x80  }
0xc3: {  	[sflag:s19] =	ssyncset.done $0x0  }
0xc4: {  	[sflag:s19] =	ssyncadd.s32 $0xFFFFFF80  }
0xc5: {  	[spmem:s2] =	stream.indirect.scatter.add.f32 [tilespmem:s26], [sflag:$0x4], $0x1, s7, s22, $0xb8;
	[tilespmem:$0x3600] =	vst v63  }
0xc6: {  	_ =	swait.ge [sflag:s19], $0x80  }
0xc7: {  	[sflag:s19] =	ssyncset.done $0x0  }
0xc8: {  	[sflag:s19] =	ssyncadd.s32 $0xFFFFFF80  }
0xc9: {  	[spmem:s2] =	stream.indirect.scatter.add.f32 [tilespmem:s26], [sflag:$0x4], $0x1, s8, s22, $0xb8;
	[tilespmem:$0x3600] =	vst v63  }
0xca: {  	_ =	swait.ge [sflag:s19], $0x80  }
0xcb: {  	[sflag:s19] =	ssyncset.done $0x0  }
0xcc: {  	[sflag:s19] =	ssyncadd.s32 $0xFFFFFF80  }
0xcd: {  	[spmem:s2] =	stream.indirect.scatter.add.f32 [tilespmem:s26], [sflag:$0x4], $0x1, s9, s22, $0xb8;
	[tilespmem:$0x3600] =	vst v63  }
0xce: {  	_ =	swait.ge [sflag:s19], $0x80  }
0xcf: {  	[sflag:s19] =	ssyncset.done $0x0  }
0xd0: {  	[sflag:s19] =	ssyncadd.s32 $0xFFFFFF80  }
0xd1: {  	[spmem:s2] =	stream.indirect.scatter.add.f32 [tilespmem:s26], [sflag:$0x4], $0x1, s10, s22, $0xb8;
	[tilespmem:$0x3600] =	vst v63  }
0xd2: {  	_ =	swait.ge [sflag:s19], $0x80  }
0xd3: {  	[sflag:s19] =	ssyncset.done $0x0  }
0xd4: {  	[sflag:s19] =	ssyncadd.s32 $0xFFFFFF80  }
0xd5: {  	[spmem:s2] =	stream.indirect.scatter.add.f32 [tilespmem:s26], [sflag:$0x4], $0x1, s11, s22, $0xb8;
	[tilespmem:$0x3600] =	vst v63  }
0xd6: {  	_ =	swait.ge [sflag:s19], $0x80  }
0xd7: {  	[sflag:s19] =	ssyncset.done $0x0  }
0xd8: {  	[sflag:s19] =	ssyncadd.s32 $0xFFFFFF80  }
0xd9: {  	[spmem:s2] =	stream.indirect.scatter.add.f32 [tilespmem:s26], [sflag:$0x4], $0x1, s12, s22, $0xb8;
	[tilespmem:$0x3600] =	vst v63  }
0xda: {  	_ =	swait.ge [sflag:s19], $0x80  }
0xdb: {  	[sflag:s19] =	ssyncset.done $0x0  }
.Ltmp2:
0xdc: {  	[sflag:s19] =	ssyncadd.s32 $0xFFFFFF80;
	(pc) =	sbr.rel @p1 .LBB2_4-.Ltmp2, $4  }
0xdd: {  	[spmem:s2] =	stream.indirect.scatter.add.f32 [tilespmem:s26], [sflag:$0x4], $0x1, s13, s22, $0xb8;
	[tilespmem:$0x3600] =	vst v63  }
0xde: {  	_ =	swait.ge [sflag:s19], $0x80  }
0xdf: {  	[sflag:s19] =	ssyncset.done $0x0  }
0xe0: {  	[sflag:s19] =	ssyncadd.s32 $0xFFFFFF80  }
.Ltmp3:
0xe1: {  	(pc) =	sbr.rel .LBB2_2-.Ltmp3, $4  }
0xe2: {  	_ = 	snop  }
0xe3: {  	_ =	swait.ge [sflag:s14], $0x400  }
0xe4: {  	[sflag:s14] =	ssyncset.done $0x0  }
0xe5: {  	s16 =	sadd.s32 $0x100, s16;
	[sflag:s14] =	ssyncadd.s32 $0xFFFFFC00  }
.LBB2_5:
0xe6: {  	_ =	sfence.sel $0x180000  }
0xe7: {  	[bflag:$0x0] =	sbarrier.arrive $0xFFFF  }
0xe8: {  	_ =	strace $0x90000047  }
0xe9: {  	s0 =	stileid.u32;
	[bflag:$0x2] =	sbarrier.arrive $0xFFFF  }
0xea: {  	p0 =	sne.s32 s0, $0x0;
	s0 =	rddreg [dreg:$0x4]  }
0xeb: {  	s0 =	sadd.s32 @!p0 $0x100000, s0  }
0xec: {  	[sflag:s0] =	ssyncadd.tile.s32 @!p0 $0x1;
	_ =	shalt  }
.Lfunc_end2:
_tile_overlayer_lowered:
.L_overlay_start_2:
0xed: {  	(tag) =	ssettag $0x2  }
0xee: {  	s0 =	rddreg [dreg:$0x0];
	s2 =	stileid.u32  }
0xef: {  	s1 =	rddreg [dreg:$0x1];
	p0 =	sne.s32 s2, $0x0  }
0xf0: {  	s3 =	rddreg [dreg:$0x2];
	[bflag:$0x3] =	sbarrier.arrive $0xFFFF;
	s2 =	simm.s32 @!p0 $0x1C04  }
0xf1: {  	[timem:s3], [sflag:s2] =	dma.local @!p0 [hbm:s0], s1  }
0xf2: {  	s0 =	simm.s32 @!p0 $0x4  }
0xf3: {  	_ =	swait.ge @!p0 [sflag:s0], s1  }
0xf4: {  	s1 =	ssub.s32 @!p0 $0x0, s1;
	[sflag:s0] =	ssyncset.done @!p0 $0x0  }
0xf5: {  	[sflag:s0] =	ssyncadd.s32 @!p0 s1  }
0xf6: {  	[bflag:$0x3] =	sbarrier.arrive $0xFFFF  }
0xf7: {  	_ =	shalt  }

</sc_bundles>
